<compile_context>
chip_gen: v7x
topology: tpu7x:2x2x1
jax: 0.10.2.dev20260603
libtpu: 0.0.44.dev20260713+nightly
codegen_flags: <defaults>
</compile_context>

<pallas_src>
import functools

import jax
import jax.numpy as jnp
from jax import lax
from jax.experimental import pallas as pl
from jax.experimental.pallas import tpu as pltpu
from jax.experimental.pallas import tpu_sc as plsc

NC = 2
NS = 16
NW = NC * NS
LANES = 16



def _prep_body(x_ref, wp_ref, bp_ref, wt_ref, bt_ref, y_ref):
    xb = x_ref[...]
    s = jnp.sum(xb * wt_ref[...], axis=1, keepdims=True) + bt_ref[...]
    t = jax.nn.sigmoid(s)
    xp = jnp.dot(xb, wp_ref[...], preferred_element_type=jnp.float32)
    y_ref[...] = (xp + bp_ref[...]) * t


def _make_edge_weight_body(half_n):
    def body(blk_ref, dist_ref, col_ref, a0_ref, a1_ref, c0_ref, c1_ref):
        a = 1.0 / (1.0 + blk_ref[...] + 0.1 * dist_ref[...])
        col = col_ref[...]
        local0 = col < half_n
        a0_ref[...] = jnp.where(local0, a, 0.0)
        a1_ref[...] = jnp.where(local0, 0.0, a)
        c0_ref[...] = jnp.where(local0, col, 0)
        c1_ref[...] = jnp.clip(col - half_n, 0, half_n - 1)
    return body


def _final_add_body(x_ref, p_ref, o_ref):
    o_ref[...] = x_ref[...] + p_ref[...]




def _broadcast_lane(vec, lane):
    idx = jnp.full((LANES, 1), lane, dtype=jnp.int32)
    dnums = lax.GatherDimensionNumbers(
        offset_dims=(), collapsed_slice_dims=(0,), start_index_map=(0,))
    return lax.gather(vec, idx, dnums, slice_sizes=(1,),
                      mode=lax.GatherScatterMode.PROMISE_IN_BOUNDS)


def _make_sc_scatter(half_n, d, e_pad_rows):
    group_rows = 8
    half_rows = 4
    rows_per_worker = e_pad_rows // NS
    n_groups = rows_per_worker // group_rows
    half_edges = half_rows * 128
    nodes_per_sub = half_n // NS
    zrows = 64
    mesh = plsc.VectorSubcoreMesh(core_axis_name="c", subcore_axis_name="s")

    @functools.partial(
        pl.kernel,
        mesh=mesh,
        out_type=jax.ShapeDtypeStruct((NC, half_n, d), jnp.float32),
        scratch_types=[
            pltpu.VMEM((group_rows, 128), jnp.int32),
            pltpu.VMEM((group_rows, 128), jnp.int32),
            pltpu.VMEM((group_rows, 128), jnp.float32),
            pltpu.VMEM((half_edges, d), jnp.float32),
            pltpu.VMEM((zrows, d), jnp.float32),
            pltpu.VMEM_SHARED((half_n, d), jnp.float32),
            pltpu.SemaphoreType.DMA,
        ],
    )
    def sc_kernel(y_hbm, row_hbm, col2_hbm, a2_hbm, out_hbm,
                  row_v, col_v, a_v, rows_v, zero_v, acc, sem):
        cid = lax.axis_index("c")
        sid = lax.axis_index("s")
        col_hbm = col2_hbm.at[cid]
        a_hbm = a2_hbm.at[cid]
        base_row = sid * rows_per_worker

        zvec = jnp.zeros((LANES,), jnp.float32)

        @pl.loop(0, zrows)
        def _(i):
            for j in range(d // LANES):
                zero_v[i, pl.ds(j * LANES, LANES)] = zvec

        @pl.loop(0, nodes_per_sub // zrows)
        def _(k):
            pltpu.sync_copy(
                zero_v, acc.at[pl.ds(sid * nodes_per_sub + k * zrows, zrows)])

        plsc.subcore_barrier()

        @pl.loop(0, n_groups)
        def _(g):
            r0 = base_row + g * group_rows
            pltpu.sync_copy(row_hbm.at[pl.ds(r0, group_rows)], row_v)
            pltpu.sync_copy(col_hbm.at[pl.ds(r0, group_rows)], col_v)
            pltpu.sync_copy(a_hbm.at[pl.ds(r0, group_rows)], a_v)

            for half in range(2):
                copies = []
                for sb in range(half_rows):
                    copies.append(pltpu.async_copy(
                        y_hbm.at[row_v.at[half * half_rows + sb]],
                        rows_v.at[pl.ds(sb * 128, 128)], sem))
                for cp in copies:
                    cp.wait()

                @pl.loop(0, half_rows)
                def _(r):
                    @pl.loop(0, 128 // LANES)
                    def _(q):
                        a16 = a_v[half * half_rows + r,
                                  pl.ds(q * LANES, LANES)]
                        for l in range(LANES):
                            ab = _broadcast_lane(a16, l)
                            e = r * 128 + q * LANES + l
                            for j in range(d // LANES):
                                sl = pl.ds(j * LANES, LANES)
                                rows_v[e, sl] = rows_v[e, sl] * ab

                for sb in range(half_rows):
                    pltpu.sync_copy(
                        rows_v.at[pl.ds(sb * 128, 128)],
                        acc.at[col_v.at[half * half_rows + sb]], add=True)

        plsc.subcore_barrier()

        @pl.loop(0, nodes_per_sub // zrows)
        def _(k):
            o0 = sid * nodes_per_sub + k * zrows
            pltpu.sync_copy(acc.at[pl.ds(o0, zrows)],
                            out_hbm.at[cid].at[pl.ds(o0, zrows)])

    return sc_kernel




def kernel(x, edge_index_ray, edge_attr_ray, W_t, b_t, W_p, b_p):
    n, d = x.shape
    e = edge_index_ray.shape[1]

    e_rows = e // 128
    e_pad_rows = ((e_rows + 8 * NW - 1) // (8 * NW)) * (8 * NW)
    pad_rows = e_pad_rows - e_rows
    n_pad = ((n + 128 * NS - 1) // (128 * NS)) * (128 * NS)

    row = edge_index_ray[0].reshape(e_rows, 128)
    col = edge_index_ray[1].reshape(e_rows, 128)
    dist = edge_attr_ray[:, 0].reshape(e_rows, 128)
    blocking = edge_attr_ray[:, 1].reshape(e_rows, 128)

    nb = 10
    bn = n // nb
    y = pl.pallas_call(
        _prep_body,
        grid=(nb,),
        in_specs=[
            pl.BlockSpec((bn, d), lambda i: (i, 0)),
            pl.BlockSpec((d, d), lambda i: (0, 0)),
            pl.BlockSpec((1, d), lambda i: (0, 0)),
            pl.BlockSpec((1, d), lambda i: (0, 0)),
            pl.BlockSpec((1, d), lambda i: (0, 0)),
        ],
        out_specs=pl.BlockSpec((bn, d), lambda i: (i, 0)),
        out_shape=jax.ShapeDtypeStruct((n, d), jnp.float32),
    )(x, W_p, b_p.reshape(1, d), W_t.reshape(1, d),
      jnp.broadcast_to(b_t.reshape(1, 1), (1, d)))

    half_n = n_pad // 2
    fshape = jax.ShapeDtypeStruct((e_rows, 128), jnp.float32)
    ishape = jax.ShapeDtypeStruct((e_rows, 128), jnp.int32)
    a0, a1, c0, c1 = pl.pallas_call(
        _make_edge_weight_body(half_n),
        out_shape=(fshape, fshape, ishape, ishape),
    )(blocking, dist, col)

    pad = ((0, pad_rows), (0, 0))
    row_p = jnp.pad(row, pad)
    col2 = jnp.stack([jnp.pad(c0, pad), jnp.pad(c1, pad)])
    a2 = jnp.stack([jnp.pad(a0, pad), jnp.pad(a1, pad)])

    sc = _make_sc_scatter(half_n, d, e_pad_rows)
    partials = sc(y, row_p, col2, a2)

    x_new = pl.pallas_call(
        _final_add_body,
        grid=(nb,),
        in_specs=[
            pl.BlockSpec((bn, d), lambda i: (i, 0)),
            pl.BlockSpec((bn, d), lambda i: (i, 0)),
        ],
        out_specs=pl.BlockSpec((bn, d), lambda i: (i, 0)),
        out_shape=jax.ShapeDtypeStruct((n, d), jnp.float32),
    )(x, partials.reshape(2 * half_n, d)[:n])
    return x_new

# --- scband reference (transcript-rebuilt; emitter-appended) ---
"""Pipeline reference for scband-ray-alignment-block-64656437674249 (READ-ONLY COPY).

The authoritative reference and input builder live on the scoring server;
editing this copy changes nothing except your own understanding.
"""

import jax, jax.numpy as jnp
import numpy as np

N, E, D = 10000, 320000, 128

def setup_inputs(seed: int = 0):
    key = jax.random.key(seed)
    k1, k2, k3, k4, k5 = jax.random.split(key, 5)
    x = jax.random.normal(k1, (N, D), dtype=jnp.float32)
    edge_index_ray = jax.random.randint(k2, (2, E), 0, N, dtype=jnp.int32)
    edge_attr_ray = jax.random.uniform(k3, (E, 4), dtype=jnp.float32)
    W_t = jax.random.normal(k4, (D, 1), dtype=jnp.float32) * (1.0 / np.sqrt(D))
    b_t = jnp.zeros((1,), dtype=jnp.float32)
    W_p = jax.random.normal(k5, (D, D), dtype=jnp.float32) * (1.0 / np.sqrt(D))
    b_p = jnp.zeros((D,), dtype=jnp.float32)
    return {"x": x, "edge_index_ray": edge_index_ray, "edge_attr_ray": edge_attr_ray,
            "W_t": W_t, "b_t": b_t, "W_p": W_p, "b_p": b_p}

def reference(x, edge_index_ray, edge_attr_ray, W_t, b_t, W_p, b_p):
    # x_dict['piece'] == x
    t_val = jax.nn.sigmoid(x @ W_t + b_t)                 # [N, 1]
    blocking_count = edge_attr_ray[:, 1:2]                # [E, 1]
    dist = edge_attr_ray[:, 0:1]                          # [E, 1]
    ray_weight = 1.0 / (1.0 + blocking_count + 0.1 * dist)
    row = edge_index_ray[0]
    col = edge_index_ray[1]
    source_transmissibility = t_val[row]                  # gather [E, 1]
    ray_weight = ray_weight * source_transmissibility
    x_proj = x @ W_p + b_p                                # [N, D]
    msg = x_proj[row] * ray_weight                        # gather + scale [E, D]
    out = jnp.zeros_like(x).at[col].add(msg)              # scatter-add
    x_new = x + out
    return x_new

if __name__ == "__main__":
    import jax
    _d = setup_inputs()
    print(jax.jit(kernel)(*tuple(_d.values())))

</pallas_src>

<mosaic_0001>
#map = affine_map<(d0, d1) -> (0, 0)>
#map1 = affine_map<(d0, d1) -> (0, 0, 0)>
module attributes {stable_mosaic.version = 14 : i64} {
  func.func @sc_kernel(%arg0: i32, %arg1: i32, %arg2: memref<10000x128xf32, #tpu.memory_space<hbm>>, %arg3: memref<2560x128xi32, #tpu.memory_space<hbm>>, %arg4: memref<2x2560x128xi32, #tpu.memory_space<hbm>>, %arg5: memref<2x2560x128xf32, #tpu.memory_space<hbm>>, %arg6: memref<2x5120x128xf32, #tpu.memory_space<hbm>>, %arg7: memref<8x128xi32, #tpu.memory_space<vmem>>, %arg8: memref<8x128xi32, #tpu.memory_space<vmem>>, %arg9: memref<8x128xf32, #tpu.memory_space<vmem>>, %arg10: memref<512x128xf32, #tpu.memory_space<vmem>>, %arg11: memref<64x128xf32, #tpu.memory_space<vmem>>, %arg12: memref<5120x128xf32, #tpu.memory_space<vmem_shared>>, %arg13: memref<!tpu.dma_semaphore, #tpu.memory_space<semaphore_mem>>) attributes {dimension_semantics = [#tpu.dimension_semantics<core_parallel>, #tpu.dimension_semantics<subcore_parallel>], iteration_bounds = array<i64: 2, 16>, scalar_prefetch = 0 : i64, scratch_operands = 7 : i64, tpu.core_type = #tpu.core_type<sc_vector_subcore>, window_params = [{transform_indices = #map}, {transform_indices = #map}, {transform_indices = #map1}, {transform_indices = #map1}, {transform_indices = #map1}]} {
    %mul3A = arith.constant 160 : i32
    %mul3A_0 = arith.muli %arg1, %mul3A : i32
    %broadcast_in_dim3A = arith.constant 0.000000e+00 : f32
    %broadcast_in_dim3A_1 = vector.broadcast %broadcast_in_dim3A : f32 to vector<16xf32>
    %scan3A = arith.constant 0 : i32
    %scan3A_2 = arith.constant 64 : i32
    %scan3A_3 = arith.addi %scan3A, %scan3A_2 : i32
    %scan3A_4 = arith.constant 1 : i32
    scf.for %scan3A_22 = %scan3A to %scan3A_3 step %scan3A_4  : i32 {
      %mul3A_23 = arith.constant 1 : i32
      %mul3A_24 = arith.muli %scan3A_22, %mul3A_23 : i32
      %add3A = arith.constant 0 : i32
      %add3A_25 = arith.addi %add3A, %mul3A_24 : i32
      %swap3A = arith.index_cast %add3A_25 : i32 to index
      %swap3A_26 = arith.constant 0 : index
      %swap3A_27 = tpu.vector_load %arg11[%swap3A, %swap3A_26] {strides = array<i32>} : memref<64x128xf32, #tpu.memory_space<vmem>>, vector<1x16xf32>,
      %swap3A_28 = vector.shape_cast %swap3A_27 : vector<1x16xf32> to vector<16xf32>
      %swap3A_29 = vector.shape_cast %broadcast_in_dim3A_1 : vector<16xf32> to vector<1x16xf32>
      tpu.vector_store %arg11[%swap3A, %swap3A_26], %swap3A_29 {strides = array<i32>} : memref<64x128xf32, #tpu.memory_space<vmem>>, vector<1x16xf32>,
      %swap3A_30 = arith.index_cast %add3A_25 : i32 to index
      %swap3A_31 = arith.constant 16 : index
      %swap3A_32 = tpu.vector_load %arg11[%swap3A_30, %swap3A_31] {strides = array<i32>} : memref<64x128xf32, #tpu.memory_space<vmem>>, vector<1x16xf32>,
      %swap3A_33 = vector.shape_cast %swap3A_32 : vector<1x16xf32> to vector<16xf32>
      %swap3A_34 = vector.shape_cast %broadcast_in_dim3A_1 : vector<16xf32> to vector<1x16xf32>
      tpu.vector_store %arg11[%swap3A_30, %swap3A_31], %swap3A_34 {strides = array<i32>} : memref<64x128xf32, #tpu.memory_space<vmem>>, vector<1x16xf32>,
      %swap3A_35 = arith.index_cast %add3A_25 : i32 to index
      %swap3A_36 = arith.constant 32 : index
      %swap3A_37 = tpu.vector_load %arg11[%swap3A_35, %swap3A_36] {strides = array<i32>} : memref<64x128xf32, #tpu.memory_space<vmem>>, vector<1x16xf32>,
      %swap3A_38 = vector.shape_cast %swap3A_37 : vector<1x16xf32> to vector<16xf32>
      %swap3A_39 = vector.shape_cast %broadcast_in_dim3A_1 : vector<16xf32> to vector<1x16xf32>
      tpu.vector_store %arg11[%swap3A_35, %swap3A_36], %swap3A_39 {strides = array<i32>} : memref<64x128xf32, #tpu.memory_space<vmem>>, vector<1x16xf32>,
      %swap3A_40 = arith.index_cast %add3A_25 : i32 to index
      %swap3A_41 = arith.constant 48 : index
      %swap3A_42 = tpu.vector_load %arg11[%swap3A_40, %swap3A_41] {strides = array<i32>} : memref<64x128xf32, #tpu.memory_space<vmem>>, vector<1x16xf32>,
      %swap3A_43 = vector.shape_cast %swap3A_42 : vector<1x16xf32> to vector<16xf32>
      %swap3A_44 = vector.shape_cast %broadcast_in_dim3A_1 : vector<16xf32> to vector<1x16xf32>
      tpu.vector_store %arg11[%swap3A_40, %swap3A_41], %swap3A_44 {strides = array<i32>} : memref<64x128xf32, #tpu.memory_space<vmem>>, vector<1x16xf32>,
      %swap3A_45 = arith.index_cast %add3A_25 : i32 to index
      %swap3A_46 = arith.constant 64 : index
      %swap3A_47 = tpu.vector_load %arg11[%swap3A_45, %swap3A_46] {strides = array<i32>} : memref<64x128xf32, #tpu.memory_space<vmem>>, vector<1x16xf32>,
      %swap3A_48 = vector.shape_cast %swap3A_47 : vector<1x16xf32> to vector<16xf32>
      %swap3A_49 = vector.shape_cast %broadcast_in_dim3A_1 : vector<16xf32> to vector<1x16xf32>
      tpu.vector_store %arg11[%swap3A_45, %swap3A_46], %swap3A_49 {strides = array<i32>} : memref<64x128xf32, #tpu.memory_space<vmem>>, vector<1x16xf32>,
      %swap3A_50 = arith.index_cast %add3A_25 : i32 to index
      %swap3A_51 = arith.constant 80 : index
      %swap3A_52 = tpu.vector_load %arg11[%swap3A_50, %swap3A_51] {strides = array<i32>} : memref<64x128xf32, #tpu.memory_space<vmem>>, vector<1x16xf32>,
      %swap3A_53 = vector.shape_cast %swap3A_52 : vector<1x16xf32> to vector<16xf32>
      %swap3A_54 = vector.shape_cast %broadcast_in_dim3A_1 : vector<16xf32> to vector<1x16xf32>
      tpu.vector_store %arg11[%swap3A_50, %swap3A_51], %swap3A_54 {strides = array<i32>} : memref<64x128xf32, #tpu.memory_space<vmem>>, vector<1x16xf32>,
      %swap3A_55 = arith.index_cast %add3A_25 : i32 to index
      %swap3A_56 = arith.constant 96 : index
      %swap3A_57 = tpu.vector_load %arg11[%swap3A_55, %swap3A_56] {strides = array<i32>} : memref<64x128xf32, #tpu.memory_space<vmem>>, vector<1x16xf32>,
      %swap3A_58 = vector.shape_cast %swap3A_57 : vector<1x16xf32> to vector<16xf32>
      %swap3A_59 = vector.shape_cast %broadcast_in_dim3A_1 : vector<16xf32> to vector<1x16xf32>
      tpu.vector_store %arg11[%swap3A_55, %swap3A_56], %swap3A_59 {strides = array<i32>} : memref<64x128xf32, #tpu.memory_space<vmem>>, vector<1x16xf32>,
      %swap3A_60 = arith.index_cast %add3A_25 : i32 to index
      %swap3A_61 = arith.constant 112 : index
      %swap3A_62 = tpu.vector_load %arg11[%swap3A_60, %swap3A_61] {strides = array<i32>} : memref<64x128xf32, #tpu.memory_space<vmem>>, vector<1x16xf32>,
      %swap3A_63 = vector.shape_cast %swap3A_62 : vector<1x16xf32> to vector<16xf32>
      %swap3A_64 = vector.shape_cast %broadcast_in_dim3A_1 : vector<16xf32> to vector<1x16xf32>
      tpu.vector_store %arg11[%swap3A_60, %swap3A_61], %swap3A_64 {strides = array<i32>} : memref<64x128xf32, #tpu.memory_space<vmem>>, vector<1x16xf32>,
    }
    %scan3A_5 = arith.constant 64 : i32
    %scan3A_6 = arith.constant 0 : i32
    %scan3A_7 = arith.constant 5 : i32
    %scan3A_8 = arith.addi %scan3A_6, %scan3A_7 : i32
    %scan3A_9 = arith.constant 1 : i32
    scf.for %scan3A_22 = %scan3A_6 to %scan3A_8 step %scan3A_9  : i32 {
      %mul3A_23 = arith.constant 1 : i32
      %mul3A_24 = arith.muli %scan3A_22, %mul3A_23 : i32
      %add3A = arith.constant 0 : i32
      %add3A_25 = arith.addi %add3A, %mul3A_24 : i32
      %mul3A_26 = arith.constant 320 : i32
      %mul3A_27 = arith.muli %arg1, %mul3A_26 : i32
      %mul3A_28 = arith.constant 64 : i32
      %mul3A_29 = arith.muli %add3A_25, %mul3A_28 : i32
      %add3A_30 = arith.addi %mul3A_27, %mul3A_29 : i32
      "tpu.region"() ({
        %run_scoped3A = tpu.sem_alloc : memref<!tpu.dma_semaphore, #tpu.memory_space<semaphore_mem>>
        %dma_start3A = arith.constant 0 : i32
        %dma_start3A_31 = tpu.memref_slice %arg12[%add3A_30, %dma_start3A] : memref<5120x128xf32, #tpu.memory_space<vmem_shared>> -> memref<64x128xf32, #tpu.memory_space<vmem_shared>>
        %dma_start3A_32 = arith.constant 0 : i32
        %dma_start3A_33 = tpu.memref_slice %arg12[%add3A_30, %dma_start3A_32] : memref<5120x128xf32, #tpu.memory_space<vmem_shared>> -> memref<64x128xf32, #tpu.memory_space<vmem_shared>>
        tpu.enqueue_dma source(%arg11 : memref<64x128xf32, #tpu.memory_space<vmem>>) target(%dma_start3A_33 : memref<64x128xf32, #tpu.memory_space<vmem_shared>>) target_semaphore(%run_scoped3A : memref<!tpu.dma_semaphore, #tpu.memory_space<semaphore_mem>>)
        %dma_wait3A = arith.constant 0 : i32
        %dma_wait3A_34 = tpu.memref_slice %arg12[%add3A_30, %dma_wait3A] : memref<5120x128xf32, #tpu.memory_space<vmem_shared>> -> memref<64x128xf32, #tpu.memory_space<vmem_shared>>
        %dma_wait3A_35 = arith.constant 0 : i32
        %dma_wait3A_36 = tpu.memref_slice %arg12[%add3A_30, %dma_wait3A_35] : memref<5120x128xf32, #tpu.memory_space<vmem_shared>> -> memref<64x128xf32, #tpu.memory_space<vmem_shared>>
        tpu.wait_dma2 semaphore(%run_scoped3A : memref<!tpu.dma_semaphore, #tpu.memory_space<semaphore_mem>>) src(%arg11 : memref<64x128xf32, #tpu.memory_space<vmem>>) dst(%dma_wait3A_36 : memref<64x128xf32, #tpu.memory_space<vmem_shared>>)
        tpu.yield
      }) : () -> ()
    }
    %scan3A_10 = arith.constant 5 : i32
    %barrier3A = arith.constant 0 : index
    tpu.barrier barrier_id(%barrier3A)
    %scan3A_11 = arith.constant 0 : i32
    %scan3A_12 = arith.constant 20 : i32
    %scan3A_13 = arith.addi %scan3A_11, %scan3A_12 : i32
    %scan3A_14 = arith.constant 1 : i32
    scf.for %scan3A_22 = %scan3A_11 to %scan3A_13 step %scan3A_14  : i32 {
      %mul3A_23 = arith.constant 1 : i32
      %mul3A_24 = arith.muli %scan3A_22, %mul3A_23 : i32
      %add3A = arith.constant 0 : i32
      %add3A_25 = arith.addi %add3A, %mul3A_24 : i32
      %mul3A_26 = arith.constant 8 : i32
      %mul3A_27 = arith.muli %add3A_25, %mul3A_26 : i32
      %add3A_28 = arith.addi %mul3A_0, %mul3A_27 : i32
      "tpu.region"() ({
        %run_scoped3A_204 = tpu.sem_alloc : memref<!tpu.dma_semaphore, #tpu.memory_space<semaphore_mem>>
        %dma_start3A_205 = arith.constant 0 : i32
        %dma_start3A_206 = tpu.memref_slice %arg3[%add3A_28, %dma_start3A_205] : memref<2560x128xi32, #tpu.memory_space<hbm>> -> memref<8x128xi32, #tpu.memory_space<hbm>>
        %dma_start3A_207 = arith.constant 0 : i32
        %dma_start3A_208 = tpu.memref_slice %arg3[%add3A_28, %dma_start3A_207] : memref<2560x128xi32, #tpu.memory_space<hbm>> -> memref<8x128xi32, #tpu.memory_space<hbm>>
        tpu.enqueue_dma source(%dma_start3A_208 : memref<8x128xi32, #tpu.memory_space<hbm>>) target(%arg7 : memref<8x128xi32, #tpu.memory_space<vmem>>) target_semaphore(%run_scoped3A_204 : memref<!tpu.dma_semaphore, #tpu.memory_space<semaphore_mem>>)
        %dma_wait3A_209 = arith.constant 0 : i32
        %dma_wait3A_210 = tpu.memref_slice %arg3[%add3A_28, %dma_wait3A_209] : memref<2560x128xi32, #tpu.memory_space<hbm>> -> memref<8x128xi32, #tpu.memory_space<hbm>>
        %dma_wait3A_211 = arith.constant 0 : i32
        %dma_wait3A_212 = tpu.memref_slice %arg3[%add3A_28, %dma_wait3A_211] : memref<2560x128xi32, #tpu.memory_space<hbm>> -> memref<8x128xi32, #tpu.memory_space<hbm>>
        tpu.wait_dma2 semaphore(%run_scoped3A_204 : memref<!tpu.dma_semaphore, #tpu.memory_space<semaphore_mem>>) src(%dma_wait3A_212 : memref<8x128xi32, #tpu.memory_space<hbm>>) dst(%arg7 : memref<8x128xi32, #tpu.memory_space<vmem>>)
        tpu.yield
      }) : () -> ()
      "tpu.region"() ({
        %run_scoped3A_204 = tpu.sem_alloc : memref<!tpu.dma_semaphore, #tpu.memory_space<semaphore_mem>>
        %dma_start3A_205 = arith.constant 0 : i32
        %dma_start3A_206 = arith.constant 0 : i32
        %dma_start3A_207 = tpu.memref_slice %arg4[%arg0, %dma_start3A_205, %dma_start3A_206] : memref<2x2560x128xi32, #tpu.memory_space<hbm>> -> memref<1x2560x128xi32, #tpu.memory_space<hbm>>
        %dma_start3A_208 = tpu.memref_squeeze %dma_start3A_207 : memref<1x2560x128xi32, #tpu.memory_space<hbm>> -> memref<2560x128xi32, #tpu.memory_space<hbm>>
        %dma_start3A_209 = arith.constant 0 : i32
        %dma_start3A_210 = tpu.memref_slice %dma_start3A_208[%add3A_28, %dma_start3A_209] : memref<2560x128xi32, #tpu.memory_space<hbm>> -> memref<8x128xi32, #tpu.memory_space<hbm>>
        %dma_start3A_211 = arith.constant 0 : i32
        %dma_start3A_212 = arith.constant 0 : i32
        %dma_start3A_213 = tpu.memref_slice %arg4[%arg0, %dma_start3A_211, %dma_start3A_212] : memref<2x2560x128xi32, #tpu.memory_space<hbm>> -> memref<1x2560x128xi32, #tpu.memory_space<hbm>>
        %dma_start3A_214 = tpu.memref_squeeze %dma_start3A_213 : memref<1x2560x128xi32, #tpu.memory_space<hbm>> -> memref<2560x128xi32, #tpu.memory_space<hbm>>
        %dma_start3A_215 = arith.constant 0 : i32
        %dma_start3A_216 = tpu.memref_slice %dma_start3A_214[%add3A_28, %dma_start3A_215] : memref<2560x128xi32, #tpu.memory_space<hbm>> -> memref<8x128xi32, #tpu.memory_space<hbm>>
        tpu.enqueue_dma source(%dma_start3A_216 : memref<8x128xi32, #tpu.memory_space<hbm>>) target(%arg8 : memref<8x128xi32, #tpu.memory_space<vmem>>) target_semaphore(%run_scoped3A_204 : memref<!tpu.dma_semaphore, #tpu.memory_space<semaphore_mem>>)
        %dma_wait3A_217 = arith.constant 0 : i32
        %dma_wait3A_218 = arith.constant 0 : i32
        %dma_wait3A_219 = tpu.memref_slice %arg4[%arg0, %dma_wait3A_217, %dma_wait3A_218] : memref<2x2560x128xi32, #tpu.memory_space<hbm>> -> memref<1x2560x128xi32, #tpu.memory_space<hbm>>
        %dma_wait3A_220 = tpu.memref_squeeze %dma_wait3A_219 : memref<1x2560x128xi32, #tpu.memory_space<hbm>> -> memref<2560x128xi32, #tpu.memory_space<hbm>>
        %dma_wait3A_221 = arith.constant 0 : i32
        %dma_wait3A_222 = tpu.memref_slice %dma_wait3A_220[%add3A_28, %dma_wait3A_221] : memref<2560x128xi32, #tpu.memory_space<hbm>> -> memref<8x128xi32, #tpu.memory_space<hbm>>
        %dma_wait3A_223 = arith.constant 0 : i32
        %dma_wait3A_224 = arith.constant 0 : i32
        %dma_wait3A_225 = tpu.memref_slice %arg4[%arg0, %dma_wait3A_223, %dma_wait3A_224] : memref<2x2560x128xi32, #tpu.memory_space<hbm>> -> memref<1x2560x128xi32, #tpu.memory_space<hbm>>
        %dma_wait3A_226 = tpu.memref_squeeze %dma_wait3A_225 : memref<1x2560x128xi32, #tpu.memory_space<hbm>> -> memref<2560x128xi32, #tpu.memory_space<hbm>>
        %dma_wait3A_227 = arith.constant 0 : i32
        %dma_wait3A_228 = tpu.memref_slice %dma_wait3A_226[%add3A_28, %dma_wait3A_227] : memref<2560x128xi32, #tpu.memory_space<hbm>> -> memref<8x128xi32, #tpu.memory_space<hbm>>
        tpu.wait_dma2 semaphore(%run_scoped3A_204 : memref<!tpu.dma_semaphore, #tpu.memory_space<semaphore_mem>>) src(%dma_wait3A_228 : memref<8x128xi32, #tpu.memory_space<hbm>>) dst(%arg8 : memref<8x128xi32, #tpu.memory_space<vmem>>)
        tpu.yield
      }) : () -> ()
      "tpu.region"() ({
        %run_scoped3A_204 = tpu.sem_alloc : memref<!tpu.dma_semaphore, #tpu.memory_space<semaphore_mem>>
        %dma_start3A_205 = arith.constant 0 : i32
        %dma_start3A_206 = arith.constant 0 : i32
        %dma_start3A_207 = tpu.memref_slice %arg5[%arg0, %dma_start3A_205, %dma_start3A_206] : memref<2x2560x128xf32, #tpu.memory_space<hbm>> -> memref<1x2560x128xf32, #tpu.memory_space<hbm>>
        %dma_start3A_208 = tpu.memref_squeeze %dma_start3A_207 : memref<1x2560x128xf32, #tpu.memory_space<hbm>> -> memref<2560x128xf32, #tpu.memory_space<hbm>>
        %dma_start3A_209 = arith.constant 0 : i32
        %dma_start3A_210 = tpu.memref_slice %dma_start3A_208[%add3A_28, %dma_start3A_209] : memref<2560x128xf32, #tpu.memory_space<hbm>> -> memref<8x128xf32, #tpu.memory_space<hbm>>
        %dma_start3A_211 = arith.constant 0 : i32
        %dma_start3A_212 = arith.constant 0 : i32
        %dma_start3A_213 = tpu.memref_slice %arg5[%arg0, %dma_start3A_211, %dma_start3A_212] : memref<2x2560x128xf32, #tpu.memory_space<hbm>> -> memref<1x2560x128xf32, #tpu.memory_space<hbm>>
        %dma_start3A_214 = tpu.memref_squeeze %dma_start3A_213 : memref<1x2560x128xf32, #tpu.memory_space<hbm>> -> memref<2560x128xf32, #tpu.memory_space<hbm>>
        %dma_start3A_215 = arith.constant 0 : i32
        %dma_start3A_216 = tpu.memref_slice %dma_start3A_214[%add3A_28, %dma_start3A_215] : memref<2560x128xf32, #tpu.memory_space<hbm>> -> memref<8x128xf32, #tpu.memory_space<hbm>>
        tpu.enqueue_dma source(%dma_start3A_216 : memref<8x128xf32, #tpu.memory_space<hbm>>) target(%arg9 : memref<8x128xf32, #tpu.memory_space<vmem>>) target_semaphore(%run_scoped3A_204 : memref<!tpu.dma_semaphore, #tpu.memory_space<semaphore_mem>>)
        %dma_wait3A_217 = arith.constant 0 : i32
        %dma_wait3A_218 = arith.constant 0 : i32
        %dma_wait3A_219 = tpu.memref_slice %arg5[%arg0, %dma_wait3A_217, %dma_wait3A_218] : memref<2x2560x128xf32, #tpu.memory_space<hbm>> -> memref<1x2560x128xf32, #tpu.memory_space<hbm>>
        %dma_wait3A_220 = tpu.memref_squeeze %dma_wait3A_219 : memref<1x2560x128xf32, #tpu.memory_space<hbm>> -> memref<2560x128xf32, #tpu.memory_space<hbm>>
        %dma_wait3A_221 = arith.constant 0 : i32
        %dma_wait3A_222 = tpu.memref_slice %dma_wait3A_220[%add3A_28, %dma_wait3A_221] : memref<2560x128xf32, #tpu.memory_space<hbm>> -> memref<8x128xf32, #tpu.memory_space<hbm>>
        %dma_wait3A_223 = arith.constant 0 : i32
        %dma_wait3A_224 = arith.constant 0 : i32
        %dma_wait3A_225 = tpu.memref_slice %arg5[%arg0, %dma_wait3A_223, %dma_wait3A_224] : memref<2x2560x128xf32, #tpu.memory_space<hbm>> -> memref<1x2560x128xf32, #tpu.memory_space<hbm>>
        %dma_wait3A_226 = tpu.memref_squeeze %dma_wait3A_225 : memref<1x2560x128xf32, #tpu.memory_space<hbm>> -> memref<2560x128xf32, #tpu.memory_space<hbm>>
        %dma_wait3A_227 = arith.constant 0 : i32
        %dma_wait3A_228 = tpu.memref_slice %dma_wait3A_226[%add3A_28, %dma_wait3A_227] : memref<2560x128xf32, #tpu.memory_space<hbm>> -> memref<8x128xf32, #tpu.memory_space<hbm>>
        tpu.wait_dma2 semaphore(%run_scoped3A_204 : memref<!tpu.dma_semaphore, #tpu.memory_space<semaphore_mem>>) src(%dma_wait3A_228 : memref<8x128xf32, #tpu.memory_space<hbm>>) dst(%arg9 : memref<8x128xf32, #tpu.memory_space<vmem>>)
        tpu.yield
      }) : () -> ()
      %dma_start3A = arith.constant 0 : i32
      %dma_start3A_29 = arith.constant 0 : i32
      %dma_start3A_30 = arith.constant 0 : i32
      %dma_start3A_31 = tpu.memref_slice %arg10[%dma_start3A_29, %dma_start3A_30] : memref<512x128xf32, #tpu.memory_space<vmem>> -> memref<128x128xf32, #tpu.memory_space<vmem>>
      %dma_start3A_32 = arith.constant 0 : i32
      %dma_start3A_33 = tpu.memref_slice %arg7[%dma_start3A, %dma_start3A_32] : memref<8x128xi32, #tpu.memory_space<vmem>> -> memref<1x128xi32, #tpu.memory_space<vmem>>
      %dma_start3A_34 = tpu.memref_squeeze %dma_start3A_33 : memref<1x128xi32, #tpu.memory_space<vmem>> -> memref<128xi32, #tpu.memory_space<vmem>>
      %dma_start3A_35 = arith.constant 0 : i32
      %dma_start3A_36 = arith.constant 0 : i32
      %dma_start3A_37 = tpu.memref_slice %arg2[%dma_start3A_35, %dma_start3A_36] : memref<10000x128xf32, #tpu.memory_space<hbm>> -> memref<10000x128xf32, #tpu.memory_space<hbm>>
      tpu.enqueue_indirect_dma source(%dma_start3A_37 : memref<10000x128xf32, #tpu.memory_space<hbm>>) target(%dma_start3A_31 : memref<128x128xf32, #tpu.memory_space<vmem>>) offsets(%dma_start3A_34 : memref<128xi32, #tpu.memory_space<vmem>>) semaphore(%arg13 : memref<!tpu.dma_semaphore, #tpu.memory_space<semaphore_mem>>)
      %dma_start3A_38 = arith.constant 1 : i32
      %dma_start3A_39 = arith.constant 128 : i32
      %dma_start3A_40 = arith.constant 0 : i32
      %dma_start3A_41 = tpu.memref_slice %arg10[%dma_start3A_39, %dma_start3A_40] : memref<512x128xf32, #tpu.memory_space<vmem>> -> memref<128x128xf32, #tpu.memory_space<vmem>>
      %dma_start3A_42 = arith.constant 0 : i32
      %dma_start3A_43 = tpu.memref_slice %arg7[%dma_start3A_38, %dma_start3A_42] : memref<8x128xi32, #tpu.memory_space<vmem>> -> memref<1x128xi32, #tpu.memory_space<vmem>>
      %dma_start3A_44 = tpu.memref_squeeze %dma_start3A_43 : memref<1x128xi32, #tpu.memory_space<vmem>> -> memref<128xi32, #tpu.memory_space<vmem>>
      %dma_start3A_45 = arith.constant 0 : i32
      %dma_start3A_46 = arith.constant 0 : i32
      %dma_start3A_47 = tpu.memref_slice %arg2[%dma_start3A_45, %dma_start3A_46] : memref<10000x128xf32, #tpu.memory_space<hbm>> -> memref<10000x128xf32, #tpu.memory_space<hbm>>
      tpu.enqueue_indirect_dma source(%dma_start3A_47 : memref<10000x128xf32, #tpu.memory_space<hbm>>) target(%dma_start3A_41 : memref<128x128xf32, #tpu.memory_space<vmem>>) offsets(%dma_start3A_44 : memref<128xi32, #tpu.memory_space<vmem>>) semaphore(%arg13 : memref<!tpu.dma_semaphore, #tpu.memory_space<semaphore_mem>>)
      %dma_start3A_48 = arith.constant 2 : i32
      %dma_start3A_49 = arith.constant 256 : i32
      %dma_start3A_50 = arith.constant 0 : i32
      %dma_start3A_51 = tpu.memref_slice %arg10[%dma_start3A_49, %dma_start3A_50] : memref<512x128xf32, #tpu.memory_space<vmem>> -> memref<128x128xf32, #tpu.memory_space<vmem>>
      %dma_start3A_52 = arith.constant 0 : i32
      %dma_start3A_53 = tpu.memref_slice %arg7[%dma_start3A_48, %dma_start3A_52] : memref<8x128xi32, #tpu.memory_space<vmem>> -> memref<1x128xi32, #tpu.memory_space<vmem>>
      %dma_start3A_54 = tpu.memref_squeeze %dma_start3A_53 : memref<1x128xi32, #tpu.memory_space<vmem>> -> memref<128xi32, #tpu.memory_space<vmem>>
      %dma_start3A_55 = arith.constant 0 : i32
      %dma_start3A_56 = arith.constant 0 : i32
      %dma_start3A_57 = tpu.memref_slice %arg2[%dma_start3A_55, %dma_start3A_56] : memref<10000x128xf32, #tpu.memory_space<hbm>> -> memref<10000x128xf32, #tpu.memory_space<hbm>>
      tpu.enqueue_indirect_dma source(%dma_start3A_57 : memref<10000x128xf32, #tpu.memory_space<hbm>>) target(%dma_start3A_51 : memref<128x128xf32, #tpu.memory_space<vmem>>) offsets(%dma_start3A_54 : memref<128xi32, #tpu.memory_space<vmem>>) semaphore(%arg13 : memref<!tpu.dma_semaphore, #tpu.memory_space<semaphore_mem>>)
      %dma_start3A_58 = arith.constant 3 : i32
      %dma_start3A_59 = arith.constant 384 : i32
      %dma_start3A_60 = arith.constant 0 : i32
      %dma_start3A_61 = tpu.memref_slice %arg10[%dma_start3A_59, %dma_start3A_60] : memref<512x128xf32, #tpu.memory_space<vmem>> -> memref<128x128xf32, #tpu.memory_space<vmem>>
      %dma_start3A_62 = arith.constant 0 : i32
      %dma_start3A_63 = tpu.memref_slice %arg7[%dma_start3A_58, %dma_start3A_62] : memref<8x128xi32, #tpu.memory_space<vmem>> -> memref<1x128xi32, #tpu.memory_space<vmem>>
      %dma_start3A_64 = tpu.memref_squeeze %dma_start3A_63 : memref<1x128xi32, #tpu.memory_space<vmem>> -> memref<128xi32, #tpu.memory_space<vmem>>
      %dma_start3A_65 = arith.constant 0 : i32
      %dma_start3A_66 = arith.constant 0 : i32
      %dma_start3A_67 = tpu.memref_slice %arg2[%dma_start3A_65, %dma_start3A_66] : memref<10000x128xf32, #tpu.memory_space<hbm>> -> memref<10000x128xf32, #tpu.memory_space<hbm>>
      tpu.enqueue_indirect_dma source(%dma_start3A_67 : memref<10000x128xf32, #tpu.memory_space<hbm>>) target(%dma_start3A_61 : memref<128x128xf32, #tpu.memory_space<vmem>>) offsets(%dma_start3A_64 : memref<128xi32, #tpu.memory_space<vmem>>) semaphore(%arg13 : memref<!tpu.dma_semaphore, #tpu.memory_space<semaphore_mem>>)
      %dma_wait3A = arith.constant 0 : i32
      %dma_wait3A_68 = arith.constant 0 : i32
      %dma_wait3A_69 = arith.constant 0 : i32
      %dma_wait3A_70 = tpu.memref_slice %arg10[%dma_wait3A_68, %dma_wait3A_69] : memref<512x128xf32, #tpu.memory_space<vmem>> -> memref<128x128xf32, #tpu.memory_space<vmem>>
      %dma_wait3A_71 = arith.constant 0 : i32
      %dma_wait3A_72 = tpu.memref_slice %arg7[%dma_wait3A, %dma_wait3A_71] : memref<8x128xi32, #tpu.memory_space<vmem>> -> memref<1x128xi32, #tpu.memory_space<vmem>>
      %dma_wait3A_73 = tpu.memref_squeeze %dma_wait3A_72 : memref<1x128xi32, #tpu.memory_space<vmem>> -> memref<128xi32, #tpu.memory_space<vmem>>
      %dma_wait3A_74 = arith.constant 0 : i32
      %dma_wait3A_75 = arith.constant 0 : i32
      %dma_wait3A_76 = tpu.memref_slice %arg2[%dma_wait3A_74, %dma_wait3A_75] : memref<10000x128xf32, #tpu.memory_space<hbm>> -> memref<10000x128xf32, #tpu.memory_space<hbm>>
      tpu.wait_indirect_dma semaphore(%arg13 : memref<!tpu.dma_semaphore, #tpu.memory_space<semaphore_mem>>) src(%dma_wait3A_76 : memref<10000x128xf32, #tpu.memory_space<hbm>>) dst(%dma_wait3A_70 : memref<128x128xf32, #tpu.memory_space<vmem>>)
      %dma_wait3A_77 = arith.constant 1 : i32
      %dma_wait3A_78 = arith.constant 128 : i32
      %dma_wait3A_79 = arith.constant 0 : i32
      %dma_wait3A_80 = tpu.memref_slice %arg10[%dma_wait3A_78, %dma_wait3A_79] : memref<512x128xf32, #tpu.memory_space<vmem>> -> memref<128x128xf32, #tpu.memory_space<vmem>>
      %dma_wait3A_81 = arith.constant 0 : i32
      %dma_wait3A_82 = tpu.memref_slice %arg7[%dma_wait3A_77, %dma_wait3A_81] : memref<8x128xi32, #tpu.memory_space<vmem>> -> memref<1x128xi32, #tpu.memory_space<vmem>>
      %dma_wait3A_83 = tpu.memref_squeeze %dma_wait3A_82 : memref<1x128xi32, #tpu.memory_space<vmem>> -> memref<128xi32, #tpu.memory_space<vmem>>
      %dma_wait3A_84 = arith.constant 0 : i32
      %dma_wait3A_85 = arith.constant 0 : i32
      %dma_wait3A_86 = tpu.memref_slice %arg2[%dma_wait3A_84, %dma_wait3A_85] : memref<10000x128xf32, #tpu.memory_space<hbm>> -> memref<10000x128xf32, #tpu.memory_space<hbm>>
      tpu.wait_indirect_dma semaphore(%arg13 : memref<!tpu.dma_semaphore, #tpu.memory_space<semaphore_mem>>) src(%dma_wait3A_86 : memref<10000x128xf32, #tpu.memory_space<hbm>>) dst(%dma_wait3A_80 : memref<128x128xf32, #tpu.memory_space<vmem>>)
      %dma_wait3A_87 = arith.constant 2 : i32
      %dma_wait3A_88 = arith.constant 256 : i32
      %dma_wait3A_89 = arith.constant 0 : i32
      %dma_wait3A_90 = tpu.memref_slice %arg10[%dma_wait3A_88, %dma_wait3A_89] : memref<512x128xf32, #tpu.memory_space<vmem>> -> memref<128x128xf32, #tpu.memory_space<vmem>>
      %dma_wait3A_91 = arith.constant 0 : i32
      %dma_wait3A_92 = tpu.memref_slice %arg7[%dma_wait3A_87, %dma_wait3A_91] : memref<8x128xi32, #tpu.memory_space<vmem>> -> memref<1x128xi32, #tpu.memory_space<vmem>>
      %dma_wait3A_93 = tpu.memref_squeeze %dma_wait3A_92 : memref<1x128xi32, #tpu.memory_space<vmem>> -> memref<128xi32, #tpu.memory_space<vmem>>
      %dma_wait3A_94 = arith.constant 0 : i32
      %dma_wait3A_95 = arith.constant 0 : i32
      %dma_wait3A_96 = tpu.memref_slice %arg2[%dma_wait3A_94, %dma_wait3A_95] : memref<10000x128xf32, #tpu.memory_space<hbm>> -> memref<10000x128xf32, #tpu.memory_space<hbm>>
      tpu.wait_indirect_dma semaphore(%arg13 : memref<!tpu.dma_semaphore, #tpu.memory_space<semaphore_mem>>) src(%dma_wait3A_96 : memref<10000x128xf32, #tpu.memory_space<hbm>>) dst(%dma_wait3A_90 : memref<128x128xf32, #tpu.memory_space<vmem>>)
      %dma_wait3A_97 = arith.constant 3 : i32
      %dma_wait3A_98 = arith.constant 384 : i32
      %dma_wait3A_99 = arith.constant 0 : i32
      %dma_wait3A_100 = tpu.memref_slice %arg10[%dma_wait3A_98, %dma_wait3A_99] : memref<512x128xf32, #tpu.memory_space<vmem>> -> memref<128x128xf32, #tpu.memory_space<vmem>>
      %dma_wait3A_101 = arith.constant 0 : i32
      %dma_wait3A_102 = tpu.memref_slice %arg7[%dma_wait3A_97, %dma_wait3A_101] : memref<8x128xi32, #tpu.memory_space<vmem>> -> memref<1x128xi32, #tpu.memory_space<vmem>>
      %dma_wait3A_103 = tpu.memref_squeeze %dma_wait3A_102 : memref<1x128xi32, #tpu.memory_space<vmem>> -> memref<128xi32, #tpu.memory_space<vmem>>
      %dma_wait3A_104 = arith.constant 0 : i32
      %dma_wait3A_105 = arith.constant 0 : i32
      %dma_wait3A_106 = tpu.memref_slice %arg2[%dma_wait3A_104, %dma_wait3A_105] : memref<10000x128xf32, #tpu.memory_space<hbm>> -> memref<10000x128xf32, #tpu.memory_space<hbm>>
      tpu.wait_indirect_dma semaphore(%arg13 : memref<!tpu.dma_semaphore, #tpu.memory_space<semaphore_mem>>) src(%dma_wait3A_106 : memref<10000x128xf32, #tpu.memory_space<hbm>>) dst(%dma_wait3A_100 : memref<128x128xf32, #tpu.memory_space<vmem>>)
      %scan3A_107 = arith.constant 0 : i32
      %scan3A_108 = arith.constant 4 : i32
      %scan3A_109 = arith.addi %scan3A_107, %scan3A_108 : i32
      %scan3A_110 = arith.constant 1 : i32
      scf.for %scan3A_204 = %scan3A_107 to %scan3A_109 step %scan3A_110  : i32 {
        %mul3A_205 = arith.constant 1 : i32
        %mul3A_206 = arith.muli %scan3A_204, %mul3A_205 : i32
        %add3A_207 = arith.constant 0 : i32
        %add3A_208 = arith.addi %add3A_207, %mul3A_206 : i32
        %scan3A_209 = arith.constant 0 : i32
        %scan3A_210 = arith.constant 8 : i32
        %scan3A_211 = arith.addi %scan3A_209, %scan3A_210 : i32
        %scan3A_212 = arith.constant 1 : i32
        scf.for %scan3A_214 = %scan3A_209 to %scan3A_211 step %scan3A_212  : i32 {
          %mul3A_215 = arith.constant 1 : i32
          %mul3A_216 = arith.muli %scan3A_214, %mul3A_215 : i32
          %add3A_217 = arith.constant 0 : i32
          %add3A_218 = arith.addi %add3A_217, %mul3A_216 : i32
          %add3A_219 = arith.constant 0 : i32
          %add3A_220 = arith.addi %add3A_219, %add3A_208 : i32
          %mul3A_221 = arith.constant 16 : i32
          %mul3A_222 = arith.muli %add3A_218, %mul3A_221 : i32
          %get3A = arith.index_cast %add3A_220 : i32 to index
          %get3A_223 = arith.index_cast %mul3A_222 : i32 to index
          %get3A_224 = tpu.vector_load %arg9[%get3A, %get3A_223] {strides = array<i32>} : memref<8x128xf32, #tpu.memory_space<vmem>>, vector<1x16xf32>,
          %get3A_225 = vector.shape_cast %get3A_224 : vector<1x16xf32> to vector<16xf32>
          %broadcast_in_dim3A_226 = arith.constant 0 : i32
          %broadcast_in_dim3A_227 = vector.broadcast %broadcast_in_dim3A_226 : i32 to vector<16x1xi32>
          %gather3A = vector.shape_cast %broadcast_in_dim3A_227 : vector<16x1xi32> to vector<16xi32>
          %gather3A_228 = tpu.dynamic_gather %get3A_225[%gather3A] in [0] : vector<16xf32>, vector<16xi32> -> vector<16xf32>
          %mul3A_229 = arith.constant 128 : i32
          %mul3A_230 = arith.muli %add3A_208, %mul3A_229 : i32
          %mul3A_231 = arith.constant 16 : i32
          %mul3A_232 = arith.muli %add3A_218, %mul3A_231 : i32
          %add3A_233 = arith.addi %mul3A_230, %mul3A_232 : i32
          %add3A_234 = arith.constant 0 : i32
          %add3A_235 = arith.addi %add3A_233, %add3A_234 : i32
          %get3A_236 = arith.index_cast %add3A_235 : i32 to index
          %get3A_237 = arith.constant 0 : index
          %get3A_238 = tpu.vector_load %arg10[%get3A_236, %get3A_237] {strides = array<i32>} : memref<512x128xf32, #tpu.memory_space<vmem>>, vector<1x16xf32>,
          %get3A_239 = vector.shape_cast %get3A_238 : vector<1x16xf32> to vector<16xf32>
          %mul3A_240 = arith.mulf %get3A_239, %gather3A_228 : vector<16xf32>
          %swap3A = arith.index_cast %add3A_235 : i32 to index
          %swap3A_241 = arith.constant 0 : index
          %swap3A_242 = tpu.vector_load %arg10[%swap3A, %swap3A_241] {strides = array<i32>} : memref<512x128xf32, #tpu.memory_space<vmem>>, vector<1x16xf32>,
          %swap3A_243 = vector.shape_cast %swap3A_242 : vector<1x16xf32> to vector<16xf32>
          %swap3A_244 = vector.shape_cast %mul3A_240 : vector<16xf32> to vector<1x16xf32>
          tpu.vector_store %arg10[%swap3A, %swap3A_241], %swap3A_244 {strides = array<i32>} : memref<512x128xf32, #tpu.memory_space<vmem>>, vector<1x16xf32>,
          %get3A_245 = arith.index_cast %add3A_235 : i32 to index
          %get3A_246 = arith.constant 16 : index
          %get3A_247 = tpu.vector_load %arg10[%get3A_245, %get3A_246] {strides = array<i32>} : memref<512x128xf32, #tpu.memory_space<vmem>>, vector<1x16xf32>,
          %get3A_248 = vector.shape_cast %get3A_247 : vector<1x16xf32> to vector<16xf32>
          %mul3A_249 = arith.mulf %get3A_248, %gather3A_228 : vector<16xf32>
          %swap3A_250 = arith.index_cast %add3A_235 : i32 to index
          %swap3A_251 = arith.constant 16 : index
          %swap3A_252 = tpu.vector_load %arg10[%swap3A_250, %swap3A_251] {strides = array<i32>} : memref<512x128xf32, #tpu.memory_space<vmem>>, vector<1x16xf32>,
          %swap3A_253 = vector.shape_cast %swap3A_252 : vector<1x16xf32> to vector<16xf32>
          %swap3A_254 = vector.shape_cast %mul3A_249 : vector<16xf32> to vector<1x16xf32>
          tpu.vector_store %arg10[%swap3A_250, %swap3A_251], %swap3A_254 {strides = array<i32>} : memref<512x128xf32, #tpu.memory_space<vmem>>, vector<1x16xf32>,
          %get3A_255 = arith.index_cast %add3A_235 : i32 to index
          %get3A_256 = arith.constant 32 : index
          %get3A_257 = tpu.vector_load %arg10[%get3A_255, %get3A_256] {strides = array<i32>} : memref<512x128xf32, #tpu.memory_space<vmem>>, vector<1x16xf32>,
          %get3A_258 = vector.shape_cast %get3A_257 : vector<1x16xf32> to vector<16xf32>
          %mul3A_259 = arith.mulf %get3A_258, %gather3A_228 : vector<16xf32>
          %swap3A_260 = arith.index_cast %add3A_235 : i32 to index
          %swap3A_261 = arith.constant 32 : index
          %swap3A_262 = tpu.vector_load %arg10[%swap3A_260, %swap3A_261] {strides = array<i32>} : memref<512x128xf32, #tpu.memory_space<vmem>>, vector<1x16xf32>,
          %swap3A_263 = vector.shape_cast %swap3A_262 : vector<1x16xf32> to vector<16xf32>
          %swap3A_264 = vector.shape_cast %mul3A_259 : vector<16xf32> to vector<1x16xf32>
          tpu.vector_store %arg10[%swap3A_260, %swap3A_261], %swap3A_264 {strides = array<i32>} : memref<512x128xf32, #tpu.memory_space<vmem>>, vector<1x16xf32>,
          %get3A_265 = arith.index_cast %add3A_235 : i32 to index
          %get3A_266 = arith.constant 48 : index
          %get3A_267 = tpu.vector_load %arg10[%get3A_265, %get3A_266] {strides = array<i32>} : memref<512x128xf32, #tpu.memory_space<vmem>>, vector<1x16xf32>,
          %get3A_268 = vector.shape_cast %get3A_267 : vector<1x16xf32> to vector<16xf32>
          %mul3A_269 = arith.mulf %get3A_268, %gather3A_228 : vector<16xf32>
          %swap3A_270 = arith.index_cast %add3A_235 : i32 to index
          %swap3A_271 = arith.constant 48 : index
          %swap3A_272 = tpu.vector_load %arg10[%swap3A_270, %swap3A_271] {strides = array<i32>} : memref<512x128xf32, #tpu.memory_space<vmem>>, vector<1x16xf32>,
          %swap3A_273 = vector.shape_cast %swap3A_272 : vector<1x16xf32> to vector<16xf32>
          %swap3A_274 = vector.shape_cast %mul3A_269 : vector<16xf32> to vector<1x16xf32>
          tpu.vector_store %arg10[%swap3A_270, %swap3A_271], %swap3A_274 {strides = array<i32>} : memref<512x128xf32, #tpu.memory_space<vmem>>, vector<1x16xf32>,
          %get3A_275 = arith.index_cast %add3A_235 : i32 to index
          %get3A_276 = arith.constant 64 : index
          %get3A_277 = tpu.vector_load %arg10[%get3A_275, %get3A_276] {strides = array<i32>} : memref<512x128xf32, #tpu.memory_space<vmem>>, vector<1x16xf32>,
          %get3A_278 = vector.shape_cast %get3A_277 : vector<1x16xf32> to vector<16xf32>
          %mul3A_279 = arith.mulf %get3A_278, %gather3A_228 : vector<16xf32>
          %swap3A_280 = arith.index_cast %add3A_235 : i32 to index
          %swap3A_281 = arith.constant 64 : index
          %swap3A_282 = tpu.vector_load %arg10[%swap3A_280, %swap3A_281] {strides = array<i32>} : memref<512x128xf32, #tpu.memory_space<vmem>>, vector<1x16xf32>,
          %swap3A_283 = vector.shape_cast %swap3A_282 : vector<1x16xf32> to vector<16xf32>
          %swap3A_284 = vector.shape_cast %mul3A_279 : vector<16xf32> to vector<1x16xf32>
          tpu.vector_store %arg10[%swap3A_280, %swap3A_281], %swap3A_284 {strides = array<i32>} : memref<512x128xf32, #tpu.memory_space<vmem>>, vector<1x16xf32>,
          %get3A_285 = arith.index_cast %add3A_235 : i32 to index
          %get3A_286 = arith.constant 80 : index
          %get3A_287 = tpu.vector_load %arg10[%get3A_285, %get3A_286] {strides = array<i32>} : memref<512x128xf32, #tpu.memory_space<vmem>>, vector<1x16xf32>,
          %get3A_288 = vector.shape_cast %get3A_287 : vector<1x16xf32> to vector<16xf32>
          %mul3A_289 = arith.mulf %get3A_288, %gather3A_228 : vector<16xf32>
          %swap3A_290 = arith.index_cast %add3A_235 : i32 to index
          %swap3A_291 = arith.constant 80 : index
          %swap3A_292 = tpu.vector_load %arg10[%swap3A_290, %swap3A_291] {strides = array<i32>} : memref<512x128xf32, #tpu.memory_space<vmem>>, vector<1x16xf32>,
          %swap3A_293 = vector.shape_cast %swap3A_292 : vector<1x16xf32> to vector<16xf32>
          %swap3A_294 = vector.shape_cast %mul3A_289 : vector<16xf32> to vector<1x16xf32>
          tpu.vector_store %arg10[%swap3A_290, %swap3A_291], %swap3A_294 {strides = array<i32>} : memref<512x128xf32, #tpu.memory_space<vmem>>, vector<1x16xf32>,
          %get3A_295 = arith.index_cast %add3A_235 : i32 to index
          %get3A_296 = arith.constant 96 : index
          %get3A_297 = tpu.vector_load %arg10[%get3A_295, %get3A_296] {strides = array<i32>} : memref<512x128xf32, #tpu.memory_space<vmem>>, vector<1x16xf32>,
          %get3A_298 = vector.shape_cast %get3A_297 : vector<1x16xf32> to vector<16xf32>
          %mul3A_299 = arith.mulf %get3A_298, %gather3A_228 : vector<16xf32>
          %swap3A_300 = arith.index_cast %add3A_235 : i32 to index
          %swap3A_301 = arith.constant 96 : index
          %swap3A_302 = tpu.vector_load %arg10[%swap3A_300, %swap3A_301] {strides = array<i32>} : memref<512x128xf32, #tpu.memory_space<vmem>>, vector<1x16xf32>,
          %swap3A_303 = vector.shape_cast %swap3A_302 : vector<1x16xf32> to vector<16xf32>
          %swap3A_304 = vector.shape_cast %mul3A_299 : vector<16xf32> to vector<1x16xf32>
          tpu.vector_store %arg10[%swap3A_300, %swap3A_301], %swap3A_304 {strides = array<i32>} : memref<512x128xf32, #tpu.memory_space<vmem>>, vector<1x16xf32>,
          %get3A_305 = arith.index_cast %add3A_235 : i32 to index
          %get3A_306 = arith.constant 112 : index
          %get3A_307 = tpu.vector_load %arg10[%get3A_305, %get3A_306] {strides = array<i32>} : memref<512x128xf32, #tpu.memory_space<vmem>>, vector<1x16xf32>,
          %get3A_308 = vector.shape_cast %get3A_307 : vector<1x16xf32> to vector<16xf32>
          %mul3A_309 = arith.mulf %get3A_308, %gather3A_228 : vector<16xf32>
          %swap3A_310 = arith.index_cast %add3A_235 : i32 to index
          %swap3A_311 = arith.constant 112 : index
          %swap3A_312 = tpu.vector_load %arg10[%swap3A_310, %swap3A_311] {strides = array<i32>} : memref<512x128xf32, #tpu.memory_space<vmem>>, vector<1x16xf32>,
          %swap3A_313 = vector.shape_cast %swap3A_312 : vector<1x16xf32> to vector<16xf32>
          %swap3A_314 = vector.shape_cast %mul3A_309 : vector<16xf32> to vector<1x16xf32>
          tpu.vector_store %arg10[%swap3A_310, %swap3A_311], %swap3A_314 {strides = array<i32>} : memref<512x128xf32, #tpu.memory_space<vmem>>, vector<1x16xf32>,
          %broadcast_in_dim3A_315 = arith.constant 1 : i32
          %broadcast_in_dim3A_316 = vector.broadcast %broadcast_in_dim3A_315 : i32 to vector<16x1xi32>
          %gather3A_317 = vector.shape_cast %broadcast_in_dim3A_316 : vector<16x1xi32> to vector<16xi32>
          %gather3A_318 = tpu.dynamic_gather %get3A_225[%gather3A_317] in [0] : vector<16xf32>, vector<16xi32> -> vector<16xf32>
          %mul3A_319 = arith.constant 128 : i32
          %mul3A_320 = arith.muli %add3A_208, %mul3A_319 : i32
          %mul3A_321 = arith.constant 16 : i32
          %mul3A_322 = arith.muli %add3A_218, %mul3A_321 : i32
          %add3A_323 = arith.addi %mul3A_320, %mul3A_322 : i32
          %add3A_324 = arith.constant 1 : i32
          %add3A_325 = arith.addi %add3A_323, %add3A_324 : i32
          %get3A_326 = arith.index_cast %add3A_325 : i32 to index
          %get3A_327 = arith.constant 0 : index
          %get3A_328 = tpu.vector_load %arg10[%get3A_326, %get3A_327] {strides = array<i32>} : memref<512x128xf32, #tpu.memory_space<vmem>>, vector<1x16xf32>,
          %get3A_329 = vector.shape_cast %get3A_328 : vector<1x16xf32> to vector<16xf32>
          %mul3A_330 = arith.mulf %get3A_329, %gather3A_318 : vector<16xf32>
          %swap3A_331 = arith.index_cast %add3A_325 : i32 to index
          %swap3A_332 = arith.constant 0 : index
          %swap3A_333 = tpu.vector_load %arg10[%swap3A_331, %swap3A_332] {strides = array<i32>} : memref<512x128xf32, #tpu.memory_space<vmem>>, vector<1x16xf32>,
          %swap3A_334 = vector.shape_cast %swap3A_333 : vector<1x16xf32> to vector<16xf32>
          %swap3A_335 = vector.shape_cast %mul3A_330 : vector<16xf32> to vector<1x16xf32>
          tpu.vector_store %arg10[%swap3A_331, %swap3A_332], %swap3A_335 {strides = array<i32>} : memref<512x128xf32, #tpu.memory_space<vmem>>, vector<1x16xf32>,
          %get3A_336 = arith.index_cast %add3A_325 : i32 to index
          %get3A_337 = arith.constant 16 : index
          %get3A_338 = tpu.vector_load %arg10[%get3A_336, %get3A_337] {strides = array<i32>} : memref<512x128xf32, #tpu.memory_space<vmem>>, vector<1x16xf32>,
          %get3A_339 = vector.shape_cast %get3A_338 : vector<1x16xf32> to vector<16xf32>
          %mul3A_340 = arith.mulf %get3A_339, %gather3A_318 : vector<16xf32>
          %swap3A_341 = arith.index_cast %add3A_325 : i32 to index
          %swap3A_342 = arith.constant 16 : index
          %swap3A_343 = tpu.vector_load %arg10[%swap3A_341, %swap3A_342] {strides = array<i32>} : memref<512x128xf32, #tpu.memory_space<vmem>>, vector<1x16xf32>,
          %swap3A_344 = vector.shape_cast %swap3A_343 : vector<1x16xf32> to vector<16xf32>
          %swap3A_345 = vector.shape_cast %mul3A_340 : vector<16xf32> to vector<1x16xf32>
          tpu.vector_store %arg10[%swap3A_341, %swap3A_342], %swap3A_345 {strides = array<i32>} : memref<512x128xf32, #tpu.memory_space<vmem>>, vector<1x16xf32>,
          %get3A_346 = arith.index_cast %add3A_325 : i32 to index
          %get3A_347 = arith.constant 32 : index
          %get3A_348 = tpu.vector_load %arg10[%get3A_346, %get3A_347] {strides = array<i32>} : memref<512x128xf32, #tpu.memory_space<vmem>>, vector<1x16xf32>,
          %get3A_349 = vector.shape_cast %get3A_348 : vector<1x16xf32> to vector<16xf32>
          %mul3A_350 = arith.mulf %get3A_349, %gather3A_318 : vector<16xf32>
          %swap3A_351 = arith.index_cast %add3A_325 : i32 to index
          %swap3A_352 = arith.constant 32 : index
          %swap3A_353 = tpu.vector_load %arg10[%swap3A_351, %swap3A_352] {strides = array<i32>} : memref<512x128xf32, #tpu.memory_space<vmem>>, vector<1x16xf32>,
          %swap3A_354 = vector.shape_cast %swap3A_353 : vector<1x16xf32> to vector<16xf32>
          %swap3A_355 = vector.shape_cast %mul3A_350 : vector<16xf32> to vector<1x16xf32>
          tpu.vector_store %arg10[%swap3A_351, %swap3A_352], %swap3A_355 {strides = array<i32>} : memref<512x128xf32, #tpu.memory_space<vmem>>, vector<1x16xf32>,
          %get3A_356 = arith.index_cast %add3A_325 : i32 to index
          %get3A_357 = arith.constant 48 : index
          %get3A_358 = tpu.vector_load %arg10[%get3A_356, %get3A_357] {strides = array<i32>} : memref<512x128xf32, #tpu.memory_space<vmem>>, vector<1x16xf32>,
          %get3A_359 = vector.shape_cast %get3A_358 : vector<1x16xf32> to vector<16xf32>
          %mul3A_360 = arith.mulf %get3A_359, %gather3A_318 : vector<16xf32>
          %swap3A_361 = arith.index_cast %add3A_325 : i32 to index
          %swap3A_362 = arith.constant 48 : index
          %swap3A_363 = tpu.vector_load %arg10[%swap3A_361, %swap3A_362] {strides = array<i32>} : memref<512x128xf32, #tpu.memory_space<vmem>>, vector<1x16xf32>,
          %swap3A_364 = vector.shape_cast %swap3A_363 : vector<1x16xf32> to vector<16xf32>
          %swap3A_365 = vector.shape_cast %mul3A_360 : vector<16xf32> to vector<1x16xf32>
          tpu.vector_store %arg10[%swap3A_361, %swap3A_362], %swap3A_365 {strides = array<i32>} : memref<512x128xf32, #tpu.memory_space<vmem>>, vector<1x16xf32>,
          %get3A_366 = arith.index_cast %add3A_325 : i32 to index
          %get3A_367 = arith.constant 64 : index
          %get3A_368 = tpu.vector_load %arg10[%get3A_366, %get3A_367] {strides = array<i32>} : memref<512x128xf32, #tpu.memory_space<vmem>>, vector<1x16xf32>,
          %get3A_369 = vector.shape_cast %get3A_368 : vector<1x16xf32> to vector<16xf32>
          %mul3A_370 = arith.mulf %get3A_369, %gather3A_318 : vector<16xf32>
          %swap3A_371 = arith.index_cast %add3A_325 : i32 to index
          %swap3A_372 = arith.constant 64 : index
          %swap3A_373 = tpu.vector_load %arg10[%swap3A_371, %swap3A_372] {strides = array<i32>} : memref<512x128xf32, #tpu.memory_space<vmem>>, vector<1x16xf32>,
          %swap3A_374 = vector.shape_cast %swap3A_373 : vector<1x16xf32> to vector<16xf32>
          %swap3A_375 = vector.shape_cast %mul3A_370 : vector<16xf32> to vector<1x16xf32>
          tpu.vector_store %arg10[%swap3A_371, %swap3A_372], %swap3A_375 {strides = array<i32>} : memref<512x128xf32, #tpu.memory_space<vmem>>, vector<1x16xf32>,
          %get3A_376 = arith.index_cast %add3A_325 : i32 to index
          %get3A_377 = arith.constant 80 : index
          %get3A_378 = tpu.vector_load %arg10[%get3A_376, %get3A_377] {strides = array<i32>} : memref<512x128xf32, #tpu.memory_space<vmem>>, vector<1x16xf32>,
          %get3A_379 = vector.shape_cast %get3A_378 : vector<1x16xf32> to vector<16xf32>
          %mul3A_380 = arith.mulf %get3A_379, %gather3A_318 : vector<16xf32>
          %swap3A_381 = arith.index_cast %add3A_325 : i32 to index
          %swap3A_382 = arith.constant 80 : index
          %swap3A_383 = tpu.vector_load %arg10[%swap3A_381, %swap3A_382] {strides = array<i32>} : memref<512x128xf32, #tpu.memory_space<vmem>>, vector<1x16xf32>,
          %swap3A_384 = vector.shape_cast %swap3A_383 : vector<1x16xf32> to vector<16xf32>
          %swap3A_385 = vector.shape_cast %mul3A_380 : vector<16xf32> to vector<1x16xf32>
          tpu.vector_store %arg10[%swap3A_381, %swap3A_382], %swap3A_385 {strides = array<i32>} : memref<512x128xf32, #tpu.memory_space<vmem>>, vector<1x16xf32>,
          %get3A_386 = arith.index_cast %add3A_325 : i32 to index
          %get3A_387 = arith.constant 96 : index
          %get3A_388 = tpu.vector_load %arg10[%get3A_386, %get3A_387] {strides = array<i32>} : memref<512x128xf32, #tpu.memory_space<vmem>>, vector<1x16xf32>,
          %get3A_389 = vector.shape_cast %get3A_388 : vector<1x16xf32> to vector<16xf32>
          %mul3A_390 = arith.mulf %get3A_389, %gather3A_318 : vector<16xf32>
          %swap3A_391 = arith.index_cast %add3A_325 : i32 to index
          %swap3A_392 = arith.constant 96 : index
          %swap3A_393 = tpu.vector_load %arg10[%swap3A_391, %swap3A_392] {strides = array<i32>} : memref<512x128xf32, #tpu.memory_space<vmem>>, vector<1x16xf32>,
          %swap3A_394 = vector.shape_cast %swap3A_393 : vector<1x16xf32> to vector<16xf32>
          %swap3A_395 = vector.shape_cast %mul3A_390 : vector<16xf32> to vector<1x16xf32>
          tpu.vector_store %arg10[%swap3A_391, %swap3A_392], %swap3A_395 {strides = array<i32>} : memref<512x128xf32, #tpu.memory_space<vmem>>, vector<1x16xf32>,
          %get3A_396 = arith.index_cast %add3A_325 : i32 to index
          %get3A_397 = arith.constant 112 : index
          %get3A_398 = tpu.vector_load %arg10[%get3A_396, %get3A_397] {strides = array<i32>} : memref<512x128xf32, #tpu.memory_space<vmem>>, vector<1x16xf32>,
          %get3A_399 = vector.shape_cast %get3A_398 : vector<1x16xf32> to vector<16xf32>
          %mul3A_400 = arith.mulf %get3A_399, %gather3A_318 : vector<16xf32>
          %swap3A_401 = arith.index_cast %add3A_325 : i32 to index
          %swap3A_402 = arith.constant 112 : index
          %swap3A_403 = tpu.vector_load %arg10[%swap3A_401, %swap3A_402] {strides = array<i32>} : memref<512x128xf32, #tpu.memory_space<vmem>>, vector<1x16xf32>,
          %swap3A_404 = vector.shape_cast %swap3A_403 : vector<1x16xf32> to vector<16xf32>
          %swap3A_405 = vector.shape_cast %mul3A_400 : vector<16xf32> to vector<1x16xf32>
          tpu.vector_store %arg10[%swap3A_401, %swap3A_402], %swap3A_405 {strides = array<i32>} : memref<512x128xf32, #tpu.memory_space<vmem>>, vector<1x16xf32>,
          %broadcast_in_dim3A_406 = arith.constant 2 : i32
          %broadcast_in_dim3A_407 = vector.broadcast %broadcast_in_dim3A_406 : i32 to vector<16x1xi32>
          %gather3A_408 = vector.shape_cast %broadcast_in_dim3A_407 : vector<16x1xi32> to vector<16xi32>
          %gather3A_409 = tpu.dynamic_gather %get3A_225[%gather3A_408] in [0] : vector<16xf32>, vector<16xi32> -> vector<16xf32>
          %mul3A_410 = arith.constant 128 : i32
          %mul3A_411 = arith.muli %add3A_208, %mul3A_410 : i32
          %mul3A_412 = arith.constant 16 : i32
          %mul3A_413 = arith.muli %add3A_218, %mul3A_412 : i32
          %add3A_414 = arith.addi %mul3A_411, %mul3A_413 : i32
          %add3A_415 = arith.constant 2 : i32
          %add3A_416 = arith.addi %add3A_414, %add3A_415 : i32
          %get3A_417 = arith.index_cast %add3A_416 : i32 to index
          %get3A_418 = arith.constant 0 : index
          %get3A_419 = tpu.vector_load %arg10[%get3A_417, %get3A_418] {strides = array<i32>} : memref<512x128xf32, #tpu.memory_space<vmem>>, vector<1x16xf32>,
          %get3A_420 = vector.shape_cast %get3A_419 : vector<1x16xf32> to vector<16xf32>
          %mul3A_421 = arith.mulf %get3A_420, %gather3A_409 : vector<16xf32>
          %swap3A_422 = arith.index_cast %add3A_416 : i32 to index
          %swap3A_423 = arith.constant 0 : index
          %swap3A_424 = tpu.vector_load %arg10[%swap3A_422, %swap3A_423] {strides = array<i32>} : memref<512x128xf32, #tpu.memory_space<vmem>>, vector<1x16xf32>,
          %swap3A_425 = vector.shape_cast %swap3A_424 : vector<1x16xf32> to vector<16xf32>
          %swap3A_426 = vector.shape_cast %mul3A_421 : vector<16xf32> to vector<1x16xf32>
          tpu.vector_store %arg10[%swap3A_422, %swap3A_423], %swap3A_426 {strides = array<i32>} : memref<512x128xf32, #tpu.memory_space<vmem>>, vector<1x16xf32>,
          %get3A_427 = arith.index_cast %add3A_416 : i32 to index
          %get3A_428 = arith.constant 16 : index
          %get3A_429 = tpu.vector_load %arg10[%get3A_427, %get3A_428] {strides = array<i32>} : memref<512x128xf32, #tpu.memory_space<vmem>>, vector<1x16xf32>,
          %get3A_430 = vector.shape_cast %get3A_429 : vector<1x16xf32> to vector<16xf32>
          %mul3A_431 = arith.mulf %get3A_430, %gather3A_409 : vector<16xf32>
          %swap3A_432 = arith.index_cast %add3A_416 : i32 to index
          %swap3A_433 = arith.constant 16 : index
          %swap3A_434 = tpu.vector_load %arg10[%swap3A_432, %swap3A_433] {strides = array<i32>} : memref<512x128xf32, #tpu.memory_space<vmem>>, vector<1x16xf32>,
          %swap3A_435 = vector.shape_cast %swap3A_434 : vector<1x16xf32> to vector<16xf32>
          %swap3A_436 = vector.shape_cast %mul3A_431 : vector<16xf32> to vector<1x16xf32>
          tpu.vector_store %arg10[%swap3A_432, %swap3A_433], %swap3A_436 {strides = array<i32>} : memref<512x128xf32, #tpu.memory_space<vmem>>, vector<1x16xf32>,
          %get3A_437 = arith.index_cast %add3A_416 : i32 to index
          %get3A_438 = arith.constant 32 : index
          %get3A_439 = tpu.vector_load %arg10[%get3A_437, %get3A_438] {strides = array<i32>} : memref<512x128xf32, #tpu.memory_space<vmem>>, vector<1x16xf32>,
          %get3A_440 = vector.shape_cast %get3A_439 : vector<1x16xf32> to vector<16xf32>
          %mul3A_441 = arith.mulf %get3A_440, %gather3A_409 : vector<16xf32>
          %swap3A_442 = arith.index_cast %add3A_416 : i32 to index
          %swap3A_443 = arith.constant 32 : index
          %swap3A_444 = tpu.vector_load %arg10[%swap3A_442, %swap3A_443] {strides = array<i32>} : memref<512x128xf32, #tpu.memory_space<vmem>>, vector<1x16xf32>,
          %swap3A_445 = vector.shape_cast %swap3A_444 : vector<1x16xf32> to vector<16xf32>
          %swap3A_446 = vector.shape_cast %mul3A_441 : vector<16xf32> to vector<1x16xf32>
          tpu.vector_store %arg10[%swap3A_442, %swap3A_443], %swap3A_446 {strides = array<i32>} : memref<512x128xf32, #tpu.memory_space<vmem>>, vector<1x16xf32>,
          %get3A_447 = arith.index_cast %add3A_416 : i32 to index
          %get3A_448 = arith.constant 48 : index
          %get3A_449 = tpu.vector_load %arg10[%get3A_447, %get3A_448] {strides = array<i32>} : memref<512x128xf32, #tpu.memory_space<vmem>>, vector<1x16xf32>,
          %get3A_450 = vector.shape_cast %get3A_449 : vector<1x16xf32> to vector<16xf32>
          %mul3A_451 = arith.mulf %get3A_450, %gather3A_409 : vector<16xf32>
          %swap3A_452 = arith.index_cast %add3A_416 : i32 to index
          %swap3A_453 = arith.constant 48 : index
          %swap3A_454 = tpu.vector_load %arg10[%swap3A_452, %swap3A_453] {strides = array<i32>} : memref<512x128xf32, #tpu.memory_space<vmem>>, vector<1x16xf32>,
          %swap3A_455 = vector.shape_cast %swap3A_454 : vector<1x16xf32> to vector<16xf32>
          %swap3A_456 = vector.shape_cast %mul3A_451 : vector<16xf32> to vector<1x16xf32>
          tpu.vector_store %arg10[%swap3A_452, %swap3A_453], %swap3A_456 {strides = array<i32>} : memref<512x128xf32, #tpu.memory_space<vmem>>, vector<1x16xf32>,
          %get3A_457 = arith.index_cast %add3A_416 : i32 to index
          %get3A_458 = arith.constant 64 : index
          %get3A_459 = tpu.vector_load %arg10[%get3A_457, %get3A_458] {strides = array<i32>} : memref<512x128xf32, #tpu.memory_space<vmem>>, vector<1x16xf32>,
          %get3A_460 = vector.shape_cast %get3A_459 : vector<1x16xf32> to vector<16xf32>
          %mul3A_461 = arith.mulf %get3A_460, %gather3A_409 : vector<16xf32>
          %swap3A_462 = arith.index_cast %add3A_416 : i32 to index
          %swap3A_463 = arith.constant 64 : index
          %swap3A_464 = tpu.vector_load %arg10[%swap3A_462, %swap3A_463] {strides = array<i32>} : memref<512x128xf32, #tpu.memory_space<vmem>>, vector<1x16xf32>,
          %swap3A_465 = vector.shape_cast %swap3A_464 : vector<1x16xf32> to vector<16xf32>
          %swap3A_466 = vector.shape_cast %mul3A_461 : vector<16xf32> to vector<1x16xf32>
          tpu.vector_store %arg10[%swap3A_462, %swap3A_463], %swap3A_466 {strides = array<i32>} : memref<512x128xf32, #tpu.memory_space<vmem>>, vector<1x16xf32>,
          %get3A_467 = arith.index_cast %add3A_416 : i32 to index
          %get3A_468 = arith.constant 80 : index
          %get3A_469 = tpu.vector_load %arg10[%get3A_467, %get3A_468] {strides = array<i32>} : memref<512x128xf32, #tpu.memory_space<vmem>>, vector<1x16xf32>,
          %get3A_470 = vector.shape_cast %get3A_469 : vector<1x16xf32> to vector<16xf32>
          %mul3A_471 = arith.mulf %get3A_470, %gather3A_409 : vector<16xf32>
          %swap3A_472 = arith.index_cast %add3A_416 : i32 to index
          %swap3A_473 = arith.constant 80 : index
          %swap3A_474 = tpu.vector_load %arg10[%swap3A_472, %swap3A_473] {strides = array<i32>} : memref<512x128xf32, #tpu.memory_space<vmem>>, vector<1x16xf32>,
          %swap3A_475 = vector.shape_cast %swap3A_474 : vector<1x16xf32> to vector<16xf32>
          %swap3A_476 = vector.shape_cast %mul3A_471 : vector<16xf32> to vector<1x16xf32>
          tpu.vector_store %arg10[%swap3A_472, %swap3A_473], %swap3A_476 {strides = array<i32>} : memref<512x128xf32, #tpu.memory_space<vmem>>, vector<1x16xf32>,
          %get3A_477 = arith.index_cast %add3A_416 : i32 to index
          %get3A_478 = arith.constant 96 : index
          %get3A_479 = tpu.vector_load %arg10[%get3A_477, %get3A_478] {strides = array<i32>} : memref<512x128xf32, #tpu.memory_space<vmem>>, vector<1x16xf32>,
          %get3A_480 = vector.shape_cast %get3A_479 : vector<1x16xf32> to vector<16xf32>
          %mul3A_481 = arith.mulf %get3A_480, %gather3A_409 : vector<16xf32>
          %swap3A_482 = arith.index_cast %add3A_416 : i32 to index
          %swap3A_483 = arith.constant 96 : index
          %swap3A_484 = tpu.vector_load %arg10[%swap3A_482, %swap3A_483] {strides = array<i32>} : memref<512x128xf32, #tpu.memory_space<vmem>>, vector<1x16xf32>,
          %swap3A_485 = vector.shape_cast %swap3A_484 : vector<1x16xf32> to vector<16xf32>
          %swap3A_486 = vector.shape_cast %mul3A_481 : vector<16xf32> to vector<1x16xf32>
          tpu.vector_store %arg10[%swap3A_482, %swap3A_483], %swap3A_486 {strides = array<i32>} : memref<512x128xf32, #tpu.memory_space<vmem>>, vector<1x16xf32>,
          %get3A_487 = arith.index_cast %add3A_416 : i32 to index
          %get3A_488 = arith.constant 112 : index
          %get3A_489 = tpu.vector_load %arg10[%get3A_487, %get3A_488] {strides = array<i32>} : memref<512x128xf32, #tpu.memory_space<vmem>>, vector<1x16xf32>,
          %get3A_490 = vector.shape_cast %get3A_489 : vector<1x16xf32> to vector<16xf32>
          %mul3A_491 = arith.mulf %get3A_490, %gather3A_409 : vector<16xf32>
          %swap3A_492 = arith.index_cast %add3A_416 : i32 to index
          %swap3A_493 = arith.constant 112 : index
          %swap3A_494 = tpu.vector_load %arg10[%swap3A_492, %swap3A_493] {strides = array<i32>} : memref<512x128xf32, #tpu.memory_space<vmem>>, vector<1x16xf32>,
          %swap3A_495 = vector.shape_cast %swap3A_494 : vector<1x16xf32> to vector<16xf32>
          %swap3A_496 = vector.shape_cast %mul3A_491 : vector<16xf32> to vector<1x16xf32>
          tpu.vector_store %arg10[%swap3A_492, %swap3A_493], %swap3A_496 {strides = array<i32>} : memref<512x128xf32, #tpu.memory_space<vmem>>, vector<1x16xf32>,
          %broadcast_in_dim3A_497 = arith.constant 3 : i32
          %broadcast_in_dim3A_498 = vector.broadcast %broadcast_in_dim3A_497 : i32 to vector<16x1xi32>
          %gather3A_499 = vector.shape_cast %broadcast_in_dim3A_498 : vector<16x1xi32> to vector<16xi32>
          %gather3A_500 = tpu.dynamic_gather %get3A_225[%gather3A_499] in [0] : vector<16xf32>, vector<16xi32> -> vector<16xf32>
          %mul3A_501 = arith.constant 128 : i32
          %mul3A_502 = arith.muli %add3A_208, %mul3A_501 : i32
          %mul3A_503 = arith.constant 16 : i32
          %mul3A_504 = arith.muli %add3A_218, %mul3A_503 : i32
          %add3A_505 = arith.addi %mul3A_502, %mul3A_504 : i32
          %add3A_506 = arith.constant 3 : i32
          %add3A_507 = arith.addi %add3A_505, %add3A_506 : i32
          %get3A_508 = arith.index_cast %add3A_507 : i32 to index
          %get3A_509 = arith.constant 0 : index
          %get3A_510 = tpu.vector_load %arg10[%get3A_508, %get3A_509] {strides = array<i32>} : memref<512x128xf32, #tpu.memory_space<vmem>>, vector<1x16xf32>,
          %get3A_511 = vector.shape_cast %get3A_510 : vector<1x16xf32> to vector<16xf32>
          %mul3A_512 = arith.mulf %get3A_511, %gather3A_500 : vector<16xf32>
          %swap3A_513 = arith.index_cast %add3A_507 : i32 to index
          %swap3A_514 = arith.constant 0 : index
          %swap3A_515 = tpu.vector_load %arg10[%swap3A_513, %swap3A_514] {strides = array<i32>} : memref<512x128xf32, #tpu.memory_space<vmem>>, vector<1x16xf32>,
          %swap3A_516 = vector.shape_cast %swap3A_515 : vector<1x16xf32> to vector<16xf32>
          %swap3A_517 = vector.shape_cast %mul3A_512 : vector<16xf32> to vector<1x16xf32>
          tpu.vector_store %arg10[%swap3A_513, %swap3A_514], %swap3A_517 {strides = array<i32>} : memref<512x128xf32, #tpu.memory_space<vmem>>, vector<1x16xf32>,
          %get3A_518 = arith.index_cast %add3A_507 : i32 to index
          %get3A_519 = arith.constant 16 : index
          %get3A_520 = tpu.vector_load %arg10[%get3A_518, %get3A_519] {strides = array<i32>} : memref<512x128xf32, #tpu.memory_space<vmem>>, vector<1x16xf32>,
          %get3A_521 = vector.shape_cast %get3A_520 : vector<1x16xf32> to vector<16xf32>
          %mul3A_522 = arith.mulf %get3A_521, %gather3A_500 : vector<16xf32>
          %swap3A_523 = arith.index_cast %add3A_507 : i32 to index
          %swap3A_524 = arith.constant 16 : index
          %swap3A_525 = tpu.vector_load %arg10[%swap3A_523, %swap3A_524] {strides = array<i32>} : memref<512x128xf32, #tpu.memory_space<vmem>>, vector<1x16xf32>,
          %swap3A_526 = vector.shape_cast %swap3A_525 : vector<1x16xf32> to vector<16xf32>
          %swap3A_527 = vector.shape_cast %mul3A_522 : vector<16xf32> to vector<1x16xf32>
          tpu.vector_store %arg10[%swap3A_523, %swap3A_524], %swap3A_527 {strides = array<i32>} : memref<512x128xf32, #tpu.memory_space<vmem>>, vector<1x16xf32>,
          %get3A_528 = arith.index_cast %add3A_507 : i32 to index
          %get3A_529 = arith.constant 32 : index
          %get3A_530 = tpu.vector_load %arg10[%get3A_528, %get3A_529] {strides = array<i32>} : memref<512x128xf32, #tpu.memory_space<vmem>>, vector<1x16xf32>,
          %get3A_531 = vector.shape_cast %get3A_530 : vector<1x16xf32> to vector<16xf32>
          %mul3A_532 = arith.mulf %get3A_531, %gather3A_500 : vector<16xf32>
          %swap3A_533 = arith.index_cast %add3A_507 : i32 to index
          %swap3A_534 = arith.constant 32 : index
          %swap3A_535 = tpu.vector_load %arg10[%swap3A_533, %swap3A_534] {strides = array<i32>} : memref<512x128xf32, #tpu.memory_space<vmem>>, vector<1x16xf32>,
          %swap3A_536 = vector.shape_cast %swap3A_535 : vector<1x16xf32> to vector<16xf32>
          %swap3A_537 = vector.shape_cast %mul3A_532 : vector<16xf32> to vector<1x16xf32>
          tpu.vector_store %arg10[%swap3A_533, %swap3A_534], %swap3A_537 {strides = array<i32>} : memref<512x128xf32, #tpu.memory_space<vmem>>, vector<1x16xf32>,
          %get3A_538 = arith.index_cast %add3A_507 : i32 to index
          %get3A_539 = arith.constant 48 : index
          %get3A_540 = tpu.vector_load %arg10[%get3A_538, %get3A_539] {strides = array<i32>} : memref<512x128xf32, #tpu.memory_space<vmem>>, vector<1x16xf32>,
          %get3A_541 = vector.shape_cast %get3A_540 : vector<1x16xf32> to vector<16xf32>
          %mul3A_542 = arith.mulf %get3A_541, %gather3A_500 : vector<16xf32>
          %swap3A_543 = arith.index_cast %add3A_507 : i32 to index
          %swap3A_544 = arith.constant 48 : index
          %swap3A_545 = tpu.vector_load %arg10[%swap3A_543, %swap3A_544] {strides = array<i32>} : memref<512x128xf32, #tpu.memory_space<vmem>>, vector<1x16xf32>,
          %swap3A_546 = vector.shape_cast %swap3A_545 : vector<1x16xf32> to vector<16xf32>
          %swap3A_547 = vector.shape_cast %mul3A_542 : vector<16xf32> to vector<1x16xf32>
          tpu.vector_store %arg10[%swap3A_543, %swap3A_544], %swap3A_547 {strides = array<i32>} : memref<512x128xf32, #tpu.memory_space<vmem>>, vector<1x16xf32>,
          %get3A_548 = arith.index_cast %add3A_507 : i32 to index
          %get3A_549 = arith.constant 64 : index
          %get3A_550 = tpu.vector_load %arg10[%get3A_548, %get3A_549] {strides = array<i32>} : memref<512x128xf32, #tpu.memory_space<vmem>>, vector<1x16xf32>,
          %get3A_551 = vector.shape_cast %get3A_550 : vector<1x16xf32> to vector<16xf32>
          %mul3A_552 = arith.mulf %get3A_551, %gather3A_500 : vector<16xf32>
          %swap3A_553 = arith.index_cast %add3A_507 : i32 to index
          %swap3A_554 = arith.constant 64 : index
          %swap3A_555 = tpu.vector_load %arg10[%swap3A_553, %swap3A_554] {strides = array<i32>} : memref<512x128xf32, #tpu.memory_space<vmem>>, vector<1x16xf32>,
          %swap3A_556 = vector.shape_cast %swap3A_555 : vector<1x16xf32> to vector<16xf32>
          %swap3A_557 = vector.shape_cast %mul3A_552 : vector<16xf32> to vector<1x16xf32>
          tpu.vector_store %arg10[%swap3A_553, %swap3A_554], %swap3A_557 {strides = array<i32>} : memref<512x128xf32, #tpu.memory_space<vmem>>, vector<1x16xf32>,
          %get3A_558 = arith.index_cast %add3A_507 : i32 to index
          %get3A_559 = arith.constant 80 : index
          %get3A_560 = tpu.vector_load %arg10[%get3A_558, %get3A_559] {strides = array<i32>} : memref<512x128xf32, #tpu.memory_space<vmem>>, vector<1x16xf32>,
          %get3A_561 = vector.shape_cast %get3A_560 : vector<1x16xf32> to vector<16xf32>
          %mul3A_562 = arith.mulf %get3A_561, %gather3A_500 : vector<16xf32>
          %swap3A_563 = arith.index_cast %add3A_507 : i32 to index
          %swap3A_564 = arith.constant 80 : index
          %swap3A_565 = tpu.vector_load %arg10[%swap3A_563, %swap3A_564] {strides = array<i32>} : memref<512x128xf32, #tpu.memory_space<vmem>>, vector<1x16xf32>,
          %swap3A_566 = vector.shape_cast %swap3A_565 : vector<1x16xf32> to vector<16xf32>
          %swap3A_567 = vector.shape_cast %mul3A_562 : vector<16xf32> to vector<1x16xf32>
          tpu.vector_store %arg10[%swap3A_563, %swap3A_564], %swap3A_567 {strides = array<i32>} : memref<512x128xf32, #tpu.memory_space<vmem>>, vector<1x16xf32>,
          %get3A_568 = arith.index_cast %add3A_507 : i32 to index
          %get3A_569 = arith.constant 96 : index
          %get3A_570 = tpu.vector_load %arg10[%get3A_568, %get3A_569] {strides = array<i32>} : memref<512x128xf32, #tpu.memory_space<vmem>>, vector<1x16xf32>,
          %get3A_571 = vector.shape_cast %get3A_570 : vector<1x16xf32> to vector<16xf32>
          %mul3A_572 = arith.mulf %get3A_571, %gather3A_500 : vector<16xf32>
          %swap3A_573 = arith.index_cast %add3A_507 : i32 to index
          %swap3A_574 = arith.constant 96 : index
          %swap3A_575 = tpu.vector_load %arg10[%swap3A_573, %swap3A_574] {strides = array<i32>} : memref<512x128xf32, #tpu.memory_space<vmem>>, vector<1x16xf32>,
          %swap3A_576 = vector.shape_cast %swap3A_575 : vector<1x16xf32> to vector<16xf32>
          %swap3A_577 = vector.shape_cast %mul3A_572 : vector<16xf32> to vector<1x16xf32>
          tpu.vector_store %arg10[%swap3A_573, %swap3A_574], %swap3A_577 {strides = array<i32>} : memref<512x128xf32, #tpu.memory_space<vmem>>, vector<1x16xf32>,
          %get3A_578 = arith.index_cast %add3A_507 : i32 to index
          %get3A_579 = arith.constant 112 : index
          %get3A_580 = tpu.vector_load %arg10[%get3A_578, %get3A_579] {strides = array<i32>} : memref<512x128xf32, #tpu.memory_space<vmem>>, vector<1x16xf32>,
          %get3A_581 = vector.shape_cast %get3A_580 : vector<1x16xf32> to vector<16xf32>
          %mul3A_582 = arith.mulf %get3A_581, %gather3A_500 : vector<16xf32>
          %swap3A_583 = arith.index_cast %add3A_507 : i32 to index
          %swap3A_584 = arith.constant 112 : index
          %swap3A_585 = tpu.vector_load %arg10[%swap3A_583, %swap3A_584] {strides = array<i32>} : memref<512x128xf32, #tpu.memory_space<vmem>>, vector<1x16xf32>,
          %swap3A_586 = vector.shape_cast %swap3A_585 : vector<1x16xf32> to vector<16xf32>
          %swap3A_587 = vector.shape_cast %mul3A_582 : vector<16xf32> to vector<1x16xf32>
          tpu.vector_store %arg10[%swap3A_583, %swap3A_584], %swap3A_587 {strides = array<i32>} : memref<512x128xf32, #tpu.memory_space<vmem>>, vector<1x16xf32>,
          %broadcast_in_dim3A_588 = arith.constant 4 : i32
          %broadcast_in_dim3A_589 = vector.broadcast %broadcast_in_dim3A_588 : i32 to vector<16x1xi32>
          %gather3A_590 = vector.shape_cast %broadcast_in_dim3A_589 : vector<16x1xi32> to vector<16xi32>
          %gather3A_591 = tpu.dynamic_gather %get3A_225[%gather3A_590] in [0] : vector<16xf32>, vector<16xi32> -> vector<16xf32>
          %mul3A_592 = arith.constant 128 : i32
          %mul3A_593 = arith.muli %add3A_208, %mul3A_592 : i32
          %mul3A_594 = arith.constant 16 : i32
          %mul3A_595 = arith.muli %add3A_218, %mul3A_594 : i32
          %add3A_596 = arith.addi %mul3A_593, %mul3A_595 : i32
          %add3A_597 = arith.constant 4 : i32
          %add3A_598 = arith.addi %add3A_596, %add3A_597 : i32
          %get3A_599 = arith.index_cast %add3A_598 : i32 to index
          %get3A_600 = arith.constant 0 : index
          %get3A_601 = tpu.vector_load %arg10[%get3A_599, %get3A_600] {strides = array<i32>} : memref<512x128xf32, #tpu.memory_space<vmem>>, vector<1x16xf32>,
          %get3A_602 = vector.shape_cast %get3A_601 : vector<1x16xf32> to vector<16xf32>
          %mul3A_603 = arith.mulf %get3A_602, %gather3A_591 : vector<16xf32>
          %swap3A_604 = arith.index_cast %add3A_598 : i32 to index
          %swap3A_605 = arith.constant 0 : index
          %swap3A_606 = tpu.vector_load %arg10[%swap3A_604, %swap3A_605] {strides = array<i32>} : memref<512x128xf32, #tpu.memory_space<vmem>>, vector<1x16xf32>,
          %swap3A_607 = vector.shape_cast %swap3A_606 : vector<1x16xf32> to vector<16xf32>
          %swap3A_608 = vector.shape_cast %mul3A_603 : vector<16xf32> to vector<1x16xf32>
          tpu.vector_store %arg10[%swap3A_604, %swap3A_605], %swap3A_608 {strides = array<i32>} : memref<512x128xf32, #tpu.memory_space<vmem>>, vector<1x16xf32>,
          %get3A_609 = arith.index_cast %add3A_598 : i32 to index
          %get3A_610 = arith.constant 16 : index
          %get3A_611 = tpu.vector_load %arg10[%get3A_609, %get3A_610] {strides = array<i32>} : memref<512x128xf32, #tpu.memory_space<vmem>>, vector<1x16xf32>,
          %get3A_612 = vector.shape_cast %get3A_611 : vector<1x16xf32> to vector<16xf32>
          %mul3A_613 = arith.mulf %get3A_612, %gather3A_591 : vector<16xf32>
          %swap3A_614 = arith.index_cast %add3A_598 : i32 to index
          %swap3A_615 = arith.constant 16 : index
          %swap3A_616 = tpu.vector_load %arg10[%swap3A_614, %swap3A_615] {strides = array<i32>} : memref<512x128xf32, #tpu.memory_space<vmem>>, vector<1x16xf32>,
          %swap3A_617 = vector.shape_cast %swap3A_616 : vector<1x16xf32> to vector<16xf32>
          %swap3A_618 = vector.shape_cast %mul3A_613 : vector<16xf32> to vector<1x16xf32>
          tpu.vector_store %arg10[%swap3A_614, %swap3A_615], %swap3A_618 {strides = array<i32>} : memref<512x128xf32, #tpu.memory_space<vmem>>, vector<1x16xf32>,
          %get3A_619 = arith.index_cast %add3A_598 : i32 to index
          %get3A_620 = arith.constant 32 : index
          %get3A_621 = tpu.vector_load %arg10[%get3A_619, %get3A_620] {strides = array<i32>} : memref<512x128xf32, #tpu.memory_space<vmem>>, vector<1x16xf32>,
          %get3A_622 = vector.shape_cast %get3A_621 : vector<1x16xf32> to vector<16xf32>
          %mul3A_623 = arith.mulf %get3A_622, %gather3A_591 : vector<16xf32>
          %swap3A_624 = arith.index_cast %add3A_598 : i32 to index
          %swap3A_625 = arith.constant 32 : index
          %swap3A_626 = tpu.vector_load %arg10[%swap3A_624, %swap3A_625] {strides = array<i32>} : memref<512x128xf32, #tpu.memory_space<vmem>>, vector<1x16xf32>,
          %swap3A_627 = vector.shape_cast %swap3A_626 : vector<1x16xf32> to vector<16xf32>
          %swap3A_628 = vector.shape_cast %mul3A_623 : vector<16xf32> to vector<1x16xf32>
          tpu.vector_store %arg10[%swap3A_624, %swap3A_625], %swap3A_628 {strides = array<i32>} : memref<512x128xf32, #tpu.memory_space<vmem>>, vector<1x16xf32>,
          %get3A_629 = arith.index_cast %add3A_598 : i32 to index
          %get3A_630 = arith.constant 48 : index
          %get3A_631 = tpu.vector_load %arg10[%get3A_629, %get3A_630] {strides = array<i32>} : memref<512x128xf32, #tpu.memory_space<vmem>>, vector<1x16xf32>,
          %get3A_632 = vector.shape_cast %get3A_631 : vector<1x16xf32> to vector<16xf32>
          %mul3A_633 = arith.mulf %get3A_632, %gather3A_591 : vector<16xf32>
          %swap3A_634 = arith.index_cast %add3A_598 : i32 to index
          %swap3A_635 = arith.constant 48 : index
          %swap3A_636 = tpu.vector_load %arg10[%swap3A_634, %swap3A_635] {strides = array<i32>} : memref<512x128xf32, #tpu.memory_space<vmem>>, vector<1x16xf32>,
          %swap3A_637 = vector.shape_cast %swap3A_636 : vector<1x16xf32> to vector<16xf32>
          %swap3A_638 = vector.shape_cast %mul3A_633 : vector<16xf32> to vector<1x16xf32>
          tpu.vector_store %arg10[%swap3A_634, %swap3A_635], %swap3A_638 {strides = array<i32>} : memref<512x128xf32, #tpu.memory_space<vmem>>, vector<1x16xf32>,
          %get3A_639 = arith.index_cast %add3A_598 : i32 to index
          %get3A_640 = arith.constant 64 : index
          %get3A_641 = tpu.vector_load %arg10[%get3A_639, %get3A_640] {strides = array<i32>} : memref<512x128xf32, #tpu.memory_space<vmem>>, vector<1x16xf32>,
          %get3A_642 = vector.shape_cast %get3A_641 : vector<1x16xf32> to vector<16xf32>
          %mul3A_643 = arith.mulf %get3A_642, %gather3A_591 : vector<16xf32>
          %swap3A_644 = arith.index_cast %add3A_598 : i32 to index
          %swap3A_645 = arith.constant 64 : index
          %swap3A_646 = tpu.vector_load %arg10[%swap3A_644, %swap3A_645] {strides = array<i32>} : memref<512x128xf32, #tpu.memory_space<vmem>>, vector<1x16xf32>,
          %swap3A_647 = vector.shape_cast %swap3A_646 : vector<1x16xf32> to vector<16xf32>
          %swap3A_648 = vector.shape_cast %mul3A_643 : vector<16xf32> to vector<1x16xf32>
          tpu.vector_store %arg10[%swap3A_644, %swap3A_645], %swap3A_648 {strides = array<i32>} : memref<512x128xf32, #tpu.memory_space<vmem>>, vector<1x16xf32>,
          %get3A_649 = arith.index_cast %add3A_598 : i32 to index
          %get3A_650 = arith.constant 80 : index
          %get3A_651 = tpu.vector_load %arg10[%get3A_649, %get3A_650] {strides = array<i32>} : memref<512x128xf32, #tpu.memory_space<vmem>>, vector<1x16xf32>,
          %get3A_652 = vector.shape_cast %get3A_651 : vector<1x16xf32> to vector<16xf32>
          %mul3A_653 = arith.mulf %get3A_652, %gather3A_591 : vector<16xf32>
          %swap3A_654 = arith.index_cast %add3A_598 : i32 to index
          %swap3A_655 = arith.constant 80 : index
          %swap3A_656 = tpu.vector_load %arg10[%swap3A_654, %swap3A_655] {strides = array<i32>} : memref<512x128xf32, #tpu.memory_space<vmem>>, vector<1x16xf32>,
          %swap3A_657 = vector.shape_cast %swap3A_656 : vector<1x16xf32> to vector<16xf32>
          %swap3A_658 = vector.shape_cast %mul3A_653 : vector<16xf32> to vector<1x16xf32>
          tpu.vector_store %arg10[%swap3A_654, %swap3A_655], %swap3A_658 {strides = array<i32>} : memref<512x128xf32, #tpu.memory_space<vmem>>, vector<1x16xf32>,
          %get3A_659 = arith.index_cast %add3A_598 : i32 to index
          %get3A_660 = arith.constant 96 : index
          %get3A_661 = tpu.vector_load %arg10[%get3A_659, %get3A_660] {strides = array<i32>} : memref<512x128xf32, #tpu.memory_space<vmem>>, vector<1x16xf32>,
          %get3A_662 = vector.shape_cast %get3A_661 : vector<1x16xf32> to vector<16xf32>
          %mul3A_663 = arith.mulf %get3A_662, %gather3A_591 : vector<16xf32>
          %swap3A_664 = arith.index_cast %add3A_598 : i32 to index
          %swap3A_665 = arith.constant 96 : index
          %swap3A_666 = tpu.vector_load %arg10[%swap3A_664, %swap3A_665] {strides = array<i32>} : memref<512x128xf32, #tpu.memory_space<vmem>>, vector<1x16xf32>,
          %swap3A_667 = vector.shape_cast %swap3A_666 : vector<1x16xf32> to vector<16xf32>
          %swap3A_668 = vector.shape_cast %mul3A_663 : vector<16xf32> to vector<1x16xf32>
          tpu.vector_store %arg10[%swap3A_664, %swap3A_665], %swap3A_668 {strides = array<i32>} : memref<512x128xf32, #tpu.memory_space<vmem>>, vector<1x16xf32>,
          %get3A_669 = arith.index_cast %add3A_598 : i32 to index
          %get3A_670 = arith.constant 112 : index
          %get3A_671 = tpu.vector_load %arg10[%get3A_669, %get3A_670] {strides = array<i32>} : memref<512x128xf32, #tpu.memory_space<vmem>>, vector<1x16xf32>,
          %get3A_672 = vector.shape_cast %get3A_671 : vector<1x16xf32> to vector<16xf32>
          %mul3A_673 = arith.mulf %get3A_672, %gather3A_591 : vector<16xf32>
          %swap3A_674 = arith.index_cast %add3A_598 : i32 to index
          %swap3A_675 = arith.constant 112 : index
          %swap3A_676 = tpu.vector_load %arg10[%swap3A_674, %swap3A_675] {strides = array<i32>} : memref<512x128xf32, #tpu.memory_space<vmem>>, vector<1x16xf32>,
          %swap3A_677 = vector.shape_cast %swap3A_676 : vector<1x16xf32> to vector<16xf32>
          %swap3A_678 = vector.shape_cast %mul3A_673 : vector<16xf32> to vector<1x16xf32>
          tpu.vector_store %arg10[%swap3A_674, %swap3A_675], %swap3A_678 {strides = array<i32>} : memref<512x128xf32, #tpu.memory_space<vmem>>, vector<1x16xf32>,
          %broadcast_in_dim3A_679 = arith.constant 5 : i32
          %broadcast_in_dim3A_680 = vector.broadcast %broadcast_in_dim3A_679 : i32 to vector<16x1xi32>
          %gather3A_681 = vector.shape_cast %broadcast_in_dim3A_680 : vector<16x1xi32> to vector<16xi32>
          %gather3A_682 = tpu.dynamic_gather %get3A_225[%gather3A_681] in [0] : vector<16xf32>, vector<16xi32> -> vector<16xf32>
          %mul3A_683 = arith.constant 128 : i32
          %mul3A_684 = arith.muli %add3A_208, %mul3A_683 : i32
          %mul3A_685 = arith.constant 16 : i32
          %mul3A_686 = arith.muli %add3A_218, %mul3A_685 : i32
          %add3A_687 = arith.addi %mul3A_684, %mul3A_686 : i32
          %add3A_688 = arith.constant 5 : i32
          %add3A_689 = arith.addi %add3A_687, %add3A_688 : i32
          %get3A_690 = arith.index_cast %add3A_689 : i32 to index
          %get3A_691 = arith.constant 0 : index
          %get3A_692 = tpu.vector_load %arg10[%get3A_690, %get3A_691] {strides = array<i32>} : memref<512x128xf32, #tpu.memory_space<vmem>>, vector<1x16xf32>,
          %get3A_693 = vector.shape_cast %get3A_692 : vector<1x16xf32> to vector<16xf32>
          %mul3A_694 = arith.mulf %get3A_693, %gather3A_682 : vector<16xf32>
          %swap3A_695 = arith.index_cast %add3A_689 : i32 to index
          %swap3A_696 = arith.constant 0 : index
          %swap3A_697 = tpu.vector_load %arg10[%swap3A_695, %swap3A_696] {strides = array<i32>} : memref<512x128xf32, #tpu.memory_space<vmem>>, vector<1x16xf32>,
          %swap3A_698 = vector.shape_cast %swap3A_697 : vector<1x16xf32> to vector<16xf32>
          %swap3A_699 = vector.shape_cast %mul3A_694 : vector<16xf32> to vector<1x16xf32>
          tpu.vector_store %arg10[%swap3A_695, %swap3A_696], %swap3A_699 {strides = array<i32>} : memref<512x128xf32, #tpu.memory_space<vmem>>, vector<1x16xf32>,
          %get3A_700 = arith.index_cast %add3A_689 : i32 to index
          %get3A_701 = arith.constant 16 : index
          %get3A_702 = tpu.vector_load %arg10[%get3A_700, %get3A_701] {strides = array<i32>} : memref<512x128xf32, #tpu.memory_space<vmem>>, vector<1x16xf32>,
          %get3A_703 = vector.shape_cast %get3A_702 : vector<1x16xf32> to vector<16xf32>
          %mul3A_704 = arith.mulf %get3A_703, %gather3A_682 : vector<16xf32>
          %swap3A_705 = arith.index_cast %add3A_689 : i32 to index
          %swap3A_706 = arith.constant 16 : index
          %swap3A_707 = tpu.vector_load %arg10[%swap3A_705, %swap3A_706] {strides = array<i32>} : memref<512x128xf32, #tpu.memory_space<vmem>>, vector<1x16xf32>,
          %swap3A_708 = vector.shape_cast %swap3A_707 : vector<1x16xf32> to vector<16xf32>
          %swap3A_709 = vector.shape_cast %mul3A_704 : vector<16xf32> to vector<1x16xf32>
          tpu.vector_store %arg10[%swap3A_705, %swap3A_706], %swap3A_709 {strides = array<i32>} : memref<512x128xf32, #tpu.memory_space<vmem>>, vector<1x16xf32>,
          %get3A_710 = arith.index_cast %add3A_689 : i32 to index
          %get3A_711 = arith.constant 32 : index
          %get3A_712 = tpu.vector_load %arg10[%get3A_710, %get3A_711] {strides = array<i32>} : memref<512x128xf32, #tpu.memory_space<vmem>>, vector<1x16xf32>,
          %get3A_713 = vector.shape_cast %get3A_712 : vector<1x16xf32> to vector<16xf32>
          %mul3A_714 = arith.mulf %get3A_713, %gather3A_682 : vector<16xf32>
          %swap3A_715 = arith.index_cast %add3A_689 : i32 to index
          %swap3A_716 = arith.constant 32 : index
          %swap3A_717 = tpu.vector_load %arg10[%swap3A_715, %swap3A_716] {strides = array<i32>} : memref<512x128xf32, #tpu.memory_space<vmem>>, vector<1x16xf32>,
          %swap3A_718 = vector.shape_cast %swap3A_717 : vector<1x16xf32> to vector<16xf32>
          %swap3A_719 = vector.shape_cast %mul3A_714 : vector<16xf32> to vector<1x16xf32>
          tpu.vector_store %arg10[%swap3A_715, %swap3A_716], %swap3A_719 {strides = array<i32>} : memref<512x128xf32, #tpu.memory_space<vmem>>, vector<1x16xf32>,
          %get3A_720 = arith.index_cast %add3A_689 : i32 to index
          %get3A_721 = arith.constant 48 : index
          %get3A_722 = tpu.vector_load %arg10[%get3A_720, %get3A_721] {strides = array<i32>} : memref<512x128xf32, #tpu.memory_space<vmem>>, vector<1x16xf32>,
          %get3A_723 = vector.shape_cast %get3A_722 : vector<1x16xf32> to vector<16xf32>
          %mul3A_724 = arith.mulf %get3A_723, %gather3A_682 : vector<16xf32>
          %swap3A_725 = arith.index_cast %add3A_689 : i32 to index
          %swap3A_726 = arith.constant 48 : index
          %swap3A_727 = tpu.vector_load %arg10[%swap3A_725, %swap3A_726] {strides = array<i32>} : memref<512x128xf32, #tpu.memory_space<vmem>>, vector<1x16xf32>,
          %swap3A_728 = vector.shape_cast %swap3A_727 : vector<1x16xf32> to vector<16xf32>
          %swap3A_729 = vector.shape_cast %mul3A_724 : vector<16xf32> to vector<1x16xf32>
          tpu.vector_store %arg10[%swap3A_725, %swap3A_726], %swap3A_729 {strides = array<i32>} : memref<512x128xf32, #tpu.memory_space<vmem>>, vector<1x16xf32>,
          %get3A_730 = arith.index_cast %add3A_689 : i32 to index
          %get3A_731 = arith.constant 64 : index
          %get3A_732 = tpu.vector_load %arg10[%get3A_730, %get3A_731] {strides = array<i32>} : memref<512x128xf32, #tpu.memory_space<vmem>>, vector<1x16xf32>,
          %get3A_733 = vector.shape_cast %get3A_732 : vector<1x16xf32> to vector<16xf32>
          %mul3A_734 = arith.mulf %get3A_733, %gather3A_682 : vector<16xf32>
          %swap3A_735 = arith.index_cast %add3A_689 : i32 to index
          %swap3A_736 = arith.constant 64 : index
          %swap3A_737 = tpu.vector_load %arg10[%swap3A_735, %swap3A_736] {strides = array<i32>} : memref<512x128xf32, #tpu.memory_space<vmem>>, vector<1x16xf32>,
          %swap3A_738 = vector.shape_cast %swap3A_737 : vector<1x16xf32> to vector<16xf32>
          %swap3A_739 = vector.shape_cast %mul3A_734 : vector<16xf32> to vector<1x16xf32>
          tpu.vector_store %arg10[%swap3A_735, %swap3A_736], %swap3A_739 {strides = array<i32>} : memref<512x128xf32, #tpu.memory_space<vmem>>, vector<1x16xf32>,
          %get3A_740 = arith.index_cast %add3A_689 : i32 to index
          %get3A_741 = arith.constant 80 : index
          %get3A_742 = tpu.vector_load %arg10[%get3A_740, %get3A_741] {strides = array<i32>} : memref<512x128xf32, #tpu.memory_space<vmem>>, vector<1x16xf32>,
          %get3A_743 = vector.shape_cast %get3A_742 : vector<1x16xf32> to vector<16xf32>
          %mul3A_744 = arith.mulf %get3A_743, %gather3A_682 : vector<16xf32>
          %swap3A_745 = arith.index_cast %add3A_689 : i32 to index
          %swap3A_746 = arith.constant 80 : index
          %swap3A_747 = tpu.vector_load %arg10[%swap3A_745, %swap3A_746] {strides = array<i32>} : memref<512x128xf32, #tpu.memory_space<vmem>>, vector<1x16xf32>,
          %swap3A_748 = vector.shape_cast %swap3A_747 : vector<1x16xf32> to vector<16xf32>
          %swap3A_749 = vector.shape_cast %mul3A_744 : vector<16xf32> to vector<1x16xf32>
          tpu.vector_store %arg10[%swap3A_745, %swap3A_746], %swap3A_749 {strides = array<i32>} : memref<512x128xf32, #tpu.memory_space<vmem>>, vector<1x16xf32>,
          %get3A_750 = arith.index_cast %add3A_689 : i32 to index
          %get3A_751 = arith.constant 96 : index
          %get3A_752 = tpu.vector_load %arg10[%get3A_750, %get3A_751] {strides = array<i32>} : memref<512x128xf32, #tpu.memory_space<vmem>>, vector<1x16xf32>,
          %get3A_753 = vector.shape_cast %get3A_752 : vector<1x16xf32> to vector<16xf32>
          %mul3A_754 = arith.mulf %get3A_753, %gather3A_682 : vector<16xf32>
          %swap3A_755 = arith.index_cast %add3A_689 : i32 to index
          %swap3A_756 = arith.constant 96 : index
          %swap3A_757 = tpu.vector_load %arg10[%swap3A_755, %swap3A_756] {strides = array<i32>} : memref<512x128xf32, #tpu.memory_space<vmem>>, vector<1x16xf32>,
          %swap3A_758 = vector.shape_cast %swap3A_757 : vector<1x16xf32> to vector<16xf32>
          %swap3A_759 = vector.shape_cast %mul3A_754 : vector<16xf32> to vector<1x16xf32>
          tpu.vector_store %arg10[%swap3A_755, %swap3A_756], %swap3A_759 {strides = array<i32>} : memref<512x128xf32, #tpu.memory_space<vmem>>, vector<1x16xf32>,
          %get3A_760 = arith.index_cast %add3A_689 : i32 to index
          %get3A_761 = arith.constant 112 : index
          %get3A_762 = tpu.vector_load %arg10[%get3A_760, %get3A_761] {strides = array<i32>} : memref<512x128xf32, #tpu.memory_space<vmem>>, vector<1x16xf32>,
          %get3A_763 = vector.shape_cast %get3A_762 : vector<1x16xf32> to vector<16xf32>
          %mul3A_764 = arith.mulf %get3A_763, %gather3A_682 : vector<16xf32>
          %swap3A_765 = arith.index_cast %add3A_689 : i32 to index
          %swap3A_766 = arith.constant 112 : index
          %swap3A_767 = tpu.vector_load %arg10[%swap3A_765, %swap3A_766] {strides = array<i32>} : memref<512x128xf32, #tpu.memory_space<vmem>>, vector<1x16xf32>,
          %swap3A_768 = vector.shape_cast %swap3A_767 : vector<1x16xf32> to vector<16xf32>
          %swap3A_769 = vector.shape_cast %mul3A_764 : vector<16xf32> to vector<1x16xf32>
          tpu.vector_store %arg10[%swap3A_765, %swap3A_766], %swap3A_769 {strides = array<i32>} : memref<512x128xf32, #tpu.memory_space<vmem>>, vector<1x16xf32>,
          %broadcast_in_dim3A_770 = arith.constant 6 : i32
          %broadcast_in_dim3A_771 = vector.broadcast %broadcast_in_dim3A_770 : i32 to vector<16x1xi32>
          %gather3A_772 = vector.shape_cast %broadcast_in_dim3A_771 : vector<16x1xi32> to vector<16xi32>
          %gather3A_773 = tpu.dynamic_gather %get3A_225[%gather3A_772] in [0] : vector<16xf32>, vector<16xi32> -> vector<16xf32>
          %mul3A_774 = arith.constant 128 : i32
          %mul3A_775 = arith.muli %add3A_208, %mul3A_774 : i32
          %mul3A_776 = arith.constant 16 : i32
          %mul3A_777 = arith.muli %add3A_218, %mul3A_776 : i32
          %add3A_778 = arith.addi %mul3A_775, %mul3A_777 : i32
          %add3A_779 = arith.constant 6 : i32
          %add3A_780 = arith.addi %add3A_778, %add3A_779 : i32
          %get3A_781 = arith.index_cast %add3A_780 : i32 to index
          %get3A_782 = arith.constant 0 : index
          %get3A_783 = tpu.vector_load %arg10[%get3A_781, %get3A_782] {strides = array<i32>} : memref<512x128xf32, #tpu.memory_space<vmem>>, vector<1x16xf32>,
          %get3A_784 = vector.shape_cast %get3A_783 : vector<1x16xf32> to vector<16xf32>
          %mul3A_785 = arith.mulf %get3A_784, %gather3A_773 : vector<16xf32>
          %swap3A_786 = arith.index_cast %add3A_780 : i32 to index
          %swap3A_787 = arith.constant 0 : index
          %swap3A_788 = tpu.vector_load %arg10[%swap3A_786, %swap3A_787] {strides = array<i32>} : memref<512x128xf32, #tpu.memory_space<vmem>>, vector<1x16xf32>,
          %swap3A_789 = vector.shape_cast %swap3A_788 : vector<1x16xf32> to vector<16xf32>
          %swap3A_790 = vector.shape_cast %mul3A_785 : vector<16xf32> to vector<1x16xf32>
          tpu.vector_store %arg10[%swap3A_786, %swap3A_787], %swap3A_790 {strides = array<i32>} : memref<512x128xf32, #tpu.memory_space<vmem>>, vector<1x16xf32>,
          %get3A_791 = arith.index_cast %add3A_780 : i32 to index
          %get3A_792 = arith.constant 16 : index
          %get3A_793 = tpu.vector_load %arg10[%get3A_791, %get3A_792] {strides = array<i32>} : memref<512x128xf32, #tpu.memory_space<vmem>>, vector<1x16xf32>,
          %get3A_794 = vector.shape_cast %get3A_793 : vector<1x16xf32> to vector<16xf32>
          %mul3A_795 = arith.mulf %get3A_794, %gather3A_773 : vector<16xf32>
          %swap3A_796 = arith.index_cast %add3A_780 : i32 to index
          %swap3A_797 = arith.constant 16 : index
          %swap3A_798 = tpu.vector_load %arg10[%swap3A_796, %swap3A_797] {strides = array<i32>} : memref<512x128xf32, #tpu.memory_space<vmem>>, vector<1x16xf32>,
          %swap3A_799 = vector.shape_cast %swap3A_798 : vector<1x16xf32> to vector<16xf32>
          %swap3A_800 = vector.shape_cast %mul3A_795 : vector<16xf32> to vector<1x16xf32>
          tpu.vector_store %arg10[%swap3A_796, %swap3A_797], %swap3A_800 {strides = array<i32>} : memref<512x128xf32, #tpu.memory_space<vmem>>, vector<1x16xf32>,
          %get3A_801 = arith.index_cast %add3A_780 : i32 to index
          %get3A_802 = arith.constant 32 : index
          %get3A_803 = tpu.vector_load %arg10[%get3A_801, %get3A_802] {strides = array<i32>} : memref<512x128xf32, #tpu.memory_space<vmem>>, vector<1x16xf32>,
          %get3A_804 = vector.shape_cast %get3A_803 : vector<1x16xf32> to vector<16xf32>
          %mul3A_805 = arith.mulf %get3A_804, %gather3A_773 : vector<16xf32>
          %swap3A_806 = arith.index_cast %add3A_780 : i32 to index
          %swap3A_807 = arith.constant 32 : index
          %swap3A_808 = tpu.vector_load %arg10[%swap3A_806, %swap3A_807] {strides = array<i32>} : memref<512x128xf32, #tpu.memory_space<vmem>>, vector<1x16xf32>,
          %swap3A_809 = vector.shape_cast %swap3A_808 : vector<1x16xf32> to vector<16xf32>
          %swap3A_810 = vector.shape_cast %mul3A_805 : vector<16xf32> to vector<1x16xf32>
          tpu.vector_store %arg10[%swap3A_806, %swap3A_807], %swap3A_810 {strides = array<i32>} : memref<512x128xf32, #tpu.memory_space<vmem>>, vector<1x16xf32>,
          %get3A_811 = arith.index_cast %add3A_780 : i32 to index
          %get3A_812 = arith.constant 48 : index
          %get3A_813 = tpu.vector_load %arg10[%get3A_811, %get3A_812] {strides = array<i32>} : memref<512x128xf32, #tpu.memory_space<vmem>>, vector<1x16xf32>,
          %get3A_814 = vector.shape_cast %get3A_813 : vector<1x16xf32> to vector<16xf32>
          %mul3A_815 = arith.mulf %get3A_814, %gather3A_773 : vector<16xf32>
          %swap3A_816 = arith.index_cast %add3A_780 : i32 to index
          %swap3A_817 = arith.constant 48 : index
          %swap3A_818 = tpu.vector_load %arg10[%swap3A_816, %swap3A_817] {strides = array<i32>} : memref<512x128xf32, #tpu.memory_space<vmem>>, vector<1x16xf32>,
          %swap3A_819 = vector.shape_cast %swap3A_818 : vector<1x16xf32> to vector<16xf32>
          %swap3A_820 = vector.shape_cast %mul3A_815 : vector<16xf32> to vector<1x16xf32>
          tpu.vector_store %arg10[%swap3A_816, %swap3A_817], %swap3A_820 {strides = array<i32>} : memref<512x128xf32, #tpu.memory_space<vmem>>, vector<1x16xf32>,
          %get3A_821 = arith.index_cast %add3A_780 : i32 to index
          %get3A_822 = arith.constant 64 : index
          %get3A_823 = tpu.vector_load %arg10[%get3A_821, %get3A_822] {strides = array<i32>} : memref<512x128xf32, #tpu.memory_space<vmem>>, vector<1x16xf32>,
          %get3A_824 = vector.shape_cast %get3A_823 : vector<1x16xf32> to vector<16xf32>
          %mul3A_825 = arith.mulf %get3A_824, %gather3A_773 : vector<16xf32>
          %swap3A_826 = arith.index_cast %add3A_780 : i32 to index
          %swap3A_827 = arith.constant 64 : index
          %swap3A_828 = tpu.vector_load %arg10[%swap3A_826, %swap3A_827] {strides = array<i32>} : memref<512x128xf32, #tpu.memory_space<vmem>>, vector<1x16xf32>,
          %swap3A_829 = vector.shape_cast %swap3A_828 : vector<1x16xf32> to vector<16xf32>
          %swap3A_830 = vector.shape_cast %mul3A_825 : vector<16xf32> to vector<1x16xf32>
          tpu.vector_store %arg10[%swap3A_826, %swap3A_827], %swap3A_830 {strides = array<i32>} : memref<512x128xf32, #tpu.memory_space<vmem>>, vector<1x16xf32>,
          %get3A_831 = arith.index_cast %add3A_780 : i32 to index
          %get3A_832 = arith.constant 80 : index
          %get3A_833 = tpu.vector_load %arg10[%get3A_831, %get3A_832] {strides = array<i32>} : memref<512x128xf32, #tpu.memory_space<vmem>>, vector<1x16xf32>,
          %get3A_834 = vector.shape_cast %get3A_833 : vector<1x16xf32> to vector<16xf32>
          %mul3A_835 = arith.mulf %get3A_834, %gather3A_773 : vector<16xf32>
          %swap3A_836 = arith.index_cast %add3A_780 : i32 to index
          %swap3A_837 = arith.constant 80 : index
          %swap3A_838 = tpu.vector_load %arg10[%swap3A_836, %swap3A_837] {strides = array<i32>} : memref<512x128xf32, #tpu.memory_space<vmem>>, vector<1x16xf32>,
          %swap3A_839 = vector.shape_cast %swap3A_838 : vector<1x16xf32> to vector<16xf32>
          %swap3A_840 = vector.shape_cast %mul3A_835 : vector<16xf32> to vector<1x16xf32>
          tpu.vector_store %arg10[%swap3A_836, %swap3A_837], %swap3A_840 {strides = array<i32>} : memref<512x128xf32, #tpu.memory_space<vmem>>, vector<1x16xf32>,
          %get3A_841 = arith.index_cast %add3A_780 : i32 to index
          %get3A_842 = arith.constant 96 : index
          %get3A_843 = tpu.vector_load %arg10[%get3A_841, %get3A_842] {strides = array<i32>} : memref<512x128xf32, #tpu.memory_space<vmem>>, vector<1x16xf32>,
          %get3A_844 = vector.shape_cast %get3A_843 : vector<1x16xf32> to vector<16xf32>
          %mul3A_845 = arith.mulf %get3A_844, %gather3A_773 : vector<16xf32>
          %swap3A_846 = arith.index_cast %add3A_780 : i32 to index
          %swap3A_847 = arith.constant 96 : index
          %swap3A_848 = tpu.vector_load %arg10[%swap3A_846, %swap3A_847] {strides = array<i32>} : memref<512x128xf32, #tpu.memory_space<vmem>>, vector<1x16xf32>,
          %swap3A_849 = vector.shape_cast %swap3A_848 : vector<1x16xf32> to vector<16xf32>
          %swap3A_850 = vector.shape_cast %mul3A_845 : vector<16xf32> to vector<1x16xf32>
          tpu.vector_store %arg10[%swap3A_846, %swap3A_847], %swap3A_850 {strides = array<i32>} : memref<512x128xf32, #tpu.memory_space<vmem>>, vector<1x16xf32>,
          %get3A_851 = arith.index_cast %add3A_780 : i32 to index
          %get3A_852 = arith.constant 112 : index
          %get3A_853 = tpu.vector_load %arg10[%get3A_851, %get3A_852] {strides = array<i32>} : memref<512x128xf32, #tpu.memory_space<vmem>>, vector<1x16xf32>,
          %get3A_854 = vector.shape_cast %get3A_853 : vector<1x16xf32> to vector<16xf32>
          %mul3A_855 = arith.mulf %get3A_854, %gather3A_773 : vector<16xf32>
          %swap3A_856 = arith.index_cast %add3A_780 : i32 to index
          %swap3A_857 = arith.constant 112 : index
          %swap3A_858 = tpu.vector_load %arg10[%swap3A_856, %swap3A_857] {strides = array<i32>} : memref<512x128xf32, #tpu.memory_space<vmem>>, vector<1x16xf32>,
          %swap3A_859 = vector.shape_cast %swap3A_858 : vector<1x16xf32> to vector<16xf32>
          %swap3A_860 = vector.shape_cast %mul3A_855 : vector<16xf32> to vector<1x16xf32>
          tpu.vector_store %arg10[%swap3A_856, %swap3A_857], %swap3A_860 {strides = array<i32>} : memref<512x128xf32, #tpu.memory_space<vmem>>, vector<1x16xf32>,
          %broadcast_in_dim3A_861 = arith.constant 7 : i32
          %broadcast_in_dim3A_862 = vector.broadcast %broadcast_in_dim3A_861 : i32 to vector<16x1xi32>
          %gather3A_863 = vector.shape_cast %broadcast_in_dim3A_862 : vector<16x1xi32> to vector<16xi32>
          %gather3A_864 = tpu.dynamic_gather %get3A_225[%gather3A_863] in [0] : vector<16xf32>, vector<16xi32> -> vector<16xf32>
          %mul3A_865 = arith.constant 128 : i32
          %mul3A_866 = arith.muli %add3A_208, %mul3A_865 : i32
          %mul3A_867 = arith.constant 16 : i32
          %mul3A_868 = arith.muli %add3A_218, %mul3A_867 : i32
          %add3A_869 = arith.addi %mul3A_866, %mul3A_868 : i32
          %add3A_870 = arith.constant 7 : i32
          %add3A_871 = arith.addi %add3A_869, %add3A_870 : i32
          %get3A_872 = arith.index_cast %add3A_871 : i32 to index
          %get3A_873 = arith.constant 0 : index
          %get3A_874 = tpu.vector_load %arg10[%get3A_872, %get3A_873] {strides = array<i32>} : memref<512x128xf32, #tpu.memory_space<vmem>>, vector<1x16xf32>,
          %get3A_875 = vector.shape_cast %get3A_874 : vector<1x16xf32> to vector<16xf32>
          %mul3A_876 = arith.mulf %get3A_875, %gather3A_864 : vector<16xf32>
          %swap3A_877 = arith.index_cast %add3A_871 : i32 to index
          %swap3A_878 = arith.constant 0 : index
          %swap3A_879 = tpu.vector_load %arg10[%swap3A_877, %swap3A_878] {strides = array<i32>} : memref<512x128xf32, #tpu.memory_space<vmem>>, vector<1x16xf32>,
          %swap3A_880 = vector.shape_cast %swap3A_879 : vector<1x16xf32> to vector<16xf32>
          %swap3A_881 = vector.shape_cast %mul3A_876 : vector<16xf32> to vector<1x16xf32>
          tpu.vector_store %arg10[%swap3A_877, %swap3A_878], %swap3A_881 {strides = array<i32>} : memref<512x128xf32, #tpu.memory_space<vmem>>, vector<1x16xf32>,
          %get3A_882 = arith.index_cast %add3A_871 : i32 to index
          %get3A_883 = arith.constant 16 : index
          %get3A_884 = tpu.vector_load %arg10[%get3A_882, %get3A_883] {strides = array<i32>} : memref<512x128xf32, #tpu.memory_space<vmem>>, vector<1x16xf32>,
          %get3A_885 = vector.shape_cast %get3A_884 : vector<1x16xf32> to vector<16xf32>
          %mul3A_886 = arith.mulf %get3A_885, %gather3A_864 : vector<16xf32>
          %swap3A_887 = arith.index_cast %add3A_871 : i32 to index
          %swap3A_888 = arith.constant 16 : index
          %swap3A_889 = tpu.vector_load %arg10[%swap3A_887, %swap3A_888] {strides = array<i32>} : memref<512x128xf32, #tpu.memory_space<vmem>>, vector<1x16xf32>,
          %swap3A_890 = vector.shape_cast %swap3A_889 : vector<1x16xf32> to vector<16xf32>
          %swap3A_891 = vector.shape_cast %mul3A_886 : vector<16xf32> to vector<1x16xf32>
          tpu.vector_store %arg10[%swap3A_887, %swap3A_888], %swap3A_891 {strides = array<i32>} : memref<512x128xf32, #tpu.memory_space<vmem>>, vector<1x16xf32>,
          %get3A_892 = arith.index_cast %add3A_871 : i32 to index
          %get3A_893 = arith.constant 32 : index
          %get3A_894 = tpu.vector_load %arg10[%get3A_892, %get3A_893] {strides = array<i32>} : memref<512x128xf32, #tpu.memory_space<vmem>>, vector<1x16xf32>,
          %get3A_895 = vector.shape_cast %get3A_894 : vector<1x16xf32> to vector<16xf32>
          %mul3A_896 = arith.mulf %get3A_895, %gather3A_864 : vector<16xf32>
          %swap3A_897 = arith.index_cast %add3A_871 : i32 to index
          %swap3A_898 = arith.constant 32 : index
          %swap3A_899 = tpu.vector_load %arg10[%swap3A_897, %swap3A_898] {strides = array<i32>} : memref<512x128xf32, #tpu.memory_space<vmem>>, vector<1x16xf32>,
          %swap3A_900 = vector.shape_cast %swap3A_899 : vector<1x16xf32> to vector<16xf32>
          %swap3A_901 = vector.shape_cast %mul3A_896 : vector<16xf32> to vector<1x16xf32>
          tpu.vector_store %arg10[%swap3A_897, %swap3A_898], %swap3A_901 {strides = array<i32>} : memref<512x128xf32, #tpu.memory_space<vmem>>, vector<1x16xf32>,
          %get3A_902 = arith.index_cast %add3A_871 : i32 to index
          %get3A_903 = arith.constant 48 : index
          %get3A_904 = tpu.vector_load %arg10[%get3A_902, %get3A_903] {strides = array<i32>} : memref<512x128xf32, #tpu.memory_space<vmem>>, vector<1x16xf32>,
          %get3A_905 = vector.shape_cast %get3A_904 : vector<1x16xf32> to vector<16xf32>
          %mul3A_906 = arith.mulf %get3A_905, %gather3A_864 : vector<16xf32>
          %swap3A_907 = arith.index_cast %add3A_871 : i32 to index
          %swap3A_908 = arith.constant 48 : index
          %swap3A_909 = tpu.vector_load %arg10[%swap3A_907, %swap3A_908] {strides = array<i32>} : memref<512x128xf32, #tpu.memory_space<vmem>>, vector<1x16xf32>,
          %swap3A_910 = vector.shape_cast %swap3A_909 : vector<1x16xf32> to vector<16xf32>
          %swap3A_911 = vector.shape_cast %mul3A_906 : vector<16xf32> to vector<1x16xf32>
          tpu.vector_store %arg10[%swap3A_907, %swap3A_908], %swap3A_911 {strides = array<i32>} : memref<512x128xf32, #tpu.memory_space<vmem>>, vector<1x16xf32>,
          %get3A_912 = arith.index_cast %add3A_871 : i32 to index
          %get3A_913 = arith.constant 64 : index
          %get3A_914 = tpu.vector_load %arg10[%get3A_912, %get3A_913] {strides = array<i32>} : memref<512x128xf32, #tpu.memory_space<vmem>>, vector<1x16xf32>,
          %get3A_915 = vector.shape_cast %get3A_914 : vector<1x16xf32> to vector<16xf32>
          %mul3A_916 = arith.mulf %get3A_915, %gather3A_864 : vector<16xf32>
          %swap3A_917 = arith.index_cast %add3A_871 : i32 to index
          %swap3A_918 = arith.constant 64 : index
          %swap3A_919 = tpu.vector_load %arg10[%swap3A_917, %swap3A_918] {strides = array<i32>} : memref<512x128xf32, #tpu.memory_space<vmem>>, vector<1x16xf32>,
          %swap3A_920 = vector.shape_cast %swap3A_919 : vector<1x16xf32> to vector<16xf32>
          %swap3A_921 = vector.shape_cast %mul3A_916 : vector<16xf32> to vector<1x16xf32>
          tpu.vector_store %arg10[%swap3A_917, %swap3A_918], %swap3A_921 {strides = array<i32>} : memref<512x128xf32, #tpu.memory_space<vmem>>, vector<1x16xf32>,
          %get3A_922 = arith.index_cast %add3A_871 : i32 to index
          %get3A_923 = arith.constant 80 : index
          %get3A_924 = tpu.vector_load %arg10[%get3A_922, %get3A_923] {strides = array<i32>} : memref<512x128xf32, #tpu.memory_space<vmem>>, vector<1x16xf32>,
          %get3A_925 = vector.shape_cast %get3A_924 : vector<1x16xf32> to vector<16xf32>
          %mul3A_926 = arith.mulf %get3A_925, %gather3A_864 : vector<16xf32>
          %swap3A_927 = arith.index_cast %add3A_871 : i32 to index
          %swap3A_928 = arith.constant 80 : index
          %swap3A_929 = tpu.vector_load %arg10[%swap3A_927, %swap3A_928] {strides = array<i32>} : memref<512x128xf32, #tpu.memory_space<vmem>>, vector<1x16xf32>,
          %swap3A_930 = vector.shape_cast %swap3A_929 : vector<1x16xf32> to vector<16xf32>
          %swap3A_931 = vector.shape_cast %mul3A_926 : vector<16xf32> to vector<1x16xf32>
          tpu.vector_store %arg10[%swap3A_927, %swap3A_928], %swap3A_931 {strides = array<i32>} : memref<512x128xf32, #tpu.memory_space<vmem>>, vector<1x16xf32>,
          %get3A_932 = arith.index_cast %add3A_871 : i32 to index
          %get3A_933 = arith.constant 96 : index
          %get3A_934 = tpu.vector_load %arg10[%get3A_932, %get3A_933] {strides = array<i32>} : memref<512x128xf32, #tpu.memory_space<vmem>>, vector<1x16xf32>,
          %get3A_935 = vector.shape_cast %get3A_934 : vector<1x16xf32> to vector<16xf32>
          %mul3A_936 = arith.mulf %get3A_935, %gather3A_864 : vector<16xf32>
          %swap3A_937 = arith.index_cast %add3A_871 : i32 to index
          %swap3A_938 = arith.constant 96 : index
          %swap3A_939 = tpu.vector_load %arg10[%swap3A_937, %swap3A_938] {strides = array<i32>} : memref<512x128xf32, #tpu.memory_space<vmem>>, vector<1x16xf32>,
          %swap3A_940 = vector.shape_cast %swap3A_939 : vector<1x16xf32> to vector<16xf32>
          %swap3A_941 = vector.shape_cast %mul3A_936 : vector<16xf32> to vector<1x16xf32>
          tpu.vector_store %arg10[%swap3A_937, %swap3A_938], %swap3A_941 {strides = array<i32>} : memref<512x128xf32, #tpu.memory_space<vmem>>, vector<1x16xf32>,
          %get3A_942 = arith.index_cast %add3A_871 : i32 to index
          %get3A_943 = arith.constant 112 : index
          %get3A_944 = tpu.vector_load %arg10[%get3A_942, %get3A_943] {strides = array<i32>} : memref<512x128xf32, #tpu.memory_space<vmem>>, vector<1x16xf32>,
          %get3A_945 = vector.shape_cast %get3A_944 : vector<1x16xf32> to vector<16xf32>
          %mul3A_946 = arith.mulf %get3A_945, %gather3A_864 : vector<16xf32>
          %swap3A_947 = arith.index_cast %add3A_871 : i32 to index
          %swap3A_948 = arith.constant 112 : index
          %swap3A_949 = tpu.vector_load %arg10[%swap3A_947, %swap3A_948] {strides = array<i32>} : memref<512x128xf32, #tpu.memory_space<vmem>>, vector<1x16xf32>,
          %swap3A_950 = vector.shape_cast %swap3A_949 : vector<1x16xf32> to vector<16xf32>
          %swap3A_951 = vector.shape_cast %mul3A_946 : vector<16xf32> to vector<1x16xf32>
          tpu.vector_store %arg10[%swap3A_947, %swap3A_948], %swap3A_951 {strides = array<i32>} : memref<512x128xf32, #tpu.memory_space<vmem>>, vector<1x16xf32>,
          %broadcast_in_dim3A_952 = arith.constant 8 : i32
          %broadcast_in_dim3A_953 = vector.broadcast %broadcast_in_dim3A_952 : i32 to vector<16x1xi32>
          %gather3A_954 = vector.shape_cast %broadcast_in_dim3A_953 : vector<16x1xi32> to vector<16xi32>
          %gather3A_955 = tpu.dynamic_gather %get3A_225[%gather3A_954] in [0] : vector<16xf32>, vector<16xi32> -> vector<16xf32>
          %mul3A_956 = arith.constant 128 : i32
          %mul3A_957 = arith.muli %add3A_208, %mul3A_956 : i32
          %mul3A_958 = arith.constant 16 : i32
          %mul3A_959 = arith.muli %add3A_218, %mul3A_958 : i32
          %add3A_960 = arith.addi %mul3A_957, %mul3A_959 : i32
          %add3A_961 = arith.constant 8 : i32
          %add3A_962 = arith.addi %add3A_960, %add3A_961 : i32
          %get3A_963 = arith.index_cast %add3A_962 : i32 to index
          %get3A_964 = arith.constant 0 : index
          %get3A_965 = tpu.vector_load %arg10[%get3A_963, %get3A_964] {strides = array<i32>} : memref<512x128xf32, #tpu.memory_space<vmem>>, vector<1x16xf32>,
          %get3A_966 = vector.shape_cast %get3A_965 : vector<1x16xf32> to vector<16xf32>
          %mul3A_967 = arith.mulf %get3A_966, %gather3A_955 : vector<16xf32>
          %swap3A_968 = arith.index_cast %add3A_962 : i32 to index
          %swap3A_969 = arith.constant 0 : index
          %swap3A_970 = tpu.vector_load %arg10[%swap3A_968, %swap3A_969] {strides = array<i32>} : memref<512x128xf32, #tpu.memory_space<vmem>>, vector<1x16xf32>,
          %swap3A_971 = vector.shape_cast %swap3A_970 : vector<1x16xf32> to vector<16xf32>
          %swap3A_972 = vector.shape_cast %mul3A_967 : vector<16xf32> to vector<1x16xf32>
          tpu.vector_store %arg10[%swap3A_968, %swap3A_969], %swap3A_972 {strides = array<i32>} : memref<512x128xf32, #tpu.memory_space<vmem>>, vector<1x16xf32>,
          %get3A_973 = arith.index_cast %add3A_962 : i32 to index
          %get3A_974 = arith.constant 16 : index
          %get3A_975 = tpu.vector_load %arg10[%get3A_973, %get3A_974] {strides = array<i32>} : memref<512x128xf32, #tpu.memory_space<vmem>>, vector<1x16xf32>,
          %get3A_976 = vector.shape_cast %get3A_975 : vector<1x16xf32> to vector<16xf32>
          %mul3A_977 = arith.mulf %get3A_976, %gather3A_955 : vector<16xf32>
          %swap3A_978 = arith.index_cast %add3A_962 : i32 to index
          %swap3A_979 = arith.constant 16 : index
          %swap3A_980 = tpu.vector_load %arg10[%swap3A_978, %swap3A_979] {strides = array<i32>} : memref<512x128xf32, #tpu.memory_space<vmem>>, vector<1x16xf32>,
          %swap3A_981 = vector.shape_cast %swap3A_980 : vector<1x16xf32> to vector<16xf32>
          %swap3A_982 = vector.shape_cast %mul3A_977 : vector<16xf32> to vector<1x16xf32>
          tpu.vector_store %arg10[%swap3A_978, %swap3A_979], %swap3A_982 {strides = array<i32>} : memref<512x128xf32, #tpu.memory_space<vmem>>, vector<1x16xf32>,
          %get3A_983 = arith.index_cast %add3A_962 : i32 to index
          %get3A_984 = arith.constant 32 : index
          %get3A_985 = tpu.vector_load %arg10[%get3A_983, %get3A_984] {strides = array<i32>} : memref<512x128xf32, #tpu.memory_space<vmem>>, vector<1x16xf32>,
          %get3A_986 = vector.shape_cast %get3A_985 : vector<1x16xf32> to vector<16xf32>
          %mul3A_987 = arith.mulf %get3A_986, %gather3A_955 : vector<16xf32>
          %swap3A_988 = arith.index_cast %add3A_962 : i32 to index
          %swap3A_989 = arith.constant 32 : index
          %swap3A_990 = tpu.vector_load %arg10[%swap3A_988, %swap3A_989] {strides = array<i32>} : memref<512x128xf32, #tpu.memory_space<vmem>>, vector<1x16xf32>,
          %swap3A_991 = vector.shape_cast %swap3A_990 : vector<1x16xf32> to vector<16xf32>
          %swap3A_992 = vector.shape_cast %mul3A_987 : vector<16xf32> to vector<1x16xf32>
          tpu.vector_store %arg10[%swap3A_988, %swap3A_989], %swap3A_992 {strides = array<i32>} : memref<512x128xf32, #tpu.memory_space<vmem>>, vector<1x16xf32>,
          %get3A_993 = arith.index_cast %add3A_962 : i32 to index
          %get3A_994 = arith.constant 48 : index
          %get3A_995 = tpu.vector_load %arg10[%get3A_993, %get3A_994] {strides = array<i32>} : memref<512x128xf32, #tpu.memory_space<vmem>>, vector<1x16xf32>,
          %get3A_996 = vector.shape_cast %get3A_995 : vector<1x16xf32> to vector<16xf32>
          %mul3A_997 = arith.mulf %get3A_996, %gather3A_955 : vector<16xf32>
          %swap3A_998 = arith.index_cast %add3A_962 : i32 to index
          %swap3A_999 = arith.constant 48 : index
          %swap3A_1000 = tpu.vector_load %arg10[%swap3A_998, %swap3A_999] {strides = array<i32>} : memref<512x128xf32, #tpu.memory_space<vmem>>, vector<1x16xf32>,
          %swap3A_1001 = vector.shape_cast %swap3A_1000 : vector<1x16xf32> to vector<16xf32>
          %swap3A_1002 = vector.shape_cast %mul3A_997 : vector<16xf32> to vector<1x16xf32>
          tpu.vector_store %arg10[%swap3A_998, %swap3A_999], %swap3A_1002 {strides = array<i32>} : memref<512x128xf32, #tpu.memory_space<vmem>>, vector<1x16xf32>,
          %get3A_1003 = arith.index_cast %add3A_962 : i32 to index
          %get3A_1004 = arith.constant 64 : index
          %get3A_1005 = tpu.vector_load %arg10[%get3A_1003, %get3A_1004] {strides = array<i32>} : memref<512x128xf32, #tpu.memory_space<vmem>>, vector<1x16xf32>,
          %get3A_1006 = vector.shape_cast %get3A_1005 : vector<1x16xf32> to vector<16xf32>
          %mul3A_1007 = arith.mulf %get3A_1006, %gather3A_955 : vector<16xf32>
          %swap3A_1008 = arith.index_cast %add3A_962 : i32 to index
          %swap3A_1009 = arith.constant 64 : index
          %swap3A_1010 = tpu.vector_load %arg10[%swap3A_1008, %swap3A_1009] {strides = array<i32>} : memref<512x128xf32, #tpu.memory_space<vmem>>, vector<1x16xf32>,
          %swap3A_1011 = vector.shape_cast %swap3A_1010 : vector<1x16xf32> to vector<16xf32>
          %swap3A_1012 = vector.shape_cast %mul3A_1007 : vector<16xf32> to vector<1x16xf32>
          tpu.vector_store %arg10[%swap3A_1008, %swap3A_1009], %swap3A_1012 {strides = array<i32>} : memref<512x128xf32, #tpu.memory_space<vmem>>, vector<1x16xf32>,
          %get3A_1013 = arith.index_cast %add3A_962 : i32 to index
          %get3A_1014 = arith.constant 80 : index
          %get3A_1015 = tpu.vector_load %arg10[%get3A_1013, %get3A_1014] {strides = array<i32>} : memref<512x128xf32, #tpu.memory_space<vmem>>, vector<1x16xf32>,
          %get3A_1016 = vector.shape_cast %get3A_1015 : vector<1x16xf32> to vector<16xf32>
          %mul3A_1017 = arith.mulf %get3A_1016, %gather3A_955 : vector<16xf32>
          %swap3A_1018 = arith.index_cast %add3A_962 : i32 to index
          %swap3A_1019 = arith.constant 80 : index
          %swap3A_1020 = tpu.vector_load %arg10[%swap3A_1018, %swap3A_1019] {strides = array<i32>} : memref<512x128xf32, #tpu.memory_space<vmem>>, vector<1x16xf32>,
          %swap3A_1021 = vector.shape_cast %swap3A_1020 : vector<1x16xf32> to vector<16xf32>
          %swap3A_1022 = vector.shape_cast %mul3A_1017 : vector<16xf32> to vector<1x16xf32>
          tpu.vector_store %arg10[%swap3A_1018, %swap3A_1019], %swap3A_1022 {strides = array<i32>} : memref<512x128xf32, #tpu.memory_space<vmem>>, vector<1x16xf32>,
          %get3A_1023 = arith.index_cast %add3A_962 : i32 to index
          %get3A_1024 = arith.constant 96 : index
          %get3A_1025 = tpu.vector_load %arg10[%get3A_1023, %get3A_1024] {strides = array<i32>} : memref<512x128xf32, #tpu.memory_space<vmem>>, vector<1x16xf32>,
          %get3A_1026 = vector.shape_cast %get3A_1025 : vector<1x16xf32> to vector<16xf32>
          %mul3A_1027 = arith.mulf %get3A_1026, %gather3A_955 : vector<16xf32>
          %swap3A_1028 = arith.index_cast %add3A_962 : i32 to index
          %swap3A_1029 = arith.constant 96 : index
          %swap3A_1030 = tpu.vector_load %arg10[%swap3A_1028, %swap3A_1029] {strides = array<i32>} : memref<512x128xf32, #tpu.memory_space<vmem>>, vector<1x16xf32>,
          %swap3A_1031 = vector.shape_cast %swap3A_1030 : vector<1x16xf32> to vector<16xf32>
          %swap3A_1032 = vector.shape_cast %mul3A_1027 : vector<16xf32> to vector<1x16xf32>
          tpu.vector_store %arg10[%swap3A_1028, %swap3A_1029], %swap3A_1032 {strides = array<i32>} : memref<512x128xf32, #tpu.memory_space<vmem>>, vector<1x16xf32>,
          %get3A_1033 = arith.index_cast %add3A_962 : i32 to index
          %get3A_1034 = arith.constant 112 : index
          %get3A_1035 = tpu.vector_load %arg10[%get3A_1033, %get3A_1034] {strides = array<i32>} : memref<512x128xf32, #tpu.memory_space<vmem>>, vector<1x16xf32>,
          %get3A_1036 = vector.shape_cast %get3A_1035 : vector<1x16xf32> to vector<16xf32>
          %mul3A_1037 = arith.mulf %get3A_1036, %gather3A_955 : vector<16xf32>
          %swap3A_1038 = arith.index_cast %add3A_962 : i32 to index
          %swap3A_1039 = arith.constant 112 : index
          %swap3A_1040 = tpu.vector_load %arg10[%swap3A_1038, %swap3A_1039] {strides = array<i32>} : memref<512x128xf32, #tpu.memory_space<vmem>>, vector<1x16xf32>,
          %swap3A_1041 = vector.shape_cast %swap3A_1040 : vector<1x16xf32> to vector<16xf32>
          %swap3A_1042 = vector.shape_cast %mul3A_1037 : vector<16xf32> to vector<1x16xf32>
          tpu.vector_store %arg10[%swap3A_1038, %swap3A_1039], %swap3A_1042 {strides = array<i32>} : memref<512x128xf32, #tpu.memory_space<vmem>>, vector<1x16xf32>,
          %broadcast_in_dim3A_1043 = arith.constant 9 : i32
          %broadcast_in_dim3A_1044 = vector.broadcast %broadcast_in_dim3A_1043 : i32 to vector<16x1xi32>
          %gather3A_1045 = vector.shape_cast %broadcast_in_dim3A_1044 : vector<16x1xi32> to vector<16xi32>
          %gather3A_1046 = tpu.dynamic_gather %get3A_225[%gather3A_1045] in [0] : vector<16xf32>, vector<16xi32> -> vector<16xf32>
          %mul3A_1047 = arith.constant 128 : i32
          %mul3A_1048 = arith.muli %add3A_208, %mul3A_1047 : i32
          %mul3A_1049 = arith.constant 16 : i32
          %mul3A_1050 = arith.muli %add3A_218, %mul3A_1049 : i32
          %add3A_1051 = arith.addi %mul3A_1048, %mul3A_1050 : i32
          %add3A_1052 = arith.constant 9 : i32
          %add3A_1053 = arith.addi %add3A_1051, %add3A_1052 : i32
          %get3A_1054 = arith.index_cast %add3A_1053 : i32 to index
          %get3A_1055 = arith.constant 0 : index
          %get3A_1056 = tpu.vector_load %arg10[%get3A_1054, %get3A_1055] {strides = array<i32>} : memref<512x128xf32, #tpu.memory_space<vmem>>, vector<1x16xf32>,
          %get3A_1057 = vector.shape_cast %get3A_1056 : vector<1x16xf32> to vector<16xf32>
          %mul3A_1058 = arith.mulf %get3A_1057, %gather3A_1046 : vector<16xf32>
          %swap3A_1059 = arith.index_cast %add3A_1053 : i32 to index
          %swap3A_1060 = arith.constant 0 : index
          %swap3A_1061 = tpu.vector_load %arg10[%swap3A_1059, %swap3A_1060] {strides = array<i32>} : memref<512x128xf32, #tpu.memory_space<vmem>>, vector<1x16xf32>,
          %swap3A_1062 = vector.shape_cast %swap3A_1061 : vector<1x16xf32> to vector<16xf32>
          %swap3A_1063 = vector.shape_cast %mul3A_1058 : vector<16xf32> to vector<1x16xf32>
          tpu.vector_store %arg10[%swap3A_1059, %swap3A_1060], %swap3A_1063 {strides = array<i32>} : memref<512x128xf32, #tpu.memory_space<vmem>>, vector<1x16xf32>,
          %get3A_1064 = arith.index_cast %add3A_1053 : i32 to index
          %get3A_1065 = arith.constant 16 : index
          %get3A_1066 = tpu.vector_load %arg10[%get3A_1064, %get3A_1065] {strides = array<i32>} : memref<512x128xf32, #tpu.memory_space<vmem>>, vector<1x16xf32>,
          %get3A_1067 = vector.shape_cast %get3A_1066 : vector<1x16xf32> to vector<16xf32>
          %mul3A_1068 = arith.mulf %get3A_1067, %gather3A_1046 : vector<16xf32>
          %swap3A_1069 = arith.index_cast %add3A_1053 : i32 to index
          %swap3A_1070 = arith.constant 16 : index
          %swap3A_1071 = tpu.vector_load %arg10[%swap3A_1069, %swap3A_1070] {strides = array<i32>} : memref<512x128xf32, #tpu.memory_space<vmem>>, vector<1x16xf32>,
          %swap3A_1072 = vector.shape_cast %swap3A_1071 : vector<1x16xf32> to vector<16xf32>
          %swap3A_1073 = vector.shape_cast %mul3A_1068 : vector<16xf32> to vector<1x16xf32>
          tpu.vector_store %arg10[%swap3A_1069, %swap3A_1070], %swap3A_1073 {strides = array<i32>} : memref<512x128xf32, #tpu.memory_space<vmem>>, vector<1x16xf32>,
          %get3A_1074 = arith.index_cast %add3A_1053 : i32 to index
          %get3A_1075 = arith.constant 32 : index
          %get3A_1076 = tpu.vector_load %arg10[%get3A_1074, %get3A_1075] {strides = array<i32>} : memref<512x128xf32, #tpu.memory_space<vmem>>, vector<1x16xf32>,
          %get3A_1077 = vector.shape_cast %get3A_1076 : vector<1x16xf32> to vector<16xf32>
          %mul3A_1078 = arith.mulf %get3A_1077, %gather3A_1046 : vector<16xf32>
          %swap3A_1079 = arith.index_cast %add3A_1053 : i32 to index
          %swap3A_1080 = arith.constant 32 : index
          %swap3A_1081 = tpu.vector_load %arg10[%swap3A_1079, %swap3A_1080] {strides = array<i32>} : memref<512x128xf32, #tpu.memory_space<vmem>>, vector<1x16xf32>,
          %swap3A_1082 = vector.shape_cast %swap3A_1081 : vector<1x16xf32> to vector<16xf32>
          %swap3A_1083 = vector.shape_cast %mul3A_1078 : vector<16xf32> to vector<1x16xf32>
          tpu.vector_store %arg10[%swap3A_1079, %swap3A_1080], %swap3A_1083 {strides = array<i32>} : memref<512x128xf32, #tpu.memory_space<vmem>>, vector<1x16xf32>,
          %get3A_1084 = arith.index_cast %add3A_1053 : i32 to index
          %get3A_1085 = arith.constant 48 : index
          %get3A_1086 = tpu.vector_load %arg10[%get3A_1084, %get3A_1085] {strides = array<i32>} : memref<512x128xf32, #tpu.memory_space<vmem>>, vector<1x16xf32>,
          %get3A_1087 = vector.shape_cast %get3A_1086 : vector<1x16xf32> to vector<16xf32>
          %mul3A_1088 = arith.mulf %get3A_1087, %gather3A_1046 : vector<16xf32>
          %swap3A_1089 = arith.index_cast %add3A_1053 : i32 to index
          %swap3A_1090 = arith.constant 48 : index
          %swap3A_1091 = tpu.vector_load %arg10[%swap3A_1089, %swap3A_1090] {strides = array<i32>} : memref<512x128xf32, #tpu.memory_space<vmem>>, vector<1x16xf32>,
          %swap3A_1092 = vector.shape_cast %swap3A_1091 : vector<1x16xf32> to vector<16xf32>
          %swap3A_1093 = vector.shape_cast %mul3A_1088 : vector<16xf32> to vector<1x16xf32>
          tpu.vector_store %arg10[%swap3A_1089, %swap3A_1090], %swap3A_1093 {strides = array<i32>} : memref<512x128xf32, #tpu.memory_space<vmem>>, vector<1x16xf32>,
          %get3A_1094 = arith.index_cast %add3A_1053 : i32 to index
          %get3A_1095 = arith.constant 64 : index
          %get3A_1096 = tpu.vector_load %arg10[%get3A_1094, %get3A_1095] {strides = array<i32>} : memref<512x128xf32, #tpu.memory_space<vmem>>, vector<1x16xf32>,
          %get3A_1097 = vector.shape_cast %get3A_1096 : vector<1x16xf32> to vector<16xf32>
          %mul3A_1098 = arith.mulf %get3A_1097, %gather3A_1046 : vector<16xf32>
          %swap3A_1099 = arith.index_cast %add3A_1053 : i32 to index
          %swap3A_1100 = arith.constant 64 : index
          %swap3A_1101 = tpu.vector_load %arg10[%swap3A_1099, %swap3A_1100] {strides = array<i32>} : memref<512x128xf32, #tpu.memory_space<vmem>>, vector<1x16xf32>,
          %swap3A_1102 = vector.shape_cast %swap3A_1101 : vector<1x16xf32> to vector<16xf32>
          %swap3A_1103 = vector.shape_cast %mul3A_1098 : vector<16xf32> to vector<1x16xf32>
          tpu.vector_store %arg10[%swap3A_1099, %swap3A_1100], %swap3A_1103 {strides = array<i32>} : memref<512x128xf32, #tpu.memory_space<vmem>>, vector<1x16xf32>,
          %get3A_1104 = arith.index_cast %add3A_1053 : i32 to index
          %get3A_1105 = arith.constant 80 : index
          %get3A_1106 = tpu.vector_load %arg10[%get3A_1104, %get3A_1105] {strides = array<i32>} : memref<512x128xf32, #tpu.memory_space<vmem>>, vector<1x16xf32>,
          %get3A_1107 = vector.shape_cast %get3A_1106 : vector<1x16xf32> to vector<16xf32>
          %mul3A_1108 = arith.mulf %get3A_1107, %gather3A_1046 : vector<16xf32>
          %swap3A_1109 = arith.index_cast %add3A_1053 : i32 to index
          %swap3A_1110 = arith.constant 80 : index
          %swap3A_1111 = tpu.vector_load %arg10[%swap3A_1109, %swap3A_1110] {strides = array<i32>} : memref<512x128xf32, #tpu.memory_space<vmem>>, vector<1x16xf32>,
          %swap3A_1112 = vector.shape_cast %swap3A_1111 : vector<1x16xf32> to vector<16xf32>
          %swap3A_1113 = vector.shape_cast %mul3A_1108 : vector<16xf32> to vector<1x16xf32>
          tpu.vector_store %arg10[%swap3A_1109, %swap3A_1110], %swap3A_1113 {strides = array<i32>} : memref<512x128xf32, #tpu.memory_space<vmem>>, vector<1x16xf32>,
          %get3A_1114 = arith.index_cast %add3A_1053 : i32 to index
          %get3A_1115 = arith.constant 96 : index
          %get3A_1116 = tpu.vector_load %arg10[%get3A_1114, %get3A_1115] {strides = array<i32>} : memref<512x128xf32, #tpu.memory_space<vmem>>, vector<1x16xf32>,
          %get3A_1117 = vector.shape_cast %get3A_1116 : vector<1x16xf32> to vector<16xf32>
          %mul3A_1118 = arith.mulf %get3A_1117, %gather3A_1046 : vector<16xf32>
          %swap3A_1119 = arith.index_cast %add3A_1053 : i32 to index
          %swap3A_1120 = arith.constant 96 : index
          %swap3A_1121 = tpu.vector_load %arg10[%swap3A_1119, %swap3A_1120] {strides = array<i32>} : memref<512x128xf32, #tpu.memory_space<vmem>>, vector<1x16xf32>,
          %swap3A_1122 = vector.shape_cast %swap3A_1121 : vector<1x16xf32> to vector<16xf32>
          %swap3A_1123 = vector.shape_cast %mul3A_1118 : vector<16xf32> to vector<1x16xf32>
          tpu.vector_store %arg10[%swap3A_1119, %swap3A_1120], %swap3A_1123 {strides = array<i32>} : memref<512x128xf32, #tpu.memory_space<vmem>>, vector<1x16xf32>,
          %get3A_1124 = arith.index_cast %add3A_1053 : i32 to index
          %get3A_1125 = arith.constant 112 : index
          %get3A_1126 = tpu.vector_load %arg10[%get3A_1124, %get3A_1125] {strides = array<i32>} : memref<512x128xf32, #tpu.memory_space<vmem>>, vector<1x16xf32>,
          %get3A_1127 = vector.shape_cast %get3A_1126 : vector<1x16xf32> to vector<16xf32>
          %mul3A_1128 = arith.mulf %get3A_1127, %gather3A_1046 : vector<16xf32>
          %swap3A_1129 = arith.index_cast %add3A_1053 : i32 to index
          %swap3A_1130 = arith.constant 112 : index
          %swap3A_1131 = tpu.vector_load %arg10[%swap3A_1129, %swap3A_1130] {strides = array<i32>} : memref<512x128xf32, #tpu.memory_space<vmem>>, vector<1x16xf32>,
          %swap3A_1132 = vector.shape_cast %swap3A_1131 : vector<1x16xf32> to vector<16xf32>
          %swap3A_1133 = vector.shape_cast %mul3A_1128 : vector<16xf32> to vector<1x16xf32>
          tpu.vector_store %arg10[%swap3A_1129, %swap3A_1130], %swap3A_1133 {strides = array<i32>} : memref<512x128xf32, #tpu.memory_space<vmem>>, vector<1x16xf32>,
          %broadcast_in_dim3A_1134 = arith.constant 10 : i32
          %broadcast_in_dim3A_1135 = vector.broadcast %broadcast_in_dim3A_1134 : i32 to vector<16x1xi32>
          %gather3A_1136 = vector.shape_cast %broadcast_in_dim3A_1135 : vector<16x1xi32> to vector<16xi32>
          %gather3A_1137 = tpu.dynamic_gather %get3A_225[%gather3A_1136] in [0] : vector<16xf32>, vector<16xi32> -> vector<16xf32>
          %mul3A_1138 = arith.constant 128 : i32
          %mul3A_1139 = arith.muli %add3A_208, %mul3A_1138 : i32
          %mul3A_1140 = arith.constant 16 : i32
          %mul3A_1141 = arith.muli %add3A_218, %mul3A_1140 : i32
          %add3A_1142 = arith.addi %mul3A_1139, %mul3A_1141 : i32
          %add3A_1143 = arith.constant 10 : i32
          %add3A_1144 = arith.addi %add3A_1142, %add3A_1143 : i32
          %get3A_1145 = arith.index_cast %add3A_1144 : i32 to index
          %get3A_1146 = arith.constant 0 : index
          %get3A_1147 = tpu.vector_load %arg10[%get3A_1145, %get3A_1146] {strides = array<i32>} : memref<512x128xf32, #tpu.memory_space<vmem>>, vector<1x16xf32>,
          %get3A_1148 = vector.shape_cast %get3A_1147 : vector<1x16xf32> to vector<16xf32>
          %mul3A_1149 = arith.mulf %get3A_1148, %gather3A_1137 : vector<16xf32>
          %swap3A_1150 = arith.index_cast %add3A_1144 : i32 to index
          %swap3A_1151 = arith.constant 0 : index
          %swap3A_1152 = tpu.vector_load %arg10[%swap3A_1150, %swap3A_1151] {strides = array<i32>} : memref<512x128xf32, #tpu.memory_space<vmem>>, vector<1x16xf32>,
          %swap3A_1153 = vector.shape_cast %swap3A_1152 : vector<1x16xf32> to vector<16xf32>
          %swap3A_1154 = vector.shape_cast %mul3A_1149 : vector<16xf32> to vector<1x16xf32>
          tpu.vector_store %arg10[%swap3A_1150, %swap3A_1151], %swap3A_1154 {strides = array<i32>} : memref<512x128xf32, #tpu.memory_space<vmem>>, vector<1x16xf32>,
          %get3A_1155 = arith.index_cast %add3A_1144 : i32 to index
          %get3A_1156 = arith.constant 16 : index
          %get3A_1157 = tpu.vector_load %arg10[%get3A_1155, %get3A_1156] {strides = array<i32>} : memref<512x128xf32, #tpu.memory_space<vmem>>, vector<1x16xf32>,
          %get3A_1158 = vector.shape_cast %get3A_1157 : vector<1x16xf32> to vector<16xf32>
          %mul3A_1159 = arith.mulf %get3A_1158, %gather3A_1137 : vector<16xf32>
          %swap3A_1160 = arith.index_cast %add3A_1144 : i32 to index
          %swap3A_1161 = arith.constant 16 : index
          %swap3A_1162 = tpu.vector_load %arg10[%swap3A_1160, %swap3A_1161] {strides = array<i32>} : memref<512x128xf32, #tpu.memory_space<vmem>>, vector<1x16xf32>,
          %swap3A_1163 = vector.shape_cast %swap3A_1162 : vector<1x16xf32> to vector<16xf32>
          %swap3A_1164 = vector.shape_cast %mul3A_1159 : vector<16xf32> to vector<1x16xf32>
          tpu.vector_store %arg10[%swap3A_1160, %swap3A_1161], %swap3A_1164 {strides = array<i32>} : memref<512x128xf32, #tpu.memory_space<vmem>>, vector<1x16xf32>,
          %get3A_1165 = arith.index_cast %add3A_1144 : i32 to index
          %get3A_1166 = arith.constant 32 : index
          %get3A_1167 = tpu.vector_load %arg10[%get3A_1165, %get3A_1166] {strides = array<i32>} : memref<512x128xf32, #tpu.memory_space<vmem>>, vector<1x16xf32>,
          %get3A_1168 = vector.shape_cast %get3A_1167 : vector<1x16xf32> to vector<16xf32>
          %mul3A_1169 = arith.mulf %get3A_1168, %gather3A_1137 : vector<16xf32>
          %swap3A_1170 = arith.index_cast %add3A_1144 : i32 to index
          %swap3A_1171 = arith.constant 32 : index
          %swap3A_1172 = tpu.vector_load %arg10[%swap3A_1170, %swap3A_1171] {strides = array<i32>} : memref<512x128xf32, #tpu.memory_space<vmem>>, vector<1x16xf32>,
          %swap3A_1173 = vector.shape_cast %swap3A_1172 : vector<1x16xf32> to vector<16xf32>
          %swap3A_1174 = vector.shape_cast %mul3A_1169 : vector<16xf32> to vector<1x16xf32>
          tpu.vector_store %arg10[%swap3A_1170, %swap3A_1171], %swap3A_1174 {strides = array<i32>} : memref<512x128xf32, #tpu.memory_space<vmem>>, vector<1x16xf32>,
          %get3A_1175 = arith.index_cast %add3A_1144 : i32 to index
          %get3A_1176 = arith.constant 48 : index
          %get3A_1177 = tpu.vector_load %arg10[%get3A_1175, %get3A_1176] {strides = array<i32>} : memref<512x128xf32, #tpu.memory_space<vmem>>, vector<1x16xf32>,
          %get3A_1178 = vector.shape_cast %get3A_1177 : vector<1x16xf32> to vector<16xf32>
          %mul3A_1179 = arith.mulf %get3A_1178, %gather3A_1137 : vector<16xf32>
          %swap3A_1180 = arith.index_cast %add3A_1144 : i32 to index
          %swap3A_1181 = arith.constant 48 : index
          %swap3A_1182 = tpu.vector_load %arg10[%swap3A_1180, %swap3A_1181] {strides = array<i32>} : memref<512x128xf32, #tpu.memory_space<vmem>>, vector<1x16xf32>,
          %swap3A_1183 = vector.shape_cast %swap3A_1182 : vector<1x16xf32> to vector<16xf32>
          %swap3A_1184 = vector.shape_cast %mul3A_1179 : vector<16xf32> to vector<1x16xf32>
          tpu.vector_store %arg10[%swap3A_1180, %swap3A_1181], %swap3A_1184 {strides = array<i32>} : memref<512x128xf32, #tpu.memory_space<vmem>>, vector<1x16xf32>,
          %get3A_1185 = arith.index_cast %add3A_1144 : i32 to index
          %get3A_1186 = arith.constant 64 : index
          %get3A_1187 = tpu.vector_load %arg10[%get3A_1185, %get3A_1186] {strides = array<i32>} : memref<512x128xf32, #tpu.memory_space<vmem>>, vector<1x16xf32>,
          %get3A_1188 = vector.shape_cast %get3A_1187 : vector<1x16xf32> to vector<16xf32>
          %mul3A_1189 = arith.mulf %get3A_1188, %gather3A_1137 : vector<16xf32>
          %swap3A_1190 = arith.index_cast %add3A_1144 : i32 to index
          %swap3A_1191 = arith.constant 64 : index
          %swap3A_1192 = tpu.vector_load %arg10[%swap3A_1190, %swap3A_1191] {strides = array<i32>} : memref<512x128xf32, #tpu.memory_space<vmem>>, vector<1x16xf32>,
          %swap3A_1193 = vector.shape_cast %swap3A_1192 : vector<1x16xf32> to vector<16xf32>
          %swap3A_1194 = vector.shape_cast %mul3A_1189 : vector<16xf32> to vector<1x16xf32>
          tpu.vector_store %arg10[%swap3A_1190, %swap3A_1191], %swap3A_1194 {strides = array<i32>} : memref<512x128xf32, #tpu.memory_space<vmem>>, vector<1x16xf32>,
          %get3A_1195 = arith.index_cast %add3A_1144 : i32 to index
          %get3A_1196 = arith.constant 80 : index
          %get3A_1197 = tpu.vector_load %arg10[%get3A_1195, %get3A_1196] {strides = array<i32>} : memref<512x128xf32, #tpu.memory_space<vmem>>, vector<1x16xf32>,
          %get3A_1198 = vector.shape_cast %get3A_1197 : vector<1x16xf32> to vector<16xf32>
          %mul3A_1199 = arith.mulf %get3A_1198, %gather3A_1137 : vector<16xf32>
          %swap3A_1200 = arith.index_cast %add3A_1144 : i32 to index
          %swap3A_1201 = arith.constant 80 : index
          %swap3A_1202 = tpu.vector_load %arg10[%swap3A_1200, %swap3A_1201] {strides = array<i32>} : memref<512x128xf32, #tpu.memory_space<vmem>>, vector<1x16xf32>,
          %swap3A_1203 = vector.shape_cast %swap3A_1202 : vector<1x16xf32> to vector<16xf32>
          %swap3A_1204 = vector.shape_cast %mul3A_1199 : vector<16xf32> to vector<1x16xf32>
          tpu.vector_store %arg10[%swap3A_1200, %swap3A_1201], %swap3A_1204 {strides = array<i32>} : memref<512x128xf32, #tpu.memory_space<vmem>>, vector<1x16xf32>,
          %get3A_1205 = arith.index_cast %add3A_1144 : i32 to index
          %get3A_1206 = arith.constant 96 : index
          %get3A_1207 = tpu.vector_load %arg10[%get3A_1205, %get3A_1206] {strides = array<i32>} : memref<512x128xf32, #tpu.memory_space<vmem>>, vector<1x16xf32>,
          %get3A_1208 = vector.shape_cast %get3A_1207 : vector<1x16xf32> to vector<16xf32>
          %mul3A_1209 = arith.mulf %get3A_1208, %gather3A_1137 : vector<16xf32>
          %swap3A_1210 = arith.index_cast %add3A_1144 : i32 to index
          %swap3A_1211 = arith.constant 96 : index
          %swap3A_1212 = tpu.vector_load %arg10[%swap3A_1210, %swap3A_1211] {strides = array<i32>} : memref<512x128xf32, #tpu.memory_space<vmem>>, vector<1x16xf32>,
          %swap3A_1213 = vector.shape_cast %swap3A_1212 : vector<1x16xf32> to vector<16xf32>
          %swap3A_1214 = vector.shape_cast %mul3A_1209 : vector<16xf32> to vector<1x16xf32>
          tpu.vector_store %arg10[%swap3A_1210, %swap3A_1211], %swap3A_1214 {strides = array<i32>} : memref<512x128xf32, #tpu.memory_space<vmem>>, vector<1x16xf32>,
          %get3A_1215 = arith.index_cast %add3A_1144 : i32 to index
          %get3A_1216 = arith.constant 112 : index
          %get3A_1217 = tpu.vector_load %arg10[%get3A_1215, %get3A_1216] {strides = array<i32>} : memref<512x128xf32, #tpu.memory_space<vmem>>, vector<1x16xf32>,
          %get3A_1218 = vector.shape_cast %get3A_1217 : vector<1x16xf32> to vector<16xf32>
          %mul3A_1219 = arith.mulf %get3A_1218, %gather3A_1137 : vector<16xf32>
          %swap3A_1220 = arith.index_cast %add3A_1144 : i32 to index
          %swap3A_1221 = arith.constant 112 : index
          %swap3A_1222 = tpu.vector_load %arg10[%swap3A_1220, %swap3A_1221] {strides = array<i32>} : memref<512x128xf32, #tpu.memory_space<vmem>>, vector<1x16xf32>,
          %swap3A_1223 = vector.shape_cast %swap3A_1222 : vector<1x16xf32> to vector<16xf32>
          %swap3A_1224 = vector.shape_cast %mul3A_1219 : vector<16xf32> to vector<1x16xf32>
          tpu.vector_store %arg10[%swap3A_1220, %swap3A_1221], %swap3A_1224 {strides = array<i32>} : memref<512x128xf32, #tpu.memory_space<vmem>>, vector<1x16xf32>,
          %broadcast_in_dim3A_1225 = arith.constant 11 : i32
          %broadcast_in_dim3A_1226 = vector.broadcast %broadcast_in_dim3A_1225 : i32 to vector<16x1xi32>
          %gather3A_1227 = vector.shape_cast %broadcast_in_dim3A_1226 : vector<16x1xi32> to vector<16xi32>
          %gather3A_1228 = tpu.dynamic_gather %get3A_225[%gather3A_1227] in [0] : vector<16xf32>, vector<16xi32> -> vector<16xf32>
          %mul3A_1229 = arith.constant 128 : i32
          %mul3A_1230 = arith.muli %add3A_208, %mul3A_1229 : i32
          %mul3A_1231 = arith.constant 16 : i32
          %mul3A_1232 = arith.muli %add3A_218, %mul3A_1231 : i32
          %add3A_1233 = arith.addi %mul3A_1230, %mul3A_1232 : i32
          %add3A_1234 = arith.constant 11 : i32
          %add3A_1235 = arith.addi %add3A_1233, %add3A_1234 : i32
          %get3A_1236 = arith.index_cast %add3A_1235 : i32 to index
          %get3A_1237 = arith.constant 0 : index
          %get3A_1238 = tpu.vector_load %arg10[%get3A_1236, %get3A_1237] {strides = array<i32>} : memref<512x128xf32, #tpu.memory_space<vmem>>, vector<1x16xf32>,
          %get3A_1239 = vector.shape_cast %get3A_1238 : vector<1x16xf32> to vector<16xf32>
          %mul3A_1240 = arith.mulf %get3A_1239, %gather3A_1228 : vector<16xf32>
          %swap3A_1241 = arith.index_cast %add3A_1235 : i32 to index
          %swap3A_1242 = arith.constant 0 : index
          %swap3A_1243 = tpu.vector_load %arg10[%swap3A_1241, %swap3A_1242] {strides = array<i32>} : memref<512x128xf32, #tpu.memory_space<vmem>>, vector<1x16xf32>,
          %swap3A_1244 = vector.shape_cast %swap3A_1243 : vector<1x16xf32> to vector<16xf32>
          %swap3A_1245 = vector.shape_cast %mul3A_1240 : vector<16xf32> to vector<1x16xf32>
          tpu.vector_store %arg10[%swap3A_1241, %swap3A_1242], %swap3A_1245 {strides = array<i32>} : memref<512x128xf32, #tpu.memory_space<vmem>>, vector<1x16xf32>,
          %get3A_1246 = arith.index_cast %add3A_1235 : i32 to index
          %get3A_1247 = arith.constant 16 : index
          %get3A_1248 = tpu.vector_load %arg10[%get3A_1246, %get3A_1247] {strides = array<i32>} : memref<512x128xf32, #tpu.memory_space<vmem>>, vector<1x16xf32>,
          %get3A_1249 = vector.shape_cast %get3A_1248 : vector<1x16xf32> to vector<16xf32>
          %mul3A_1250 = arith.mulf %get3A_1249, %gather3A_1228 : vector<16xf32>
          %swap3A_1251 = arith.index_cast %add3A_1235 : i32 to index
          %swap3A_1252 = arith.constant 16 : index
          %swap3A_1253 = tpu.vector_load %arg10[%swap3A_1251, %swap3A_1252] {strides = array<i32>} : memref<512x128xf32, #tpu.memory_space<vmem>>, vector<1x16xf32>,
          %swap3A_1254 = vector.shape_cast %swap3A_1253 : vector<1x16xf32> to vector<16xf32>
          %swap3A_1255 = vector.shape_cast %mul3A_1250 : vector<16xf32> to vector<1x16xf32>
          tpu.vector_store %arg10[%swap3A_1251, %swap3A_1252], %swap3A_1255 {strides = array<i32>} : memref<512x128xf32, #tpu.memory_space<vmem>>, vector<1x16xf32>,
          %get3A_1256 = arith.index_cast %add3A_1235 : i32 to index
          %get3A_1257 = arith.constant 32 : index
          %get3A_1258 = tpu.vector_load %arg10[%get3A_1256, %get3A_1257] {strides = array<i32>} : memref<512x128xf32, #tpu.memory_space<vmem>>, vector<1x16xf32>,
          %get3A_1259 = vector.shape_cast %get3A_1258 : vector<1x16xf32> to vector<16xf32>
          %mul3A_1260 = arith.mulf %get3A_1259, %gather3A_1228 : vector<16xf32>
          %swap3A_1261 = arith.index_cast %add3A_1235 : i32 to index
          %swap3A_1262 = arith.constant 32 : index
          %swap3A_1263 = tpu.vector_load %arg10[%swap3A_1261, %swap3A_1262] {strides = array<i32>} : memref<512x128xf32, #tpu.memory_space<vmem>>, vector<1x16xf32>,
          %swap3A_1264 = vector.shape_cast %swap3A_1263 : vector<1x16xf32> to vector<16xf32>
          %swap3A_1265 = vector.shape_cast %mul3A_1260 : vector<16xf32> to vector<1x16xf32>
          tpu.vector_store %arg10[%swap3A_1261, %swap3A_1262], %swap3A_1265 {strides = array<i32>} : memref<512x128xf32, #tpu.memory_space<vmem>>, vector<1x16xf32>,
          %get3A_1266 = arith.index_cast %add3A_1235 : i32 to index
          %get3A_1267 = arith.constant 48 : index
          %get3A_1268 = tpu.vector_load %arg10[%get3A_1266, %get3A_1267] {strides = array<i32>} : memref<512x128xf32, #tpu.memory_space<vmem>>, vector<1x16xf32>,
          %get3A_1269 = vector.shape_cast %get3A_1268 : vector<1x16xf32> to vector<16xf32>
          %mul3A_1270 = arith.mulf %get3A_1269, %gather3A_1228 : vector<16xf32>
          %swap3A_1271 = arith.index_cast %add3A_1235 : i32 to index
          %swap3A_1272 = arith.constant 48 : index
          %swap3A_1273 = tpu.vector_load %arg10[%swap3A_1271, %swap3A_1272] {strides = array<i32>} : memref<512x128xf32, #tpu.memory_space<vmem>>, vector<1x16xf32>,
          %swap3A_1274 = vector.shape_cast %swap3A_1273 : vector<1x16xf32> to vector<16xf32>
          %swap3A_1275 = vector.shape_cast %mul3A_1270 : vector<16xf32> to vector<1x16xf32>
          tpu.vector_store %arg10[%swap3A_1271, %swap3A_1272], %swap3A_1275 {strides = array<i32>} : memref<512x128xf32, #tpu.memory_space<vmem>>, vector<1x16xf32>,
          %get3A_1276 = arith.index_cast %add3A_1235 : i32 to index
          %get3A_1277 = arith.constant 64 : index
          %get3A_1278 = tpu.vector_load %arg10[%get3A_1276, %get3A_1277] {strides = array<i32>} : memref<512x128xf32, #tpu.memory_space<vmem>>, vector<1x16xf32>,
          %get3A_1279 = vector.shape_cast %get3A_1278 : vector<1x16xf32> to vector<16xf32>
          %mul3A_1280 = arith.mulf %get3A_1279, %gather3A_1228 : vector<16xf32>
          %swap3A_1281 = arith.index_cast %add3A_1235 : i32 to index
          %swap3A_1282 = arith.constant 64 : index
          %swap3A_1283 = tpu.vector_load %arg10[%swap3A_1281, %swap3A_1282] {strides = array<i32>} : memref<512x128xf32, #tpu.memory_space<vmem>>, vector<1x16xf32>,
          %swap3A_1284 = vector.shape_cast %swap3A_1283 : vector<1x16xf32> to vector<16xf32>
          %swap3A_1285 = vector.shape_cast %mul3A_1280 : vector<16xf32> to vector<1x16xf32>
          tpu.vector_store %arg10[%swap3A_1281, %swap3A_1282], %swap3A_1285 {strides = array<i32>} : memref<512x128xf32, #tpu.memory_space<vmem>>, vector<1x16xf32>,
          %get3A_1286 = arith.index_cast %add3A_1235 : i32 to index
          %get3A_1287 = arith.constant 80 : index
          %get3A_1288 = tpu.vector_load %arg10[%get3A_1286, %get3A_1287] {strides = array<i32>} : memref<512x128xf32, #tpu.memory_space<vmem>>, vector<1x16xf32>,
          %get3A_1289 = vector.shape_cast %get3A_1288 : vector<1x16xf32> to vector<16xf32>
          %mul3A_1290 = arith.mulf %get3A_1289, %gather3A_1228 : vector<16xf32>
          %swap3A_1291 = arith.index_cast %add3A_1235 : i32 to index
          %swap3A_1292 = arith.constant 80 : index
          %swap3A_1293 = tpu.vector_load %arg10[%swap3A_1291, %swap3A_1292] {strides = array<i32>} : memref<512x128xf32, #tpu.memory_space<vmem>>, vector<1x16xf32>,
          %swap3A_1294 = vector.shape_cast %swap3A_1293 : vector<1x16xf32> to vector<16xf32>
          %swap3A_1295 = vector.shape_cast %mul3A_1290 : vector<16xf32> to vector<1x16xf32>
          tpu.vector_store %arg10[%swap3A_1291, %swap3A_1292], %swap3A_1295 {strides = array<i32>} : memref<512x128xf32, #tpu.memory_space<vmem>>, vector<1x16xf32>,
          %get3A_1296 = arith.index_cast %add3A_1235 : i32 to index
          %get3A_1297 = arith.constant 96 : index
          %get3A_1298 = tpu.vector_load %arg10[%get3A_1296, %get3A_1297] {strides = array<i32>} : memref<512x128xf32, #tpu.memory_space<vmem>>, vector<1x16xf32>,
          %get3A_1299 = vector.shape_cast %get3A_1298 : vector<1x16xf32> to vector<16xf32>
          %mul3A_1300 = arith.mulf %get3A_1299, %gather3A_1228 : vector<16xf32>
          %swap3A_1301 = arith.index_cast %add3A_1235 : i32 to index
          %swap3A_1302 = arith.constant 96 : index
          %swap3A_1303 = tpu.vector_load %arg10[%swap3A_1301, %swap3A_1302] {strides = array<i32>} : memref<512x128xf32, #tpu.memory_space<vmem>>, vector<1x16xf32>,
          %swap3A_1304 = vector.shape_cast %swap3A_1303 : vector<1x16xf32> to vector<16xf32>
          %swap3A_1305 = vector.shape_cast %mul3A_1300 : vector<16xf32> to vector<1x16xf32>
          tpu.vector_store %arg10[%swap3A_1301, %swap3A_1302], %swap3A_1305 {strides = array<i32>} : memref<512x128xf32, #tpu.memory_space<vmem>>, vector<1x16xf32>,
          %get3A_1306 = arith.index_cast %add3A_1235 : i32 to index
          %get3A_1307 = arith.constant 112 : index
          %get3A_1308 = tpu.vector_load %arg10[%get3A_1306, %get3A_1307] {strides = array<i32>} : memref<512x128xf32, #tpu.memory_space<vmem>>, vector<1x16xf32>,
          %get3A_1309 = vector.shape_cast %get3A_1308 : vector<1x16xf32> to vector<16xf32>
          %mul3A_1310 = arith.mulf %get3A_1309, %gather3A_1228 : vector<16xf32>
          %swap3A_1311 = arith.index_cast %add3A_1235 : i32 to index
          %swap3A_1312 = arith.constant 112 : index
          %swap3A_1313 = tpu.vector_load %arg10[%swap3A_1311, %swap3A_1312] {strides = array<i32>} : memref<512x128xf32, #tpu.memory_space<vmem>>, vector<1x16xf32>,
          %swap3A_1314 = vector.shape_cast %swap3A_1313 : vector<1x16xf32> to vector<16xf32>
          %swap3A_1315 = vector.shape_cast %mul3A_1310 : vector<16xf32> to vector<1x16xf32>
          tpu.vector_store %arg10[%swap3A_1311, %swap3A_1312], %swap3A_1315 {strides = array<i32>} : memref<512x128xf32, #tpu.memory_space<vmem>>, vector<1x16xf32>,
          %broadcast_in_dim3A_1316 = arith.constant 12 : i32
          %broadcast_in_dim3A_1317 = vector.broadcast %broadcast_in_dim3A_1316 : i32 to vector<16x1xi32>
          %gather3A_1318 = vector.shape_cast %broadcast_in_dim3A_1317 : vector<16x1xi32> to vector<16xi32>
          %gather3A_1319 = tpu.dynamic_gather %get3A_225[%gather3A_1318] in [0] : vector<16xf32>, vector<16xi32> -> vector<16xf32>
          %mul3A_1320 = arith.constant 128 : i32
          %mul3A_1321 = arith.muli %add3A_208, %mul3A_1320 : i32
          %mul3A_1322 = arith.constant 16 : i32
          %mul3A_1323 = arith.muli %add3A_218, %mul3A_1322 : i32
          %add3A_1324 = arith.addi %mul3A_1321, %mul3A_1323 : i32
          %add3A_1325 = arith.constant 12 : i32
          %add3A_1326 = arith.addi %add3A_1324, %add3A_1325 : i32
          %get3A_1327 = arith.index_cast %add3A_1326 : i32 to index
          %get3A_1328 = arith.constant 0 : index
          %get3A_1329 = tpu.vector_load %arg10[%get3A_1327, %get3A_1328] {strides = array<i32>} : memref<512x128xf32, #tpu.memory_space<vmem>>, vector<1x16xf32>,
          %get3A_1330 = vector.shape_cast %get3A_1329 : vector<1x16xf32> to vector<16xf32>
          %mul3A_1331 = arith.mulf %get3A_1330, %gather3A_1319 : vector<16xf32>
          %swap3A_1332 = arith.index_cast %add3A_1326 : i32 to index
          %swap3A_1333 = arith.constant 0 : index
          %swap3A_1334 = tpu.vector_load %arg10[%swap3A_1332, %swap3A_1333] {strides = array<i32>} : memref<512x128xf32, #tpu.memory_space<vmem>>, vector<1x16xf32>,
          %swap3A_1335 = vector.shape_cast %swap3A_1334 : vector<1x16xf32> to vector<16xf32>
          %swap3A_1336 = vector.shape_cast %mul3A_1331 : vector<16xf32> to vector<1x16xf32>
          tpu.vector_store %arg10[%swap3A_1332, %swap3A_1333], %swap3A_1336 {strides = array<i32>} : memref<512x128xf32, #tpu.memory_space<vmem>>, vector<1x16xf32>,
          %get3A_1337 = arith.index_cast %add3A_1326 : i32 to index
          %get3A_1338 = arith.constant 16 : index
          %get3A_1339 = tpu.vector_load %arg10[%get3A_1337, %get3A_1338] {strides = array<i32>} : memref<512x128xf32, #tpu.memory_space<vmem>>, vector<1x16xf32>,
          %get3A_1340 = vector.shape_cast %get3A_1339 : vector<1x16xf32> to vector<16xf32>
          %mul3A_1341 = arith.mulf %get3A_1340, %gather3A_1319 : vector<16xf32>
          %swap3A_1342 = arith.index_cast %add3A_1326 : i32 to index
          %swap3A_1343 = arith.constant 16 : index
          %swap3A_1344 = tpu.vector_load %arg10[%swap3A_1342, %swap3A_1343] {strides = array<i32>} : memref<512x128xf32, #tpu.memory_space<vmem>>, vector<1x16xf32>,
          %swap3A_1345 = vector.shape_cast %swap3A_1344 : vector<1x16xf32> to vector<16xf32>
          %swap3A_1346 = vector.shape_cast %mul3A_1341 : vector<16xf32> to vector<1x16xf32>
          tpu.vector_store %arg10[%swap3A_1342, %swap3A_1343], %swap3A_1346 {strides = array<i32>} : memref<512x128xf32, #tpu.memory_space<vmem>>, vector<1x16xf32>,
          %get3A_1347 = arith.index_cast %add3A_1326 : i32 to index
          %get3A_1348 = arith.constant 32 : index
          %get3A_1349 = tpu.vector_load %arg10[%get3A_1347, %get3A_1348] {strides = array<i32>} : memref<512x128xf32, #tpu.memory_space<vmem>>, vector<1x16xf32>,
          %get3A_1350 = vector.shape_cast %get3A_1349 : vector<1x16xf32> to vector<16xf32>
          %mul3A_1351 = arith.mulf %get3A_1350, %gather3A_1319 : vector<16xf32>
          %swap3A_1352 = arith.index_cast %add3A_1326 : i32 to index
          %swap3A_1353 = arith.constant 32 : index
          %swap3A_1354 = tpu.vector_load %arg10[%swap3A_1352, %swap3A_1353] {strides = array<i32>} : memref<512x128xf32, #tpu.memory_space<vmem>>, vector<1x16xf32>,
          %swap3A_1355 = vector.shape_cast %swap3A_1354 : vector<1x16xf32> to vector<16xf32>
          %swap3A_1356 = vector.shape_cast %mul3A_1351 : vector<16xf32> to vector<1x16xf32>
          tpu.vector_store %arg10[%swap3A_1352, %swap3A_1353], %swap3A_1356 {strides = array<i32>} : memref<512x128xf32, #tpu.memory_space<vmem>>, vector<1x16xf32>,
          %get3A_1357 = arith.index_cast %add3A_1326 : i32 to index
          %get3A_1358 = arith.constant 48 : index
          %get3A_1359 = tpu.vector_load %arg10[%get3A_1357, %get3A_1358] {strides = array<i32>} : memref<512x128xf32, #tpu.memory_space<vmem>>, vector<1x16xf32>,
          %get3A_1360 = vector.shape_cast %get3A_1359 : vector<1x16xf32> to vector<16xf32>
          %mul3A_1361 = arith.mulf %get3A_1360, %gather3A_1319 : vector<16xf32>
          %swap3A_1362 = arith.index_cast %add3A_1326 : i32 to index
          %swap3A_1363 = arith.constant 48 : index
          %swap3A_1364 = tpu.vector_load %arg10[%swap3A_1362, %swap3A_1363] {strides = array<i32>} : memref<512x128xf32, #tpu.memory_space<vmem>>, vector<1x16xf32>,
          %swap3A_1365 = vector.shape_cast %swap3A_1364 : vector<1x16xf32> to vector<16xf32>
          %swap3A_1366 = vector.shape_cast %mul3A_1361 : vector<16xf32> to vector<1x16xf32>
          tpu.vector_store %arg10[%swap3A_1362, %swap3A_1363], %swap3A_1366 {strides = array<i32>} : memref<512x128xf32, #tpu.memory_space<vmem>>, vector<1x16xf32>,
          %get3A_1367 = arith.index_cast %add3A_1326 : i32 to index
          %get3A_1368 = arith.constant 64 : index
          %get3A_1369 = tpu.vector_load %arg10[%get3A_1367, %get3A_1368] {strides = array<i32>} : memref<512x128xf32, #tpu.memory_space<vmem>>, vector<1x16xf32>,
          %get3A_1370 = vector.shape_cast %get3A_1369 : vector<1x16xf32> to vector<16xf32>
          %mul3A_1371 = arith.mulf %get3A_1370, %gather3A_1319 : vector<16xf32>
          %swap3A_1372 = arith.index_cast %add3A_1326 : i32 to index
          %swap3A_1373 = arith.constant 64 : index
          %swap3A_1374 = tpu.vector_load %arg10[%swap3A_1372, %swap3A_1373] {strides = array<i32>} : memref<512x128xf32, #tpu.memory_space<vmem>>, vector<1x16xf32>,
          %swap3A_1375 = vector.shape_cast %swap3A_1374 : vector<1x16xf32> to vector<16xf32>
          %swap3A_1376 = vector.shape_cast %mul3A_1371 : vector<16xf32> to vector<1x16xf32>
          tpu.vector_store %arg10[%swap3A_1372, %swap3A_1373], %swap3A_1376 {strides = array<i32>} : memref<512x128xf32, #tpu.memory_space<vmem>>, vector<1x16xf32>,
          %get3A_1377 = arith.index_cast %add3A_1326 : i32 to index
          %get3A_1378 = arith.constant 80 : index
          %get3A_1379 = tpu.vector_load %arg10[%get3A_1377, %get3A_1378] {strides = array<i32>} : memref<512x128xf32, #tpu.memory_space<vmem>>, vector<1x16xf32>,
          %get3A_1380 = vector.shape_cast %get3A_1379 : vector<1x16xf32> to vector<16xf32>
          %mul3A_1381 = arith.mulf %get3A_1380, %gather3A_1319 : vector<16xf32>
          %swap3A_1382 = arith.index_cast %add3A_1326 : i32 to index
          %swap3A_1383 = arith.constant 80 : index
          %swap3A_1384 = tpu.vector_load %arg10[%swap3A_1382, %swap3A_1383] {strides = array<i32>} : memref<512x128xf32, #tpu.memory_space<vmem>>, vector<1x16xf32>,
          %swap3A_1385 = vector.shape_cast %swap3A_1384 : vector<1x16xf32> to vector<16xf32>
          %swap3A_1386 = vector.shape_cast %mul3A_1381 : vector<16xf32> to vector<1x16xf32>
          tpu.vector_store %arg10[%swap3A_1382, %swap3A_1383], %swap3A_1386 {strides = array<i32>} : memref<512x128xf32, #tpu.memory_space<vmem>>, vector<1x16xf32>,
          %get3A_1387 = arith.index_cast %add3A_1326 : i32 to index
          %get3A_1388 = arith.constant 96 : index
          %get3A_1389 = tpu.vector_load %arg10[%get3A_1387, %get3A_1388] {strides = array<i32>} : memref<512x128xf32, #tpu.memory_space<vmem>>, vector<1x16xf32>,
          %get3A_1390 = vector.shape_cast %get3A_1389 : vector<1x16xf32> to vector<16xf32>
          %mul3A_1391 = arith.mulf %get3A_1390, %gather3A_1319 : vector<16xf32>
          %swap3A_1392 = arith.index_cast %add3A_1326 : i32 to index
          %swap3A_1393 = arith.constant 96 : index
          %swap3A_1394 = tpu.vector_load %arg10[%swap3A_1392, %swap3A_1393] {strides = array<i32>} : memref<512x128xf32, #tpu.memory_space<vmem>>, vector<1x16xf32>,
          %swap3A_1395 = vector.shape_cast %swap3A_1394 : vector<1x16xf32> to vector<16xf32>
          %swap3A_1396 = vector.shape_cast %mul3A_1391 : vector<16xf32> to vector<1x16xf32>
          tpu.vector_store %arg10[%swap3A_1392, %swap3A_1393], %swap3A_1396 {strides = array<i32>} : memref<512x128xf32, #tpu.memory_space<vmem>>, vector<1x16xf32>,
          %get3A_1397 = arith.index_cast %add3A_1326 : i32 to index
          %get3A_1398 = arith.constant 112 : index
          %get3A_1399 = tpu.vector_load %arg10[%get3A_1397, %get3A_1398] {strides = array<i32>} : memref<512x128xf32, #tpu.memory_space<vmem>>, vector<1x16xf32>,
          %get3A_1400 = vector.shape_cast %get3A_1399 : vector<1x16xf32> to vector<16xf32>
          %mul3A_1401 = arith.mulf %get3A_1400, %gather3A_1319 : vector<16xf32>
          %swap3A_1402 = arith.index_cast %add3A_1326 : i32 to index
          %swap3A_1403 = arith.constant 112 : index
          %swap3A_1404 = tpu.vector_load %arg10[%swap3A_1402, %swap3A_1403] {strides = array<i32>} : memref<512x128xf32, #tpu.memory_space<vmem>>, vector<1x16xf32>,
          %swap3A_1405 = vector.shape_cast %swap3A_1404 : vector<1x16xf32> to vector<16xf32>
          %swap3A_1406 = vector.shape_cast %mul3A_1401 : vector<16xf32> to vector<1x16xf32>
          tpu.vector_store %arg10[%swap3A_1402, %swap3A_1403], %swap3A_1406 {strides = array<i32>} : memref<512x128xf32, #tpu.memory_space<vmem>>, vector<1x16xf32>,
          %broadcast_in_dim3A_1407 = arith.constant 13 : i32
          %broadcast_in_dim3A_1408 = vector.broadcast %broadcast_in_dim3A_1407 : i32 to vector<16x1xi32>
          %gather3A_1409 = vector.shape_cast %broadcast_in_dim3A_1408 : vector<16x1xi32> to vector<16xi32>
          %gather3A_1410 = tpu.dynamic_gather %get3A_225[%gather3A_1409] in [0] : vector<16xf32>, vector<16xi32> -> vector<16xf32>
          %mul3A_1411 = arith.constant 128 : i32
          %mul3A_1412 = arith.muli %add3A_208, %mul3A_1411 : i32
          %mul3A_1413 = arith.constant 16 : i32
          %mul3A_1414 = arith.muli %add3A_218, %mul3A_1413 : i32
          %add3A_1415 = arith.addi %mul3A_1412, %mul3A_1414 : i32
          %add3A_1416 = arith.constant 13 : i32
          %add3A_1417 = arith.addi %add3A_1415, %add3A_1416 : i32
          %get3A_1418 = arith.index_cast %add3A_1417 : i32 to index
          %get3A_1419 = arith.constant 0 : index
          %get3A_1420 = tpu.vector_load %arg10[%get3A_1418, %get3A_1419] {strides = array<i32>} : memref<512x128xf32, #tpu.memory_space<vmem>>, vector<1x16xf32>,
          %get3A_1421 = vector.shape_cast %get3A_1420 : vector<1x16xf32> to vector<16xf32>
          %mul3A_1422 = arith.mulf %get3A_1421, %gather3A_1410 : vector<16xf32>
          %swap3A_1423 = arith.index_cast %add3A_1417 : i32 to index
          %swap3A_1424 = arith.constant 0 : index
          %swap3A_1425 = tpu.vector_load %arg10[%swap3A_1423, %swap3A_1424] {strides = array<i32>} : memref<512x128xf32, #tpu.memory_space<vmem>>, vector<1x16xf32>,
          %swap3A_1426 = vector.shape_cast %swap3A_1425 : vector<1x16xf32> to vector<16xf32>
          %swap3A_1427 = vector.shape_cast %mul3A_1422 : vector<16xf32> to vector<1x16xf32>
          tpu.vector_store %arg10[%swap3A_1423, %swap3A_1424], %swap3A_1427 {strides = array<i32>} : memref<512x128xf32, #tpu.memory_space<vmem>>, vector<1x16xf32>,
          %get3A_1428 = arith.index_cast %add3A_1417 : i32 to index
          %get3A_1429 = arith.constant 16 : index
          %get3A_1430 = tpu.vector_load %arg10[%get3A_1428, %get3A_1429] {strides = array<i32>} : memref<512x128xf32, #tpu.memory_space<vmem>>, vector<1x16xf32>,
          %get3A_1431 = vector.shape_cast %get3A_1430 : vector<1x16xf32> to vector<16xf32>
          %mul3A_1432 = arith.mulf %get3A_1431, %gather3A_1410 : vector<16xf32>
          %swap3A_1433 = arith.index_cast %add3A_1417 : i32 to index
          %swap3A_1434 = arith.constant 16 : index
          %swap3A_1435 = tpu.vector_load %arg10[%swap3A_1433, %swap3A_1434] {strides = array<i32>} : memref<512x128xf32, #tpu.memory_space<vmem>>, vector<1x16xf32>,
          %swap3A_1436 = vector.shape_cast %swap3A_1435 : vector<1x16xf32> to vector<16xf32>
          %swap3A_1437 = vector.shape_cast %mul3A_1432 : vector<16xf32> to vector<1x16xf32>
          tpu.vector_store %arg10[%swap3A_1433, %swap3A_1434], %swap3A_1437 {strides = array<i32>} : memref<512x128xf32, #tpu.memory_space<vmem>>, vector<1x16xf32>,
          %get3A_1438 = arith.index_cast %add3A_1417 : i32 to index
          %get3A_1439 = arith.constant 32 : index
          %get3A_1440 = tpu.vector_load %arg10[%get3A_1438, %get3A_1439] {strides = array<i32>} : memref<512x128xf32, #tpu.memory_space<vmem>>, vector<1x16xf32>,
          %get3A_1441 = vector.shape_cast %get3A_1440 : vector<1x16xf32> to vector<16xf32>
          %mul3A_1442 = arith.mulf %get3A_1441, %gather3A_1410 : vector<16xf32>
          %swap3A_1443 = arith.index_cast %add3A_1417 : i32 to index
          %swap3A_1444 = arith.constant 32 : index
          %swap3A_1445 = tpu.vector_load %arg10[%swap3A_1443, %swap3A_1444] {strides = array<i32>} : memref<512x128xf32, #tpu.memory_space<vmem>>, vector<1x16xf32>,
          %swap3A_1446 = vector.shape_cast %swap3A_1445 : vector<1x16xf32> to vector<16xf32>
          %swap3A_1447 = vector.shape_cast %mul3A_1442 : vector<16xf32> to vector<1x16xf32>
          tpu.vector_store %arg10[%swap3A_1443, %swap3A_1444], %swap3A_1447 {strides = array<i32>} : memref<512x128xf32, #tpu.memory_space<vmem>>, vector<1x16xf32>,
          %get3A_1448 = arith.index_cast %add3A_1417 : i32 to index
          %get3A_1449 = arith.constant 48 : index
          %get3A_1450 = tpu.vector_load %arg10[%get3A_1448, %get3A_1449] {strides = array<i32>} : memref<512x128xf32, #tpu.memory_space<vmem>>, vector<1x16xf32>,
          %get3A_1451 = vector.shape_cast %get3A_1450 : vector<1x16xf32> to vector<16xf32>
          %mul3A_1452 = arith.mulf %get3A_1451, %gather3A_1410 : vector<16xf32>
          %swap3A_1453 = arith.index_cast %add3A_1417 : i32 to index
          %swap3A_1454 = arith.constant 48 : index
          %swap3A_1455 = tpu.vector_load %arg10[%swap3A_1453, %swap3A_1454] {strides = array<i32>} : memref<512x128xf32, #tpu.memory_space<vmem>>, vector<1x16xf32>,
          %swap3A_1456 = vector.shape_cast %swap3A_1455 : vector<1x16xf32> to vector<16xf32>
          %swap3A_1457 = vector.shape_cast %mul3A_1452 : vector<16xf32> to vector<1x16xf32>
          tpu.vector_store %arg10[%swap3A_1453, %swap3A_1454], %swap3A_1457 {strides = array<i32>} : memref<512x128xf32, #tpu.memory_space<vmem>>, vector<1x16xf32>,
          %get3A_1458 = arith.index_cast %add3A_1417 : i32 to index
          %get3A_1459 = arith.constant 64 : index
          %get3A_1460 = tpu.vector_load %arg10[%get3A_1458, %get3A_1459] {strides = array<i32>} : memref<512x128xf32, #tpu.memory_space<vmem>>, vector<1x16xf32>,
          %get3A_1461 = vector.shape_cast %get3A_1460 : vector<1x16xf32> to vector<16xf32>
          %mul3A_1462 = arith.mulf %get3A_1461, %gather3A_1410 : vector<16xf32>
          %swap3A_1463 = arith.index_cast %add3A_1417 : i32 to index
          %swap3A_1464 = arith.constant 64 : index
          %swap3A_1465 = tpu.vector_load %arg10[%swap3A_1463, %swap3A_1464] {strides = array<i32>} : memref<512x128xf32, #tpu.memory_space<vmem>>, vector<1x16xf32>,
          %swap3A_1466 = vector.shape_cast %swap3A_1465 : vector<1x16xf32> to vector<16xf32>
          %swap3A_1467 = vector.shape_cast %mul3A_1462 : vector<16xf32> to vector<1x16xf32>
          tpu.vector_store %arg10[%swap3A_1463, %swap3A_1464], %swap3A_1467 {strides = array<i32>} : memref<512x128xf32, #tpu.memory_space<vmem>>, vector<1x16xf32>,
          %get3A_1468 = arith.index_cast %add3A_1417 : i32 to index
          %get3A_1469 = arith.constant 80 : index
          %get3A_1470 = tpu.vector_load %arg10[%get3A_1468, %get3A_1469] {strides = array<i32>} : memref<512x128xf32, #tpu.memory_space<vmem>>, vector<1x16xf32>,
          %get3A_1471 = vector.shape_cast %get3A_1470 : vector<1x16xf32> to vector<16xf32>
          %mul3A_1472 = arith.mulf %get3A_1471, %gather3A_1410 : vector<16xf32>
          %swap3A_1473 = arith.index_cast %add3A_1417 : i32 to index
          %swap3A_1474 = arith.constant 80 : index
          %swap3A_1475 = tpu.vector_load %arg10[%swap3A_1473, %swap3A_1474] {strides = array<i32>} : memref<512x128xf32, #tpu.memory_space<vmem>>, vector<1x16xf32>,
          %swap3A_1476 = vector.shape_cast %swap3A_1475 : vector<1x16xf32> to vector<16xf32>
          %swap3A_1477 = vector.shape_cast %mul3A_1472 : vector<16xf32> to vector<1x16xf32>
          tpu.vector_store %arg10[%swap3A_1473, %swap3A_1474], %swap3A_1477 {strides = array<i32>} : memref<512x128xf32, #tpu.memory_space<vmem>>, vector<1x16xf32>,
          %get3A_1478 = arith.index_cast %add3A_1417 : i32 to index
          %get3A_1479 = arith.constant 96 : index
          %get3A_1480 = tpu.vector_load %arg10[%get3A_1478, %get3A_1479] {strides = array<i32>} : memref<512x128xf32, #tpu.memory_space<vmem>>, vector<1x16xf32>,
          %get3A_1481 = vector.shape_cast %get3A_1480 : vector<1x16xf32> to vector<16xf32>
          %mul3A_1482 = arith.mulf %get3A_1481, %gather3A_1410 : vector<16xf32>
          %swap3A_1483 = arith.index_cast %add3A_1417 : i32 to index
          %swap3A_1484 = arith.constant 96 : index
          %swap3A_1485 = tpu.vector_load %arg10[%swap3A_1483, %swap3A_1484] {strides = array<i32>} : memref<512x128xf32, #tpu.memory_space<vmem>>, vector<1x16xf32>,
          %swap3A_1486 = vector.shape_cast %swap3A_1485 : vector<1x16xf32> to vector<16xf32>
          %swap3A_1487 = vector.shape_cast %mul3A_1482 : vector<16xf32> to vector<1x16xf32>
          tpu.vector_store %arg10[%swap3A_1483, %swap3A_1484], %swap3A_1487 {strides = array<i32>} : memref<512x128xf32, #tpu.memory_space<vmem>>, vector<1x16xf32>,
          %get3A_1488 = arith.index_cast %add3A_1417 : i32 to index
          %get3A_1489 = arith.constant 112 : index
          %get3A_1490 = tpu.vector_load %arg10[%get3A_1488, %get3A_1489] {strides = array<i32>} : memref<512x128xf32, #tpu.memory_space<vmem>>, vector<1x16xf32>,
          %get3A_1491 = vector.shape_cast %get3A_1490 : vector<1x16xf32> to vector<16xf32>
          %mul3A_1492 = arith.mulf %get3A_1491, %gather3A_1410 : vector<16xf32>
          %swap3A_1493 = arith.index_cast %add3A_1417 : i32 to index
          %swap3A_1494 = arith.constant 112 : index
          %swap3A_1495 = tpu.vector_load %arg10[%swap3A_1493, %swap3A_1494] {strides = array<i32>} : memref<512x128xf32, #tpu.memory_space<vmem>>, vector<1x16xf32>,
          %swap3A_1496 = vector.shape_cast %swap3A_1495 : vector<1x16xf32> to vector<16xf32>
          %swap3A_1497 = vector.shape_cast %mul3A_1492 : vector<16xf32> to vector<1x16xf32>
          tpu.vector_store %arg10[%swap3A_1493, %swap3A_1494], %swap3A_1497 {strides = array<i32>} : memref<512x128xf32, #tpu.memory_space<vmem>>, vector<1x16xf32>,
          %broadcast_in_dim3A_1498 = arith.constant 14 : i32
          %broadcast_in_dim3A_1499 = vector.broadcast %broadcast_in_dim3A_1498 : i32 to vector<16x1xi32>
          %gather3A_1500 = vector.shape_cast %broadcast_in_dim3A_1499 : vector<16x1xi32> to vector<16xi32>
          %gather3A_1501 = tpu.dynamic_gather %get3A_225[%gather3A_1500] in [0] : vector<16xf32>, vector<16xi32> -> vector<16xf32>
          %mul3A_1502 = arith.constant 128 : i32
          %mul3A_1503 = arith.muli %add3A_208, %mul3A_1502 : i32
          %mul3A_1504 = arith.constant 16 : i32
          %mul3A_1505 = arith.muli %add3A_218, %mul3A_1504 : i32
          %add3A_1506 = arith.addi %mul3A_1503, %mul3A_1505 : i32
          %add3A_1507 = arith.constant 14 : i32
          %add3A_1508 = arith.addi %add3A_1506, %add3A_1507 : i32
          %get3A_1509 = arith.index_cast %add3A_1508 : i32 to index
          %get3A_1510 = arith.constant 0 : index
          %get3A_1511 = tpu.vector_load %arg10[%get3A_1509, %get3A_1510] {strides = array<i32>} : memref<512x128xf32, #tpu.memory_space<vmem>>, vector<1x16xf32>,
          %get3A_1512 = vector.shape_cast %get3A_1511 : vector<1x16xf32> to vector<16xf32>
          %mul3A_1513 = arith.mulf %get3A_1512, %gather3A_1501 : vector<16xf32>
          %swap3A_1514 = arith.index_cast %add3A_1508 : i32 to index
          %swap3A_1515 = arith.constant 0 : index
          %swap3A_1516 = tpu.vector_load %arg10[%swap3A_1514, %swap3A_1515] {strides = array<i32>} : memref<512x128xf32, #tpu.memory_space<vmem>>, vector<1x16xf32>,
          %swap3A_1517 = vector.shape_cast %swap3A_1516 : vector<1x16xf32> to vector<16xf32>
          %swap3A_1518 = vector.shape_cast %mul3A_1513 : vector<16xf32> to vector<1x16xf32>
          tpu.vector_store %arg10[%swap3A_1514, %swap3A_1515], %swap3A_1518 {strides = array<i32>} : memref<512x128xf32, #tpu.memory_space<vmem>>, vector<1x16xf32>,
          %get3A_1519 = arith.index_cast %add3A_1508 : i32 to index
          %get3A_1520 = arith.constant 16 : index
          %get3A_1521 = tpu.vector_load %arg10[%get3A_1519, %get3A_1520] {strides = array<i32>} : memref<512x128xf32, #tpu.memory_space<vmem>>, vector<1x16xf32>,
          %get3A_1522 = vector.shape_cast %get3A_1521 : vector<1x16xf32> to vector<16xf32>
          %mul3A_1523 = arith.mulf %get3A_1522, %gather3A_1501 : vector<16xf32>
          %swap3A_1524 = arith.index_cast %add3A_1508 : i32 to index
          %swap3A_1525 = arith.constant 16 : index
          %swap3A_1526 = tpu.vector_load %arg10[%swap3A_1524, %swap3A_1525] {strides = array<i32>} : memref<512x128xf32, #tpu.memory_space<vmem>>, vector<1x16xf32>,
          %swap3A_1527 = vector.shape_cast %swap3A_1526 : vector<1x16xf32> to vector<16xf32>
          %swap3A_1528 = vector.shape_cast %mul3A_1523 : vector<16xf32> to vector<1x16xf32>
          tpu.vector_store %arg10[%swap3A_1524, %swap3A_1525], %swap3A_1528 {strides = array<i32>} : memref<512x128xf32, #tpu.memory_space<vmem>>, vector<1x16xf32>,
          %get3A_1529 = arith.index_cast %add3A_1508 : i32 to index
          %get3A_1530 = arith.constant 32 : index
          %get3A_1531 = tpu.vector_load %arg10[%get3A_1529, %get3A_1530] {strides = array<i32>} : memref<512x128xf32, #tpu.memory_space<vmem>>, vector<1x16xf32>,
          %get3A_1532 = vector.shape_cast %get3A_1531 : vector<1x16xf32> to vector<16xf32>
          %mul3A_1533 = arith.mulf %get3A_1532, %gather3A_1501 : vector<16xf32>
          %swap3A_1534 = arith.index_cast %add3A_1508 : i32 to index
          %swap3A_1535 = arith.constant 32 : index
          %swap3A_1536 = tpu.vector_load %arg10[%swap3A_1534, %swap3A_1535] {strides = array<i32>} : memref<512x128xf32, #tpu.memory_space<vmem>>, vector<1x16xf32>,
          %swap3A_1537 = vector.shape_cast %swap3A_1536 : vector<1x16xf32> to vector<16xf32>
          %swap3A_1538 = vector.shape_cast %mul3A_1533 : vector<16xf32> to vector<1x16xf32>
          tpu.vector_store %arg10[%swap3A_1534, %swap3A_1535], %swap3A_1538 {strides = array<i32>} : memref<512x128xf32, #tpu.memory_space<vmem>>, vector<1x16xf32>,
          %get3A_1539 = arith.index_cast %add3A_1508 : i32 to index
          %get3A_1540 = arith.constant 48 : index
          %get3A_1541 = tpu.vector_load %arg10[%get3A_1539, %get3A_1540] {strides = array<i32>} : memref<512x128xf32, #tpu.memory_space<vmem>>, vector<1x16xf32>,
          %get3A_1542 = vector.shape_cast %get3A_1541 : vector<1x16xf32> to vector<16xf32>
          %mul3A_1543 = arith.mulf %get3A_1542, %gather3A_1501 : vector<16xf32>
          %swap3A_1544 = arith.index_cast %add3A_1508 : i32 to index
          %swap3A_1545 = arith.constant 48 : index
          %swap3A_1546 = tpu.vector_load %arg10[%swap3A_1544, %swap3A_1545] {strides = array<i32>} : memref<512x128xf32, #tpu.memory_space<vmem>>, vector<1x16xf32>,
          %swap3A_1547 = vector.shape_cast %swap3A_1546 : vector<1x16xf32> to vector<16xf32>
          %swap3A_1548 = vector.shape_cast %mul3A_1543 : vector<16xf32> to vector<1x16xf32>
          tpu.vector_store %arg10[%swap3A_1544, %swap3A_1545], %swap3A_1548 {strides = array<i32>} : memref<512x128xf32, #tpu.memory_space<vmem>>, vector<1x16xf32>,
          %get3A_1549 = arith.index_cast %add3A_1508 : i32 to index
          %get3A_1550 = arith.constant 64 : index
          %get3A_1551 = tpu.vector_load %arg10[%get3A_1549, %get3A_1550] {strides = array<i32>} : memref<512x128xf32, #tpu.memory_space<vmem>>, vector<1x16xf32>,
          %get3A_1552 = vector.shape_cast %get3A_1551 : vector<1x16xf32> to vector<16xf32>
          %mul3A_1553 = arith.mulf %get3A_1552, %gather3A_1501 : vector<16xf32>
          %swap3A_1554 = arith.index_cast %add3A_1508 : i32 to index
          %swap3A_1555 = arith.constant 64 : index
          %swap3A_1556 = tpu.vector_load %arg10[%swap3A_1554, %swap3A_1555] {strides = array<i32>} : memref<512x128xf32, #tpu.memory_space<vmem>>, vector<1x16xf32>,
          %swap3A_1557 = vector.shape_cast %swap3A_1556 : vector<1x16xf32> to vector<16xf32>
          %swap3A_1558 = vector.shape_cast %mul3A_1553 : vector<16xf32> to vector<1x16xf32>
          tpu.vector_store %arg10[%swap3A_1554, %swap3A_1555], %swap3A_1558 {strides = array<i32>} : memref<512x128xf32, #tpu.memory_space<vmem>>, vector<1x16xf32>,
          %get3A_1559 = arith.index_cast %add3A_1508 : i32 to index
          %get3A_1560 = arith.constant 80 : index
          %get3A_1561 = tpu.vector_load %arg10[%get3A_1559, %get3A_1560] {strides = array<i32>} : memref<512x128xf32, #tpu.memory_space<vmem>>, vector<1x16xf32>,
          %get3A_1562 = vector.shape_cast %get3A_1561 : vector<1x16xf32> to vector<16xf32>
          %mul3A_1563 = arith.mulf %get3A_1562, %gather3A_1501 : vector<16xf32>
          %swap3A_1564 = arith.index_cast %add3A_1508 : i32 to index
          %swap3A_1565 = arith.constant 80 : index
          %swap3A_1566 = tpu.vector_load %arg10[%swap3A_1564, %swap3A_1565] {strides = array<i32>} : memref<512x128xf32, #tpu.memory_space<vmem>>, vector<1x16xf32>,
          %swap3A_1567 = vector.shape_cast %swap3A_1566 : vector<1x16xf32> to vector<16xf32>
          %swap3A_1568 = vector.shape_cast %mul3A_1563 : vector<16xf32> to vector<1x16xf32>
          tpu.vector_store %arg10[%swap3A_1564, %swap3A_1565], %swap3A_1568 {strides = array<i32>} : memref<512x128xf32, #tpu.memory_space<vmem>>, vector<1x16xf32>,
          %get3A_1569 = arith.index_cast %add3A_1508 : i32 to index
          %get3A_1570 = arith.constant 96 : index
          %get3A_1571 = tpu.vector_load %arg10[%get3A_1569, %get3A_1570] {strides = array<i32>} : memref<512x128xf32, #tpu.memory_space<vmem>>, vector<1x16xf32>,
          %get3A_1572 = vector.shape_cast %get3A_1571 : vector<1x16xf32> to vector<16xf32>
          %mul3A_1573 = arith.mulf %get3A_1572, %gather3A_1501 : vector<16xf32>
          %swap3A_1574 = arith.index_cast %add3A_1508 : i32 to index
          %swap3A_1575 = arith.constant 96 : index
          %swap3A_1576 = tpu.vector_load %arg10[%swap3A_1574, %swap3A_1575] {strides = array<i32>} : memref<512x128xf32, #tpu.memory_space<vmem>>, vector<1x16xf32>,
          %swap3A_1577 = vector.shape_cast %swap3A_1576 : vector<1x16xf32> to vector<16xf32>
          %swap3A_1578 = vector.shape_cast %mul3A_1573 : vector<16xf32> to vector<1x16xf32>
          tpu.vector_store %arg10[%swap3A_1574, %swap3A_1575], %swap3A_1578 {strides = array<i32>} : memref<512x128xf32, #tpu.memory_space<vmem>>, vector<1x16xf32>,
          %get3A_1579 = arith.index_cast %add3A_1508 : i32 to index
          %get3A_1580 = arith.constant 112 : index
          %get3A_1581 = tpu.vector_load %arg10[%get3A_1579, %get3A_1580] {strides = array<i32>} : memref<512x128xf32, #tpu.memory_space<vmem>>, vector<1x16xf32>,
          %get3A_1582 = vector.shape_cast %get3A_1581 : vector<1x16xf32> to vector<16xf32>
          %mul3A_1583 = arith.mulf %get3A_1582, %gather3A_1501 : vector<16xf32>
          %swap3A_1584 = arith.index_cast %add3A_1508 : i32 to index
          %swap3A_1585 = arith.constant 112 : index
          %swap3A_1586 = tpu.vector_load %arg10[%swap3A_1584, %swap3A_1585] {strides = array<i32>} : memref<512x128xf32, #tpu.memory_space<vmem>>, vector<1x16xf32>,
          %swap3A_1587 = vector.shape_cast %swap3A_1586 : vector<1x16xf32> to vector<16xf32>
          %swap3A_1588 = vector.shape_cast %mul3A_1583 : vector<16xf32> to vector<1x16xf32>
          tpu.vector_store %arg10[%swap3A_1584, %swap3A_1585], %swap3A_1588 {strides = array<i32>} : memref<512x128xf32, #tpu.memory_space<vmem>>, vector<1x16xf32>,
          %broadcast_in_dim3A_1589 = arith.constant 15 : i32
          %broadcast_in_dim3A_1590 = vector.broadcast %broadcast_in_dim3A_1589 : i32 to vector<16x1xi32>
          %gather3A_1591 = vector.shape_cast %broadcast_in_dim3A_1590 : vector<16x1xi32> to vector<16xi32>
          %gather3A_1592 = tpu.dynamic_gather %get3A_225[%gather3A_1591] in [0] : vector<16xf32>, vector<16xi32> -> vector<16xf32>
          %mul3A_1593 = arith.constant 128 : i32
          %mul3A_1594 = arith.muli %add3A_208, %mul3A_1593 : i32
          %mul3A_1595 = arith.constant 16 : i32
          %mul3A_1596 = arith.muli %add3A_218, %mul3A_1595 : i32
          %add3A_1597 = arith.addi %mul3A_1594, %mul3A_1596 : i32
          %add3A_1598 = arith.constant 15 : i32
          %add3A_1599 = arith.addi %add3A_1597, %add3A_1598 : i32
          %get3A_1600 = arith.index_cast %add3A_1599 : i32 to index
          %get3A_1601 = arith.constant 0 : index
          %get3A_1602 = tpu.vector_load %arg10[%get3A_1600, %get3A_1601] {strides = array<i32>} : memref<512x128xf32, #tpu.memory_space<vmem>>, vector<1x16xf32>,
          %get3A_1603 = vector.shape_cast %get3A_1602 : vector<1x16xf32> to vector<16xf32>
          %mul3A_1604 = arith.mulf %get3A_1603, %gather3A_1592 : vector<16xf32>
          %swap3A_1605 = arith.index_cast %add3A_1599 : i32 to index
          %swap3A_1606 = arith.constant 0 : index
          %swap3A_1607 = tpu.vector_load %arg10[%swap3A_1605, %swap3A_1606] {strides = array<i32>} : memref<512x128xf32, #tpu.memory_space<vmem>>, vector<1x16xf32>,
          %swap3A_1608 = vector.shape_cast %swap3A_1607 : vector<1x16xf32> to vector<16xf32>
          %swap3A_1609 = vector.shape_cast %mul3A_1604 : vector<16xf32> to vector<1x16xf32>
          tpu.vector_store %arg10[%swap3A_1605, %swap3A_1606], %swap3A_1609 {strides = array<i32>} : memref<512x128xf32, #tpu.memory_space<vmem>>, vector<1x16xf32>,
          %get3A_1610 = arith.index_cast %add3A_1599 : i32 to index
          %get3A_1611 = arith.constant 16 : index
          %get3A_1612 = tpu.vector_load %arg10[%get3A_1610, %get3A_1611] {strides = array<i32>} : memref<512x128xf32, #tpu.memory_space<vmem>>, vector<1x16xf32>,
          %get3A_1613 = vector.shape_cast %get3A_1612 : vector<1x16xf32> to vector<16xf32>
          %mul3A_1614 = arith.mulf %get3A_1613, %gather3A_1592 : vector<16xf32>
          %swap3A_1615 = arith.index_cast %add3A_1599 : i32 to index
          %swap3A_1616 = arith.constant 16 : index
          %swap3A_1617 = tpu.vector_load %arg10[%swap3A_1615, %swap3A_1616] {strides = array<i32>} : memref<512x128xf32, #tpu.memory_space<vmem>>, vector<1x16xf32>,
          %swap3A_1618 = vector.shape_cast %swap3A_1617 : vector<1x16xf32> to vector<16xf32>
          %swap3A_1619 = vector.shape_cast %mul3A_1614 : vector<16xf32> to vector<1x16xf32>
          tpu.vector_store %arg10[%swap3A_1615, %swap3A_1616], %swap3A_1619 {strides = array<i32>} : memref<512x128xf32, #tpu.memory_space<vmem>>, vector<1x16xf32>,
          %get3A_1620 = arith.index_cast %add3A_1599 : i32 to index
          %get3A_1621 = arith.constant 32 : index
          %get3A_1622 = tpu.vector_load %arg10[%get3A_1620, %get3A_1621] {strides = array<i32>} : memref<512x128xf32, #tpu.memory_space<vmem>>, vector<1x16xf32>,
          %get3A_1623 = vector.shape_cast %get3A_1622 : vector<1x16xf32> to vector<16xf32>
          %mul3A_1624 = arith.mulf %get3A_1623, %gather3A_1592 : vector<16xf32>
          %swap3A_1625 = arith.index_cast %add3A_1599 : i32 to index
          %swap3A_1626 = arith.constant 32 : index
          %swap3A_1627 = tpu.vector_load %arg10[%swap3A_1625, %swap3A_1626] {strides = array<i32>} : memref<512x128xf32, #tpu.memory_space<vmem>>, vector<1x16xf32>,
          %swap3A_1628 = vector.shape_cast %swap3A_1627 : vector<1x16xf32> to vector<16xf32>
          %swap3A_1629 = vector.shape_cast %mul3A_1624 : vector<16xf32> to vector<1x16xf32>
          tpu.vector_store %arg10[%swap3A_1625, %swap3A_1626], %swap3A_1629 {strides = array<i32>} : memref<512x128xf32, #tpu.memory_space<vmem>>, vector<1x16xf32>,
          %get3A_1630 = arith.index_cast %add3A_1599 : i32 to index
          %get3A_1631 = arith.constant 48 : index
          %get3A_1632 = tpu.vector_load %arg10[%get3A_1630, %get3A_1631] {strides = array<i32>} : memref<512x128xf32, #tpu.memory_space<vmem>>, vector<1x16xf32>,
          %get3A_1633 = vector.shape_cast %get3A_1632 : vector<1x16xf32> to vector<16xf32>
          %mul3A_1634 = arith.mulf %get3A_1633, %gather3A_1592 : vector<16xf32>
          %swap3A_1635 = arith.index_cast %add3A_1599 : i32 to index
          %swap3A_1636 = arith.constant 48 : index
          %swap3A_1637 = tpu.vector_load %arg10[%swap3A_1635, %swap3A_1636] {strides = array<i32>} : memref<512x128xf32, #tpu.memory_space<vmem>>, vector<1x16xf32>,
          %swap3A_1638 = vector.shape_cast %swap3A_1637 : vector<1x16xf32> to vector<16xf32>
          %swap3A_1639 = vector.shape_cast %mul3A_1634 : vector<16xf32> to vector<1x16xf32>
          tpu.vector_store %arg10[%swap3A_1635, %swap3A_1636], %swap3A_1639 {strides = array<i32>} : memref<512x128xf32, #tpu.memory_space<vmem>>, vector<1x16xf32>,
          %get3A_1640 = arith.index_cast %add3A_1599 : i32 to index
          %get3A_1641 = arith.constant 64 : index
          %get3A_1642 = tpu.vector_load %arg10[%get3A_1640, %get3A_1641] {strides = array<i32>} : memref<512x128xf32, #tpu.memory_space<vmem>>, vector<1x16xf32>,
          %get3A_1643 = vector.shape_cast %get3A_1642 : vector<1x16xf32> to vector<16xf32>
          %mul3A_1644 = arith.mulf %get3A_1643, %gather3A_1592 : vector<16xf32>
          %swap3A_1645 = arith.index_cast %add3A_1599 : i32 to index
          %swap3A_1646 = arith.constant 64 : index
          %swap3A_1647 = tpu.vector_load %arg10[%swap3A_1645, %swap3A_1646] {strides = array<i32>} : memref<512x128xf32, #tpu.memory_space<vmem>>, vector<1x16xf32>,
          %swap3A_1648 = vector.shape_cast %swap3A_1647 : vector<1x16xf32> to vector<16xf32>
          %swap3A_1649 = vector.shape_cast %mul3A_1644 : vector<16xf32> to vector<1x16xf32>
          tpu.vector_store %arg10[%swap3A_1645, %swap3A_1646], %swap3A_1649 {strides = array<i32>} : memref<512x128xf32, #tpu.memory_space<vmem>>, vector<1x16xf32>,
          %get3A_1650 = arith.index_cast %add3A_1599 : i32 to index
          %get3A_1651 = arith.constant 80 : index
          %get3A_1652 = tpu.vector_load %arg10[%get3A_1650, %get3A_1651] {strides = array<i32>} : memref<512x128xf32, #tpu.memory_space<vmem>>, vector<1x16xf32>,
          %get3A_1653 = vector.shape_cast %get3A_1652 : vector<1x16xf32> to vector<16xf32>
          %mul3A_1654 = arith.mulf %get3A_1653, %gather3A_1592 : vector<16xf32>
          %swap3A_1655 = arith.index_cast %add3A_1599 : i32 to index
          %swap3A_1656 = arith.constant 80 : index
          %swap3A_1657 = tpu.vector_load %arg10[%swap3A_1655, %swap3A_1656] {strides = array<i32>} : memref<512x128xf32, #tpu.memory_space<vmem>>, vector<1x16xf32>,
          %swap3A_1658 = vector.shape_cast %swap3A_1657 : vector<1x16xf32> to vector<16xf32>
          %swap3A_1659 = vector.shape_cast %mul3A_1654 : vector<16xf32> to vector<1x16xf32>
          tpu.vector_store %arg10[%swap3A_1655, %swap3A_1656], %swap3A_1659 {strides = array<i32>} : memref<512x128xf32, #tpu.memory_space<vmem>>, vector<1x16xf32>,
          %get3A_1660 = arith.index_cast %add3A_1599 : i32 to index
          %get3A_1661 = arith.constant 96 : index
          %get3A_1662 = tpu.vector_load %arg10[%get3A_1660, %get3A_1661] {strides = array<i32>} : memref<512x128xf32, #tpu.memory_space<vmem>>, vector<1x16xf32>,
          %get3A_1663 = vector.shape_cast %get3A_1662 : vector<1x16xf32> to vector<16xf32>
          %mul3A_1664 = arith.mulf %get3A_1663, %gather3A_1592 : vector<16xf32>
          %swap3A_1665 = arith.index_cast %add3A_1599 : i32 to index
          %swap3A_1666 = arith.constant 96 : index
          %swap3A_1667 = tpu.vector_load %arg10[%swap3A_1665, %swap3A_1666] {strides = array<i32>} : memref<512x128xf32, #tpu.memory_space<vmem>>, vector<1x16xf32>,
          %swap3A_1668 = vector.shape_cast %swap3A_1667 : vector<1x16xf32> to vector<16xf32>
          %swap3A_1669 = vector.shape_cast %mul3A_1664 : vector<16xf32> to vector<1x16xf32>
          tpu.vector_store %arg10[%swap3A_1665, %swap3A_1666], %swap3A_1669 {strides = array<i32>} : memref<512x128xf32, #tpu.memory_space<vmem>>, vector<1x16xf32>,
          %get3A_1670 = arith.index_cast %add3A_1599 : i32 to index
          %get3A_1671 = arith.constant 112 : index
          %get3A_1672 = tpu.vector_load %arg10[%get3A_1670, %get3A_1671] {strides = array<i32>} : memref<512x128xf32, #tpu.memory_space<vmem>>, vector<1x16xf32>,
          %get3A_1673 = vector.shape_cast %get3A_1672 : vector<1x16xf32> to vector<16xf32>
          %mul3A_1674 = arith.mulf %get3A_1673, %gather3A_1592 : vector<16xf32>
          %swap3A_1675 = arith.index_cast %add3A_1599 : i32 to index
          %swap3A_1676 = arith.constant 112 : index
          %swap3A_1677 = tpu.vector_load %arg10[%swap3A_1675, %swap3A_1676] {strides = array<i32>} : memref<512x128xf32, #tpu.memory_space<vmem>>, vector<1x16xf32>,
          %swap3A_1678 = vector.shape_cast %swap3A_1677 : vector<1x16xf32> to vector<16xf32>
          %swap3A_1679 = vector.shape_cast %mul3A_1674 : vector<16xf32> to vector<1x16xf32>
          tpu.vector_store %arg10[%swap3A_1675, %swap3A_1676], %swap3A_1679 {strides = array<i32>} : memref<512x128xf32, #tpu.memory_space<vmem>>, vector<1x16xf32>,
        }
        %scan3A_213 = arith.constant 8 : i32
      }
      %scan3A_111 = arith.constant 4 : i32
      %run_scoped3A = arith.constant 0 : i32
      "tpu.region"() ({
        %run_scoped3A_204 = tpu.sem_alloc : memref<!tpu.dma_semaphore, #tpu.memory_space<semaphore_mem>>
        %dma_start3A_205 = arith.constant 0 : i32
        %dma_start3A_206 = arith.constant 0 : i32
        %dma_start3A_207 = tpu.memref_slice %arg10[%dma_start3A_205, %dma_start3A_206] : memref<512x128xf32, #tpu.memory_space<vmem>> -> memref<128x128xf32, #tpu.memory_space<vmem>>
        %dma_start3A_208 = arith.constant 0 : i32
        %dma_start3A_209 = tpu.memref_slice %arg8[%run_scoped3A, %dma_start3A_208] : memref<8x128xi32, #tpu.memory_space<vmem>> -> memref<1x128xi32, #tpu.memory_space<vmem>>
        %dma_start3A_210 = tpu.memref_squeeze %dma_start3A_209 : memref<1x128xi32, #tpu.memory_space<vmem>> -> memref<128xi32, #tpu.memory_space<vmem>>
        %dma_start3A_211 = arith.constant 0 : i32
        %dma_start3A_212 = arith.constant 0 : i32
        %dma_start3A_213 = tpu.memref_slice %arg12[%dma_start3A_211, %dma_start3A_212] : memref<5120x128xf32, #tpu.memory_space<vmem_shared>> -> memref<5120x128xf32, #tpu.memory_space<vmem_shared>>
        tpu.enqueue_indirect_dma source(%dma_start3A_207 : memref<128x128xf32, #tpu.memory_space<vmem>>) target(%dma_start3A_213 : memref<5120x128xf32, #tpu.memory_space<vmem_shared>>) offsets(%dma_start3A_210 : memref<128xi32, #tpu.memory_space<vmem>>) semaphore(%run_scoped3A_204 : memref<!tpu.dma_semaphore, #tpu.memory_space<semaphore_mem>>) {add = true}
        %dma_wait3A_214 = arith.constant 0 : i32
        %dma_wait3A_215 = arith.constant 0 : i32
        %dma_wait3A_216 = tpu.memref_slice %arg10[%dma_wait3A_214, %dma_wait3A_215] : memref<512x128xf32, #tpu.memory_space<vmem>> -> memref<128x128xf32, #tpu.memory_space<vmem>>
        %dma_wait3A_217 = arith.constant 0 : i32
        %dma_wait3A_218 = tpu.memref_slice %arg8[%run_scoped3A, %dma_wait3A_217] : memref<8x128xi32, #tpu.memory_space<vmem>> -> memref<1x128xi32, #tpu.memory_space<vmem>>
        %dma_wait3A_219 = tpu.memref_squeeze %dma_wait3A_218 : memref<1x128xi32, #tpu.memory_space<vmem>> -> memref<128xi32, #tpu.memory_space<vmem>>
        %dma_wait3A_220 = arith.constant 0 : i32
        %dma_wait3A_221 = arith.constant 0 : i32
        %dma_wait3A_222 = tpu.memref_slice %arg12[%dma_wait3A_220, %dma_wait3A_221] : memref<5120x128xf32, #tpu.memory_space<vmem_shared>> -> memref<5120x128xf32, #tpu.memory_space<vmem_shared>>
        tpu.wait_indirect_dma semaphore(%run_scoped3A_204 : memref<!tpu.dma_semaphore, #tpu.memory_space<semaphore_mem>>) src(%dma_wait3A_216 : memref<128x128xf32, #tpu.memory_space<vmem>>) dst(%dma_wait3A_222 : memref<5120x128xf32, #tpu.memory_space<vmem_shared>>)
        tpu.yield
      }) : () -> ()
      %run_scoped3A_112 = arith.constant 1 : i32
      "tpu.region"() ({
        %run_scoped3A_204 = tpu.sem_alloc : memref<!tpu.dma_semaphore, #tpu.memory_space<semaphore_mem>>
        %dma_start3A_205 = arith.constant 128 : i32
        %dma_start3A_206 = arith.constant 0 : i32
        %dma_start3A_207 = tpu.memref_slice %arg10[%dma_start3A_205, %dma_start3A_206] : memref<512x128xf32, #tpu.memory_space<vmem>> -> memref<128x128xf32, #tpu.memory_space<vmem>>
        %dma_start3A_208 = arith.constant 0 : i32
        %dma_start3A_209 = tpu.memref_slice %arg8[%run_scoped3A_112, %dma_start3A_208] : memref<8x128xi32, #tpu.memory_space<vmem>> -> memref<1x128xi32, #tpu.memory_space<vmem>>
        %dma_start3A_210 = tpu.memref_squeeze %dma_start3A_209 : memref<1x128xi32, #tpu.memory_space<vmem>> -> memref<128xi32, #tpu.memory_space<vmem>>
        %dma_start3A_211 = arith.constant 0 : i32
        %dma_start3A_212 = arith.constant 0 : i32
        %dma_start3A_213 = tpu.memref_slice %arg12[%dma_start3A_211, %dma_start3A_212] : memref<5120x128xf32, #tpu.memory_space<vmem_shared>> -> memref<5120x128xf32, #tpu.memory_space<vmem_shared>>
        tpu.enqueue_indirect_dma source(%dma_start3A_207 : memref<128x128xf32, #tpu.memory_space<vmem>>) target(%dma_start3A_213 : memref<5120x128xf32, #tpu.memory_space<vmem_shared>>) offsets(%dma_start3A_210 : memref<128xi32, #tpu.memory_space<vmem>>) semaphore(%run_scoped3A_204 : memref<!tpu.dma_semaphore, #tpu.memory_space<semaphore_mem>>) {add = true}
        %dma_wait3A_214 = arith.constant 128 : i32
        %dma_wait3A_215 = arith.constant 0 : i32
        %dma_wait3A_216 = tpu.memref_slice %arg10[%dma_wait3A_214, %dma_wait3A_215] : memref<512x128xf32, #tpu.memory_space<vmem>> -> memref<128x128xf32, #tpu.memory_space<vmem>>
        %dma_wait3A_217 = arith.constant 0 : i32
        %dma_wait3A_218 = tpu.memref_slice %arg8[%run_scoped3A_112, %dma_wait3A_217] : memref<8x128xi32, #tpu.memory_space<vmem>> -> memref<1x128xi32, #tpu.memory_space<vmem>>
        %dma_wait3A_219 = tpu.memref_squeeze %dma_wait3A_218 : memref<1x128xi32, #tpu.memory_space<vmem>> -> memref<128xi32, #tpu.memory_space<vmem>>
        %dma_wait3A_220 = arith.constant 0 : i32
        %dma_wait3A_221 = arith.constant 0 : i32
        %dma_wait3A_222 = tpu.memref_slice %arg12[%dma_wait3A_220, %dma_wait3A_221] : memref<5120x128xf32, #tpu.memory_space<vmem_shared>> -> memref<5120x128xf32, #tpu.memory_space<vmem_shared>>
        tpu.wait_indirect_dma semaphore(%run_scoped3A_204 : memref<!tpu.dma_semaphore, #tpu.memory_space<semaphore_mem>>) src(%dma_wait3A_216 : memref<128x128xf32, #tpu.memory_space<vmem>>) dst(%dma_wait3A_222 : memref<5120x128xf32, #tpu.memory_space<vmem_shared>>)
        tpu.yield
      }) : () -> ()
      %run_scoped3A_113 = arith.constant 2 : i32
      "tpu.region"() ({
        %run_scoped3A_204 = tpu.sem_alloc : memref<!tpu.dma_semaphore, #tpu.memory_space<semaphore_mem>>
        %dma_start3A_205 = arith.constant 256 : i32
        %dma_start3A_206 = arith.constant 0 : i32
        %dma_start3A_207 = tpu.memref_slice %arg10[%dma_start3A_205, %dma_start3A_206] : memref<512x128xf32, #tpu.memory_space<vmem>> -> memref<128x128xf32, #tpu.memory_space<vmem>>
        %dma_start3A_208 = arith.constant 0 : i32
        %dma_start3A_209 = tpu.memref_slice %arg8[%run_scoped3A_113, %dma_start3A_208] : memref<8x128xi32, #tpu.memory_space<vmem>> -> memref<1x128xi32, #tpu.memory_space<vmem>>
        %dma_start3A_210 = tpu.memref_squeeze %dma_start3A_209 : memref<1x128xi32, #tpu.memory_space<vmem>> -> memref<128xi32, #tpu.memory_space<vmem>>
        %dma_start3A_211 = arith.constant 0 : i32
        %dma_start3A_212 = arith.constant 0 : i32
        %dma_start3A_213 = tpu.memref_slice %arg12[%dma_start3A_211, %dma_start3A_212] : memref<5120x128xf32, #tpu.memory_space<vmem_shared>> -> memref<5120x128xf32, #tpu.memory_space<vmem_shared>>
        tpu.enqueue_indirect_dma source(%dma_start3A_207 : memref<128x128xf32, #tpu.memory_space<vmem>>) target(%dma_start3A_213 : memref<5120x128xf32, #tpu.memory_space<vmem_shared>>) offsets(%dma_start3A_210 : memref<128xi32, #tpu.memory_space<vmem>>) semaphore(%run_scoped3A_204 : memref<!tpu.dma_semaphore, #tpu.memory_space<semaphore_mem>>) {add = true}
        %dma_wait3A_214 = arith.constant 256 : i32
        %dma_wait3A_215 = arith.constant 0 : i32
        %dma_wait3A_216 = tpu.memref_slice %arg10[%dma_wait3A_214, %dma_wait3A_215] : memref<512x128xf32, #tpu.memory_space<vmem>> -> memref<128x128xf32, #tpu.memory_space<vmem>>
        %dma_wait3A_217 = arith.constant 0 : i32
        %dma_wait3A_218 = tpu.memref_slice %arg8[%run_scoped3A_113, %dma_wait3A_217] : memref<8x128xi32, #tpu.memory_space<vmem>> -> memref<1x128xi32, #tpu.memory_space<vmem>>
        %dma_wait3A_219 = tpu.memref_squeeze %dma_wait3A_218 : memref<1x128xi32, #tpu.memory_space<vmem>> -> memref<128xi32, #tpu.memory_space<vmem>>
        %dma_wait3A_220 = arith.constant 0 : i32
        %dma_wait3A_221 = arith.constant 0 : i32
        %dma_wait3A_222 = tpu.memref_slice %arg12[%dma_wait3A_220, %dma_wait3A_221] : memref<5120x128xf32, #tpu.memory_space<vmem_shared>> -> memref<5120x128xf32, #tpu.memory_space<vmem_shared>>
        tpu.wait_indirect_dma semaphore(%run_scoped3A_204 : memref<!tpu.dma_semaphore, #tpu.memory_space<semaphore_mem>>) src(%dma_wait3A_216 : memref<128x128xf32, #tpu.memory_space<vmem>>) dst(%dma_wait3A_222 : memref<5120x128xf32, #tpu.memory_space<vmem_shared>>)
        tpu.yield
      }) : () -> ()
      %run_scoped3A_114 = arith.constant 3 : i32
      "tpu.region"() ({
        %run_scoped3A_204 = tpu.sem_alloc : memref<!tpu.dma_semaphore, #tpu.memory_space<semaphore_mem>>
        %dma_start3A_205 = arith.constant 384 : i32
        %dma_start3A_206 = arith.constant 0 : i32
        %dma_start3A_207 = tpu.memref_slice %arg10[%dma_start3A_205, %dma_start3A_206] : memref<512x128xf32, #tpu.memory_space<vmem>> -> memref<128x128xf32, #tpu.memory_space<vmem>>
        %dma_start3A_208 = arith.constant 0 : i32
        %dma_start3A_209 = tpu.memref_slice %arg8[%run_scoped3A_114, %dma_start3A_208] : memref<8x128xi32, #tpu.memory_space<vmem>> -> memref<1x128xi32, #tpu.memory_space<vmem>>
        %dma_start3A_210 = tpu.memref_squeeze %dma_start3A_209 : memref<1x128xi32, #tpu.memory_space<vmem>> -> memref<128xi32, #tpu.memory_space<vmem>>
        %dma_start3A_211 = arith.constant 0 : i32
        %dma_start3A_212 = arith.constant 0 : i32
        %dma_start3A_213 = tpu.memref_slice %arg12[%dma_start3A_211, %dma_start3A_212] : memref<5120x128xf32, #tpu.memory_space<vmem_shared>> -> memref<5120x128xf32, #tpu.memory_space<vmem_shared>>
        tpu.enqueue_indirect_dma source(%dma_start3A_207 : memref<128x128xf32, #tpu.memory_space<vmem>>) target(%dma_start3A_213 : memref<5120x128xf32, #tpu.memory_space<vmem_shared>>) offsets(%dma_start3A_210 : memref<128xi32, #tpu.memory_space<vmem>>) semaphore(%run_scoped3A_204 : memref<!tpu.dma_semaphore, #tpu.memory_space<semaphore_mem>>) {add = true}
        %dma_wait3A_214 = arith.constant 384 : i32
        %dma_wait3A_215 = arith.constant 0 : i32
        %dma_wait3A_216 = tpu.memref_slice %arg10[%dma_wait3A_214, %dma_wait3A_215] : memref<512x128xf32, #tpu.memory_space<vmem>> -> memref<128x128xf32, #tpu.memory_space<vmem>>
        %dma_wait3A_217 = arith.constant 0 : i32
        %dma_wait3A_218 = tpu.memref_slice %arg8[%run_scoped3A_114, %dma_wait3A_217] : memref<8x128xi32, #tpu.memory_space<vmem>> -> memref<1x128xi32, #tpu.memory_space<vmem>>
        %dma_wait3A_219 = tpu.memref_squeeze %dma_wait3A_218 : memref<1x128xi32, #tpu.memory_space<vmem>> -> memref<128xi32, #tpu.memory_space<vmem>>
        %dma_wait3A_220 = arith.constant 0 : i32
        %dma_wait3A_221 = arith.constant 0 : i32
        %dma_wait3A_222 = tpu.memref_slice %arg12[%dma_wait3A_220, %dma_wait3A_221] : memref<5120x128xf32, #tpu.memory_space<vmem_shared>> -> memref<5120x128xf32, #tpu.memory_space<vmem_shared>>
        tpu.wait_indirect_dma semaphore(%run_scoped3A_204 : memref<!tpu.dma_semaphore, #tpu.memory_space<semaphore_mem>>) src(%dma_wait3A_216 : memref<128x128xf32, #tpu.memory_space<vmem>>) dst(%dma_wait3A_222 : memref<5120x128xf32, #tpu.memory_space<vmem_shared>>)
        tpu.yield
      }) : () -> ()
      %dma_start3A_115 = arith.constant 4 : i32
      %dma_start3A_116 = arith.constant 0 : i32
      %dma_start3A_117 = arith.constant 0 : i32
      %dma_start3A_118 = tpu.memref_slice %arg10[%dma_start3A_116, %dma_start3A_117] : memref<512x128xf32, #tpu.memory_space<vmem>> -> memref<128x128xf32, #tpu.memory_space<vmem>>
      %dma_start3A_119 = arith.constant 0 : i32
      %dma_start3A_120 = tpu.memref_slice %arg7[%dma_start3A_115, %dma_start3A_119] : memref<8x128xi32, #tpu.memory_space<vmem>> -> memref<1x128xi32, #tpu.memory_space<vmem>>
      %dma_start3A_121 = tpu.memref_squeeze %dma_start3A_120 : memref<1x128xi32, #tpu.memory_space<vmem>> -> memref<128xi32, #tpu.memory_space<vmem>>
      %dma_start3A_122 = arith.constant 0 : i32
      %dma_start3A_123 = arith.constant 0 : i32
      %dma_start3A_124 = tpu.memref_slice %arg2[%dma_start3A_122, %dma_start3A_123] : memref<10000x128xf32, #tpu.memory_space<hbm>> -> memref<10000x128xf32, #tpu.memory_space<hbm>>
      tpu.enqueue_indirect_dma source(%dma_start3A_124 : memref<10000x128xf32, #tpu.memory_space<hbm>>) target(%dma_start3A_118 : memref<128x128xf32, #tpu.memory_space<vmem>>) offsets(%dma_start3A_121 : memref<128xi32, #tpu.memory_space<vmem>>) semaphore(%arg13 : memref<!tpu.dma_semaphore, #tpu.memory_space<semaphore_mem>>)
      %dma_start3A_125 = arith.constant 5 : i32
      %dma_start3A_126 = arith.constant 128 : i32
      %dma_start3A_127 = arith.constant 0 : i32
      %dma_start3A_128 = tpu.memref_slice %arg10[%dma_start3A_126, %dma_start3A_127] : memref<512x128xf32, #tpu.memory_space<vmem>> -> memref<128x128xf32, #tpu.memory_space<vmem>>
      %dma_start3A_129 = arith.constant 0 : i32
      %dma_start3A_130 = tpu.memref_slice %arg7[%dma_start3A_125, %dma_start3A_129] : memref<8x128xi32, #tpu.memory_space<vmem>> -> memref<1x128xi32, #tpu.memory_space<vmem>>
      %dma_start3A_131 = tpu.memref_squeeze %dma_start3A_130 : memref<1x128xi32, #tpu.memory_space<vmem>> -> memref<128xi32, #tpu.memory_space<vmem>>
      %dma_start3A_132 = arith.constant 0 : i32
      %dma_start3A_133 = arith.constant 0 : i32
      %dma_start3A_134 = tpu.memref_slice %arg2[%dma_start3A_132, %dma_start3A_133] : memref<10000x128xf32, #tpu.memory_space<hbm>> -> memref<10000x128xf32, #tpu.memory_space<hbm>>
      tpu.enqueue_indirect_dma source(%dma_start3A_134 : memref<10000x128xf32, #tpu.memory_space<hbm>>) target(%dma_start3A_128 : memref<128x128xf32, #tpu.memory_space<vmem>>) offsets(%dma_start3A_131 : memref<128xi32, #tpu.memory_space<vmem>>) semaphore(%arg13 : memref<!tpu.dma_semaphore, #tpu.memory_space<semaphore_mem>>)
      %dma_start3A_135 = arith.constant 6 : i32
      %dma_start3A_136 = arith.constant 256 : i32
      %dma_start3A_137 = arith.constant 0 : i32
      %dma_start3A_138 = tpu.memref_slice %arg10[%dma_start3A_136, %dma_start3A_137] : memref<512x128xf32, #tpu.memory_space<vmem>> -> memref<128x128xf32, #tpu.memory_space<vmem>>
      %dma_start3A_139 = arith.constant 0 : i32
      %dma_start3A_140 = tpu.memref_slice %arg7[%dma_start3A_135, %dma_start3A_139] : memref<8x128xi32, #tpu.memory_space<vmem>> -> memref<1x128xi32, #tpu.memory_space<vmem>>
      %dma_start3A_141 = tpu.memref_squeeze %dma_start3A_140 : memref<1x128xi32, #tpu.memory_space<vmem>> -> memref<128xi32, #tpu.memory_space<vmem>>
      %dma_start3A_142 = arith.constant 0 : i32
      %dma_start3A_143 = arith.constant 0 : i32
      %dma_start3A_144 = tpu.memref_slice %arg2[%dma_start3A_142, %dma_start3A_143] : memref<10000x128xf32, #tpu.memory_space<hbm>> -> memref<10000x128xf32, #tpu.memory_space<hbm>>
      tpu.enqueue_indirect_dma source(%dma_start3A_144 : memref<10000x128xf32, #tpu.memory_space<hbm>>) target(%dma_start3A_138 : memref<128x128xf32, #tpu.memory_space<vmem>>) offsets(%dma_start3A_141 : memref<128xi32, #tpu.memory_space<vmem>>) semaphore(%arg13 : memref<!tpu.dma_semaphore, #tpu.memory_space<semaphore_mem>>)
      %dma_start3A_145 = arith.constant 7 : i32
      %dma_start3A_146 = arith.constant 384 : i32
      %dma_start3A_147 = arith.constant 0 : i32
      %dma_start3A_148 = tpu.memref_slice %arg10[%dma_start3A_146, %dma_start3A_147] : memref<512x128xf32, #tpu.memory_space<vmem>> -> memref<128x128xf32, #tpu.memory_space<vmem>>
      %dma_start3A_149 = arith.constant 0 : i32
      %dma_start3A_150 = tpu.memref_slice %arg7[%dma_start3A_145, %dma_start3A_149] : memref<8x128xi32, #tpu.memory_space<vmem>> -> memref<1x128xi32, #tpu.memory_space<vmem>>
      %dma_start3A_151 = tpu.memref_squeeze %dma_start3A_150 : memref<1x128xi32, #tpu.memory_space<vmem>> -> memref<128xi32, #tpu.memory_space<vmem>>
      %dma_start3A_152 = arith.constant 0 : i32
      %dma_start3A_153 = arith.constant 0 : i32
      %dma_start3A_154 = tpu.memref_slice %arg2[%dma_start3A_152, %dma_start3A_153] : memref<10000x128xf32, #tpu.memory_space<hbm>> -> memref<10000x128xf32, #tpu.memory_space<hbm>>
      tpu.enqueue_indirect_dma source(%dma_start3A_154 : memref<10000x128xf32, #tpu.memory_space<hbm>>) target(%dma_start3A_148 : memref<128x128xf32, #tpu.memory_space<vmem>>) offsets(%dma_start3A_151 : memref<128xi32, #tpu.memory_space<vmem>>) semaphore(%arg13 : memref<!tpu.dma_semaphore, #tpu.memory_space<semaphore_mem>>)
      %dma_wait3A_155 = arith.constant 4 : i32
      %dma_wait3A_156 = arith.constant 0 : i32
      %dma_wait3A_157 = arith.constant 0 : i32
      %dma_wait3A_158 = tpu.memref_slice %arg10[%dma_wait3A_156, %dma_wait3A_157] : memref<512x128xf32, #tpu.memory_space<vmem>> -> memref<128x128xf32, #tpu.memory_space<vmem>>
      %dma_wait3A_159 = arith.constant 0 : i32
      %dma_wait3A_160 = tpu.memref_slice %arg7[%dma_wait3A_155, %dma_wait3A_159] : memref<8x128xi32, #tpu.memory_space<vmem>> -> memref<1x128xi32, #tpu.memory_space<vmem>>
      %dma_wait3A_161 = tpu.memref_squeeze %dma_wait3A_160 : memref<1x128xi32, #tpu.memory_space<vmem>> -> memref<128xi32, #tpu.memory_space<vmem>>
      %dma_wait3A_162 = arith.constant 0 : i32
      %dma_wait3A_163 = arith.constant 0 : i32
      %dma_wait3A_164 = tpu.memref_slice %arg2[%dma_wait3A_162, %dma_wait3A_163] : memref<10000x128xf32, #tpu.memory_space<hbm>> -> memref<10000x128xf32, #tpu.memory_space<hbm>>
      tpu.wait_indirect_dma semaphore(%arg13 : memref<!tpu.dma_semaphore, #tpu.memory_space<semaphore_mem>>) src(%dma_wait3A_164 : memref<10000x128xf32, #tpu.memory_space<hbm>>) dst(%dma_wait3A_158 : memref<128x128xf32, #tpu.memory_space<vmem>>)
      %dma_wait3A_165 = arith.constant 5 : i32
      %dma_wait3A_166 = arith.constant 128 : i32
      %dma_wait3A_167 = arith.constant 0 : i32
      %dma_wait3A_168 = tpu.memref_slice %arg10[%dma_wait3A_166, %dma_wait3A_167] : memref<512x128xf32, #tpu.memory_space<vmem>> -> memref<128x128xf32, #tpu.memory_space<vmem>>
      %dma_wait3A_169 = arith.constant 0 : i32
      %dma_wait3A_170 = tpu.memref_slice %arg7[%dma_wait3A_165, %dma_wait3A_169] : memref<8x128xi32, #tpu.memory_space<vmem>> -> memref<1x128xi32, #tpu.memory_space<vmem>>
      %dma_wait3A_171 = tpu.memref_squeeze %dma_wait3A_170 : memref<1x128xi32, #tpu.memory_space<vmem>> -> memref<128xi32, #tpu.memory_space<vmem>>
      %dma_wait3A_172 = arith.constant 0 : i32
      %dma_wait3A_173 = arith.constant 0 : i32
      %dma_wait3A_174 = tpu.memref_slice %arg2[%dma_wait3A_172, %dma_wait3A_173] : memref<10000x128xf32, #tpu.memory_space<hbm>> -> memref<10000x128xf32, #tpu.memory_space<hbm>>
      tpu.wait_indirect_dma semaphore(%arg13 : memref<!tpu.dma_semaphore, #tpu.memory_space<semaphore_mem>>) src(%dma_wait3A_174 : memref<10000x128xf32, #tpu.memory_space<hbm>>) dst(%dma_wait3A_168 : memref<128x128xf32, #tpu.memory_space<vmem>>)
      %dma_wait3A_175 = arith.constant 6 : i32
      %dma_wait3A_176 = arith.constant 256 : i32
      %dma_wait3A_177 = arith.constant 0 : i32
      %dma_wait3A_178 = tpu.memref_slice %arg10[%dma_wait3A_176, %dma_wait3A_177] : memref<512x128xf32, #tpu.memory_space<vmem>> -> memref<128x128xf32, #tpu.memory_space<vmem>>
      %dma_wait3A_179 = arith.constant 0 : i32
      %dma_wait3A_180 = tpu.memref_slice %arg7[%dma_wait3A_175, %dma_wait3A_179] : memref<8x128xi32, #tpu.memory_space<vmem>> -> memref<1x128xi32, #tpu.memory_space<vmem>>
      %dma_wait3A_181 = tpu.memref_squeeze %dma_wait3A_180 : memref<1x128xi32, #tpu.memory_space<vmem>> -> memref<128xi32, #tpu.memory_space<vmem>>
      %dma_wait3A_182 = arith.constant 0 : i32
      %dma_wait3A_183 = arith.constant 0 : i32
      %dma_wait3A_184 = tpu.memref_slice %arg2[%dma_wait3A_182, %dma_wait3A_183] : memref<10000x128xf32, #tpu.memory_space<hbm>> -> memref<10000x128xf32, #tpu.memory_space<hbm>>
      tpu.wait_indirect_dma semaphore(%arg13 : memref<!tpu.dma_semaphore, #tpu.memory_space<semaphore_mem>>) src(%dma_wait3A_184 : memref<10000x128xf32, #tpu.memory_space<hbm>>) dst(%dma_wait3A_178 : memref<128x128xf32, #tpu.memory_space<vmem>>)
      %dma_wait3A_185 = arith.constant 7 : i32
      %dma_wait3A_186 = arith.constant 384 : i32
      %dma_wait3A_187 = arith.constant 0 : i32
      %dma_wait3A_188 = tpu.memref_slice %arg10[%dma_wait3A_186, %dma_wait3A_187] : memref<512x128xf32, #tpu.memory_space<vmem>> -> memref<128x128xf32, #tpu.memory_space<vmem>>
      %dma_wait3A_189 = arith.constant 0 : i32
      %dma_wait3A_190 = tpu.memref_slice %arg7[%dma_wait3A_185, %dma_wait3A_189] : memref<8x128xi32, #tpu.memory_space<vmem>> -> memref<1x128xi32, #tpu.memory_space<vmem>>
      %dma_wait3A_191 = tpu.memref_squeeze %dma_wait3A_190 : memref<1x128xi32, #tpu.memory_space<vmem>> -> memref<128xi32, #tpu.memory_space<vmem>>
      %dma_wait3A_192 = arith.constant 0 : i32
      %dma_wait3A_193 = arith.constant 0 : i32
      %dma_wait3A_194 = tpu.memref_slice %arg2[%dma_wait3A_192, %dma_wait3A_193] : memref<10000x128xf32, #tpu.memory_space<hbm>> -> memref<10000x128xf32, #tpu.memory_space<hbm>>
      tpu.wait_indirect_dma semaphore(%arg13 : memref<!tpu.dma_semaphore, #tpu.memory_space<semaphore_mem>>) src(%dma_wait3A_194 : memref<10000x128xf32, #tpu.memory_space<hbm>>) dst(%dma_wait3A_188 : memref<128x128xf32, #tpu.memory_space<vmem>>)
      %scan3A_195 = arith.constant 0 : i32
      %scan3A_196 = arith.constant 4 : i32
      %scan3A_197 = arith.addi %scan3A_195, %scan3A_196 : i32
      %scan3A_198 = arith.constant 1 : i32
      scf.for %scan3A_204 = %scan3A_195 to %scan3A_197 step %scan3A_198  : i32 {
        %mul3A_205 = arith.constant 1 : i32
        %mul3A_206 = arith.muli %scan3A_204, %mul3A_205 : i32
        %add3A_207 = arith.constant 0 : i32
        %add3A_208 = arith.addi %add3A_207, %mul3A_206 : i32
        %scan3A_209 = arith.constant 0 : i32
        %scan3A_210 = arith.constant 8 : i32
        %scan3A_211 = arith.addi %scan3A_209, %scan3A_210 : i32
        %scan3A_212 = arith.constant 1 : i32
        scf.for %scan3A_214 = %scan3A_209 to %scan3A_211 step %scan3A_212  : i32 {
          %mul3A_215 = arith.constant 1 : i32
          %mul3A_216 = arith.muli %scan3A_214, %mul3A_215 : i32
          %add3A_217 = arith.constant 0 : i32
          %add3A_218 = arith.addi %add3A_217, %mul3A_216 : i32
          %add3A_219 = arith.constant 4 : i32
          %add3A_220 = arith.addi %add3A_219, %add3A_208 : i32
          %mul3A_221 = arith.constant 16 : i32
          %mul3A_222 = arith.muli %add3A_218, %mul3A_221 : i32
          %get3A = arith.index_cast %add3A_220 : i32 to index
          %get3A_223 = arith.index_cast %mul3A_222 : i32 to index
          %get3A_224 = tpu.vector_load %arg9[%get3A, %get3A_223] {strides = array<i32>} : memref<8x128xf32, #tpu.memory_space<vmem>>, vector<1x16xf32>,
          %get3A_225 = vector.shape_cast %get3A_224 : vector<1x16xf32> to vector<16xf32>
          %broadcast_in_dim3A_226 = arith.constant 0 : i32
          %broadcast_in_dim3A_227 = vector.broadcast %broadcast_in_dim3A_226 : i32 to vector<16x1xi32>
          %gather3A = vector.shape_cast %broadcast_in_dim3A_227 : vector<16x1xi32> to vector<16xi32>
          %gather3A_228 = tpu.dynamic_gather %get3A_225[%gather3A] in [0] : vector<16xf32>, vector<16xi32> -> vector<16xf32>
          %mul3A_229 = arith.constant 128 : i32
          %mul3A_230 = arith.muli %add3A_208, %mul3A_229 : i32
          %mul3A_231 = arith.constant 16 : i32
          %mul3A_232 = arith.muli %add3A_218, %mul3A_231 : i32
          %add3A_233 = arith.addi %mul3A_230, %mul3A_232 : i32
          %add3A_234 = arith.constant 0 : i32
          %add3A_235 = arith.addi %add3A_233, %add3A_234 : i32
          %get3A_236 = arith.index_cast %add3A_235 : i32 to index
          %get3A_237 = arith.constant 0 : index
          %get3A_238 = tpu.vector_load %arg10[%get3A_236, %get3A_237] {strides = array<i32>} : memref<512x128xf32, #tpu.memory_space<vmem>>, vector<1x16xf32>,
          %get3A_239 = vector.shape_cast %get3A_238 : vector<1x16xf32> to vector<16xf32>
          %mul3A_240 = arith.mulf %get3A_239, %gather3A_228 : vector<16xf32>
          %swap3A = arith.index_cast %add3A_235 : i32 to index
          %swap3A_241 = arith.constant 0 : index
          %swap3A_242 = tpu.vector_load %arg10[%swap3A, %swap3A_241] {strides = array<i32>} : memref<512x128xf32, #tpu.memory_space<vmem>>, vector<1x16xf32>,
          %swap3A_243 = vector.shape_cast %swap3A_242 : vector<1x16xf32> to vector<16xf32>
          %swap3A_244 = vector.shape_cast %mul3A_240 : vector<16xf32> to vector<1x16xf32>
          tpu.vector_store %arg10[%swap3A, %swap3A_241], %swap3A_244 {strides = array<i32>} : memref<512x128xf32, #tpu.memory_space<vmem>>, vector<1x16xf32>,
          %get3A_245 = arith.index_cast %add3A_235 : i32 to index
          %get3A_246 = arith.constant 16 : index
          %get3A_247 = tpu.vector_load %arg10[%get3A_245, %get3A_246] {strides = array<i32>} : memref<512x128xf32, #tpu.memory_space<vmem>>, vector<1x16xf32>,
          %get3A_248 = vector.shape_cast %get3A_247 : vector<1x16xf32> to vector<16xf32>
          %mul3A_249 = arith.mulf %get3A_248, %gather3A_228 : vector<16xf32>
          %swap3A_250 = arith.index_cast %add3A_235 : i32 to index
          %swap3A_251 = arith.constant 16 : index
          %swap3A_252 = tpu.vector_load %arg10[%swap3A_250, %swap3A_251] {strides = array<i32>} : memref<512x128xf32, #tpu.memory_space<vmem>>, vector<1x16xf32>,
          %swap3A_253 = vector.shape_cast %swap3A_252 : vector<1x16xf32> to vector<16xf32>
          %swap3A_254 = vector.shape_cast %mul3A_249 : vector<16xf32> to vector<1x16xf32>
          tpu.vector_store %arg10[%swap3A_250, %swap3A_251], %swap3A_254 {strides = array<i32>} : memref<512x128xf32, #tpu.memory_space<vmem>>, vector<1x16xf32>,
          %get3A_255 = arith.index_cast %add3A_235 : i32 to index
          %get3A_256 = arith.constant 32 : index
          %get3A_257 = tpu.vector_load %arg10[%get3A_255, %get3A_256] {strides = array<i32>} : memref<512x128xf32, #tpu.memory_space<vmem>>, vector<1x16xf32>,
          %get3A_258 = vector.shape_cast %get3A_257 : vector<1x16xf32> to vector<16xf32>
          %mul3A_259 = arith.mulf %get3A_258, %gather3A_228 : vector<16xf32>
          %swap3A_260 = arith.index_cast %add3A_235 : i32 to index
          %swap3A_261 = arith.constant 32 : index
          %swap3A_262 = tpu.vector_load %arg10[%swap3A_260, %swap3A_261] {strides = array<i32>} : memref<512x128xf32, #tpu.memory_space<vmem>>, vector<1x16xf32>,
          %swap3A_263 = vector.shape_cast %swap3A_262 : vector<1x16xf32> to vector<16xf32>
          %swap3A_264 = vector.shape_cast %mul3A_259 : vector<16xf32> to vector<1x16xf32>
          tpu.vector_store %arg10[%swap3A_260, %swap3A_261], %swap3A_264 {strides = array<i32>} : memref<512x128xf32, #tpu.memory_space<vmem>>, vector<1x16xf32>,
          %get3A_265 = arith.index_cast %add3A_235 : i32 to index
          %get3A_266 = arith.constant 48 : index
          %get3A_267 = tpu.vector_load %arg10[%get3A_265, %get3A_266] {strides = array<i32>} : memref<512x128xf32, #tpu.memory_space<vmem>>, vector<1x16xf32>,
          %get3A_268 = vector.shape_cast %get3A_267 : vector<1x16xf32> to vector<16xf32>
          %mul3A_269 = arith.mulf %get3A_268, %gather3A_228 : vector<16xf32>
          %swap3A_270 = arith.index_cast %add3A_235 : i32 to index
          %swap3A_271 = arith.constant 48 : index
          %swap3A_272 = tpu.vector_load %arg10[%swap3A_270, %swap3A_271] {strides = array<i32>} : memref<512x128xf32, #tpu.memory_space<vmem>>, vector<1x16xf32>,
          %swap3A_273 = vector.shape_cast %swap3A_272 : vector<1x16xf32> to vector<16xf32>
          %swap3A_274 = vector.shape_cast %mul3A_269 : vector<16xf32> to vector<1x16xf32>
          tpu.vector_store %arg10[%swap3A_270, %swap3A_271], %swap3A_274 {strides = array<i32>} : memref<512x128xf32, #tpu.memory_space<vmem>>, vector<1x16xf32>,
          %get3A_275 = arith.index_cast %add3A_235 : i32 to index
          %get3A_276 = arith.constant 64 : index
          %get3A_277 = tpu.vector_load %arg10[%get3A_275, %get3A_276] {strides = array<i32>} : memref<512x128xf32, #tpu.memory_space<vmem>>, vector<1x16xf32>,
          %get3A_278 = vector.shape_cast %get3A_277 : vector<1x16xf32> to vector<16xf32>
          %mul3A_279 = arith.mulf %get3A_278, %gather3A_228 : vector<16xf32>
          %swap3A_280 = arith.index_cast %add3A_235 : i32 to index
          %swap3A_281 = arith.constant 64 : index
          %swap3A_282 = tpu.vector_load %arg10[%swap3A_280, %swap3A_281] {strides = array<i32>} : memref<512x128xf32, #tpu.memory_space<vmem>>, vector<1x16xf32>,
          %swap3A_283 = vector.shape_cast %swap3A_282 : vector<1x16xf32> to vector<16xf32>
          %swap3A_284 = vector.shape_cast %mul3A_279 : vector<16xf32> to vector<1x16xf32>
          tpu.vector_store %arg10[%swap3A_280, %swap3A_281], %swap3A_284 {strides = array<i32>} : memref<512x128xf32, #tpu.memory_space<vmem>>, vector<1x16xf32>,
          %get3A_285 = arith.index_cast %add3A_235 : i32 to index
          %get3A_286 = arith.constant 80 : index
          %get3A_287 = tpu.vector_load %arg10[%get3A_285, %get3A_286] {strides = array<i32>} : memref<512x128xf32, #tpu.memory_space<vmem>>, vector<1x16xf32>,
          %get3A_288 = vector.shape_cast %get3A_287 : vector<1x16xf32> to vector<16xf32>
          %mul3A_289 = arith.mulf %get3A_288, %gather3A_228 : vector<16xf32>
          %swap3A_290 = arith.index_cast %add3A_235 : i32 to index
          %swap3A_291 = arith.constant 80 : index
          %swap3A_292 = tpu.vector_load %arg10[%swap3A_290, %swap3A_291] {strides = array<i32>} : memref<512x128xf32, #tpu.memory_space<vmem>>, vector<1x16xf32>,
          %swap3A_293 = vector.shape_cast %swap3A_292 : vector<1x16xf32> to vector<16xf32>
          %swap3A_294 = vector.shape_cast %mul3A_289 : vector<16xf32> to vector<1x16xf32>
          tpu.vector_store %arg10[%swap3A_290, %swap3A_291], %swap3A_294 {strides = array<i32>} : memref<512x128xf32, #tpu.memory_space<vmem>>, vector<1x16xf32>,
          %get3A_295 = arith.index_cast %add3A_235 : i32 to index
          %get3A_296 = arith.constant 96 : index
          %get3A_297 = tpu.vector_load %arg10[%get3A_295, %get3A_296] {strides = array<i32>} : memref<512x128xf32, #tpu.memory_space<vmem>>, vector<1x16xf32>,
          %get3A_298 = vector.shape_cast %get3A_297 : vector<1x16xf32> to vector<16xf32>
          %mul3A_299 = arith.mulf %get3A_298, %gather3A_228 : vector<16xf32>
          %swap3A_300 = arith.index_cast %add3A_235 : i32 to index
          %swap3A_301 = arith.constant 96 : index
          %swap3A_302 = tpu.vector_load %arg10[%swap3A_300, %swap3A_301] {strides = array<i32>} : memref<512x128xf32, #tpu.memory_space<vmem>>, vector<1x16xf32>,
          %swap3A_303 = vector.shape_cast %swap3A_302 : vector<1x16xf32> to vector<16xf32>
          %swap3A_304 = vector.shape_cast %mul3A_299 : vector<16xf32> to vector<1x16xf32>
          tpu.vector_store %arg10[%swap3A_300, %swap3A_301], %swap3A_304 {strides = array<i32>} : memref<512x128xf32, #tpu.memory_space<vmem>>, vector<1x16xf32>,
          %get3A_305 = arith.index_cast %add3A_235 : i32 to index
          %get3A_306 = arith.constant 112 : index
          %get3A_307 = tpu.vector_load %arg10[%get3A_305, %get3A_306] {strides = array<i32>} : memref<512x128xf32, #tpu.memory_space<vmem>>, vector<1x16xf32>,
          %get3A_308 = vector.shape_cast %get3A_307 : vector<1x16xf32> to vector<16xf32>
          %mul3A_309 = arith.mulf %get3A_308, %gather3A_228 : vector<16xf32>
          %swap3A_310 = arith.index_cast %add3A_235 : i32 to index
          %swap3A_311 = arith.constant 112 : index
          %swap3A_312 = tpu.vector_load %arg10[%swap3A_310, %swap3A_311] {strides = array<i32>} : memref<512x128xf32, #tpu.memory_space<vmem>>, vector<1x16xf32>,
          %swap3A_313 = vector.shape_cast %swap3A_312 : vector<1x16xf32> to vector<16xf32>
          %swap3A_314 = vector.shape_cast %mul3A_309 : vector<16xf32> to vector<1x16xf32>
          tpu.vector_store %arg10[%swap3A_310, %swap3A_311], %swap3A_314 {strides = array<i32>} : memref<512x128xf32, #tpu.memory_space<vmem>>, vector<1x16xf32>,
          %broadcast_in_dim3A_315 = arith.constant 1 : i32
          %broadcast_in_dim3A_316 = vector.broadcast %broadcast_in_dim3A_315 : i32 to vector<16x1xi32>
          %gather3A_317 = vector.shape_cast %broadcast_in_dim3A_316 : vector<16x1xi32> to vector<16xi32>
          %gather3A_318 = tpu.dynamic_gather %get3A_225[%gather3A_317] in [0] : vector<16xf32>, vector<16xi32> -> vector<16xf32>
          %mul3A_319 = arith.constant 128 : i32
          %mul3A_320 = arith.muli %add3A_208, %mul3A_319 : i32
          %mul3A_321 = arith.constant 16 : i32
          %mul3A_322 = arith.muli %add3A_218, %mul3A_321 : i32
          %add3A_323 = arith.addi %mul3A_320, %mul3A_322 : i32
          %add3A_324 = arith.constant 1 : i32
          %add3A_325 = arith.addi %add3A_323, %add3A_324 : i32
          %get3A_326 = arith.index_cast %add3A_325 : i32 to index
          %get3A_327 = arith.constant 0 : index
          %get3A_328 = tpu.vector_load %arg10[%get3A_326, %get3A_327] {strides = array<i32>} : memref<512x128xf32, #tpu.memory_space<vmem>>, vector<1x16xf32>,
          %get3A_329 = vector.shape_cast %get3A_328 : vector<1x16xf32> to vector<16xf32>
          %mul3A_330 = arith.mulf %get3A_329, %gather3A_318 : vector<16xf32>
          %swap3A_331 = arith.index_cast %add3A_325 : i32 to index
          %swap3A_332 = arith.constant 0 : index
          %swap3A_333 = tpu.vector_load %arg10[%swap3A_331, %swap3A_332] {strides = array<i32>} : memref<512x128xf32, #tpu.memory_space<vmem>>, vector<1x16xf32>,
          %swap3A_334 = vector.shape_cast %swap3A_333 : vector<1x16xf32> to vector<16xf32>
          %swap3A_335 = vector.shape_cast %mul3A_330 : vector<16xf32> to vector<1x16xf32>
          tpu.vector_store %arg10[%swap3A_331, %swap3A_332], %swap3A_335 {strides = array<i32>} : memref<512x128xf32, #tpu.memory_space<vmem>>, vector<1x16xf32>,
          %get3A_336 = arith.index_cast %add3A_325 : i32 to index
          %get3A_337 = arith.constant 16 : index
          %get3A_338 = tpu.vector_load %arg10[%get3A_336, %get3A_337] {strides = array<i32>} : memref<512x128xf32, #tpu.memory_space<vmem>>, vector<1x16xf32>,
          %get3A_339 = vector.shape_cast %get3A_338 : vector<1x16xf32> to vector<16xf32>
          %mul3A_340 = arith.mulf %get3A_339, %gather3A_318 : vector<16xf32>
          %swap3A_341 = arith.index_cast %add3A_325 : i32 to index
          %swap3A_342 = arith.constant 16 : index
          %swap3A_343 = tpu.vector_load %arg10[%swap3A_341, %swap3A_342] {strides = array<i32>} : memref<512x128xf32, #tpu.memory_space<vmem>>, vector<1x16xf32>,
          %swap3A_344 = vector.shape_cast %swap3A_343 : vector<1x16xf32> to vector<16xf32>
          %swap3A_345 = vector.shape_cast %mul3A_340 : vector<16xf32> to vector<1x16xf32>
          tpu.vector_store %arg10[%swap3A_341, %swap3A_342], %swap3A_345 {strides = array<i32>} : memref<512x128xf32, #tpu.memory_space<vmem>>, vector<1x16xf32>,
          %get3A_346 = arith.index_cast %add3A_325 : i32 to index
          %get3A_347 = arith.constant 32 : index
          %get3A_348 = tpu.vector_load %arg10[%get3A_346, %get3A_347] {strides = array<i32>} : memref<512x128xf32, #tpu.memory_space<vmem>>, vector<1x16xf32>,
          %get3A_349 = vector.shape_cast %get3A_348 : vector<1x16xf32> to vector<16xf32>
          %mul3A_350 = arith.mulf %get3A_349, %gather3A_318 : vector<16xf32>
          %swap3A_351 = arith.index_cast %add3A_325 : i32 to index
          %swap3A_352 = arith.constant 32 : index
          %swap3A_353 = tpu.vector_load %arg10[%swap3A_351, %swap3A_352] {strides = array<i32>} : memref<512x128xf32, #tpu.memory_space<vmem>>, vector<1x16xf32>,
          %swap3A_354 = vector.shape_cast %swap3A_353 : vector<1x16xf32> to vector<16xf32>
          %swap3A_355 = vector.shape_cast %mul3A_350 : vector<16xf32> to vector<1x16xf32>
          tpu.vector_store %arg10[%swap3A_351, %swap3A_352], %swap3A_355 {strides = array<i32>} : memref<512x128xf32, #tpu.memory_space<vmem>>, vector<1x16xf32>,
          %get3A_356 = arith.index_cast %add3A_325 : i32 to index
          %get3A_357 = arith.constant 48 : index
          %get3A_358 = tpu.vector_load %arg10[%get3A_356, %get3A_357] {strides = array<i32>} : memref<512x128xf32, #tpu.memory_space<vmem>>, vector<1x16xf32>,
          %get3A_359 = vector.shape_cast %get3A_358 : vector<1x16xf32> to vector<16xf32>
          %mul3A_360 = arith.mulf %get3A_359, %gather3A_318 : vector<16xf32>
          %swap3A_361 = arith.index_cast %add3A_325 : i32 to index
          %swap3A_362 = arith.constant 48 : index
          %swap3A_363 = tpu.vector_load %arg10[%swap3A_361, %swap3A_362] {strides = array<i32>} : memref<512x128xf32, #tpu.memory_space<vmem>>, vector<1x16xf32>,
          %swap3A_364 = vector.shape_cast %swap3A_363 : vector<1x16xf32> to vector<16xf32>
          %swap3A_365 = vector.shape_cast %mul3A_360 : vector<16xf32> to vector<1x16xf32>
          tpu.vector_store %arg10[%swap3A_361, %swap3A_362], %swap3A_365 {strides = array<i32>} : memref<512x128xf32, #tpu.memory_space<vmem>>, vector<1x16xf32>,
          %get3A_366 = arith.index_cast %add3A_325 : i32 to index
          %get3A_367 = arith.constant 64 : index
          %get3A_368 = tpu.vector_load %arg10[%get3A_366, %get3A_367] {strides = array<i32>} : memref<512x128xf32, #tpu.memory_space<vmem>>, vector<1x16xf32>,
          %get3A_369 = vector.shape_cast %get3A_368 : vector<1x16xf32> to vector<16xf32>
          %mul3A_370 = arith.mulf %get3A_369, %gather3A_318 : vector<16xf32>
          %swap3A_371 = arith.index_cast %add3A_325 : i32 to index
          %swap3A_372 = arith.constant 64 : index
          %swap3A_373 = tpu.vector_load %arg10[%swap3A_371, %swap3A_372] {strides = array<i32>} : memref<512x128xf32, #tpu.memory_space<vmem>>, vector<1x16xf32>,
          %swap3A_374 = vector.shape_cast %swap3A_373 : vector<1x16xf32> to vector<16xf32>
          %swap3A_375 = vector.shape_cast %mul3A_370 : vector<16xf32> to vector<1x16xf32>
          tpu.vector_store %arg10[%swap3A_371, %swap3A_372], %swap3A_375 {strides = array<i32>} : memref<512x128xf32, #tpu.memory_space<vmem>>, vector<1x16xf32>,
          %get3A_376 = arith.index_cast %add3A_325 : i32 to index
          %get3A_377 = arith.constant 80 : index
          %get3A_378 = tpu.vector_load %arg10[%get3A_376, %get3A_377] {strides = array<i32>} : memref<512x128xf32, #tpu.memory_space<vmem>>, vector<1x16xf32>,
          %get3A_379 = vector.shape_cast %get3A_378 : vector<1x16xf32> to vector<16xf32>
          %mul3A_380 = arith.mulf %get3A_379, %gather3A_318 : vector<16xf32>
          %swap3A_381 = arith.index_cast %add3A_325 : i32 to index
          %swap3A_382 = arith.constant 80 : index
          %swap3A_383 = tpu.vector_load %arg10[%swap3A_381, %swap3A_382] {strides = array<i32>} : memref<512x128xf32, #tpu.memory_space<vmem>>, vector<1x16xf32>,
          %swap3A_384 = vector.shape_cast %swap3A_383 : vector<1x16xf32> to vector<16xf32>
          %swap3A_385 = vector.shape_cast %mul3A_380 : vector<16xf32> to vector<1x16xf32>
          tpu.vector_store %arg10[%swap3A_381, %swap3A_382], %swap3A_385 {strides = array<i32>} : memref<512x128xf32, #tpu.memory_space<vmem>>, vector<1x16xf32>,
          %get3A_386 = arith.index_cast %add3A_325 : i32 to index
          %get3A_387 = arith.constant 96 : index
          %get3A_388 = tpu.vector_load %arg10[%get3A_386, %get3A_387] {strides = array<i32>} : memref<512x128xf32, #tpu.memory_space<vmem>>, vector<1x16xf32>,
          %get3A_389 = vector.shape_cast %get3A_388 : vector<1x16xf32> to vector<16xf32>
          %mul3A_390 = arith.mulf %get3A_389, %gather3A_318 : vector<16xf32>
          %swap3A_391 = arith.index_cast %add3A_325 : i32 to index
          %swap3A_392 = arith.constant 96 : index
          %swap3A_393 = tpu.vector_load %arg10[%swap3A_391, %swap3A_392] {strides = array<i32>} : memref<512x128xf32, #tpu.memory_space<vmem>>, vector<1x16xf32>,
          %swap3A_394 = vector.shape_cast %swap3A_393 : vector<1x16xf32> to vector<16xf32>
          %swap3A_395 = vector.shape_cast %mul3A_390 : vector<16xf32> to vector<1x16xf32>
          tpu.vector_store %arg10[%swap3A_391, %swap3A_392], %swap3A_395 {strides = array<i32>} : memref<512x128xf32, #tpu.memory_space<vmem>>, vector<1x16xf32>,
          %get3A_396 = arith.index_cast %add3A_325 : i32 to index
          %get3A_397 = arith.constant 112 : index
          %get3A_398 = tpu.vector_load %arg10[%get3A_396, %get3A_397] {strides = array<i32>} : memref<512x128xf32, #tpu.memory_space<vmem>>, vector<1x16xf32>,
          %get3A_399 = vector.shape_cast %get3A_398 : vector<1x16xf32> to vector<16xf32>
          %mul3A_400 = arith.mulf %get3A_399, %gather3A_318 : vector<16xf32>
          %swap3A_401 = arith.index_cast %add3A_325 : i32 to index
          %swap3A_402 = arith.constant 112 : index
          %swap3A_403 = tpu.vector_load %arg10[%swap3A_401, %swap3A_402] {strides = array<i32>} : memref<512x128xf32, #tpu.memory_space<vmem>>, vector<1x16xf32>,
          %swap3A_404 = vector.shape_cast %swap3A_403 : vector<1x16xf32> to vector<16xf32>
          %swap3A_405 = vector.shape_cast %mul3A_400 : vector<16xf32> to vector<1x16xf32>
          tpu.vector_store %arg10[%swap3A_401, %swap3A_402], %swap3A_405 {strides = array<i32>} : memref<512x128xf32, #tpu.memory_space<vmem>>, vector<1x16xf32>,
          %broadcast_in_dim3A_406 = arith.constant 2 : i32
          %broadcast_in_dim3A_407 = vector.broadcast %broadcast_in_dim3A_406 : i32 to vector<16x1xi32>
          %gather3A_408 = vector.shape_cast %broadcast_in_dim3A_407 : vector<16x1xi32> to vector<16xi32>
          %gather3A_409 = tpu.dynamic_gather %get3A_225[%gather3A_408] in [0] : vector<16xf32>, vector<16xi32> -> vector<16xf32>
          %mul3A_410 = arith.constant 128 : i32
          %mul3A_411 = arith.muli %add3A_208, %mul3A_410 : i32
          %mul3A_412 = arith.constant 16 : i32
          %mul3A_413 = arith.muli %add3A_218, %mul3A_412 : i32
          %add3A_414 = arith.addi %mul3A_411, %mul3A_413 : i32
          %add3A_415 = arith.constant 2 : i32
          %add3A_416 = arith.addi %add3A_414, %add3A_415 : i32
          %get3A_417 = arith.index_cast %add3A_416 : i32 to index
          %get3A_418 = arith.constant 0 : index
          %get3A_419 = tpu.vector_load %arg10[%get3A_417, %get3A_418] {strides = array<i32>} : memref<512x128xf32, #tpu.memory_space<vmem>>, vector<1x16xf32>,
          %get3A_420 = vector.shape_cast %get3A_419 : vector<1x16xf32> to vector<16xf32>
          %mul3A_421 = arith.mulf %get3A_420, %gather3A_409 : vector<16xf32>
          %swap3A_422 = arith.index_cast %add3A_416 : i32 to index
          %swap3A_423 = arith.constant 0 : index
          %swap3A_424 = tpu.vector_load %arg10[%swap3A_422, %swap3A_423] {strides = array<i32>} : memref<512x128xf32, #tpu.memory_space<vmem>>, vector<1x16xf32>,
          %swap3A_425 = vector.shape_cast %swap3A_424 : vector<1x16xf32> to vector<16xf32>
          %swap3A_426 = vector.shape_cast %mul3A_421 : vector<16xf32> to vector<1x16xf32>
          tpu.vector_store %arg10[%swap3A_422, %swap3A_423], %swap3A_426 {strides = array<i32>} : memref<512x128xf32, #tpu.memory_space<vmem>>, vector<1x16xf32>,
          %get3A_427 = arith.index_cast %add3A_416 : i32 to index
          %get3A_428 = arith.constant 16 : index
          %get3A_429 = tpu.vector_load %arg10[%get3A_427, %get3A_428] {strides = array<i32>} : memref<512x128xf32, #tpu.memory_space<vmem>>, vector<1x16xf32>,
          %get3A_430 = vector.shape_cast %get3A_429 : vector<1x16xf32> to vector<16xf32>
          %mul3A_431 = arith.mulf %get3A_430, %gather3A_409 : vector<16xf32>
          %swap3A_432 = arith.index_cast %add3A_416 : i32 to index
          %swap3A_433 = arith.constant 16 : index
          %swap3A_434 = tpu.vector_load %arg10[%swap3A_432, %swap3A_433] {strides = array<i32>} : memref<512x128xf32, #tpu.memory_space<vmem>>, vector<1x16xf32>,
          %swap3A_435 = vector.shape_cast %swap3A_434 : vector<1x16xf32> to vector<16xf32>
          %swap3A_436 = vector.shape_cast %mul3A_431 : vector<16xf32> to vector<1x16xf32>
          tpu.vector_store %arg10[%swap3A_432, %swap3A_433], %swap3A_436 {strides = array<i32>} : memref<512x128xf32, #tpu.memory_space<vmem>>, vector<1x16xf32>,
          %get3A_437 = arith.index_cast %add3A_416 : i32 to index
          %get3A_438 = arith.constant 32 : index
          %get3A_439 = tpu.vector_load %arg10[%get3A_437, %get3A_438] {strides = array<i32>} : memref<512x128xf32, #tpu.memory_space<vmem>>, vector<1x16xf32>,
          %get3A_440 = vector.shape_cast %get3A_439 : vector<1x16xf32> to vector<16xf32>
          %mul3A_441 = arith.mulf %get3A_440, %gather3A_409 : vector<16xf32>
          %swap3A_442 = arith.index_cast %add3A_416 : i32 to index
          %swap3A_443 = arith.constant 32 : index
          %swap3A_444 = tpu.vector_load %arg10[%swap3A_442, %swap3A_443] {strides = array<i32>} : memref<512x128xf32, #tpu.memory_space<vmem>>, vector<1x16xf32>,
          %swap3A_445 = vector.shape_cast %swap3A_444 : vector<1x16xf32> to vector<16xf32>
          %swap3A_446 = vector.shape_cast %mul3A_441 : vector<16xf32> to vector<1x16xf32>
          tpu.vector_store %arg10[%swap3A_442, %swap3A_443], %swap3A_446 {strides = array<i32>} : memref<512x128xf32, #tpu.memory_space<vmem>>, vector<1x16xf32>,
          %get3A_447 = arith.index_cast %add3A_416 : i32 to index
          %get3A_448 = arith.constant 48 : index
          %get3A_449 = tpu.vector_load %arg10[%get3A_447, %get3A_448] {strides = array<i32>} : memref<512x128xf32, #tpu.memory_space<vmem>>, vector<1x16xf32>,
          %get3A_450 = vector.shape_cast %get3A_449 : vector<1x16xf32> to vector<16xf32>
          %mul3A_451 = arith.mulf %get3A_450, %gather3A_409 : vector<16xf32>
          %swap3A_452 = arith.index_cast %add3A_416 : i32 to index
          %swap3A_453 = arith.constant 48 : index
          %swap3A_454 = tpu.vector_load %arg10[%swap3A_452, %swap3A_453] {strides = array<i32>} : memref<512x128xf32, #tpu.memory_space<vmem>>, vector<1x16xf32>,
          %swap3A_455 = vector.shape_cast %swap3A_454 : vector<1x16xf32> to vector<16xf32>
          %swap3A_456 = vector.shape_cast %mul3A_451 : vector<16xf32> to vector<1x16xf32>
          tpu.vector_store %arg10[%swap3A_452, %swap3A_453], %swap3A_456 {strides = array<i32>} : memref<512x128xf32, #tpu.memory_space<vmem>>, vector<1x16xf32>,
          %get3A_457 = arith.index_cast %add3A_416 : i32 to index
          %get3A_458 = arith.constant 64 : index
          %get3A_459 = tpu.vector_load %arg10[%get3A_457, %get3A_458] {strides = array<i32>} : memref<512x128xf32, #tpu.memory_space<vmem>>, vector<1x16xf32>,
          %get3A_460 = vector.shape_cast %get3A_459 : vector<1x16xf32> to vector<16xf32>
          %mul3A_461 = arith.mulf %get3A_460, %gather3A_409 : vector<16xf32>
          %swap3A_462 = arith.index_cast %add3A_416 : i32 to index
          %swap3A_463 = arith.constant 64 : index
          %swap3A_464 = tpu.vector_load %arg10[%swap3A_462, %swap3A_463] {strides = array<i32>} : memref<512x128xf32, #tpu.memory_space<vmem>>, vector<1x16xf32>,
          %swap3A_465 = vector.shape_cast %swap3A_464 : vector<1x16xf32> to vector<16xf32>
          %swap3A_466 = vector.shape_cast %mul3A_461 : vector<16xf32> to vector<1x16xf32>
          tpu.vector_store %arg10[%swap3A_462, %swap3A_463], %swap3A_466 {strides = array<i32>} : memref<512x128xf32, #tpu.memory_space<vmem>>, vector<1x16xf32>,
          %get3A_467 = arith.index_cast %add3A_416 : i32 to index
          %get3A_468 = arith.constant 80 : index
          %get3A_469 = tpu.vector_load %arg10[%get3A_467, %get3A_468] {strides = array<i32>} : memref<512x128xf32, #tpu.memory_space<vmem>>, vector<1x16xf32>,
          %get3A_470 = vector.shape_cast %get3A_469 : vector<1x16xf32> to vector<16xf32>
          %mul3A_471 = arith.mulf %get3A_470, %gather3A_409 : vector<16xf32>
          %swap3A_472 = arith.index_cast %add3A_416 : i32 to index
          %swap3A_473 = arith.constant 80 : index
          %swap3A_474 = tpu.vector_load %arg10[%swap3A_472, %swap3A_473] {strides = array<i32>} : memref<512x128xf32, #tpu.memory_space<vmem>>, vector<1x16xf32>,
          %swap3A_475 = vector.shape_cast %swap3A_474 : vector<1x16xf32> to vector<16xf32>
          %swap3A_476 = vector.shape_cast %mul3A_471 : vector<16xf32> to vector<1x16xf32>
          tpu.vector_store %arg10[%swap3A_472, %swap3A_473], %swap3A_476 {strides = array<i32>} : memref<512x128xf32, #tpu.memory_space<vmem>>, vector<1x16xf32>,
          %get3A_477 = arith.index_cast %add3A_416 : i32 to index
          %get3A_478 = arith.constant 96 : index
          %get3A_479 = tpu.vector_load %arg10[%get3A_477, %get3A_478] {strides = array<i32>} : memref<512x128xf32, #tpu.memory_space<vmem>>, vector<1x16xf32>,
          %get3A_480 = vector.shape_cast %get3A_479 : vector<1x16xf32> to vector<16xf32>
          %mul3A_481 = arith.mulf %get3A_480, %gather3A_409 : vector<16xf32>
          %swap3A_482 = arith.index_cast %add3A_416 : i32 to index
          %swap3A_483 = arith.constant 96 : index
          %swap3A_484 = tpu.vector_load %arg10[%swap3A_482, %swap3A_483] {strides = array<i32>} : memref<512x128xf32, #tpu.memory_space<vmem>>, vector<1x16xf32>,
          %swap3A_485 = vector.shape_cast %swap3A_484 : vector<1x16xf32> to vector<16xf32>
          %swap3A_486 = vector.shape_cast %mul3A_481 : vector<16xf32> to vector<1x16xf32>
          tpu.vector_store %arg10[%swap3A_482, %swap3A_483], %swap3A_486 {strides = array<i32>} : memref<512x128xf32, #tpu.memory_space<vmem>>, vector<1x16xf32>,
          %get3A_487 = arith.index_cast %add3A_416 : i32 to index
          %get3A_488 = arith.constant 112 : index
          %get3A_489 = tpu.vector_load %arg10[%get3A_487, %get3A_488] {strides = array<i32>} : memref<512x128xf32, #tpu.memory_space<vmem>>, vector<1x16xf32>,
          %get3A_490 = vector.shape_cast %get3A_489 : vector<1x16xf32> to vector<16xf32>
          %mul3A_491 = arith.mulf %get3A_490, %gather3A_409 : vector<16xf32>
          %swap3A_492 = arith.index_cast %add3A_416 : i32 to index
          %swap3A_493 = arith.constant 112 : index
          %swap3A_494 = tpu.vector_load %arg10[%swap3A_492, %swap3A_493] {strides = array<i32>} : memref<512x128xf32, #tpu.memory_space<vmem>>, vector<1x16xf32>,
          %swap3A_495 = vector.shape_cast %swap3A_494 : vector<1x16xf32> to vector<16xf32>
          %swap3A_496 = vector.shape_cast %mul3A_491 : vector<16xf32> to vector<1x16xf32>
          tpu.vector_store %arg10[%swap3A_492, %swap3A_493], %swap3A_496 {strides = array<i32>} : memref<512x128xf32, #tpu.memory_space<vmem>>, vector<1x16xf32>,
          %broadcast_in_dim3A_497 = arith.constant 3 : i32
          %broadcast_in_dim3A_498 = vector.broadcast %broadcast_in_dim3A_497 : i32 to vector<16x1xi32>
          %gather3A_499 = vector.shape_cast %broadcast_in_dim3A_498 : vector<16x1xi32> to vector<16xi32>
          %gather3A_500 = tpu.dynamic_gather %get3A_225[%gather3A_499] in [0] : vector<16xf32>, vector<16xi32> -> vector<16xf32>
          %mul3A_501 = arith.constant 128 : i32
          %mul3A_502 = arith.muli %add3A_208, %mul3A_501 : i32
          %mul3A_503 = arith.constant 16 : i32
          %mul3A_504 = arith.muli %add3A_218, %mul3A_503 : i32
          %add3A_505 = arith.addi %mul3A_502, %mul3A_504 : i32
          %add3A_506 = arith.constant 3 : i32
          %add3A_507 = arith.addi %add3A_505, %add3A_506 : i32
          %get3A_508 = arith.index_cast %add3A_507 : i32 to index
          %get3A_509 = arith.constant 0 : index
          %get3A_510 = tpu.vector_load %arg10[%get3A_508, %get3A_509] {strides = array<i32>} : memref<512x128xf32, #tpu.memory_space<vmem>>, vector<1x16xf32>,
          %get3A_511 = vector.shape_cast %get3A_510 : vector<1x16xf32> to vector<16xf32>
          %mul3A_512 = arith.mulf %get3A_511, %gather3A_500 : vector<16xf32>
          %swap3A_513 = arith.index_cast %add3A_507 : i32 to index
          %swap3A_514 = arith.constant 0 : index
          %swap3A_515 = tpu.vector_load %arg10[%swap3A_513, %swap3A_514] {strides = array<i32>} : memref<512x128xf32, #tpu.memory_space<vmem>>, vector<1x16xf32>,
          %swap3A_516 = vector.shape_cast %swap3A_515 : vector<1x16xf32> to vector<16xf32>
          %swap3A_517 = vector.shape_cast %mul3A_512 : vector<16xf32> to vector<1x16xf32>
          tpu.vector_store %arg10[%swap3A_513, %swap3A_514], %swap3A_517 {strides = array<i32>} : memref<512x128xf32, #tpu.memory_space<vmem>>, vector<1x16xf32>,
          %get3A_518 = arith.index_cast %add3A_507 : i32 to index
          %get3A_519 = arith.constant 16 : index
          %get3A_520 = tpu.vector_load %arg10[%get3A_518, %get3A_519] {strides = array<i32>} : memref<512x128xf32, #tpu.memory_space<vmem>>, vector<1x16xf32>,
          %get3A_521 = vector.shape_cast %get3A_520 : vector<1x16xf32> to vector<16xf32>
          %mul3A_522 = arith.mulf %get3A_521, %gather3A_500 : vector<16xf32>
          %swap3A_523 = arith.index_cast %add3A_507 : i32 to index
          %swap3A_524 = arith.constant 16 : index
          %swap3A_525 = tpu.vector_load %arg10[%swap3A_523, %swap3A_524] {strides = array<i32>} : memref<512x128xf32, #tpu.memory_space<vmem>>, vector<1x16xf32>,
          %swap3A_526 = vector.shape_cast %swap3A_525 : vector<1x16xf32> to vector<16xf32>
          %swap3A_527 = vector.shape_cast %mul3A_522 : vector<16xf32> to vector<1x16xf32>
          tpu.vector_store %arg10[%swap3A_523, %swap3A_524], %swap3A_527 {strides = array<i32>} : memref<512x128xf32, #tpu.memory_space<vmem>>, vector<1x16xf32>,
          %get3A_528 = arith.index_cast %add3A_507 : i32 to index
          %get3A_529 = arith.constant 32 : index
          %get3A_530 = tpu.vector_load %arg10[%get3A_528, %get3A_529] {strides = array<i32>} : memref<512x128xf32, #tpu.memory_space<vmem>>, vector<1x16xf32>,
          %get3A_531 = vector.shape_cast %get3A_530 : vector<1x16xf32> to vector<16xf32>
          %mul3A_532 = arith.mulf %get3A_531, %gather3A_500 : vector<16xf32>
          %swap3A_533 = arith.index_cast %add3A_507 : i32 to index
          %swap3A_534 = arith.constant 32 : index
          %swap3A_535 = tpu.vector_load %arg10[%swap3A_533, %swap3A_534] {strides = array<i32>} : memref<512x128xf32, #tpu.memory_space<vmem>>, vector<1x16xf32>,
          %swap3A_536 = vector.shape_cast %swap3A_535 : vector<1x16xf32> to vector<16xf32>
          %swap3A_537 = vector.shape_cast %mul3A_532 : vector<16xf32> to vector<1x16xf32>
          tpu.vector_store %arg10[%swap3A_533, %swap3A_534], %swap3A_537 {strides = array<i32>} : memref<512x128xf32, #tpu.memory_space<vmem>>, vector<1x16xf32>,
          %get3A_538 = arith.index_cast %add3A_507 : i32 to index
          %get3A_539 = arith.constant 48 : index
          %get3A_540 = tpu.vector_load %arg10[%get3A_538, %get3A_539] {strides = array<i32>} : memref<512x128xf32, #tpu.memory_space<vmem>>, vector<1x16xf32>,
          %get3A_541 = vector.shape_cast %get3A_540 : vector<1x16xf32> to vector<16xf32>
          %mul3A_542 = arith.mulf %get3A_541, %gather3A_500 : vector<16xf32>
          %swap3A_543 = arith.index_cast %add3A_507 : i32 to index
          %swap3A_544 = arith.constant 48 : index
          %swap3A_545 = tpu.vector_load %arg10[%swap3A_543, %swap3A_544] {strides = array<i32>} : memref<512x128xf32, #tpu.memory_space<vmem>>, vector<1x16xf32>,
          %swap3A_546 = vector.shape_cast %swap3A_545 : vector<1x16xf32> to vector<16xf32>
          %swap3A_547 = vector.shape_cast %mul3A_542 : vector<16xf32> to vector<1x16xf32>
          tpu.vector_store %arg10[%swap3A_543, %swap3A_544], %swap3A_547 {strides = array<i32>} : memref<512x128xf32, #tpu.memory_space<vmem>>, vector<1x16xf32>,
          %get3A_548 = arith.index_cast %add3A_507 : i32 to index
          %get3A_549 = arith.constant 64 : index
          %get3A_550 = tpu.vector_load %arg10[%get3A_548, %get3A_549] {strides = array<i32>} : memref<512x128xf32, #tpu.memory_space<vmem>>, vector<1x16xf32>,
          %get3A_551 = vector.shape_cast %get3A_550 : vector<1x16xf32> to vector<16xf32>
          %mul3A_552 = arith.mulf %get3A_551, %gather3A_500 : vector<16xf32>
          %swap3A_553 = arith.index_cast %add3A_507 : i32 to index
          %swap3A_554 = arith.constant 64 : index
          %swap3A_555 = tpu.vector_load %arg10[%swap3A_553, %swap3A_554] {strides = array<i32>} : memref<512x128xf32, #tpu.memory_space<vmem>>, vector<1x16xf32>,
          %swap3A_556 = vector.shape_cast %swap3A_555 : vector<1x16xf32> to vector<16xf32>
          %swap3A_557 = vector.shape_cast %mul3A_552 : vector<16xf32> to vector<1x16xf32>
          tpu.vector_store %arg10[%swap3A_553, %swap3A_554], %swap3A_557 {strides = array<i32>} : memref<512x128xf32, #tpu.memory_space<vmem>>, vector<1x16xf32>,
          %get3A_558 = arith.index_cast %add3A_507 : i32 to index
          %get3A_559 = arith.constant 80 : index
          %get3A_560 = tpu.vector_load %arg10[%get3A_558, %get3A_559] {strides = array<i32>} : memref<512x128xf32, #tpu.memory_space<vmem>>, vector<1x16xf32>,
          %get3A_561 = vector.shape_cast %get3A_560 : vector<1x16xf32> to vector<16xf32>
          %mul3A_562 = arith.mulf %get3A_561, %gather3A_500 : vector<16xf32>
          %swap3A_563 = arith.index_cast %add3A_507 : i32 to index
          %swap3A_564 = arith.constant 80 : index
          %swap3A_565 = tpu.vector_load %arg10[%swap3A_563, %swap3A_564] {strides = array<i32>} : memref<512x128xf32, #tpu.memory_space<vmem>>, vector<1x16xf32>,
          %swap3A_566 = vector.shape_cast %swap3A_565 : vector<1x16xf32> to vector<16xf32>
          %swap3A_567 = vector.shape_cast %mul3A_562 : vector<16xf32> to vector<1x16xf32>
          tpu.vector_store %arg10[%swap3A_563, %swap3A_564], %swap3A_567 {strides = array<i32>} : memref<512x128xf32, #tpu.memory_space<vmem>>, vector<1x16xf32>,
          %get3A_568 = arith.index_cast %add3A_507 : i32 to index
          %get3A_569 = arith.constant 96 : index
          %get3A_570 = tpu.vector_load %arg10[%get3A_568, %get3A_569] {strides = array<i32>} : memref<512x128xf32, #tpu.memory_space<vmem>>, vector<1x16xf32>,
          %get3A_571 = vector.shape_cast %get3A_570 : vector<1x16xf32> to vector<16xf32>
          %mul3A_572 = arith.mulf %get3A_571, %gather3A_500 : vector<16xf32>
          %swap3A_573 = arith.index_cast %add3A_507 : i32 to index
          %swap3A_574 = arith.constant 96 : index
          %swap3A_575 = tpu.vector_load %arg10[%swap3A_573, %swap3A_574] {strides = array<i32>} : memref<512x128xf32, #tpu.memory_space<vmem>>, vector<1x16xf32>,
          %swap3A_576 = vector.shape_cast %swap3A_575 : vector<1x16xf32> to vector<16xf32>
          %swap3A_577 = vector.shape_cast %mul3A_572 : vector<16xf32> to vector<1x16xf32>
          tpu.vector_store %arg10[%swap3A_573, %swap3A_574], %swap3A_577 {strides = array<i32>} : memref<512x128xf32, #tpu.memory_space<vmem>>, vector<1x16xf32>,
          %get3A_578 = arith.index_cast %add3A_507 : i32 to index
          %get3A_579 = arith.constant 112 : index
          %get3A_580 = tpu.vector_load %arg10[%get3A_578, %get3A_579] {strides = array<i32>} : memref<512x128xf32, #tpu.memory_space<vmem>>, vector<1x16xf32>,
          %get3A_581 = vector.shape_cast %get3A_580 : vector<1x16xf32> to vector<16xf32>
          %mul3A_582 = arith.mulf %get3A_581, %gather3A_500 : vector<16xf32>
          %swap3A_583 = arith.index_cast %add3A_507 : i32 to index
          %swap3A_584 = arith.constant 112 : index
          %swap3A_585 = tpu.vector_load %arg10[%swap3A_583, %swap3A_584] {strides = array<i32>} : memref<512x128xf32, #tpu.memory_space<vmem>>, vector<1x16xf32>,
          %swap3A_586 = vector.shape_cast %swap3A_585 : vector<1x16xf32> to vector<16xf32>
          %swap3A_587 = vector.shape_cast %mul3A_582 : vector<16xf32> to vector<1x16xf32>
          tpu.vector_store %arg10[%swap3A_583, %swap3A_584], %swap3A_587 {strides = array<i32>} : memref<512x128xf32, #tpu.memory_space<vmem>>, vector<1x16xf32>,
          %broadcast_in_dim3A_588 = arith.constant 4 : i32
          %broadcast_in_dim3A_589 = vector.broadcast %broadcast_in_dim3A_588 : i32 to vector<16x1xi32>
          %gather3A_590 = vector.shape_cast %broadcast_in_dim3A_589 : vector<16x1xi32> to vector<16xi32>
          %gather3A_591 = tpu.dynamic_gather %get3A_225[%gather3A_590] in [0] : vector<16xf32>, vector<16xi32> -> vector<16xf32>
          %mul3A_592 = arith.constant 128 : i32
          %mul3A_593 = arith.muli %add3A_208, %mul3A_592 : i32
          %mul3A_594 = arith.constant 16 : i32
          %mul3A_595 = arith.muli %add3A_218, %mul3A_594 : i32
          %add3A_596 = arith.addi %mul3A_593, %mul3A_595 : i32
          %add3A_597 = arith.constant 4 : i32
          %add3A_598 = arith.addi %add3A_596, %add3A_597 : i32
          %get3A_599 = arith.index_cast %add3A_598 : i32 to index
          %get3A_600 = arith.constant 0 : index
          %get3A_601 = tpu.vector_load %arg10[%get3A_599, %get3A_600] {strides = array<i32>} : memref<512x128xf32, #tpu.memory_space<vmem>>, vector<1x16xf32>,
          %get3A_602 = vector.shape_cast %get3A_601 : vector<1x16xf32> to vector<16xf32>
          %mul3A_603 = arith.mulf %get3A_602, %gather3A_591 : vector<16xf32>
          %swap3A_604 = arith.index_cast %add3A_598 : i32 to index
          %swap3A_605 = arith.constant 0 : index
          %swap3A_606 = tpu.vector_load %arg10[%swap3A_604, %swap3A_605] {strides = array<i32>} : memref<512x128xf32, #tpu.memory_space<vmem>>, vector<1x16xf32>,
          %swap3A_607 = vector.shape_cast %swap3A_606 : vector<1x16xf32> to vector<16xf32>
          %swap3A_608 = vector.shape_cast %mul3A_603 : vector<16xf32> to vector<1x16xf32>
          tpu.vector_store %arg10[%swap3A_604, %swap3A_605], %swap3A_608 {strides = array<i32>} : memref<512x128xf32, #tpu.memory_space<vmem>>, vector<1x16xf32>,
          %get3A_609 = arith.index_cast %add3A_598 : i32 to index
          %get3A_610 = arith.constant 16 : index
          %get3A_611 = tpu.vector_load %arg10[%get3A_609, %get3A_610] {strides = array<i32>} : memref<512x128xf32, #tpu.memory_space<vmem>>, vector<1x16xf32>,
          %get3A_612 = vector.shape_cast %get3A_611 : vector<1x16xf32> to vector<16xf32>
          %mul3A_613 = arith.mulf %get3A_612, %gather3A_591 : vector<16xf32>
          %swap3A_614 = arith.index_cast %add3A_598 : i32 to index
          %swap3A_615 = arith.constant 16 : index
          %swap3A_616 = tpu.vector_load %arg10[%swap3A_614, %swap3A_615] {strides = array<i32>} : memref<512x128xf32, #tpu.memory_space<vmem>>, vector<1x16xf32>,
          %swap3A_617 = vector.shape_cast %swap3A_616 : vector<1x16xf32> to vector<16xf32>
          %swap3A_618 = vector.shape_cast %mul3A_613 : vector<16xf32> to vector<1x16xf32>
          tpu.vector_store %arg10[%swap3A_614, %swap3A_615], %swap3A_618 {strides = array<i32>} : memref<512x128xf32, #tpu.memory_space<vmem>>, vector<1x16xf32>,
          %get3A_619 = arith.index_cast %add3A_598 : i32 to index
          %get3A_620 = arith.constant 32 : index
          %get3A_621 = tpu.vector_load %arg10[%get3A_619, %get3A_620] {strides = array<i32>} : memref<512x128xf32, #tpu.memory_space<vmem>>, vector<1x16xf32>,
          %get3A_622 = vector.shape_cast %get3A_621 : vector<1x16xf32> to vector<16xf32>
          %mul3A_623 = arith.mulf %get3A_622, %gather3A_591 : vector<16xf32>
          %swap3A_624 = arith.index_cast %add3A_598 : i32 to index
          %swap3A_625 = arith.constant 32 : index
          %swap3A_626 = tpu.vector_load %arg10[%swap3A_624, %swap3A_625] {strides = array<i32>} : memref<512x128xf32, #tpu.memory_space<vmem>>, vector<1x16xf32>,
          %swap3A_627 = vector.shape_cast %swap3A_626 : vector<1x16xf32> to vector<16xf32>
          %swap3A_628 = vector.shape_cast %mul3A_623 : vector<16xf32> to vector<1x16xf32>
          tpu.vector_store %arg10[%swap3A_624, %swap3A_625], %swap3A_628 {strides = array<i32>} : memref<512x128xf32, #tpu.memory_space<vmem>>, vector<1x16xf32>,
          %get3A_629 = arith.index_cast %add3A_598 : i32 to index
          %get3A_630 = arith.constant 48 : index
          %get3A_631 = tpu.vector_load %arg10[%get3A_629, %get3A_630] {strides = array<i32>} : memref<512x128xf32, #tpu.memory_space<vmem>>, vector<1x16xf32>,
          %get3A_632 = vector.shape_cast %get3A_631 : vector<1x16xf32> to vector<16xf32>
          %mul3A_633 = arith.mulf %get3A_632, %gather3A_591 : vector<16xf32>
          %swap3A_634 = arith.index_cast %add3A_598 : i32 to index
          %swap3A_635 = arith.constant 48 : index
          %swap3A_636 = tpu.vector_load %arg10[%swap3A_634, %swap3A_635] {strides = array<i32>} : memref<512x128xf32, #tpu.memory_space<vmem>>, vector<1x16xf32>,
          %swap3A_637 = vector.shape_cast %swap3A_636 : vector<1x16xf32> to vector<16xf32>
          %swap3A_638 = vector.shape_cast %mul3A_633 : vector<16xf32> to vector<1x16xf32>
          tpu.vector_store %arg10[%swap3A_634, %swap3A_635], %swap3A_638 {strides = array<i32>} : memref<512x128xf32, #tpu.memory_space<vmem>>, vector<1x16xf32>,
          %get3A_639 = arith.index_cast %add3A_598 : i32 to index
          %get3A_640 = arith.constant 64 : index
          %get3A_641 = tpu.vector_load %arg10[%get3A_639, %get3A_640] {strides = array<i32>} : memref<512x128xf32, #tpu.memory_space<vmem>>, vector<1x16xf32>,
          %get3A_642 = vector.shape_cast %get3A_641 : vector<1x16xf32> to vector<16xf32>
          %mul3A_643 = arith.mulf %get3A_642, %gather3A_591 : vector<16xf32>
          %swap3A_644 = arith.index_cast %add3A_598 : i32 to index
          %swap3A_645 = arith.constant 64 : index
          %swap3A_646 = tpu.vector_load %arg10[%swap3A_644, %swap3A_645] {strides = array<i32>} : memref<512x128xf32, #tpu.memory_space<vmem>>, vector<1x16xf32>,
          %swap3A_647 = vector.shape_cast %swap3A_646 : vector<1x16xf32> to vector<16xf32>
          %swap3A_648 = vector.shape_cast %mul3A_643 : vector<16xf32> to vector<1x16xf32>
          tpu.vector_store %arg10[%swap3A_644, %swap3A_645], %swap3A_648 {strides = array<i32>} : memref<512x128xf32, #tpu.memory_space<vmem>>, vector<1x16xf32>,
          %get3A_649 = arith.index_cast %add3A_598 : i32 to index
          %get3A_650 = arith.constant 80 : index
          %get3A_651 = tpu.vector_load %arg10[%get3A_649, %get3A_650] {strides = array<i32>} : memref<512x128xf32, #tpu.memory_space<vmem>>, vector<1x16xf32>,
          %get3A_652 = vector.shape_cast %get3A_651 : vector<1x16xf32> to vector<16xf32>
          %mul3A_653 = arith.mulf %get3A_652, %gather3A_591 : vector<16xf32>
          %swap3A_654 = arith.index_cast %add3A_598 : i32 to index
          %swap3A_655 = arith.constant 80 : index
          %swap3A_656 = tpu.vector_load %arg10[%swap3A_654, %swap3A_655] {strides = array<i32>} : memref<512x128xf32, #tpu.memory_space<vmem>>, vector<1x16xf32>,
          %swap3A_657 = vector.shape_cast %swap3A_656 : vector<1x16xf32> to vector<16xf32>
          %swap3A_658 = vector.shape_cast %mul3A_653 : vector<16xf32> to vector<1x16xf32>
          tpu.vector_store %arg10[%swap3A_654, %swap3A_655], %swap3A_658 {strides = array<i32>} : memref<512x128xf32, #tpu.memory_space<vmem>>, vector<1x16xf32>,
          %get3A_659 = arith.index_cast %add3A_598 : i32 to index
          %get3A_660 = arith.constant 96 : index
          %get3A_661 = tpu.vector_load %arg10[%get3A_659, %get3A_660] {strides = array<i32>} : memref<512x128xf32, #tpu.memory_space<vmem>>, vector<1x16xf32>,
          %get3A_662 = vector.shape_cast %get3A_661 : vector<1x16xf32> to vector<16xf32>
          %mul3A_663 = arith.mulf %get3A_662, %gather3A_591 : vector<16xf32>
          %swap3A_664 = arith.index_cast %add3A_598 : i32 to index
          %swap3A_665 = arith.constant 96 : index
          %swap3A_666 = tpu.vector_load %arg10[%swap3A_664, %swap3A_665] {strides = array<i32>} : memref<512x128xf32, #tpu.memory_space<vmem>>, vector<1x16xf32>,
          %swap3A_667 = vector.shape_cast %swap3A_666 : vector<1x16xf32> to vector<16xf32>
          %swap3A_668 = vector.shape_cast %mul3A_663 : vector<16xf32> to vector<1x16xf32>
          tpu.vector_store %arg10[%swap3A_664, %swap3A_665], %swap3A_668 {strides = array<i32>} : memref<512x128xf32, #tpu.memory_space<vmem>>, vector<1x16xf32>,
          %get3A_669 = arith.index_cast %add3A_598 : i32 to index
          %get3A_670 = arith.constant 112 : index
          %get3A_671 = tpu.vector_load %arg10[%get3A_669, %get3A_670] {strides = array<i32>} : memref<512x128xf32, #tpu.memory_space<vmem>>, vector<1x16xf32>,
          %get3A_672 = vector.shape_cast %get3A_671 : vector<1x16xf32> to vector<16xf32>
          %mul3A_673 = arith.mulf %get3A_672, %gather3A_591 : vector<16xf32>
          %swap3A_674 = arith.index_cast %add3A_598 : i32 to index
          %swap3A_675 = arith.constant 112 : index
          %swap3A_676 = tpu.vector_load %arg10[%swap3A_674, %swap3A_675] {strides = array<i32>} : memref<512x128xf32, #tpu.memory_space<vmem>>, vector<1x16xf32>,
          %swap3A_677 = vector.shape_cast %swap3A_676 : vector<1x16xf32> to vector<16xf32>
          %swap3A_678 = vector.shape_cast %mul3A_673 : vector<16xf32> to vector<1x16xf32>
          tpu.vector_store %arg10[%swap3A_674, %swap3A_675], %swap3A_678 {strides = array<i32>} : memref<512x128xf32, #tpu.memory_space<vmem>>, vector<1x16xf32>,
          %broadcast_in_dim3A_679 = arith.constant 5 : i32
          %broadcast_in_dim3A_680 = vector.broadcast %broadcast_in_dim3A_679 : i32 to vector<16x1xi32>
          %gather3A_681 = vector.shape_cast %broadcast_in_dim3A_680 : vector<16x1xi32> to vector<16xi32>
          %gather3A_682 = tpu.dynamic_gather %get3A_225[%gather3A_681] in [0] : vector<16xf32>, vector<16xi32> -> vector<16xf32>
          %mul3A_683 = arith.constant 128 : i32
          %mul3A_684 = arith.muli %add3A_208, %mul3A_683 : i32
          %mul3A_685 = arith.constant 16 : i32
          %mul3A_686 = arith.muli %add3A_218, %mul3A_685 : i32
          %add3A_687 = arith.addi %mul3A_684, %mul3A_686 : i32
          %add3A_688 = arith.constant 5 : i32
          %add3A_689 = arith.addi %add3A_687, %add3A_688 : i32
          %get3A_690 = arith.index_cast %add3A_689 : i32 to index
          %get3A_691 = arith.constant 0 : index
          %get3A_692 = tpu.vector_load %arg10[%get3A_690, %get3A_691] {strides = array<i32>} : memref<512x128xf32, #tpu.memory_space<vmem>>, vector<1x16xf32>,
          %get3A_693 = vector.shape_cast %get3A_692 : vector<1x16xf32> to vector<16xf32>
          %mul3A_694 = arith.mulf %get3A_693, %gather3A_682 : vector<16xf32>
          %swap3A_695 = arith.index_cast %add3A_689 : i32 to index
          %swap3A_696 = arith.constant 0 : index
          %swap3A_697 = tpu.vector_load %arg10[%swap3A_695, %swap3A_696] {strides = array<i32>} : memref<512x128xf32, #tpu.memory_space<vmem>>, vector<1x16xf32>,
          %swap3A_698 = vector.shape_cast %swap3A_697 : vector<1x16xf32> to vector<16xf32>
          %swap3A_699 = vector.shape_cast %mul3A_694 : vector<16xf32> to vector<1x16xf32>
          tpu.vector_store %arg10[%swap3A_695, %swap3A_696], %swap3A_699 {strides = array<i32>} : memref<512x128xf32, #tpu.memory_space<vmem>>, vector<1x16xf32>,
          %get3A_700 = arith.index_cast %add3A_689 : i32 to index
          %get3A_701 = arith.constant 16 : index
          %get3A_702 = tpu.vector_load %arg10[%get3A_700, %get3A_701] {strides = array<i32>} : memref<512x128xf32, #tpu.memory_space<vmem>>, vector<1x16xf32>,
          %get3A_703 = vector.shape_cast %get3A_702 : vector<1x16xf32> to vector<16xf32>
          %mul3A_704 = arith.mulf %get3A_703, %gather3A_682 : vector<16xf32>
          %swap3A_705 = arith.index_cast %add3A_689 : i32 to index
          %swap3A_706 = arith.constant 16 : index
          %swap3A_707 = tpu.vector_load %arg10[%swap3A_705, %swap3A_706] {strides = array<i32>} : memref<512x128xf32, #tpu.memory_space<vmem>>, vector<1x16xf32>,
          %swap3A_708 = vector.shape_cast %swap3A_707 : vector<1x16xf32> to vector<16xf32>
          %swap3A_709 = vector.shape_cast %mul3A_704 : vector<16xf32> to vector<1x16xf32>
          tpu.vector_store %arg10[%swap3A_705, %swap3A_706], %swap3A_709 {strides = array<i32>} : memref<512x128xf32, #tpu.memory_space<vmem>>, vector<1x16xf32>,
          %get3A_710 = arith.index_cast %add3A_689 : i32 to index
          %get3A_711 = arith.constant 32 : index
          %get3A_712 = tpu.vector_load %arg10[%get3A_710, %get3A_711] {strides = array<i32>} : memref<512x128xf32, #tpu.memory_space<vmem>>, vector<1x16xf32>,
          %get3A_713 = vector.shape_cast %get3A_712 : vector<1x16xf32> to vector<16xf32>
          %mul3A_714 = arith.mulf %get3A_713, %gather3A_682 : vector<16xf32>
          %swap3A_715 = arith.index_cast %add3A_689 : i32 to index
          %swap3A_716 = arith.constant 32 : index
          %swap3A_717 = tpu.vector_load %arg10[%swap3A_715, %swap3A_716] {strides = array<i32>} : memref<512x128xf32, #tpu.memory_space<vmem>>, vector<1x16xf32>,
          %swap3A_718 = vector.shape_cast %swap3A_717 : vector<1x16xf32> to vector<16xf32>
          %swap3A_719 = vector.shape_cast %mul3A_714 : vector<16xf32> to vector<1x16xf32>
          tpu.vector_store %arg10[%swap3A_715, %swap3A_716], %swap3A_719 {strides = array<i32>} : memref<512x128xf32, #tpu.memory_space<vmem>>, vector<1x16xf32>,
          %get3A_720 = arith.index_cast %add3A_689 : i32 to index
          %get3A_721 = arith.constant 48 : index
          %get3A_722 = tpu.vector_load %arg10[%get3A_720, %get3A_721] {strides = array<i32>} : memref<512x128xf32, #tpu.memory_space<vmem>>, vector<1x16xf32>,
          %get3A_723 = vector.shape_cast %get3A_722 : vector<1x16xf32> to vector<16xf32>
          %mul3A_724 = arith.mulf %get3A_723, %gather3A_682 : vector<16xf32>
          %swap3A_725 = arith.index_cast %add3A_689 : i32 to index
          %swap3A_726 = arith.constant 48 : index
          %swap3A_727 = tpu.vector_load %arg10[%swap3A_725, %swap3A_726] {strides = array<i32>} : memref<512x128xf32, #tpu.memory_space<vmem>>, vector<1x16xf32>,
          %swap3A_728 = vector.shape_cast %swap3A_727 : vector<1x16xf32> to vector<16xf32>
          %swap3A_729 = vector.shape_cast %mul3A_724 : vector<16xf32> to vector<1x16xf32>
          tpu.vector_store %arg10[%swap3A_725, %swap3A_726], %swap3A_729 {strides = array<i32>} : memref<512x128xf32, #tpu.memory_space<vmem>>, vector<1x16xf32>,
          %get3A_730 = arith.index_cast %add3A_689 : i32 to index
          %get3A_731 = arith.constant 64 : index
          %get3A_732 = tpu.vector_load %arg10[%get3A_730, %get3A_731] {strides = array<i32>} : memref<512x128xf32, #tpu.memory_space<vmem>>, vector<1x16xf32>,
          %get3A_733 = vector.shape_cast %get3A_732 : vector<1x16xf32> to vector<16xf32>
          %mul3A_734 = arith.mulf %get3A_733, %gather3A_682 : vector<16xf32>
          %swap3A_735 = arith.index_cast %add3A_689 : i32 to index
          %swap3A_736 = arith.constant 64 : index
          %swap3A_737 = tpu.vector_load %arg10[%swap3A_735, %swap3A_736] {strides = array<i32>} : memref<512x128xf32, #tpu.memory_space<vmem>>, vector<1x16xf32>,
          %swap3A_738 = vector.shape_cast %swap3A_737 : vector<1x16xf32> to vector<16xf32>
          %swap3A_739 = vector.shape_cast %mul3A_734 : vector<16xf32> to vector<1x16xf32>
          tpu.vector_store %arg10[%swap3A_735, %swap3A_736], %swap3A_739 {strides = array<i32>} : memref<512x128xf32, #tpu.memory_space<vmem>>, vector<1x16xf32>,
          %get3A_740 = arith.index_cast %add3A_689 : i32 to index
          %get3A_741 = arith.constant 80 : index
          %get3A_742 = tpu.vector_load %arg10[%get3A_740, %get3A_741] {strides = array<i32>} : memref<512x128xf32, #tpu.memory_space<vmem>>, vector<1x16xf32>,
          %get3A_743 = vector.shape_cast %get3A_742 : vector<1x16xf32> to vector<16xf32>
          %mul3A_744 = arith.mulf %get3A_743, %gather3A_682 : vector<16xf32>
          %swap3A_745 = arith.index_cast %add3A_689 : i32 to index
          %swap3A_746 = arith.constant 80 : index
          %swap3A_747 = tpu.vector_load %arg10[%swap3A_745, %swap3A_746] {strides = array<i32>} : memref<512x128xf32, #tpu.memory_space<vmem>>, vector<1x16xf32>,
          %swap3A_748 = vector.shape_cast %swap3A_747 : vector<1x16xf32> to vector<16xf32>
          %swap3A_749 = vector.shape_cast %mul3A_744 : vector<16xf32> to vector<1x16xf32>
          tpu.vector_store %arg10[%swap3A_745, %swap3A_746], %swap3A_749 {strides = array<i32>} : memref<512x128xf32, #tpu.memory_space<vmem>>, vector<1x16xf32>,
          %get3A_750 = arith.index_cast %add3A_689 : i32 to index
          %get3A_751 = arith.constant 96 : index
          %get3A_752 = tpu.vector_load %arg10[%get3A_750, %get3A_751] {strides = array<i32>} : memref<512x128xf32, #tpu.memory_space<vmem>>, vector<1x16xf32>,
          %get3A_753 = vector.shape_cast %get3A_752 : vector<1x16xf32> to vector<16xf32>
          %mul3A_754 = arith.mulf %get3A_753, %gather3A_682 : vector<16xf32>
          %swap3A_755 = arith.index_cast %add3A_689 : i32 to index
          %swap3A_756 = arith.constant 96 : index
          %swap3A_757 = tpu.vector_load %arg10[%swap3A_755, %swap3A_756] {strides = array<i32>} : memref<512x128xf32, #tpu.memory_space<vmem>>, vector<1x16xf32>,
          %swap3A_758 = vector.shape_cast %swap3A_757 : vector<1x16xf32> to vector<16xf32>
          %swap3A_759 = vector.shape_cast %mul3A_754 : vector<16xf32> to vector<1x16xf32>
          tpu.vector_store %arg10[%swap3A_755, %swap3A_756], %swap3A_759 {strides = array<i32>} : memref<512x128xf32, #tpu.memory_space<vmem>>, vector<1x16xf32>,
          %get3A_760 = arith.index_cast %add3A_689 : i32 to index
          %get3A_761 = arith.constant 112 : index
          %get3A_762 = tpu.vector_load %arg10[%get3A_760, %get3A_761] {strides = array<i32>} : memref<512x128xf32, #tpu.memory_space<vmem>>, vector<1x16xf32>,
          %get3A_763 = vector.shape_cast %get3A_762 : vector<1x16xf32> to vector<16xf32>
          %mul3A_764 = arith.mulf %get3A_763, %gather3A_682 : vector<16xf32>
          %swap3A_765 = arith.index_cast %add3A_689 : i32 to index
          %swap3A_766 = arith.constant 112 : index
          %swap3A_767 = tpu.vector_load %arg10[%swap3A_765, %swap3A_766] {strides = array<i32>} : memref<512x128xf32, #tpu.memory_space<vmem>>, vector<1x16xf32>,
          %swap3A_768 = vector.shape_cast %swap3A_767 : vector<1x16xf32> to vector<16xf32>
          %swap3A_769 = vector.shape_cast %mul3A_764 : vector<16xf32> to vector<1x16xf32>
          tpu.vector_store %arg10[%swap3A_765, %swap3A_766], %swap3A_769 {strides = array<i32>} : memref<512x128xf32, #tpu.memory_space<vmem>>, vector<1x16xf32>,
          %broadcast_in_dim3A_770 = arith.constant 6 : i32
          %broadcast_in_dim3A_771 = vector.broadcast %broadcast_in_dim3A_770 : i32 to vector<16x1xi32>
          %gather3A_772 = vector.shape_cast %broadcast_in_dim3A_771 : vector<16x1xi32> to vector<16xi32>
          %gather3A_773 = tpu.dynamic_gather %get3A_225[%gather3A_772] in [0] : vector<16xf32>, vector<16xi32> -> vector<16xf32>
          %mul3A_774 = arith.constant 128 : i32
          %mul3A_775 = arith.muli %add3A_208, %mul3A_774 : i32
          %mul3A_776 = arith.constant 16 : i32
          %mul3A_777 = arith.muli %add3A_218, %mul3A_776 : i32
          %add3A_778 = arith.addi %mul3A_775, %mul3A_777 : i32
          %add3A_779 = arith.constant 6 : i32
          %add3A_780 = arith.addi %add3A_778, %add3A_779 : i32
          %get3A_781 = arith.index_cast %add3A_780 : i32 to index
          %get3A_782 = arith.constant 0 : index
          %get3A_783 = tpu.vector_load %arg10[%get3A_781, %get3A_782] {strides = array<i32>} : memref<512x128xf32, #tpu.memory_space<vmem>>, vector<1x16xf32>,
          %get3A_784 = vector.shape_cast %get3A_783 : vector<1x16xf32> to vector<16xf32>
          %mul3A_785 = arith.mulf %get3A_784, %gather3A_773 : vector<16xf32>
          %swap3A_786 = arith.index_cast %add3A_780 : i32 to index
          %swap3A_787 = arith.constant 0 : index
          %swap3A_788 = tpu.vector_load %arg10[%swap3A_786, %swap3A_787] {strides = array<i32>} : memref<512x128xf32, #tpu.memory_space<vmem>>, vector<1x16xf32>,
          %swap3A_789 = vector.shape_cast %swap3A_788 : vector<1x16xf32> to vector<16xf32>
          %swap3A_790 = vector.shape_cast %mul3A_785 : vector<16xf32> to vector<1x16xf32>
          tpu.vector_store %arg10[%swap3A_786, %swap3A_787], %swap3A_790 {strides = array<i32>} : memref<512x128xf32, #tpu.memory_space<vmem>>, vector<1x16xf32>,
          %get3A_791 = arith.index_cast %add3A_780 : i32 to index
          %get3A_792 = arith.constant 16 : index
          %get3A_793 = tpu.vector_load %arg10[%get3A_791, %get3A_792] {strides = array<i32>} : memref<512x128xf32, #tpu.memory_space<vmem>>, vector<1x16xf32>,
          %get3A_794 = vector.shape_cast %get3A_793 : vector<1x16xf32> to vector<16xf32>
          %mul3A_795 = arith.mulf %get3A_794, %gather3A_773 : vector<16xf32>
          %swap3A_796 = arith.index_cast %add3A_780 : i32 to index
          %swap3A_797 = arith.constant 16 : index
          %swap3A_798 = tpu.vector_load %arg10[%swap3A_796, %swap3A_797] {strides = array<i32>} : memref<512x128xf32, #tpu.memory_space<vmem>>, vector<1x16xf32>,
          %swap3A_799 = vector.shape_cast %swap3A_798 : vector<1x16xf32> to vector<16xf32>
          %swap3A_800 = vector.shape_cast %mul3A_795 : vector<16xf32> to vector<1x16xf32>
          tpu.vector_store %arg10[%swap3A_796, %swap3A_797], %swap3A_800 {strides = array<i32>} : memref<512x128xf32, #tpu.memory_space<vmem>>, vector<1x16xf32>,
          %get3A_801 = arith.index_cast %add3A_780 : i32 to index
          %get3A_802 = arith.constant 32 : index
          %get3A_803 = tpu.vector_load %arg10[%get3A_801, %get3A_802] {strides = array<i32>} : memref<512x128xf32, #tpu.memory_space<vmem>>, vector<1x16xf32>,
          %get3A_804 = vector.shape_cast %get3A_803 : vector<1x16xf32> to vector<16xf32>
          %mul3A_805 = arith.mulf %get3A_804, %gather3A_773 : vector<16xf32>
          %swap3A_806 = arith.index_cast %add3A_780 : i32 to index
          %swap3A_807 = arith.constant 32 : index
          %swap3A_808 = tpu.vector_load %arg10[%swap3A_806, %swap3A_807] {strides = array<i32>} : memref<512x128xf32, #tpu.memory_space<vmem>>, vector<1x16xf32>,
          %swap3A_809 = vector.shape_cast %swap3A_808 : vector<1x16xf32> to vector<16xf32>
          %swap3A_810 = vector.shape_cast %mul3A_805 : vector<16xf32> to vector<1x16xf32>
          tpu.vector_store %arg10[%swap3A_806, %swap3A_807], %swap3A_810 {strides = array<i32>} : memref<512x128xf32, #tpu.memory_space<vmem>>, vector<1x16xf32>,
          %get3A_811 = arith.index_cast %add3A_780 : i32 to index
          %get3A_812 = arith.constant 48 : index
          %get3A_813 = tpu.vector_load %arg10[%get3A_811, %get3A_812] {strides = array<i32>} : memref<512x128xf32, #tpu.memory_space<vmem>>, vector<1x16xf32>,
          %get3A_814 = vector.shape_cast %get3A_813 : vector<1x16xf32> to vector<16xf32>
          %mul3A_815 = arith.mulf %get3A_814, %gather3A_773 : vector<16xf32>
          %swap3A_816 = arith.index_cast %add3A_780 : i32 to index
          %swap3A_817 = arith.constant 48 : index
          %swap3A_818 = tpu.vector_load %arg10[%swap3A_816, %swap3A_817] {strides = array<i32>} : memref<512x128xf32, #tpu.memory_space<vmem>>, vector<1x16xf32>,
          %swap3A_819 = vector.shape_cast %swap3A_818 : vector<1x16xf32> to vector<16xf32>
          %swap3A_820 = vector.shape_cast %mul3A_815 : vector<16xf32> to vector<1x16xf32>
          tpu.vector_store %arg10[%swap3A_816, %swap3A_817], %swap3A_820 {strides = array<i32>} : memref<512x128xf32, #tpu.memory_space<vmem>>, vector<1x16xf32>,
          %get3A_821 = arith.index_cast %add3A_780 : i32 to index
          %get3A_822 = arith.constant 64 : index
          %get3A_823 = tpu.vector_load %arg10[%get3A_821, %get3A_822] {strides = array<i32>} : memref<512x128xf32, #tpu.memory_space<vmem>>, vector<1x16xf32>,
          %get3A_824 = vector.shape_cast %get3A_823 : vector<1x16xf32> to vector<16xf32>
          %mul3A_825 = arith.mulf %get3A_824, %gather3A_773 : vector<16xf32>
          %swap3A_826 = arith.index_cast %add3A_780 : i32 to index
          %swap3A_827 = arith.constant 64 : index
          %swap3A_828 = tpu.vector_load %arg10[%swap3A_826, %swap3A_827] {strides = array<i32>} : memref<512x128xf32, #tpu.memory_space<vmem>>, vector<1x16xf32>,
          %swap3A_829 = vector.shape_cast %swap3A_828 : vector<1x16xf32> to vector<16xf32>
          %swap3A_830 = vector.shape_cast %mul3A_825 : vector<16xf32> to vector<1x16xf32>
          tpu.vector_store %arg10[%swap3A_826, %swap3A_827], %swap3A_830 {strides = array<i32>} : memref<512x128xf32, #tpu.memory_space<vmem>>, vector<1x16xf32>,
          %get3A_831 = arith.index_cast %add3A_780 : i32 to index
          %get3A_832 = arith.constant 80 : index
          %get3A_833 = tpu.vector_load %arg10[%get3A_831, %get3A_832] {strides = array<i32>} : memref<512x128xf32, #tpu.memory_space<vmem>>, vector<1x16xf32>,
          %get3A_834 = vector.shape_cast %get3A_833 : vector<1x16xf32> to vector<16xf32>
          %mul3A_835 = arith.mulf %get3A_834, %gather3A_773 : vector<16xf32>
          %swap3A_836 = arith.index_cast %add3A_780 : i32 to index
          %swap3A_837 = arith.constant 80 : index
          %swap3A_838 = tpu.vector_load %arg10[%swap3A_836, %swap3A_837] {strides = array<i32>} : memref<512x128xf32, #tpu.memory_space<vmem>>, vector<1x16xf32>,
          %swap3A_839 = vector.shape_cast %swap3A_838 : vector<1x16xf32> to vector<16xf32>
          %swap3A_840 = vector.shape_cast %mul3A_835 : vector<16xf32> to vector<1x16xf32>
          tpu.vector_store %arg10[%swap3A_836, %swap3A_837], %swap3A_840 {strides = array<i32>} : memref<512x128xf32, #tpu.memory_space<vmem>>, vector<1x16xf32>,
          %get3A_841 = arith.index_cast %add3A_780 : i32 to index
          %get3A_842 = arith.constant 96 : index
          %get3A_843 = tpu.vector_load %arg10[%get3A_841, %get3A_842] {strides = array<i32>} : memref<512x128xf32, #tpu.memory_space<vmem>>, vector<1x16xf32>,
          %get3A_844 = vector.shape_cast %get3A_843 : vector<1x16xf32> to vector<16xf32>
          %mul3A_845 = arith.mulf %get3A_844, %gather3A_773 : vector<16xf32>
          %swap3A_846 = arith.index_cast %add3A_780 : i32 to index
          %swap3A_847 = arith.constant 96 : index
          %swap3A_848 = tpu.vector_load %arg10[%swap3A_846, %swap3A_847] {strides = array<i32>} : memref<512x128xf32, #tpu.memory_space<vmem>>, vector<1x16xf32>,
          %swap3A_849 = vector.shape_cast %swap3A_848 : vector<1x16xf32> to vector<16xf32>
          %swap3A_850 = vector.shape_cast %mul3A_845 : vector<16xf32> to vector<1x16xf32>
          tpu.vector_store %arg10[%swap3A_846, %swap3A_847], %swap3A_850 {strides = array<i32>} : memref<512x128xf32, #tpu.memory_space<vmem>>, vector<1x16xf32>,
          %get3A_851 = arith.index_cast %add3A_780 : i32 to index
          %get3A_852 = arith.constant 112 : index
          %get3A_853 = tpu.vector_load %arg10[%get3A_851, %get3A_852] {strides = array<i32>} : memref<512x128xf32, #tpu.memory_space<vmem>>, vector<1x16xf32>,
          %get3A_854 = vector.shape_cast %get3A_853 : vector<1x16xf32> to vector<16xf32>
          %mul3A_855 = arith.mulf %get3A_854, %gather3A_773 : vector<16xf32>
          %swap3A_856 = arith.index_cast %add3A_780 : i32 to index
          %swap3A_857 = arith.constant 112 : index
          %swap3A_858 = tpu.vector_load %arg10[%swap3A_856, %swap3A_857] {strides = array<i32>} : memref<512x128xf32, #tpu.memory_space<vmem>>, vector<1x16xf32>,
          %swap3A_859 = vector.shape_cast %swap3A_858 : vector<1x16xf32> to vector<16xf32>
          %swap3A_860 = vector.shape_cast %mul3A_855 : vector<16xf32> to vector<1x16xf32>
          tpu.vector_store %arg10[%swap3A_856, %swap3A_857], %swap3A_860 {strides = array<i32>} : memref<512x128xf32, #tpu.memory_space<vmem>>, vector<1x16xf32>,
          %broadcast_in_dim3A_861 = arith.constant 7 : i32
          %broadcast_in_dim3A_862 = vector.broadcast %broadcast_in_dim3A_861 : i32 to vector<16x1xi32>
          %gather3A_863 = vector.shape_cast %broadcast_in_dim3A_862 : vector<16x1xi32> to vector<16xi32>
          %gather3A_864 = tpu.dynamic_gather %get3A_225[%gather3A_863] in [0] : vector<16xf32>, vector<16xi32> -> vector<16xf32>
          %mul3A_865 = arith.constant 128 : i32
          %mul3A_866 = arith.muli %add3A_208, %mul3A_865 : i32
          %mul3A_867 = arith.constant 16 : i32
          %mul3A_868 = arith.muli %add3A_218, %mul3A_867 : i32
          %add3A_869 = arith.addi %mul3A_866, %mul3A_868 : i32
          %add3A_870 = arith.constant 7 : i32
          %add3A_871 = arith.addi %add3A_869, %add3A_870 : i32
          %get3A_872 = arith.index_cast %add3A_871 : i32 to index
          %get3A_873 = arith.constant 0 : index
          %get3A_874 = tpu.vector_load %arg10[%get3A_872, %get3A_873] {strides = array<i32>} : memref<512x128xf32, #tpu.memory_space<vmem>>, vector<1x16xf32>,
          %get3A_875 = vector.shape_cast %get3A_874 : vector<1x16xf32> to vector<16xf32>
          %mul3A_876 = arith.mulf %get3A_875, %gather3A_864 : vector<16xf32>
          %swap3A_877 = arith.index_cast %add3A_871 : i32 to index
          %swap3A_878 = arith.constant 0 : index
          %swap3A_879 = tpu.vector_load %arg10[%swap3A_877, %swap3A_878] {strides = array<i32>} : memref<512x128xf32, #tpu.memory_space<vmem>>, vector<1x16xf32>,
          %swap3A_880 = vector.shape_cast %swap3A_879 : vector<1x16xf32> to vector<16xf32>
          %swap3A_881 = vector.shape_cast %mul3A_876 : vector<16xf32> to vector<1x16xf32>
          tpu.vector_store %arg10[%swap3A_877, %swap3A_878], %swap3A_881 {strides = array<i32>} : memref<512x128xf32, #tpu.memory_space<vmem>>, vector<1x16xf32>,
          %get3A_882 = arith.index_cast %add3A_871 : i32 to index
          %get3A_883 = arith.constant 16 : index
          %get3A_884 = tpu.vector_load %arg10[%get3A_882, %get3A_883] {strides = array<i32>} : memref<512x128xf32, #tpu.memory_space<vmem>>, vector<1x16xf32>,
          %get3A_885 = vector.shape_cast %get3A_884 : vector<1x16xf32> to vector<16xf32>
          %mul3A_886 = arith.mulf %get3A_885, %gather3A_864 : vector<16xf32>
          %swap3A_887 = arith.index_cast %add3A_871 : i32 to index
          %swap3A_888 = arith.constant 16 : index
          %swap3A_889 = tpu.vector_load %arg10[%swap3A_887, %swap3A_888] {strides = array<i32>} : memref<512x128xf32, #tpu.memory_space<vmem>>, vector<1x16xf32>,
          %swap3A_890 = vector.shape_cast %swap3A_889 : vector<1x16xf32> to vector<16xf32>
          %swap3A_891 = vector.shape_cast %mul3A_886 : vector<16xf32> to vector<1x16xf32>
          tpu.vector_store %arg10[%swap3A_887, %swap3A_888], %swap3A_891 {strides = array<i32>} : memref<512x128xf32, #tpu.memory_space<vmem>>, vector<1x16xf32>,
          %get3A_892 = arith.index_cast %add3A_871 : i32 to index
          %get3A_893 = arith.constant 32 : index
          %get3A_894 = tpu.vector_load %arg10[%get3A_892, %get3A_893] {strides = array<i32>} : memref<512x128xf32, #tpu.memory_space<vmem>>, vector<1x16xf32>,
          %get3A_895 = vector.shape_cast %get3A_894 : vector<1x16xf32> to vector<16xf32>
          %mul3A_896 = arith.mulf %get3A_895, %gather3A_864 : vector<16xf32>
          %swap3A_897 = arith.index_cast %add3A_871 : i32 to index
          %swap3A_898 = arith.constant 32 : index
          %swap3A_899 = tpu.vector_load %arg10[%swap3A_897, %swap3A_898] {strides = array<i32>} : memref<512x128xf32, #tpu.memory_space<vmem>>, vector<1x16xf32>,
          %swap3A_900 = vector.shape_cast %swap3A_899 : vector<1x16xf32> to vector<16xf32>
          %swap3A_901 = vector.shape_cast %mul3A_896 : vector<16xf32> to vector<1x16xf32>
          tpu.vector_store %arg10[%swap3A_897, %swap3A_898], %swap3A_901 {strides = array<i32>} : memref<512x128xf32, #tpu.memory_space<vmem>>, vector<1x16xf32>,
          %get3A_902 = arith.index_cast %add3A_871 : i32 to index
          %get3A_903 = arith.constant 48 : index
          %get3A_904 = tpu.vector_load %arg10[%get3A_902, %get3A_903] {strides = array<i32>} : memref<512x128xf32, #tpu.memory_space<vmem>>, vector<1x16xf32>,
          %get3A_905 = vector.shape_cast %get3A_904 : vector<1x16xf32> to vector<16xf32>
          %mul3A_906 = arith.mulf %get3A_905, %gather3A_864 : vector<16xf32>
          %swap3A_907 = arith.index_cast %add3A_871 : i32 to index
          %swap3A_908 = arith.constant 48 : index
          %swap3A_909 = tpu.vector_load %arg10[%swap3A_907, %swap3A_908] {strides = array<i32>} : memref<512x128xf32, #tpu.memory_space<vmem>>, vector<1x16xf32>,
          %swap3A_910 = vector.shape_cast %swap3A_909 : vector<1x16xf32> to vector<16xf32>
          %swap3A_911 = vector.shape_cast %mul3A_906 : vector<16xf32> to vector<1x16xf32>
          tpu.vector_store %arg10[%swap3A_907, %swap3A_908], %swap3A_911 {strides = array<i32>} : memref<512x128xf32, #tpu.memory_space<vmem>>, vector<1x16xf32>,
          %get3A_912 = arith.index_cast %add3A_871 : i32 to index
          %get3A_913 = arith.constant 64 : index
          %get3A_914 = tpu.vector_load %arg10[%get3A_912, %get3A_913] {strides = array<i32>} : memref<512x128xf32, #tpu.memory_space<vmem>>, vector<1x16xf32>,
          %get3A_915 = vector.shape_cast %get3A_914 : vector<1x16xf32> to vector<16xf32>
          %mul3A_916 = arith.mulf %get3A_915, %gather3A_864 : vector<16xf32>
          %swap3A_917 = arith.index_cast %add3A_871 : i32 to index
          %swap3A_918 = arith.constant 64 : index
          %swap3A_919 = tpu.vector_load %arg10[%swap3A_917, %swap3A_918] {strides = array<i32>} : memref<512x128xf32, #tpu.memory_space<vmem>>, vector<1x16xf32>,
          %swap3A_920 = vector.shape_cast %swap3A_919 : vector<1x16xf32> to vector<16xf32>
          %swap3A_921 = vector.shape_cast %mul3A_916 : vector<16xf32> to vector<1x16xf32>
          tpu.vector_store %arg10[%swap3A_917, %swap3A_918], %swap3A_921 {strides = array<i32>} : memref<512x128xf32, #tpu.memory_space<vmem>>, vector<1x16xf32>,
          %get3A_922 = arith.index_cast %add3A_871 : i32 to index
          %get3A_923 = arith.constant 80 : index
          %get3A_924 = tpu.vector_load %arg10[%get3A_922, %get3A_923] {strides = array<i32>} : memref<512x128xf32, #tpu.memory_space<vmem>>, vector<1x16xf32>,
          %get3A_925 = vector.shape_cast %get3A_924 : vector<1x16xf32> to vector<16xf32>
          %mul3A_926 = arith.mulf %get3A_925, %gather3A_864 : vector<16xf32>
          %swap3A_927 = arith.index_cast %add3A_871 : i32 to index
          %swap3A_928 = arith.constant 80 : index
          %swap3A_929 = tpu.vector_load %arg10[%swap3A_927, %swap3A_928] {strides = array<i32>} : memref<512x128xf32, #tpu.memory_space<vmem>>, vector<1x16xf32>,
          %swap3A_930 = vector.shape_cast %swap3A_929 : vector<1x16xf32> to vector<16xf32>
          %swap3A_931 = vector.shape_cast %mul3A_926 : vector<16xf32> to vector<1x16xf32>
          tpu.vector_store %arg10[%swap3A_927, %swap3A_928], %swap3A_931 {strides = array<i32>} : memref<512x128xf32, #tpu.memory_space<vmem>>, vector<1x16xf32>,
          %get3A_932 = arith.index_cast %add3A_871 : i32 to index
          %get3A_933 = arith.constant 96 : index
          %get3A_934 = tpu.vector_load %arg10[%get3A_932, %get3A_933] {strides = array<i32>} : memref<512x128xf32, #tpu.memory_space<vmem>>, vector<1x16xf32>,
          %get3A_935 = vector.shape_cast %get3A_934 : vector<1x16xf32> to vector<16xf32>
          %mul3A_936 = arith.mulf %get3A_935, %gather3A_864 : vector<16xf32>
          %swap3A_937 = arith.index_cast %add3A_871 : i32 to index
          %swap3A_938 = arith.constant 96 : index
          %swap3A_939 = tpu.vector_load %arg10[%swap3A_937, %swap3A_938] {strides = array<i32>} : memref<512x128xf32, #tpu.memory_space<vmem>>, vector<1x16xf32>,
          %swap3A_940 = vector.shape_cast %swap3A_939 : vector<1x16xf32> to vector<16xf32>
          %swap3A_941 = vector.shape_cast %mul3A_936 : vector<16xf32> to vector<1x16xf32>
          tpu.vector_store %arg10[%swap3A_937, %swap3A_938], %swap3A_941 {strides = array<i32>} : memref<512x128xf32, #tpu.memory_space<vmem>>, vector<1x16xf32>,
          %get3A_942 = arith.index_cast %add3A_871 : i32 to index
          %get3A_943 = arith.constant 112 : index
          %get3A_944 = tpu.vector_load %arg10[%get3A_942, %get3A_943] {strides = array<i32>} : memref<512x128xf32, #tpu.memory_space<vmem>>, vector<1x16xf32>,
          %get3A_945 = vector.shape_cast %get3A_944 : vector<1x16xf32> to vector<16xf32>
          %mul3A_946 = arith.mulf %get3A_945, %gather3A_864 : vector<16xf32>
          %swap3A_947 = arith.index_cast %add3A_871 : i32 to index
          %swap3A_948 = arith.constant 112 : index
          %swap3A_949 = tpu.vector_load %arg10[%swap3A_947, %swap3A_948] {strides = array<i32>} : memref<512x128xf32, #tpu.memory_space<vmem>>, vector<1x16xf32>,
          %swap3A_950 = vector.shape_cast %swap3A_949 : vector<1x16xf32> to vector<16xf32>
          %swap3A_951 = vector.shape_cast %mul3A_946 : vector<16xf32> to vector<1x16xf32>
          tpu.vector_store %arg10[%swap3A_947, %swap3A_948], %swap3A_951 {strides = array<i32>} : memref<512x128xf32, #tpu.memory_space<vmem>>, vector<1x16xf32>,
          %broadcast_in_dim3A_952 = arith.constant 8 : i32
          %broadcast_in_dim3A_953 = vector.broadcast %broadcast_in_dim3A_952 : i32 to vector<16x1xi32>
          %gather3A_954 = vector.shape_cast %broadcast_in_dim3A_953 : vector<16x1xi32> to vector<16xi32>
          %gather3A_955 = tpu.dynamic_gather %get3A_225[%gather3A_954] in [0] : vector<16xf32>, vector<16xi32> -> vector<16xf32>
          %mul3A_956 = arith.constant 128 : i32
          %mul3A_957 = arith.muli %add3A_208, %mul3A_956 : i32
          %mul3A_958 = arith.constant 16 : i32
          %mul3A_959 = arith.muli %add3A_218, %mul3A_958 : i32
          %add3A_960 = arith.addi %mul3A_957, %mul3A_959 : i32
          %add3A_961 = arith.constant 8 : i32
          %add3A_962 = arith.addi %add3A_960, %add3A_961 : i32
          %get3A_963 = arith.index_cast %add3A_962 : i32 to index
          %get3A_964 = arith.constant 0 : index
          %get3A_965 = tpu.vector_load %arg10[%get3A_963, %get3A_964] {strides = array<i32>} : memref<512x128xf32, #tpu.memory_space<vmem>>, vector<1x16xf32>,
          %get3A_966 = vector.shape_cast %get3A_965 : vector<1x16xf32> to vector<16xf32>
          %mul3A_967 = arith.mulf %get3A_966, %gather3A_955 : vector<16xf32>
          %swap3A_968 = arith.index_cast %add3A_962 : i32 to index
          %swap3A_969 = arith.constant 0 : index
          %swap3A_970 = tpu.vector_load %arg10[%swap3A_968, %swap3A_969] {strides = array<i32>} : memref<512x128xf32, #tpu.memory_space<vmem>>, vector<1x16xf32>,
          %swap3A_971 = vector.shape_cast %swap3A_970 : vector<1x16xf32> to vector<16xf32>
          %swap3A_972 = vector.shape_cast %mul3A_967 : vector<16xf32> to vector<1x16xf32>
          tpu.vector_store %arg10[%swap3A_968, %swap3A_969], %swap3A_972 {strides = array<i32>} : memref<512x128xf32, #tpu.memory_space<vmem>>, vector<1x16xf32>,
          %get3A_973 = arith.index_cast %add3A_962 : i32 to index
          %get3A_974 = arith.constant 16 : index
          %get3A_975 = tpu.vector_load %arg10[%get3A_973, %get3A_974] {strides = array<i32>} : memref<512x128xf32, #tpu.memory_space<vmem>>, vector<1x16xf32>,
          %get3A_976 = vector.shape_cast %get3A_975 : vector<1x16xf32> to vector<16xf32>
          %mul3A_977 = arith.mulf %get3A_976, %gather3A_955 : vector<16xf32>
          %swap3A_978 = arith.index_cast %add3A_962 : i32 to index
          %swap3A_979 = arith.constant 16 : index
          %swap3A_980 = tpu.vector_load %arg10[%swap3A_978, %swap3A_979] {strides = array<i32>} : memref<512x128xf32, #tpu.memory_space<vmem>>, vector<1x16xf32>,
          %swap3A_981 = vector.shape_cast %swap3A_980 : vector<1x16xf32> to vector<16xf32>
          %swap3A_982 = vector.shape_cast %mul3A_977 : vector<16xf32> to vector<1x16xf32>
          tpu.vector_store %arg10[%swap3A_978, %swap3A_979], %swap3A_982 {strides = array<i32>} : memref<512x128xf32, #tpu.memory_space<vmem>>, vector<1x16xf32>,
          %get3A_983 = arith.index_cast %add3A_962 : i32 to index
          %get3A_984 = arith.constant 32 : index
          %get3A_985 = tpu.vector_load %arg10[%get3A_983, %get3A_984] {strides = array<i32>} : memref<512x128xf32, #tpu.memory_space<vmem>>, vector<1x16xf32>,
          %get3A_986 = vector.shape_cast %get3A_985 : vector<1x16xf32> to vector<16xf32>
          %mul3A_987 = arith.mulf %get3A_986, %gather3A_955 : vector<16xf32>
          %swap3A_988 = arith.index_cast %add3A_962 : i32 to index
          %swap3A_989 = arith.constant 32 : index
          %swap3A_990 = tpu.vector_load %arg10[%swap3A_988, %swap3A_989] {strides = array<i32>} : memref<512x128xf32, #tpu.memory_space<vmem>>, vector<1x16xf32>,
          %swap3A_991 = vector.shape_cast %swap3A_990 : vector<1x16xf32> to vector<16xf32>
          %swap3A_992 = vector.shape_cast %mul3A_987 : vector<16xf32> to vector<1x16xf32>
          tpu.vector_store %arg10[%swap3A_988, %swap3A_989], %swap3A_992 {strides = array<i32>} : memref<512x128xf32, #tpu.memory_space<vmem>>, vector<1x16xf32>,
          %get3A_993 = arith.index_cast %add3A_962 : i32 to index
          %get3A_994 = arith.constant 48 : index
          %get3A_995 = tpu.vector_load %arg10[%get3A_993, %get3A_994] {strides = array<i32>} : memref<512x128xf32, #tpu.memory_space<vmem>>, vector<1x16xf32>,
          %get3A_996 = vector.shape_cast %get3A_995 : vector<1x16xf32> to vector<16xf32>
          %mul3A_997 = arith.mulf %get3A_996, %gather3A_955 : vector<16xf32>
          %swap3A_998 = arith.index_cast %add3A_962 : i32 to index
          %swap3A_999 = arith.constant 48 : index
          %swap3A_1000 = tpu.vector_load %arg10[%swap3A_998, %swap3A_999] {strides = array<i32>} : memref<512x128xf32, #tpu.memory_space<vmem>>, vector<1x16xf32>,
          %swap3A_1001 = vector.shape_cast %swap3A_1000 : vector<1x16xf32> to vector<16xf32>
          %swap3A_1002 = vector.shape_cast %mul3A_997 : vector<16xf32> to vector<1x16xf32>
          tpu.vector_store %arg10[%swap3A_998, %swap3A_999], %swap3A_1002 {strides = array<i32>} : memref<512x128xf32, #tpu.memory_space<vmem>>, vector<1x16xf32>,
          %get3A_1003 = arith.index_cast %add3A_962 : i32 to index
          %get3A_1004 = arith.constant 64 : index
          %get3A_1005 = tpu.vector_load %arg10[%get3A_1003, %get3A_1004] {strides = array<i32>} : memref<512x128xf32, #tpu.memory_space<vmem>>, vector<1x16xf32>,
          %get3A_1006 = vector.shape_cast %get3A_1005 : vector<1x16xf32> to vector<16xf32>
          %mul3A_1007 = arith.mulf %get3A_1006, %gather3A_955 : vector<16xf32>
          %swap3A_1008 = arith.index_cast %add3A_962 : i32 to index
          %swap3A_1009 = arith.constant 64 : index
          %swap3A_1010 = tpu.vector_load %arg10[%swap3A_1008, %swap3A_1009] {strides = array<i32>} : memref<512x128xf32, #tpu.memory_space<vmem>>, vector<1x16xf32>,
          %swap3A_1011 = vector.shape_cast %swap3A_1010 : vector<1x16xf32> to vector<16xf32>
          %swap3A_1012 = vector.shape_cast %mul3A_1007 : vector<16xf32> to vector<1x16xf32>
          tpu.vector_store %arg10[%swap3A_1008, %swap3A_1009], %swap3A_1012 {strides = array<i32>} : memref<512x128xf32, #tpu.memory_space<vmem>>, vector<1x16xf32>,
          %get3A_1013 = arith.index_cast %add3A_962 : i32 to index
          %get3A_1014 = arith.constant 80 : index
          %get3A_1015 = tpu.vector_load %arg10[%get3A_1013, %get3A_1014] {strides = array<i32>} : memref<512x128xf32, #tpu.memory_space<vmem>>, vector<1x16xf32>,
          %get3A_1016 = vector.shape_cast %get3A_1015 : vector<1x16xf32> to vector<16xf32>
          %mul3A_1017 = arith.mulf %get3A_1016, %gather3A_955 : vector<16xf32>
          %swap3A_1018 = arith.index_cast %add3A_962 : i32 to index
          %swap3A_1019 = arith.constant 80 : index
          %swap3A_1020 = tpu.vector_load %arg10[%swap3A_1018, %swap3A_1019] {strides = array<i32>} : memref<512x128xf32, #tpu.memory_space<vmem>>, vector<1x16xf32>,
          %swap3A_1021 = vector.shape_cast %swap3A_1020 : vector<1x16xf32> to vector<16xf32>
          %swap3A_1022 = vector.shape_cast %mul3A_1017 : vector<16xf32> to vector<1x16xf32>
          tpu.vector_store %arg10[%swap3A_1018, %swap3A_1019], %swap3A_1022 {strides = array<i32>} : memref<512x128xf32, #tpu.memory_space<vmem>>, vector<1x16xf32>,
          %get3A_1023 = arith.index_cast %add3A_962 : i32 to index
          %get3A_1024 = arith.constant 96 : index
          %get3A_1025 = tpu.vector_load %arg10[%get3A_1023, %get3A_1024] {strides = array<i32>} : memref<512x128xf32, #tpu.memory_space<vmem>>, vector<1x16xf32>,
          %get3A_1026 = vector.shape_cast %get3A_1025 : vector<1x16xf32> to vector<16xf32>
          %mul3A_1027 = arith.mulf %get3A_1026, %gather3A_955 : vector<16xf32>
          %swap3A_1028 = arith.index_cast %add3A_962 : i32 to index
          %swap3A_1029 = arith.constant 96 : index
          %swap3A_1030 = tpu.vector_load %arg10[%swap3A_1028, %swap3A_1029] {strides = array<i32>} : memref<512x128xf32, #tpu.memory_space<vmem>>, vector<1x16xf32>,
          %swap3A_1031 = vector.shape_cast %swap3A_1030 : vector<1x16xf32> to vector<16xf32>
          %swap3A_1032 = vector.shape_cast %mul3A_1027 : vector<16xf32> to vector<1x16xf32>
          tpu.vector_store %arg10[%swap3A_1028, %swap3A_1029], %swap3A_1032 {strides = array<i32>} : memref<512x128xf32, #tpu.memory_space<vmem>>, vector<1x16xf32>,
          %get3A_1033 = arith.index_cast %add3A_962 : i32 to index
          %get3A_1034 = arith.constant 112 : index
          %get3A_1035 = tpu.vector_load %arg10[%get3A_1033, %get3A_1034] {strides = array<i32>} : memref<512x128xf32, #tpu.memory_space<vmem>>, vector<1x16xf32>,
          %get3A_1036 = vector.shape_cast %get3A_1035 : vector<1x16xf32> to vector<16xf32>
          %mul3A_1037 = arith.mulf %get3A_1036, %gather3A_955 : vector<16xf32>
          %swap3A_1038 = arith.index_cast %add3A_962 : i32 to index
          %swap3A_1039 = arith.constant 112 : index
          %swap3A_1040 = tpu.vector_load %arg10[%swap3A_1038, %swap3A_1039] {strides = array<i32>} : memref<512x128xf32, #tpu.memory_space<vmem>>, vector<1x16xf32>,
          %swap3A_1041 = vector.shape_cast %swap3A_1040 : vector<1x16xf32> to vector<16xf32>
          %swap3A_1042 = vector.shape_cast %mul3A_1037 : vector<16xf32> to vector<1x16xf32>
          tpu.vector_store %arg10[%swap3A_1038, %swap3A_1039], %swap3A_1042 {strides = array<i32>} : memref<512x128xf32, #tpu.memory_space<vmem>>, vector<1x16xf32>,
          %broadcast_in_dim3A_1043 = arith.constant 9 : i32
          %broadcast_in_dim3A_1044 = vector.broadcast %broadcast_in_dim3A_1043 : i32 to vector<16x1xi32>
          %gather3A_1045 = vector.shape_cast %broadcast_in_dim3A_1044 : vector<16x1xi32> to vector<16xi32>
          %gather3A_1046 = tpu.dynamic_gather %get3A_225[%gather3A_1045] in [0] : vector<16xf32>, vector<16xi32> -> vector<16xf32>
          %mul3A_1047 = arith.constant 128 : i32
          %mul3A_1048 = arith.muli %add3A_208, %mul3A_1047 : i32
          %mul3A_1049 = arith.constant 16 : i32
          %mul3A_1050 = arith.muli %add3A_218, %mul3A_1049 : i32
          %add3A_1051 = arith.addi %mul3A_1048, %mul3A_1050 : i32
          %add3A_1052 = arith.constant 9 : i32
          %add3A_1053 = arith.addi %add3A_1051, %add3A_1052 : i32
          %get3A_1054 = arith.index_cast %add3A_1053 : i32 to index
          %get3A_1055 = arith.constant 0 : index
          %get3A_1056 = tpu.vector_load %arg10[%get3A_1054, %get3A_1055] {strides = array<i32>} : memref<512x128xf32, #tpu.memory_space<vmem>>, vector<1x16xf32>,
          %get3A_1057 = vector.shape_cast %get3A_1056 : vector<1x16xf32> to vector<16xf32>
          %mul3A_1058 = arith.mulf %get3A_1057, %gather3A_1046 : vector<16xf32>
          %swap3A_1059 = arith.index_cast %add3A_1053 : i32 to index
          %swap3A_1060 = arith.constant 0 : index
          %swap3A_1061 = tpu.vector_load %arg10[%swap3A_1059, %swap3A_1060] {strides = array<i32>} : memref<512x128xf32, #tpu.memory_space<vmem>>, vector<1x16xf32>,
          %swap3A_1062 = vector.shape_cast %swap3A_1061 : vector<1x16xf32> to vector<16xf32>
          %swap3A_1063 = vector.shape_cast %mul3A_1058 : vector<16xf32> to vector<1x16xf32>
          tpu.vector_store %arg10[%swap3A_1059, %swap3A_1060], %swap3A_1063 {strides = array<i32>} : memref<512x128xf32, #tpu.memory_space<vmem>>, vector<1x16xf32>,
          %get3A_1064 = arith.index_cast %add3A_1053 : i32 to index
          %get3A_1065 = arith.constant 16 : index
          %get3A_1066 = tpu.vector_load %arg10[%get3A_1064, %get3A_1065] {strides = array<i32>} : memref<512x128xf32, #tpu.memory_space<vmem>>, vector<1x16xf32>,
          %get3A_1067 = vector.shape_cast %get3A_1066 : vector<1x16xf32> to vector<16xf32>
          %mul3A_1068 = arith.mulf %get3A_1067, %gather3A_1046 : vector<16xf32>
          %swap3A_1069 = arith.index_cast %add3A_1053 : i32 to index
          %swap3A_1070 = arith.constant 16 : index
          %swap3A_1071 = tpu.vector_load %arg10[%swap3A_1069, %swap3A_1070] {strides = array<i32>} : memref<512x128xf32, #tpu.memory_space<vmem>>, vector<1x16xf32>,
          %swap3A_1072 = vector.shape_cast %swap3A_1071 : vector<1x16xf32> to vector<16xf32>
          %swap3A_1073 = vector.shape_cast %mul3A_1068 : vector<16xf32> to vector<1x16xf32>
          tpu.vector_store %arg10[%swap3A_1069, %swap3A_1070], %swap3A_1073 {strides = array<i32>} : memref<512x128xf32, #tpu.memory_space<vmem>>, vector<1x16xf32>,
          %get3A_1074 = arith.index_cast %add3A_1053 : i32 to index
          %get3A_1075 = arith.constant 32 : index
          %get3A_1076 = tpu.vector_load %arg10[%get3A_1074, %get3A_1075] {strides = array<i32>} : memref<512x128xf32, #tpu.memory_space<vmem>>, vector<1x16xf32>,
          %get3A_1077 = vector.shape_cast %get3A_1076 : vector<1x16xf32> to vector<16xf32>
          %mul3A_1078 = arith.mulf %get3A_1077, %gather3A_1046 : vector<16xf32>
          %swap3A_1079 = arith.index_cast %add3A_1053 : i32 to index
          %swap3A_1080 = arith.constant 32 : index
          %swap3A_1081 = tpu.vector_load %arg10[%swap3A_1079, %swap3A_1080] {strides = array<i32>} : memref<512x128xf32, #tpu.memory_space<vmem>>, vector<1x16xf32>,
          %swap3A_1082 = vector.shape_cast %swap3A_1081 : vector<1x16xf32> to vector<16xf32>
          %swap3A_1083 = vector.shape_cast %mul3A_1078 : vector<16xf32> to vector<1x16xf32>
          tpu.vector_store %arg10[%swap3A_1079, %swap3A_1080], %swap3A_1083 {strides = array<i32>} : memref<512x128xf32, #tpu.memory_space<vmem>>, vector<1x16xf32>,
          %get3A_1084 = arith.index_cast %add3A_1053 : i32 to index
          %get3A_1085 = arith.constant 48 : index
          %get3A_1086 = tpu.vector_load %arg10[%get3A_1084, %get3A_1085] {strides = array<i32>} : memref<512x128xf32, #tpu.memory_space<vmem>>, vector<1x16xf32>,
          %get3A_1087 = vector.shape_cast %get3A_1086 : vector<1x16xf32> to vector<16xf32>
          %mul3A_1088 = arith.mulf %get3A_1087, %gather3A_1046 : vector<16xf32>
          %swap3A_1089 = arith.index_cast %add3A_1053 : i32 to index
          %swap3A_1090 = arith.constant 48 : index
          %swap3A_1091 = tpu.vector_load %arg10[%swap3A_1089, %swap3A_1090] {strides = array<i32>} : memref<512x128xf32, #tpu.memory_space<vmem>>, vector<1x16xf32>,
          %swap3A_1092 = vector.shape_cast %swap3A_1091 : vector<1x16xf32> to vector<16xf32>
          %swap3A_1093 = vector.shape_cast %mul3A_1088 : vector<16xf32> to vector<1x16xf32>
          tpu.vector_store %arg10[%swap3A_1089, %swap3A_1090], %swap3A_1093 {strides = array<i32>} : memref<512x128xf32, #tpu.memory_space<vmem>>, vector<1x16xf32>,
          %get3A_1094 = arith.index_cast %add3A_1053 : i32 to index
          %get3A_1095 = arith.constant 64 : index
          %get3A_1096 = tpu.vector_load %arg10[%get3A_1094, %get3A_1095] {strides = array<i32>} : memref<512x128xf32, #tpu.memory_space<vmem>>, vector<1x16xf32>,
          %get3A_1097 = vector.shape_cast %get3A_1096 : vector<1x16xf32> to vector<16xf32>
          %mul3A_1098 = arith.mulf %get3A_1097, %gather3A_1046 : vector<16xf32>
          %swap3A_1099 = arith.index_cast %add3A_1053 : i32 to index
          %swap3A_1100 = arith.constant 64 : index
          %swap3A_1101 = tpu.vector_load %arg10[%swap3A_1099, %swap3A_1100] {strides = array<i32>} : memref<512x128xf32, #tpu.memory_space<vmem>>, vector<1x16xf32>,
          %swap3A_1102 = vector.shape_cast %swap3A_1101 : vector<1x16xf32> to vector<16xf32>
          %swap3A_1103 = vector.shape_cast %mul3A_1098 : vector<16xf32> to vector<1x16xf32>
          tpu.vector_store %arg10[%swap3A_1099, %swap3A_1100], %swap3A_1103 {strides = array<i32>} : memref<512x128xf32, #tpu.memory_space<vmem>>, vector<1x16xf32>,
          %get3A_1104 = arith.index_cast %add3A_1053 : i32 to index
          %get3A_1105 = arith.constant 80 : index
          %get3A_1106 = tpu.vector_load %arg10[%get3A_1104, %get3A_1105] {strides = array<i32>} : memref<512x128xf32, #tpu.memory_space<vmem>>, vector<1x16xf32>,
          %get3A_1107 = vector.shape_cast %get3A_1106 : vector<1x16xf32> to vector<16xf32>
          %mul3A_1108 = arith.mulf %get3A_1107, %gather3A_1046 : vector<16xf32>
          %swap3A_1109 = arith.index_cast %add3A_1053 : i32 to index
          %swap3A_1110 = arith.constant 80 : index
          %swap3A_1111 = tpu.vector_load %arg10[%swap3A_1109, %swap3A_1110] {strides = array<i32>} : memref<512x128xf32, #tpu.memory_space<vmem>>, vector<1x16xf32>,
          %swap3A_1112 = vector.shape_cast %swap3A_1111 : vector<1x16xf32> to vector<16xf32>
          %swap3A_1113 = vector.shape_cast %mul3A_1108 : vector<16xf32> to vector<1x16xf32>
          tpu.vector_store %arg10[%swap3A_1109, %swap3A_1110], %swap3A_1113 {strides = array<i32>} : memref<512x128xf32, #tpu.memory_space<vmem>>, vector<1x16xf32>,
          %get3A_1114 = arith.index_cast %add3A_1053 : i32 to index
          %get3A_1115 = arith.constant 96 : index
          %get3A_1116 = tpu.vector_load %arg10[%get3A_1114, %get3A_1115] {strides = array<i32>} : memref<512x128xf32, #tpu.memory_space<vmem>>, vector<1x16xf32>,
          %get3A_1117 = vector.shape_cast %get3A_1116 : vector<1x16xf32> to vector<16xf32>
          %mul3A_1118 = arith.mulf %get3A_1117, %gather3A_1046 : vector<16xf32>
          %swap3A_1119 = arith.index_cast %add3A_1053 : i32 to index
          %swap3A_1120 = arith.constant 96 : index
          %swap3A_1121 = tpu.vector_load %arg10[%swap3A_1119, %swap3A_1120] {strides = array<i32>} : memref<512x128xf32, #tpu.memory_space<vmem>>, vector<1x16xf32>,
          %swap3A_1122 = vector.shape_cast %swap3A_1121 : vector<1x16xf32> to vector<16xf32>
          %swap3A_1123 = vector.shape_cast %mul3A_1118 : vector<16xf32> to vector<1x16xf32>
          tpu.vector_store %arg10[%swap3A_1119, %swap3A_1120], %swap3A_1123 {strides = array<i32>} : memref<512x128xf32, #tpu.memory_space<vmem>>, vector<1x16xf32>,
          %get3A_1124 = arith.index_cast %add3A_1053 : i32 to index
          %get3A_1125 = arith.constant 112 : index
          %get3A_1126 = tpu.vector_load %arg10[%get3A_1124, %get3A_1125] {strides = array<i32>} : memref<512x128xf32, #tpu.memory_space<vmem>>, vector<1x16xf32>,
          %get3A_1127 = vector.shape_cast %get3A_1126 : vector<1x16xf32> to vector<16xf32>
          %mul3A_1128 = arith.mulf %get3A_1127, %gather3A_1046 : vector<16xf32>
          %swap3A_1129 = arith.index_cast %add3A_1053 : i32 to index
          %swap3A_1130 = arith.constant 112 : index
          %swap3A_1131 = tpu.vector_load %arg10[%swap3A_1129, %swap3A_1130] {strides = array<i32>} : memref<512x128xf32, #tpu.memory_space<vmem>>, vector<1x16xf32>,
          %swap3A_1132 = vector.shape_cast %swap3A_1131 : vector<1x16xf32> to vector<16xf32>
          %swap3A_1133 = vector.shape_cast %mul3A_1128 : vector<16xf32> to vector<1x16xf32>
          tpu.vector_store %arg10[%swap3A_1129, %swap3A_1130], %swap3A_1133 {strides = array<i32>} : memref<512x128xf32, #tpu.memory_space<vmem>>, vector<1x16xf32>,
          %broadcast_in_dim3A_1134 = arith.constant 10 : i32
          %broadcast_in_dim3A_1135 = vector.broadcast %broadcast_in_dim3A_1134 : i32 to vector<16x1xi32>
          %gather3A_1136 = vector.shape_cast %broadcast_in_dim3A_1135 : vector<16x1xi32> to vector<16xi32>
          %gather3A_1137 = tpu.dynamic_gather %get3A_225[%gather3A_1136] in [0] : vector<16xf32>, vector<16xi32> -> vector<16xf32>
          %mul3A_1138 = arith.constant 128 : i32
          %mul3A_1139 = arith.muli %add3A_208, %mul3A_1138 : i32
          %mul3A_1140 = arith.constant 16 : i32
          %mul3A_1141 = arith.muli %add3A_218, %mul3A_1140 : i32
          %add3A_1142 = arith.addi %mul3A_1139, %mul3A_1141 : i32
          %add3A_1143 = arith.constant 10 : i32
          %add3A_1144 = arith.addi %add3A_1142, %add3A_1143 : i32
          %get3A_1145 = arith.index_cast %add3A_1144 : i32 to index
          %get3A_1146 = arith.constant 0 : index
          %get3A_1147 = tpu.vector_load %arg10[%get3A_1145, %get3A_1146] {strides = array<i32>} : memref<512x128xf32, #tpu.memory_space<vmem>>, vector<1x16xf32>,
          %get3A_1148 = vector.shape_cast %get3A_1147 : vector<1x16xf32> to vector<16xf32>
          %mul3A_1149 = arith.mulf %get3A_1148, %gather3A_1137 : vector<16xf32>
          %swap3A_1150 = arith.index_cast %add3A_1144 : i32 to index
          %swap3A_1151 = arith.constant 0 : index
          %swap3A_1152 = tpu.vector_load %arg10[%swap3A_1150, %swap3A_1151] {strides = array<i32>} : memref<512x128xf32, #tpu.memory_space<vmem>>, vector<1x16xf32>,
          %swap3A_1153 = vector.shape_cast %swap3A_1152 : vector<1x16xf32> to vector<16xf32>
          %swap3A_1154 = vector.shape_cast %mul3A_1149 : vector<16xf32> to vector<1x16xf32>
          tpu.vector_store %arg10[%swap3A_1150, %swap3A_1151], %swap3A_1154 {strides = array<i32>} : memref<512x128xf32, #tpu.memory_space<vmem>>, vector<1x16xf32>,
          %get3A_1155 = arith.index_cast %add3A_1144 : i32 to index
          %get3A_1156 = arith.constant 16 : index
          %get3A_1157 = tpu.vector_load %arg10[%get3A_1155, %get3A_1156] {strides = array<i32>} : memref<512x128xf32, #tpu.memory_space<vmem>>, vector<1x16xf32>,
          %get3A_1158 = vector.shape_cast %get3A_1157 : vector<1x16xf32> to vector<16xf32>
          %mul3A_1159 = arith.mulf %get3A_1158, %gather3A_1137 : vector<16xf32>
          %swap3A_1160 = arith.index_cast %add3A_1144 : i32 to index
          %swap3A_1161 = arith.constant 16 : index
          %swap3A_1162 = tpu.vector_load %arg10[%swap3A_1160, %swap3A_1161] {strides = array<i32>} : memref<512x128xf32, #tpu.memory_space<vmem>>, vector<1x16xf32>,
          %swap3A_1163 = vector.shape_cast %swap3A_1162 : vector<1x16xf32> to vector<16xf32>
          %swap3A_1164 = vector.shape_cast %mul3A_1159 : vector<16xf32> to vector<1x16xf32>
          tpu.vector_store %arg10[%swap3A_1160, %swap3A_1161], %swap3A_1164 {strides = array<i32>} : memref<512x128xf32, #tpu.memory_space<vmem>>, vector<1x16xf32>,
          %get3A_1165 = arith.index_cast %add3A_1144 : i32 to index
          %get3A_1166 = arith.constant 32 : index
          %get3A_1167 = tpu.vector_load %arg10[%get3A_1165, %get3A_1166] {strides = array<i32>} : memref<512x128xf32, #tpu.memory_space<vmem>>, vector<1x16xf32>,
          %get3A_1168 = vector.shape_cast %get3A_1167 : vector<1x16xf32> to vector<16xf32>
          %mul3A_1169 = arith.mulf %get3A_1168, %gather3A_1137 : vector<16xf32>
          %swap3A_1170 = arith.index_cast %add3A_1144 : i32 to index
          %swap3A_1171 = arith.constant 32 : index
          %swap3A_1172 = tpu.vector_load %arg10[%swap3A_1170, %swap3A_1171] {strides = array<i32>} : memref<512x128xf32, #tpu.memory_space<vmem>>, vector<1x16xf32>,
          %swap3A_1173 = vector.shape_cast %swap3A_1172 : vector<1x16xf32> to vector<16xf32>
          %swap3A_1174 = vector.shape_cast %mul3A_1169 : vector<16xf32> to vector<1x16xf32>
          tpu.vector_store %arg10[%swap3A_1170, %swap3A_1171], %swap3A_1174 {strides = array<i32>} : memref<512x128xf32, #tpu.memory_space<vmem>>, vector<1x16xf32>,
          %get3A_1175 = arith.index_cast %add3A_1144 : i32 to index
          %get3A_1176 = arith.constant 48 : index
          %get3A_1177 = tpu.vector_load %arg10[%get3A_1175, %get3A_1176] {strides = array<i32>} : memref<512x128xf32, #tpu.memory_space<vmem>>, vector<1x16xf32>,
          %get3A_1178 = vector.shape_cast %get3A_1177 : vector<1x16xf32> to vector<16xf32>
          %mul3A_1179 = arith.mulf %get3A_1178, %gather3A_1137 : vector<16xf32>
          %swap3A_1180 = arith.index_cast %add3A_1144 : i32 to index
          %swap3A_1181 = arith.constant 48 : index
          %swap3A_1182 = tpu.vector_load %arg10[%swap3A_1180, %swap3A_1181] {strides = array<i32>} : memref<512x128xf32, #tpu.memory_space<vmem>>, vector<1x16xf32>,
          %swap3A_1183 = vector.shape_cast %swap3A_1182 : vector<1x16xf32> to vector<16xf32>
          %swap3A_1184 = vector.shape_cast %mul3A_1179 : vector<16xf32> to vector<1x16xf32>
          tpu.vector_store %arg10[%swap3A_1180, %swap3A_1181], %swap3A_1184 {strides = array<i32>} : memref<512x128xf32, #tpu.memory_space<vmem>>, vector<1x16xf32>,
          %get3A_1185 = arith.index_cast %add3A_1144 : i32 to index
          %get3A_1186 = arith.constant 64 : index
          %get3A_1187 = tpu.vector_load %arg10[%get3A_1185, %get3A_1186] {strides = array<i32>} : memref<512x128xf32, #tpu.memory_space<vmem>>, vector<1x16xf32>,
          %get3A_1188 = vector.shape_cast %get3A_1187 : vector<1x16xf32> to vector<16xf32>
          %mul3A_1189 = arith.mulf %get3A_1188, %gather3A_1137 : vector<16xf32>
          %swap3A_1190 = arith.index_cast %add3A_1144 : i32 to index
          %swap3A_1191 = arith.constant 64 : index
          %swap3A_1192 = tpu.vector_load %arg10[%swap3A_1190, %swap3A_1191] {strides = array<i32>} : memref<512x128xf32, #tpu.memory_space<vmem>>, vector<1x16xf32>,
          %swap3A_1193 = vector.shape_cast %swap3A_1192 : vector<1x16xf32> to vector<16xf32>
          %swap3A_1194 = vector.shape_cast %mul3A_1189 : vector<16xf32> to vector<1x16xf32>
          tpu.vector_store %arg10[%swap3A_1190, %swap3A_1191], %swap3A_1194 {strides = array<i32>} : memref<512x128xf32, #tpu.memory_space<vmem>>, vector<1x16xf32>,
          %get3A_1195 = arith.index_cast %add3A_1144 : i32 to index
          %get3A_1196 = arith.constant 80 : index
          %get3A_1197 = tpu.vector_load %arg10[%get3A_1195, %get3A_1196] {strides = array<i32>} : memref<512x128xf32, #tpu.memory_space<vmem>>, vector<1x16xf32>,
          %get3A_1198 = vector.shape_cast %get3A_1197 : vector<1x16xf32> to vector<16xf32>
          %mul3A_1199 = arith.mulf %get3A_1198, %gather3A_1137 : vector<16xf32>
          %swap3A_1200 = arith.index_cast %add3A_1144 : i32 to index
          %swap3A_1201 = arith.constant 80 : index
          %swap3A_1202 = tpu.vector_load %arg10[%swap3A_1200, %swap3A_1201] {strides = array<i32>} : memref<512x128xf32, #tpu.memory_space<vmem>>, vector<1x16xf32>,
          %swap3A_1203 = vector.shape_cast %swap3A_1202 : vector<1x16xf32> to vector<16xf32>
          %swap3A_1204 = vector.shape_cast %mul3A_1199 : vector<16xf32> to vector<1x16xf32>
          tpu.vector_store %arg10[%swap3A_1200, %swap3A_1201], %swap3A_1204 {strides = array<i32>} : memref<512x128xf32, #tpu.memory_space<vmem>>, vector<1x16xf32>,
          %get3A_1205 = arith.index_cast %add3A_1144 : i32 to index
          %get3A_1206 = arith.constant 96 : index
          %get3A_1207 = tpu.vector_load %arg10[%get3A_1205, %get3A_1206] {strides = array<i32>} : memref<512x128xf32, #tpu.memory_space<vmem>>, vector<1x16xf32>,
          %get3A_1208 = vector.shape_cast %get3A_1207 : vector<1x16xf32> to vector<16xf32>
          %mul3A_1209 = arith.mulf %get3A_1208, %gather3A_1137 : vector<16xf32>
          %swap3A_1210 = arith.index_cast %add3A_1144 : i32 to index
          %swap3A_1211 = arith.constant 96 : index
          %swap3A_1212 = tpu.vector_load %arg10[%swap3A_1210, %swap3A_1211] {strides = array<i32>} : memref<512x128xf32, #tpu.memory_space<vmem>>, vector<1x16xf32>,
          %swap3A_1213 = vector.shape_cast %swap3A_1212 : vector<1x16xf32> to vector<16xf32>
          %swap3A_1214 = vector.shape_cast %mul3A_1209 : vector<16xf32> to vector<1x16xf32>
          tpu.vector_store %arg10[%swap3A_1210, %swap3A_1211], %swap3A_1214 {strides = array<i32>} : memref<512x128xf32, #tpu.memory_space<vmem>>, vector<1x16xf32>,
          %get3A_1215 = arith.index_cast %add3A_1144 : i32 to index
          %get3A_1216 = arith.constant 112 : index
          %get3A_1217 = tpu.vector_load %arg10[%get3A_1215, %get3A_1216] {strides = array<i32>} : memref<512x128xf32, #tpu.memory_space<vmem>>, vector<1x16xf32>,
          %get3A_1218 = vector.shape_cast %get3A_1217 : vector<1x16xf32> to vector<16xf32>
          %mul3A_1219 = arith.mulf %get3A_1218, %gather3A_1137 : vector<16xf32>
          %swap3A_1220 = arith.index_cast %add3A_1144 : i32 to index
          %swap3A_1221 = arith.constant 112 : index
          %swap3A_1222 = tpu.vector_load %arg10[%swap3A_1220, %swap3A_1221] {strides = array<i32>} : memref<512x128xf32, #tpu.memory_space<vmem>>, vector<1x16xf32>,
          %swap3A_1223 = vector.shape_cast %swap3A_1222 : vector<1x16xf32> to vector<16xf32>
          %swap3A_1224 = vector.shape_cast %mul3A_1219 : vector<16xf32> to vector<1x16xf32>
          tpu.vector_store %arg10[%swap3A_1220, %swap3A_1221], %swap3A_1224 {strides = array<i32>} : memref<512x128xf32, #tpu.memory_space<vmem>>, vector<1x16xf32>,
          %broadcast_in_dim3A_1225 = arith.constant 11 : i32
          %broadcast_in_dim3A_1226 = vector.broadcast %broadcast_in_dim3A_1225 : i32 to vector<16x1xi32>
          %gather3A_1227 = vector.shape_cast %broadcast_in_dim3A_1226 : vector<16x1xi32> to vector<16xi32>
          %gather3A_1228 = tpu.dynamic_gather %get3A_225[%gather3A_1227] in [0] : vector<16xf32>, vector<16xi32> -> vector<16xf32>
          %mul3A_1229 = arith.constant 128 : i32
          %mul3A_1230 = arith.muli %add3A_208, %mul3A_1229 : i32
          %mul3A_1231 = arith.constant 16 : i32
          %mul3A_1232 = arith.muli %add3A_218, %mul3A_1231 : i32
          %add3A_1233 = arith.addi %mul3A_1230, %mul3A_1232 : i32
          %add3A_1234 = arith.constant 11 : i32
          %add3A_1235 = arith.addi %add3A_1233, %add3A_1234 : i32
          %get3A_1236 = arith.index_cast %add3A_1235 : i32 to index
          %get3A_1237 = arith.constant 0 : index
          %get3A_1238 = tpu.vector_load %arg10[%get3A_1236, %get3A_1237] {strides = array<i32>} : memref<512x128xf32, #tpu.memory_space<vmem>>, vector<1x16xf32>,
          %get3A_1239 = vector.shape_cast %get3A_1238 : vector<1x16xf32> to vector<16xf32>
          %mul3A_1240 = arith.mulf %get3A_1239, %gather3A_1228 : vector<16xf32>
          %swap3A_1241 = arith.index_cast %add3A_1235 : i32 to index
          %swap3A_1242 = arith.constant 0 : index
          %swap3A_1243 = tpu.vector_load %arg10[%swap3A_1241, %swap3A_1242] {strides = array<i32>} : memref<512x128xf32, #tpu.memory_space<vmem>>, vector<1x16xf32>,
          %swap3A_1244 = vector.shape_cast %swap3A_1243 : vector<1x16xf32> to vector<16xf32>
          %swap3A_1245 = vector.shape_cast %mul3A_1240 : vector<16xf32> to vector<1x16xf32>
          tpu.vector_store %arg10[%swap3A_1241, %swap3A_1242], %swap3A_1245 {strides = array<i32>} : memref<512x128xf32, #tpu.memory_space<vmem>>, vector<1x16xf32>,
          %get3A_1246 = arith.index_cast %add3A_1235 : i32 to index
          %get3A_1247 = arith.constant 16 : index
          %get3A_1248 = tpu.vector_load %arg10[%get3A_1246, %get3A_1247] {strides = array<i32>} : memref<512x128xf32, #tpu.memory_space<vmem>>, vector<1x16xf32>,
          %get3A_1249 = vector.shape_cast %get3A_1248 : vector<1x16xf32> to vector<16xf32>
          %mul3A_1250 = arith.mulf %get3A_1249, %gather3A_1228 : vector<16xf32>
          %swap3A_1251 = arith.index_cast %add3A_1235 : i32 to index
          %swap3A_1252 = arith.constant 16 : index
          %swap3A_1253 = tpu.vector_load %arg10[%swap3A_1251, %swap3A_1252] {strides = array<i32>} : memref<512x128xf32, #tpu.memory_space<vmem>>, vector<1x16xf32>,
          %swap3A_1254 = vector.shape_cast %swap3A_1253 : vector<1x16xf32> to vector<16xf32>
          %swap3A_1255 = vector.shape_cast %mul3A_1250 : vector<16xf32> to vector<1x16xf32>
          tpu.vector_store %arg10[%swap3A_1251, %swap3A_1252], %swap3A_1255 {strides = array<i32>} : memref<512x128xf32, #tpu.memory_space<vmem>>, vector<1x16xf32>,
          %get3A_1256 = arith.index_cast %add3A_1235 : i32 to index
          %get3A_1257 = arith.constant 32 : index
          %get3A_1258 = tpu.vector_load %arg10[%get3A_1256, %get3A_1257] {strides = array<i32>} : memref<512x128xf32, #tpu.memory_space<vmem>>, vector<1x16xf32>,
          %get3A_1259 = vector.shape_cast %get3A_1258 : vector<1x16xf32> to vector<16xf32>
          %mul3A_1260 = arith.mulf %get3A_1259, %gather3A_1228 : vector<16xf32>
          %swap3A_1261 = arith.index_cast %add3A_1235 : i32 to index
          %swap3A_1262 = arith.constant 32 : index
          %swap3A_1263 = tpu.vector_load %arg10[%swap3A_1261, %swap3A_1262] {strides = array<i32>} : memref<512x128xf32, #tpu.memory_space<vmem>>, vector<1x16xf32>,
          %swap3A_1264 = vector.shape_cast %swap3A_1263 : vector<1x16xf32> to vector<16xf32>
          %swap3A_1265 = vector.shape_cast %mul3A_1260 : vector<16xf32> to vector<1x16xf32>
          tpu.vector_store %arg10[%swap3A_1261, %swap3A_1262], %swap3A_1265 {strides = array<i32>} : memref<512x128xf32, #tpu.memory_space<vmem>>, vector<1x16xf32>,
          %get3A_1266 = arith.index_cast %add3A_1235 : i32 to index
          %get3A_1267 = arith.constant 48 : index
          %get3A_1268 = tpu.vector_load %arg10[%get3A_1266, %get3A_1267] {strides = array<i32>} : memref<512x128xf32, #tpu.memory_space<vmem>>, vector<1x16xf32>,
          %get3A_1269 = vector.shape_cast %get3A_1268 : vector<1x16xf32> to vector<16xf32>
          %mul3A_1270 = arith.mulf %get3A_1269, %gather3A_1228 : vector<16xf32>
          %swap3A_1271 = arith.index_cast %add3A_1235 : i32 to index
          %swap3A_1272 = arith.constant 48 : index
          %swap3A_1273 = tpu.vector_load %arg10[%swap3A_1271, %swap3A_1272] {strides = array<i32>} : memref<512x128xf32, #tpu.memory_space<vmem>>, vector<1x16xf32>,
          %swap3A_1274 = vector.shape_cast %swap3A_1273 : vector<1x16xf32> to vector<16xf32>
          %swap3A_1275 = vector.shape_cast %mul3A_1270 : vector<16xf32> to vector<1x16xf32>
          tpu.vector_store %arg10[%swap3A_1271, %swap3A_1272], %swap3A_1275 {strides = array<i32>} : memref<512x128xf32, #tpu.memory_space<vmem>>, vector<1x16xf32>,
          %get3A_1276 = arith.index_cast %add3A_1235 : i32 to index
          %get3A_1277 = arith.constant 64 : index
          %get3A_1278 = tpu.vector_load %arg10[%get3A_1276, %get3A_1277] {strides = array<i32>} : memref<512x128xf32, #tpu.memory_space<vmem>>, vector<1x16xf32>,
          %get3A_1279 = vector.shape_cast %get3A_1278 : vector<1x16xf32> to vector<16xf32>
          %mul3A_1280 = arith.mulf %get3A_1279, %gather3A_1228 : vector<16xf32>
          %swap3A_1281 = arith.index_cast %add3A_1235 : i32 to index
          %swap3A_1282 = arith.constant 64 : index
          %swap3A_1283 = tpu.vector_load %arg10[%swap3A_1281, %swap3A_1282] {strides = array<i32>} : memref<512x128xf32, #tpu.memory_space<vmem>>, vector<1x16xf32>,
          %swap3A_1284 = vector.shape_cast %swap3A_1283 : vector<1x16xf32> to vector<16xf32>
          %swap3A_1285 = vector.shape_cast %mul3A_1280 : vector<16xf32> to vector<1x16xf32>
          tpu.vector_store %arg10[%swap3A_1281, %swap3A_1282], %swap3A_1285 {strides = array<i32>} : memref<512x128xf32, #tpu.memory_space<vmem>>, vector<1x16xf32>,
          %get3A_1286 = arith.index_cast %add3A_1235 : i32 to index
          %get3A_1287 = arith.constant 80 : index
          %get3A_1288 = tpu.vector_load %arg10[%get3A_1286, %get3A_1287] {strides = array<i32>} : memref<512x128xf32, #tpu.memory_space<vmem>>, vector<1x16xf32>,
          %get3A_1289 = vector.shape_cast %get3A_1288 : vector<1x16xf32> to vector<16xf32>
          %mul3A_1290 = arith.mulf %get3A_1289, %gather3A_1228 : vector<16xf32>
          %swap3A_1291 = arith.index_cast %add3A_1235 : i32 to index
          %swap3A_1292 = arith.constant 80 : index
          %swap3A_1293 = tpu.vector_load %arg10[%swap3A_1291, %swap3A_1292] {strides = array<i32>} : memref<512x128xf32, #tpu.memory_space<vmem>>, vector<1x16xf32>,
          %swap3A_1294 = vector.shape_cast %swap3A_1293 : vector<1x16xf32> to vector<16xf32>
          %swap3A_1295 = vector.shape_cast %mul3A_1290 : vector<16xf32> to vector<1x16xf32>
          tpu.vector_store %arg10[%swap3A_1291, %swap3A_1292], %swap3A_1295 {strides = array<i32>} : memref<512x128xf32, #tpu.memory_space<vmem>>, vector<1x16xf32>,
          %get3A_1296 = arith.index_cast %add3A_1235 : i32 to index
          %get3A_1297 = arith.constant 96 : index
          %get3A_1298 = tpu.vector_load %arg10[%get3A_1296, %get3A_1297] {strides = array<i32>} : memref<512x128xf32, #tpu.memory_space<vmem>>, vector<1x16xf32>,
          %get3A_1299 = vector.shape_cast %get3A_1298 : vector<1x16xf32> to vector<16xf32>
          %mul3A_1300 = arith.mulf %get3A_1299, %gather3A_1228 : vector<16xf32>
          %swap3A_1301 = arith.index_cast %add3A_1235 : i32 to index
          %swap3A_1302 = arith.constant 96 : index
          %swap3A_1303 = tpu.vector_load %arg10[%swap3A_1301, %swap3A_1302] {strides = array<i32>} : memref<512x128xf32, #tpu.memory_space<vmem>>, vector<1x16xf32>,
          %swap3A_1304 = vector.shape_cast %swap3A_1303 : vector<1x16xf32> to vector<16xf32>
          %swap3A_1305 = vector.shape_cast %mul3A_1300 : vector<16xf32> to vector<1x16xf32>
          tpu.vector_store %arg10[%swap3A_1301, %swap3A_1302], %swap3A_1305 {strides = array<i32>} : memref<512x128xf32, #tpu.memory_space<vmem>>, vector<1x16xf32>,
          %get3A_1306 = arith.index_cast %add3A_1235 : i32 to index
          %get3A_1307 = arith.constant 112 : index
          %get3A_1308 = tpu.vector_load %arg10[%get3A_1306, %get3A_1307] {strides = array<i32>} : memref<512x128xf32, #tpu.memory_space<vmem>>, vector<1x16xf32>,
          %get3A_1309 = vector.shape_cast %get3A_1308 : vector<1x16xf32> to vector<16xf32>
          %mul3A_1310 = arith.mulf %get3A_1309, %gather3A_1228 : vector<16xf32>
          %swap3A_1311 = arith.index_cast %add3A_1235 : i32 to index
          %swap3A_1312 = arith.constant 112 : index
          %swap3A_1313 = tpu.vector_load %arg10[%swap3A_1311, %swap3A_1312] {strides = array<i32>} : memref<512x128xf32, #tpu.memory_space<vmem>>, vector<1x16xf32>,
          %swap3A_1314 = vector.shape_cast %swap3A_1313 : vector<1x16xf32> to vector<16xf32>
          %swap3A_1315 = vector.shape_cast %mul3A_1310 : vector<16xf32> to vector<1x16xf32>
          tpu.vector_store %arg10[%swap3A_1311, %swap3A_1312], %swap3A_1315 {strides = array<i32>} : memref<512x128xf32, #tpu.memory_space<vmem>>, vector<1x16xf32>,
          %broadcast_in_dim3A_1316 = arith.constant 12 : i32
          %broadcast_in_dim3A_1317 = vector.broadcast %broadcast_in_dim3A_1316 : i32 to vector<16x1xi32>
          %gather3A_1318 = vector.shape_cast %broadcast_in_dim3A_1317 : vector<16x1xi32> to vector<16xi32>
          %gather3A_1319 = tpu.dynamic_gather %get3A_225[%gather3A_1318] in [0] : vector<16xf32>, vector<16xi32> -> vector<16xf32>
          %mul3A_1320 = arith.constant 128 : i32
          %mul3A_1321 = arith.muli %add3A_208, %mul3A_1320 : i32
          %mul3A_1322 = arith.constant 16 : i32
          %mul3A_1323 = arith.muli %add3A_218, %mul3A_1322 : i32
          %add3A_1324 = arith.addi %mul3A_1321, %mul3A_1323 : i32
          %add3A_1325 = arith.constant 12 : i32
          %add3A_1326 = arith.addi %add3A_1324, %add3A_1325 : i32
          %get3A_1327 = arith.index_cast %add3A_1326 : i32 to index
          %get3A_1328 = arith.constant 0 : index
          %get3A_1329 = tpu.vector_load %arg10[%get3A_1327, %get3A_1328] {strides = array<i32>} : memref<512x128xf32, #tpu.memory_space<vmem>>, vector<1x16xf32>,
          %get3A_1330 = vector.shape_cast %get3A_1329 : vector<1x16xf32> to vector<16xf32>
          %mul3A_1331 = arith.mulf %get3A_1330, %gather3A_1319 : vector<16xf32>
          %swap3A_1332 = arith.index_cast %add3A_1326 : i32 to index
          %swap3A_1333 = arith.constant 0 : index
          %swap3A_1334 = tpu.vector_load %arg10[%swap3A_1332, %swap3A_1333] {strides = array<i32>} : memref<512x128xf32, #tpu.memory_space<vmem>>, vector<1x16xf32>,
          %swap3A_1335 = vector.shape_cast %swap3A_1334 : vector<1x16xf32> to vector<16xf32>
          %swap3A_1336 = vector.shape_cast %mul3A_1331 : vector<16xf32> to vector<1x16xf32>
          tpu.vector_store %arg10[%swap3A_1332, %swap3A_1333], %swap3A_1336 {strides = array<i32>} : memref<512x128xf32, #tpu.memory_space<vmem>>, vector<1x16xf32>,
          %get3A_1337 = arith.index_cast %add3A_1326 : i32 to index
          %get3A_1338 = arith.constant 16 : index
          %get3A_1339 = tpu.vector_load %arg10[%get3A_1337, %get3A_1338] {strides = array<i32>} : memref<512x128xf32, #tpu.memory_space<vmem>>, vector<1x16xf32>,
          %get3A_1340 = vector.shape_cast %get3A_1339 : vector<1x16xf32> to vector<16xf32>
          %mul3A_1341 = arith.mulf %get3A_1340, %gather3A_1319 : vector<16xf32>
          %swap3A_1342 = arith.index_cast %add3A_1326 : i32 to index
          %swap3A_1343 = arith.constant 16 : index
          %swap3A_1344 = tpu.vector_load %arg10[%swap3A_1342, %swap3A_1343] {strides = array<i32>} : memref<512x128xf32, #tpu.memory_space<vmem>>, vector<1x16xf32>,
          %swap3A_1345 = vector.shape_cast %swap3A_1344 : vector<1x16xf32> to vector<16xf32>
          %swap3A_1346 = vector.shape_cast %mul3A_1341 : vector<16xf32> to vector<1x16xf32>
          tpu.vector_store %arg10[%swap3A_1342, %swap3A_1343], %swap3A_1346 {strides = array<i32>} : memref<512x128xf32, #tpu.memory_space<vmem>>, vector<1x16xf32>,
          %get3A_1347 = arith.index_cast %add3A_1326 : i32 to index
          %get3A_1348 = arith.constant 32 : index
          %get3A_1349 = tpu.vector_load %arg10[%get3A_1347, %get3A_1348] {strides = array<i32>} : memref<512x128xf32, #tpu.memory_space<vmem>>, vector<1x16xf32>,
          %get3A_1350 = vector.shape_cast %get3A_1349 : vector<1x16xf32> to vector<16xf32>
          %mul3A_1351 = arith.mulf %get3A_1350, %gather3A_1319 : vector<16xf32>
          %swap3A_1352 = arith.index_cast %add3A_1326 : i32 to index
          %swap3A_1353 = arith.constant 32 : index
          %swap3A_1354 = tpu.vector_load %arg10[%swap3A_1352, %swap3A_1353] {strides = array<i32>} : memref<512x128xf32, #tpu.memory_space<vmem>>, vector<1x16xf32>,
          %swap3A_1355 = vector.shape_cast %swap3A_1354 : vector<1x16xf32> to vector<16xf32>
          %swap3A_1356 = vector.shape_cast %mul3A_1351 : vector<16xf32> to vector<1x16xf32>
          tpu.vector_store %arg10[%swap3A_1352, %swap3A_1353], %swap3A_1356 {strides = array<i32>} : memref<512x128xf32, #tpu.memory_space<vmem>>, vector<1x16xf32>,
          %get3A_1357 = arith.index_cast %add3A_1326 : i32 to index
          %get3A_1358 = arith.constant 48 : index
          %get3A_1359 = tpu.vector_load %arg10[%get3A_1357, %get3A_1358] {strides = array<i32>} : memref<512x128xf32, #tpu.memory_space<vmem>>, vector<1x16xf32>,
          %get3A_1360 = vector.shape_cast %get3A_1359 : vector<1x16xf32> to vector<16xf32>
          %mul3A_1361 = arith.mulf %get3A_1360, %gather3A_1319 : vector<16xf32>
          %swap3A_1362 = arith.index_cast %add3A_1326 : i32 to index
          %swap3A_1363 = arith.constant 48 : index
          %swap3A_1364 = tpu.vector_load %arg10[%swap3A_1362, %swap3A_1363] {strides = array<i32>} : memref<512x128xf32, #tpu.memory_space<vmem>>, vector<1x16xf32>,
          %swap3A_1365 = vector.shape_cast %swap3A_1364 : vector<1x16xf32> to vector<16xf32>
          %swap3A_1366 = vector.shape_cast %mul3A_1361 : vector<16xf32> to vector<1x16xf32>
          tpu.vector_store %arg10[%swap3A_1362, %swap3A_1363], %swap3A_1366 {strides = array<i32>} : memref<512x128xf32, #tpu.memory_space<vmem>>, vector<1x16xf32>,
          %get3A_1367 = arith.index_cast %add3A_1326 : i32 to index
          %get3A_1368 = arith.constant 64 : index
          %get3A_1369 = tpu.vector_load %arg10[%get3A_1367, %get3A_1368] {strides = array<i32>} : memref<512x128xf32, #tpu.memory_space<vmem>>, vector<1x16xf32>,
          %get3A_1370 = vector.shape_cast %get3A_1369 : vector<1x16xf32> to vector<16xf32>
          %mul3A_1371 = arith.mulf %get3A_1370, %gather3A_1319 : vector<16xf32>
          %swap3A_1372 = arith.index_cast %add3A_1326 : i32 to index
          %swap3A_1373 = arith.constant 64 : index
          %swap3A_1374 = tpu.vector_load %arg10[%swap3A_1372, %swap3A_1373] {strides = array<i32>} : memref<512x128xf32, #tpu.memory_space<vmem>>, vector<1x16xf32>,
          %swap3A_1375 = vector.shape_cast %swap3A_1374 : vector<1x16xf32> to vector<16xf32>
          %swap3A_1376 = vector.shape_cast %mul3A_1371 : vector<16xf32> to vector<1x16xf32>
          tpu.vector_store %arg10[%swap3A_1372, %swap3A_1373], %swap3A_1376 {strides = array<i32>} : memref<512x128xf32, #tpu.memory_space<vmem>>, vector<1x16xf32>,
          %get3A_1377 = arith.index_cast %add3A_1326 : i32 to index
          %get3A_1378 = arith.constant 80 : index
          %get3A_1379 = tpu.vector_load %arg10[%get3A_1377, %get3A_1378] {strides = array<i32>} : memref<512x128xf32, #tpu.memory_space<vmem>>, vector<1x16xf32>,
          %get3A_1380 = vector.shape_cast %get3A_1379 : vector<1x16xf32> to vector<16xf32>
          %mul3A_1381 = arith.mulf %get3A_1380, %gather3A_1319 : vector<16xf32>
          %swap3A_1382 = arith.index_cast %add3A_1326 : i32 to index
          %swap3A_1383 = arith.constant 80 : index
          %swap3A_1384 = tpu.vector_load %arg10[%swap3A_1382, %swap3A_1383] {strides = array<i32>} : memref<512x128xf32, #tpu.memory_space<vmem>>, vector<1x16xf32>,
          %swap3A_1385 = vector.shape_cast %swap3A_1384 : vector<1x16xf32> to vector<16xf32>
          %swap3A_1386 = vector.shape_cast %mul3A_1381 : vector<16xf32> to vector<1x16xf32>
          tpu.vector_store %arg10[%swap3A_1382, %swap3A_1383], %swap3A_1386 {strides = array<i32>} : memref<512x128xf32, #tpu.memory_space<vmem>>, vector<1x16xf32>,
          %get3A_1387 = arith.index_cast %add3A_1326 : i32 to index
          %get3A_1388 = arith.constant 96 : index
          %get3A_1389 = tpu.vector_load %arg10[%get3A_1387, %get3A_1388] {strides = array<i32>} : memref<512x128xf32, #tpu.memory_space<vmem>>, vector<1x16xf32>,
          %get3A_1390 = vector.shape_cast %get3A_1389 : vector<1x16xf32> to vector<16xf32>
          %mul3A_1391 = arith.mulf %get3A_1390, %gather3A_1319 : vector<16xf32>
          %swap3A_1392 = arith.index_cast %add3A_1326 : i32 to index
          %swap3A_1393 = arith.constant 96 : index
          %swap3A_1394 = tpu.vector_load %arg10[%swap3A_1392, %swap3A_1393] {strides = array<i32>} : memref<512x128xf32, #tpu.memory_space<vmem>>, vector<1x16xf32>,
          %swap3A_1395 = vector.shape_cast %swap3A_1394 : vector<1x16xf32> to vector<16xf32>
          %swap3A_1396 = vector.shape_cast %mul3A_1391 : vector<16xf32> to vector<1x16xf32>
          tpu.vector_store %arg10[%swap3A_1392, %swap3A_1393], %swap3A_1396 {strides = array<i32>} : memref<512x128xf32, #tpu.memory_space<vmem>>, vector<1x16xf32>,
          %get3A_1397 = arith.index_cast %add3A_1326 : i32 to index
          %get3A_1398 = arith.constant 112 : index
          %get3A_1399 = tpu.vector_load %arg10[%get3A_1397, %get3A_1398] {strides = array<i32>} : memref<512x128xf32, #tpu.memory_space<vmem>>, vector<1x16xf32>,
          %get3A_1400 = vector.shape_cast %get3A_1399 : vector<1x16xf32> to vector<16xf32>
          %mul3A_1401 = arith.mulf %get3A_1400, %gather3A_1319 : vector<16xf32>
          %swap3A_1402 = arith.index_cast %add3A_1326 : i32 to index
          %swap3A_1403 = arith.constant 112 : index
          %swap3A_1404 = tpu.vector_load %arg10[%swap3A_1402, %swap3A_1403] {strides = array<i32>} : memref<512x128xf32, #tpu.memory_space<vmem>>, vector<1x16xf32>,
          %swap3A_1405 = vector.shape_cast %swap3A_1404 : vector<1x16xf32> to vector<16xf32>
          %swap3A_1406 = vector.shape_cast %mul3A_1401 : vector<16xf32> to vector<1x16xf32>
          tpu.vector_store %arg10[%swap3A_1402, %swap3A_1403], %swap3A_1406 {strides = array<i32>} : memref<512x128xf32, #tpu.memory_space<vmem>>, vector<1x16xf32>,
          %broadcast_in_dim3A_1407 = arith.constant 13 : i32
          %broadcast_in_dim3A_1408 = vector.broadcast %broadcast_in_dim3A_1407 : i32 to vector<16x1xi32>
          %gather3A_1409 = vector.shape_cast %broadcast_in_dim3A_1408 : vector<16x1xi32> to vector<16xi32>
          %gather3A_1410 = tpu.dynamic_gather %get3A_225[%gather3A_1409] in [0] : vector<16xf32>, vector<16xi32> -> vector<16xf32>
          %mul3A_1411 = arith.constant 128 : i32
          %mul3A_1412 = arith.muli %add3A_208, %mul3A_1411 : i32
          %mul3A_1413 = arith.constant 16 : i32
          %mul3A_1414 = arith.muli %add3A_218, %mul3A_1413 : i32
          %add3A_1415 = arith.addi %mul3A_1412, %mul3A_1414 : i32
          %add3A_1416 = arith.constant 13 : i32
          %add3A_1417 = arith.addi %add3A_1415, %add3A_1416 : i32
          %get3A_1418 = arith.index_cast %add3A_1417 : i32 to index
          %get3A_1419 = arith.constant 0 : index
          %get3A_1420 = tpu.vector_load %arg10[%get3A_1418, %get3A_1419] {strides = array<i32>} : memref<512x128xf32, #tpu.memory_space<vmem>>, vector<1x16xf32>,
          %get3A_1421 = vector.shape_cast %get3A_1420 : vector<1x16xf32> to vector<16xf32>
          %mul3A_1422 = arith.mulf %get3A_1421, %gather3A_1410 : vector<16xf32>
          %swap3A_1423 = arith.index_cast %add3A_1417 : i32 to index
          %swap3A_1424 = arith.constant 0 : index
          %swap3A_1425 = tpu.vector_load %arg10[%swap3A_1423, %swap3A_1424] {strides = array<i32>} : memref<512x128xf32, #tpu.memory_space<vmem>>, vector<1x16xf32>,
          %swap3A_1426 = vector.shape_cast %swap3A_1425 : vector<1x16xf32> to vector<16xf32>
          %swap3A_1427 = vector.shape_cast %mul3A_1422 : vector<16xf32> to vector<1x16xf32>
          tpu.vector_store %arg10[%swap3A_1423, %swap3A_1424], %swap3A_1427 {strides = array<i32>} : memref<512x128xf32, #tpu.memory_space<vmem>>, vector<1x16xf32>,
          %get3A_1428 = arith.index_cast %add3A_1417 : i32 to index
          %get3A_1429 = arith.constant 16 : index
          %get3A_1430 = tpu.vector_load %arg10[%get3A_1428, %get3A_1429] {strides = array<i32>} : memref<512x128xf32, #tpu.memory_space<vmem>>, vector<1x16xf32>,
          %get3A_1431 = vector.shape_cast %get3A_1430 : vector<1x16xf32> to vector<16xf32>
          %mul3A_1432 = arith.mulf %get3A_1431, %gather3A_1410 : vector<16xf32>
          %swap3A_1433 = arith.index_cast %add3A_1417 : i32 to index
          %swap3A_1434 = arith.constant 16 : index
          %swap3A_1435 = tpu.vector_load %arg10[%swap3A_1433, %swap3A_1434] {strides = array<i32>} : memref<512x128xf32, #tpu.memory_space<vmem>>, vector<1x16xf32>,
          %swap3A_1436 = vector.shape_cast %swap3A_1435 : vector<1x16xf32> to vector<16xf32>
          %swap3A_1437 = vector.shape_cast %mul3A_1432 : vector<16xf32> to vector<1x16xf32>
          tpu.vector_store %arg10[%swap3A_1433, %swap3A_1434], %swap3A_1437 {strides = array<i32>} : memref<512x128xf32, #tpu.memory_space<vmem>>, vector<1x16xf32>,
          %get3A_1438 = arith.index_cast %add3A_1417 : i32 to index
          %get3A_1439 = arith.constant 32 : index
          %get3A_1440 = tpu.vector_load %arg10[%get3A_1438, %get3A_1439] {strides = array<i32>} : memref<512x128xf32, #tpu.memory_space<vmem>>, vector<1x16xf32>,
          %get3A_1441 = vector.shape_cast %get3A_1440 : vector<1x16xf32> to vector<16xf32>
          %mul3A_1442 = arith.mulf %get3A_1441, %gather3A_1410 : vector<16xf32>
          %swap3A_1443 = arith.index_cast %add3A_1417 : i32 to index
          %swap3A_1444 = arith.constant 32 : index
          %swap3A_1445 = tpu.vector_load %arg10[%swap3A_1443, %swap3A_1444] {strides = array<i32>} : memref<512x128xf32, #tpu.memory_space<vmem>>, vector<1x16xf32>,
          %swap3A_1446 = vector.shape_cast %swap3A_1445 : vector<1x16xf32> to vector<16xf32>
          %swap3A_1447 = vector.shape_cast %mul3A_1442 : vector<16xf32> to vector<1x16xf32>
          tpu.vector_store %arg10[%swap3A_1443, %swap3A_1444], %swap3A_1447 {strides = array<i32>} : memref<512x128xf32, #tpu.memory_space<vmem>>, vector<1x16xf32>,
          %get3A_1448 = arith.index_cast %add3A_1417 : i32 to index
          %get3A_1449 = arith.constant 48 : index
          %get3A_1450 = tpu.vector_load %arg10[%get3A_1448, %get3A_1449] {strides = array<i32>} : memref<512x128xf32, #tpu.memory_space<vmem>>, vector<1x16xf32>,
          %get3A_1451 = vector.shape_cast %get3A_1450 : vector<1x16xf32> to vector<16xf32>
          %mul3A_1452 = arith.mulf %get3A_1451, %gather3A_1410 : vector<16xf32>
          %swap3A_1453 = arith.index_cast %add3A_1417 : i32 to index
          %swap3A_1454 = arith.constant 48 : index
          %swap3A_1455 = tpu.vector_load %arg10[%swap3A_1453, %swap3A_1454] {strides = array<i32>} : memref<512x128xf32, #tpu.memory_space<vmem>>, vector<1x16xf32>,
          %swap3A_1456 = vector.shape_cast %swap3A_1455 : vector<1x16xf32> to vector<16xf32>
          %swap3A_1457 = vector.shape_cast %mul3A_1452 : vector<16xf32> to vector<1x16xf32>
          tpu.vector_store %arg10[%swap3A_1453, %swap3A_1454], %swap3A_1457 {strides = array<i32>} : memref<512x128xf32, #tpu.memory_space<vmem>>, vector<1x16xf32>,
          %get3A_1458 = arith.index_cast %add3A_1417 : i32 to index
          %get3A_1459 = arith.constant 64 : index
          %get3A_1460 = tpu.vector_load %arg10[%get3A_1458, %get3A_1459] {strides = array<i32>} : memref<512x128xf32, #tpu.memory_space<vmem>>, vector<1x16xf32>,
          %get3A_1461 = vector.shape_cast %get3A_1460 : vector<1x16xf32> to vector<16xf32>
          %mul3A_1462 = arith.mulf %get3A_1461, %gather3A_1410 : vector<16xf32>
          %swap3A_1463 = arith.index_cast %add3A_1417 : i32 to index
          %swap3A_1464 = arith.constant 64 : index
          %swap3A_1465 = tpu.vector_load %arg10[%swap3A_1463, %swap3A_1464] {strides = array<i32>} : memref<512x128xf32, #tpu.memory_space<vmem>>, vector<1x16xf32>,
          %swap3A_1466 = vector.shape_cast %swap3A_1465 : vector<1x16xf32> to vector<16xf32>
          %swap3A_1467 = vector.shape_cast %mul3A_1462 : vector<16xf32> to vector<1x16xf32>
          tpu.vector_store %arg10[%swap3A_1463, %swap3A_1464], %swap3A_1467 {strides = array<i32>} : memref<512x128xf32, #tpu.memory_space<vmem>>, vector<1x16xf32>,
          %get3A_1468 = arith.index_cast %add3A_1417 : i32 to index
          %get3A_1469 = arith.constant 80 : index
          %get3A_1470 = tpu.vector_load %arg10[%get3A_1468, %get3A_1469] {strides = array<i32>} : memref<512x128xf32, #tpu.memory_space<vmem>>, vector<1x16xf32>,
          %get3A_1471 = vector.shape_cast %get3A_1470 : vector<1x16xf32> to vector<16xf32>
          %mul3A_1472 = arith.mulf %get3A_1471, %gather3A_1410 : vector<16xf32>
          %swap3A_1473 = arith.index_cast %add3A_1417 : i32 to index
          %swap3A_1474 = arith.constant 80 : index
          %swap3A_1475 = tpu.vector_load %arg10[%swap3A_1473, %swap3A_1474] {strides = array<i32>} : memref<512x128xf32, #tpu.memory_space<vmem>>, vector<1x16xf32>,
          %swap3A_1476 = vector.shape_cast %swap3A_1475 : vector<1x16xf32> to vector<16xf32>
          %swap3A_1477 = vector.shape_cast %mul3A_1472 : vector<16xf32> to vector<1x16xf32>
          tpu.vector_store %arg10[%swap3A_1473, %swap3A_1474], %swap3A_1477 {strides = array<i32>} : memref<512x128xf32, #tpu.memory_space<vmem>>, vector<1x16xf32>,
          %get3A_1478 = arith.index_cast %add3A_1417 : i32 to index
          %get3A_1479 = arith.constant 96 : index
          %get3A_1480 = tpu.vector_load %arg10[%get3A_1478, %get3A_1479] {strides = array<i32>} : memref<512x128xf32, #tpu.memory_space<vmem>>, vector<1x16xf32>,
          %get3A_1481 = vector.shape_cast %get3A_1480 : vector<1x16xf32> to vector<16xf32>
          %mul3A_1482 = arith.mulf %get3A_1481, %gather3A_1410 : vector<16xf32>
          %swap3A_1483 = arith.index_cast %add3A_1417 : i32 to index
          %swap3A_1484 = arith.constant 96 : index
          %swap3A_1485 = tpu.vector_load %arg10[%swap3A_1483, %swap3A_1484] {strides = array<i32>} : memref<512x128xf32, #tpu.memory_space<vmem>>, vector<1x16xf32>,
          %swap3A_1486 = vector.shape_cast %swap3A_1485 : vector<1x16xf32> to vector<16xf32>
          %swap3A_1487 = vector.shape_cast %mul3A_1482 : vector<16xf32> to vector<1x16xf32>
          tpu.vector_store %arg10[%swap3A_1483, %swap3A_1484], %swap3A_1487 {strides = array<i32>} : memref<512x128xf32, #tpu.memory_space<vmem>>, vector<1x16xf32>,
          %get3A_1488 = arith.index_cast %add3A_1417 : i32 to index
          %get3A_1489 = arith.constant 112 : index
          %get3A_1490 = tpu.vector_load %arg10[%get3A_1488, %get3A_1489] {strides = array<i32>} : memref<512x128xf32, #tpu.memory_space<vmem>>, vector<1x16xf32>,
          %get3A_1491 = vector.shape_cast %get3A_1490 : vector<1x16xf32> to vector<16xf32>
          %mul3A_1492 = arith.mulf %get3A_1491, %gather3A_1410 : vector<16xf32>
          %swap3A_1493 = arith.index_cast %add3A_1417 : i32 to index
          %swap3A_1494 = arith.constant 112 : index
          %swap3A_1495 = tpu.vector_load %arg10[%swap3A_1493, %swap3A_1494] {strides = array<i32>} : memref<512x128xf32, #tpu.memory_space<vmem>>, vector<1x16xf32>,
          %swap3A_1496 = vector.shape_cast %swap3A_1495 : vector<1x16xf32> to vector<16xf32>
          %swap3A_1497 = vector.shape_cast %mul3A_1492 : vector<16xf32> to vector<1x16xf32>
          tpu.vector_store %arg10[%swap3A_1493, %swap3A_1494], %swap3A_1497 {strides = array<i32>} : memref<512x128xf32, #tpu.memory_space<vmem>>, vector<1x16xf32>,
          %broadcast_in_dim3A_1498 = arith.constant 14 : i32
          %broadcast_in_dim3A_1499 = vector.broadcast %broadcast_in_dim3A_1498 : i32 to vector<16x1xi32>
          %gather3A_1500 = vector.shape_cast %broadcast_in_dim3A_1499 : vector<16x1xi32> to vector<16xi32>
          %gather3A_1501 = tpu.dynamic_gather %get3A_225[%gather3A_1500] in [0] : vector<16xf32>, vector<16xi32> -> vector<16xf32>
          %mul3A_1502 = arith.constant 128 : i32
          %mul3A_1503 = arith.muli %add3A_208, %mul3A_1502 : i32
          %mul3A_1504 = arith.constant 16 : i32
          %mul3A_1505 = arith.muli %add3A_218, %mul3A_1504 : i32
          %add3A_1506 = arith.addi %mul3A_1503, %mul3A_1505 : i32
          %add3A_1507 = arith.constant 14 : i32
          %add3A_1508 = arith.addi %add3A_1506, %add3A_1507 : i32
          %get3A_1509 = arith.index_cast %add3A_1508 : i32 to index
          %get3A_1510 = arith.constant 0 : index
          %get3A_1511 = tpu.vector_load %arg10[%get3A_1509, %get3A_1510] {strides = array<i32>} : memref<512x128xf32, #tpu.memory_space<vmem>>, vector<1x16xf32>,
          %get3A_1512 = vector.shape_cast %get3A_1511 : vector<1x16xf32> to vector<16xf32>
          %mul3A_1513 = arith.mulf %get3A_1512, %gather3A_1501 : vector<16xf32>
          %swap3A_1514 = arith.index_cast %add3A_1508 : i32 to index
          %swap3A_1515 = arith.constant 0 : index
          %swap3A_1516 = tpu.vector_load %arg10[%swap3A_1514, %swap3A_1515] {strides = array<i32>} : memref<512x128xf32, #tpu.memory_space<vmem>>, vector<1x16xf32>,
          %swap3A_1517 = vector.shape_cast %swap3A_1516 : vector<1x16xf32> to vector<16xf32>
          %swap3A_1518 = vector.shape_cast %mul3A_1513 : vector<16xf32> to vector<1x16xf32>
          tpu.vector_store %arg10[%swap3A_1514, %swap3A_1515], %swap3A_1518 {strides = array<i32>} : memref<512x128xf32, #tpu.memory_space<vmem>>, vector<1x16xf32>,
          %get3A_1519 = arith.index_cast %add3A_1508 : i32 to index
          %get3A_1520 = arith.constant 16 : index
          %get3A_1521 = tpu.vector_load %arg10[%get3A_1519, %get3A_1520] {strides = array<i32>} : memref<512x128xf32, #tpu.memory_space<vmem>>, vector<1x16xf32>,
          %get3A_1522 = vector.shape_cast %get3A_1521 : vector<1x16xf32> to vector<16xf32>
          %mul3A_1523 = arith.mulf %get3A_1522, %gather3A_1501 : vector<16xf32>
          %swap3A_1524 = arith.index_cast %add3A_1508 : i32 to index
          %swap3A_1525 = arith.constant 16 : index
          %swap3A_1526 = tpu.vector_load %arg10[%swap3A_1524, %swap3A_1525] {strides = array<i32>} : memref<512x128xf32, #tpu.memory_space<vmem>>, vector<1x16xf32>,
          %swap3A_1527 = vector.shape_cast %swap3A_1526 : vector<1x16xf32> to vector<16xf32>
          %swap3A_1528 = vector.shape_cast %mul3A_1523 : vector<16xf32> to vector<1x16xf32>
          tpu.vector_store %arg10[%swap3A_1524, %swap3A_1525], %swap3A_1528 {strides = array<i32>} : memref<512x128xf32, #tpu.memory_space<vmem>>, vector<1x16xf32>,
          %get3A_1529 = arith.index_cast %add3A_1508 : i32 to index
          %get3A_1530 = arith.constant 32 : index
          %get3A_1531 = tpu.vector_load %arg10[%get3A_1529, %get3A_1530] {strides = array<i32>} : memref<512x128xf32, #tpu.memory_space<vmem>>, vector<1x16xf32>,
          %get3A_1532 = vector.shape_cast %get3A_1531 : vector<1x16xf32> to vector<16xf32>
          %mul3A_1533 = arith.mulf %get3A_1532, %gather3A_1501 : vector<16xf32>
          %swap3A_1534 = arith.index_cast %add3A_1508 : i32 to index
          %swap3A_1535 = arith.constant 32 : index
          %swap3A_1536 = tpu.vector_load %arg10[%swap3A_1534, %swap3A_1535] {strides = array<i32>} : memref<512x128xf32, #tpu.memory_space<vmem>>, vector<1x16xf32>,
          %swap3A_1537 = vector.shape_cast %swap3A_1536 : vector<1x16xf32> to vector<16xf32>
          %swap3A_1538 = vector.shape_cast %mul3A_1533 : vector<16xf32> to vector<1x16xf32>
          tpu.vector_store %arg10[%swap3A_1534, %swap3A_1535], %swap3A_1538 {strides = array<i32>} : memref<512x128xf32, #tpu.memory_space<vmem>>, vector<1x16xf32>,
          %get3A_1539 = arith.index_cast %add3A_1508 : i32 to index
          %get3A_1540 = arith.constant 48 : index
          %get3A_1541 = tpu.vector_load %arg10[%get3A_1539, %get3A_1540] {strides = array<i32>} : memref<512x128xf32, #tpu.memory_space<vmem>>, vector<1x16xf32>,
          %get3A_1542 = vector.shape_cast %get3A_1541 : vector<1x16xf32> to vector<16xf32>
          %mul3A_1543 = arith.mulf %get3A_1542, %gather3A_1501 : vector<16xf32>
          %swap3A_1544 = arith.index_cast %add3A_1508 : i32 to index
          %swap3A_1545 = arith.constant 48 : index
          %swap3A_1546 = tpu.vector_load %arg10[%swap3A_1544, %swap3A_1545] {strides = array<i32>} : memref<512x128xf32, #tpu.memory_space<vmem>>, vector<1x16xf32>,
          %swap3A_1547 = vector.shape_cast %swap3A_1546 : vector<1x16xf32> to vector<16xf32>
          %swap3A_1548 = vector.shape_cast %mul3A_1543 : vector<16xf32> to vector<1x16xf32>
          tpu.vector_store %arg10[%swap3A_1544, %swap3A_1545], %swap3A_1548 {strides = array<i32>} : memref<512x128xf32, #tpu.memory_space<vmem>>, vector<1x16xf32>,
          %get3A_1549 = arith.index_cast %add3A_1508 : i32 to index
          %get3A_1550 = arith.constant 64 : index
          %get3A_1551 = tpu.vector_load %arg10[%get3A_1549, %get3A_1550] {strides = array<i32>} : memref<512x128xf32, #tpu.memory_space<vmem>>, vector<1x16xf32>,
          %get3A_1552 = vector.shape_cast %get3A_1551 : vector<1x16xf32> to vector<16xf32>
          %mul3A_1553 = arith.mulf %get3A_1552, %gather3A_1501 : vector<16xf32>
          %swap3A_1554 = arith.index_cast %add3A_1508 : i32 to index
          %swap3A_1555 = arith.constant 64 : index
          %swap3A_1556 = tpu.vector_load %arg10[%swap3A_1554, %swap3A_1555] {strides = array<i32>} : memref<512x128xf32, #tpu.memory_space<vmem>>, vector<1x16xf32>,
          %swap3A_1557 = vector.shape_cast %swap3A_1556 : vector<1x16xf32> to vector<16xf32>
          %swap3A_1558 = vector.shape_cast %mul3A_1553 : vector<16xf32> to vector<1x16xf32>
          tpu.vector_store %arg10[%swap3A_1554, %swap3A_1555], %swap3A_1558 {strides = array<i32>} : memref<512x128xf32, #tpu.memory_space<vmem>>, vector<1x16xf32>,
          %get3A_1559 = arith.index_cast %add3A_1508 : i32 to index
          %get3A_1560 = arith.constant 80 : index
          %get3A_1561 = tpu.vector_load %arg10[%get3A_1559, %get3A_1560] {strides = array<i32>} : memref<512x128xf32, #tpu.memory_space<vmem>>, vector<1x16xf32>,
          %get3A_1562 = vector.shape_cast %get3A_1561 : vector<1x16xf32> to vector<16xf32>
          %mul3A_1563 = arith.mulf %get3A_1562, %gather3A_1501 : vector<16xf32>
          %swap3A_1564 = arith.index_cast %add3A_1508 : i32 to index
          %swap3A_1565 = arith.constant 80 : index
          %swap3A_1566 = tpu.vector_load %arg10[%swap3A_1564, %swap3A_1565] {strides = array<i32>} : memref<512x128xf32, #tpu.memory_space<vmem>>, vector<1x16xf32>,
          %swap3A_1567 = vector.shape_cast %swap3A_1566 : vector<1x16xf32> to vector<16xf32>
          %swap3A_1568 = vector.shape_cast %mul3A_1563 : vector<16xf32> to vector<1x16xf32>
          tpu.vector_store %arg10[%swap3A_1564, %swap3A_1565], %swap3A_1568 {strides = array<i32>} : memref<512x128xf32, #tpu.memory_space<vmem>>, vector<1x16xf32>,
          %get3A_1569 = arith.index_cast %add3A_1508 : i32 to index
          %get3A_1570 = arith.constant 96 : index
          %get3A_1571 = tpu.vector_load %arg10[%get3A_1569, %get3A_1570] {strides = array<i32>} : memref<512x128xf32, #tpu.memory_space<vmem>>, vector<1x16xf32>,
          %get3A_1572 = vector.shape_cast %get3A_1571 : vector<1x16xf32> to vector<16xf32>
          %mul3A_1573 = arith.mulf %get3A_1572, %gather3A_1501 : vector<16xf32>
          %swap3A_1574 = arith.index_cast %add3A_1508 : i32 to index
          %swap3A_1575 = arith.constant 96 : index
          %swap3A_1576 = tpu.vector_load %arg10[%swap3A_1574, %swap3A_1575] {strides = array<i32>} : memref<512x128xf32, #tpu.memory_space<vmem>>, vector<1x16xf32>,
          %swap3A_1577 = vector.shape_cast %swap3A_1576 : vector<1x16xf32> to vector<16xf32>
          %swap3A_1578 = vector.shape_cast %mul3A_1573 : vector<16xf32> to vector<1x16xf32>
          tpu.vector_store %arg10[%swap3A_1574, %swap3A_1575], %swap3A_1578 {strides = array<i32>} : memref<512x128xf32, #tpu.memory_space<vmem>>, vector<1x16xf32>,
          %get3A_1579 = arith.index_cast %add3A_1508 : i32 to index
          %get3A_1580 = arith.constant 112 : index
          %get3A_1581 = tpu.vector_load %arg10[%get3A_1579, %get3A_1580] {strides = array<i32>} : memref<512x128xf32, #tpu.memory_space<vmem>>, vector<1x16xf32>,
          %get3A_1582 = vector.shape_cast %get3A_1581 : vector<1x16xf32> to vector<16xf32>
          %mul3A_1583 = arith.mulf %get3A_1582, %gather3A_1501 : vector<16xf32>
          %swap3A_1584 = arith.index_cast %add3A_1508 : i32 to index
          %swap3A_1585 = arith.constant 112 : index
          %swap3A_1586 = tpu.vector_load %arg10[%swap3A_1584, %swap3A_1585] {strides = array<i32>} : memref<512x128xf32, #tpu.memory_space<vmem>>, vector<1x16xf32>,
          %swap3A_1587 = vector.shape_cast %swap3A_1586 : vector<1x16xf32> to vector<16xf32>
          %swap3A_1588 = vector.shape_cast %mul3A_1583 : vector<16xf32> to vector<1x16xf32>
          tpu.vector_store %arg10[%swap3A_1584, %swap3A_1585], %swap3A_1588 {strides = array<i32>} : memref<512x128xf32, #tpu.memory_space<vmem>>, vector<1x16xf32>,
          %broadcast_in_dim3A_1589 = arith.constant 15 : i32
          %broadcast_in_dim3A_1590 = vector.broadcast %broadcast_in_dim3A_1589 : i32 to vector<16x1xi32>
          %gather3A_1591 = vector.shape_cast %broadcast_in_dim3A_1590 : vector<16x1xi32> to vector<16xi32>
          %gather3A_1592 = tpu.dynamic_gather %get3A_225[%gather3A_1591] in [0] : vector<16xf32>, vector<16xi32> -> vector<16xf32>
          %mul3A_1593 = arith.constant 128 : i32
          %mul3A_1594 = arith.muli %add3A_208, %mul3A_1593 : i32
          %mul3A_1595 = arith.constant 16 : i32
          %mul3A_1596 = arith.muli %add3A_218, %mul3A_1595 : i32
          %add3A_1597 = arith.addi %mul3A_1594, %mul3A_1596 : i32
          %add3A_1598 = arith.constant 15 : i32
          %add3A_1599 = arith.addi %add3A_1597, %add3A_1598 : i32
          %get3A_1600 = arith.index_cast %add3A_1599 : i32 to index
          %get3A_1601 = arith.constant 0 : index
          %get3A_1602 = tpu.vector_load %arg10[%get3A_1600, %get3A_1601] {strides = array<i32>} : memref<512x128xf32, #tpu.memory_space<vmem>>, vector<1x16xf32>,
          %get3A_1603 = vector.shape_cast %get3A_1602 : vector<1x16xf32> to vector<16xf32>
          %mul3A_1604 = arith.mulf %get3A_1603, %gather3A_1592 : vector<16xf32>
          %swap3A_1605 = arith.index_cast %add3A_1599 : i32 to index
          %swap3A_1606 = arith.constant 0 : index
          %swap3A_1607 = tpu.vector_load %arg10[%swap3A_1605, %swap3A_1606] {strides = array<i32>} : memref<512x128xf32, #tpu.memory_space<vmem>>, vector<1x16xf32>,
          %swap3A_1608 = vector.shape_cast %swap3A_1607 : vector<1x16xf32> to vector<16xf32>
          %swap3A_1609 = vector.shape_cast %mul3A_1604 : vector<16xf32> to vector<1x16xf32>
          tpu.vector_store %arg10[%swap3A_1605, %swap3A_1606], %swap3A_1609 {strides = array<i32>} : memref<512x128xf32, #tpu.memory_space<vmem>>, vector<1x16xf32>,
          %get3A_1610 = arith.index_cast %add3A_1599 : i32 to index
          %get3A_1611 = arith.constant 16 : index
          %get3A_1612 = tpu.vector_load %arg10[%get3A_1610, %get3A_1611] {strides = array<i32>} : memref<512x128xf32, #tpu.memory_space<vmem>>, vector<1x16xf32>,
          %get3A_1613 = vector.shape_cast %get3A_1612 : vector<1x16xf32> to vector<16xf32>
          %mul3A_1614 = arith.mulf %get3A_1613, %gather3A_1592 : vector<16xf32>
          %swap3A_1615 = arith.index_cast %add3A_1599 : i32 to index
          %swap3A_1616 = arith.constant 16 : index
          %swap3A_1617 = tpu.vector_load %arg10[%swap3A_1615, %swap3A_1616] {strides = array<i32>} : memref<512x128xf32, #tpu.memory_space<vmem>>, vector<1x16xf32>,
          %swap3A_1618 = vector.shape_cast %swap3A_1617 : vector<1x16xf32> to vector<16xf32>
          %swap3A_1619 = vector.shape_cast %mul3A_1614 : vector<16xf32> to vector<1x16xf32>
          tpu.vector_store %arg10[%swap3A_1615, %swap3A_1616], %swap3A_1619 {strides = array<i32>} : memref<512x128xf32, #tpu.memory_space<vmem>>, vector<1x16xf32>,
          %get3A_1620 = arith.index_cast %add3A_1599 : i32 to index
          %get3A_1621 = arith.constant 32 : index
          %get3A_1622 = tpu.vector_load %arg10[%get3A_1620, %get3A_1621] {strides = array<i32>} : memref<512x128xf32, #tpu.memory_space<vmem>>, vector<1x16xf32>,
          %get3A_1623 = vector.shape_cast %get3A_1622 : vector<1x16xf32> to vector<16xf32>
          %mul3A_1624 = arith.mulf %get3A_1623, %gather3A_1592 : vector<16xf32>
          %swap3A_1625 = arith.index_cast %add3A_1599 : i32 to index
          %swap3A_1626 = arith.constant 32 : index
          %swap3A_1627 = tpu.vector_load %arg10[%swap3A_1625, %swap3A_1626] {strides = array<i32>} : memref<512x128xf32, #tpu.memory_space<vmem>>, vector<1x16xf32>,
          %swap3A_1628 = vector.shape_cast %swap3A_1627 : vector<1x16xf32> to vector<16xf32>
          %swap3A_1629 = vector.shape_cast %mul3A_1624 : vector<16xf32> to vector<1x16xf32>
          tpu.vector_store %arg10[%swap3A_1625, %swap3A_1626], %swap3A_1629 {strides = array<i32>} : memref<512x128xf32, #tpu.memory_space<vmem>>, vector<1x16xf32>,
          %get3A_1630 = arith.index_cast %add3A_1599 : i32 to index
          %get3A_1631 = arith.constant 48 : index
          %get3A_1632 = tpu.vector_load %arg10[%get3A_1630, %get3A_1631] {strides = array<i32>} : memref<512x128xf32, #tpu.memory_space<vmem>>, vector<1x16xf32>,
          %get3A_1633 = vector.shape_cast %get3A_1632 : vector<1x16xf32> to vector<16xf32>
          %mul3A_1634 = arith.mulf %get3A_1633, %gather3A_1592 : vector<16xf32>
          %swap3A_1635 = arith.index_cast %add3A_1599 : i32 to index
          %swap3A_1636 = arith.constant 48 : index
          %swap3A_1637 = tpu.vector_load %arg10[%swap3A_1635, %swap3A_1636] {strides = array<i32>} : memref<512x128xf32, #tpu.memory_space<vmem>>, vector<1x16xf32>,
          %swap3A_1638 = vector.shape_cast %swap3A_1637 : vector<1x16xf32> to vector<16xf32>
          %swap3A_1639 = vector.shape_cast %mul3A_1634 : vector<16xf32> to vector<1x16xf32>
          tpu.vector_store %arg10[%swap3A_1635, %swap3A_1636], %swap3A_1639 {strides = array<i32>} : memref<512x128xf32, #tpu.memory_space<vmem>>, vector<1x16xf32>,
          %get3A_1640 = arith.index_cast %add3A_1599 : i32 to index
          %get3A_1641 = arith.constant 64 : index
          %get3A_1642 = tpu.vector_load %arg10[%get3A_1640, %get3A_1641] {strides = array<i32>} : memref<512x128xf32, #tpu.memory_space<vmem>>, vector<1x16xf32>,
          %get3A_1643 = vector.shape_cast %get3A_1642 : vector<1x16xf32> to vector<16xf32>
          %mul3A_1644 = arith.mulf %get3A_1643, %gather3A_1592 : vector<16xf32>
          %swap3A_1645 = arith.index_cast %add3A_1599 : i32 to index
          %swap3A_1646 = arith.constant 64 : index
          %swap3A_1647 = tpu.vector_load %arg10[%swap3A_1645, %swap3A_1646] {strides = array<i32>} : memref<512x128xf32, #tpu.memory_space<vmem>>, vector<1x16xf32>,
          %swap3A_1648 = vector.shape_cast %swap3A_1647 : vector<1x16xf32> to vector<16xf32>
          %swap3A_1649 = vector.shape_cast %mul3A_1644 : vector<16xf32> to vector<1x16xf32>
          tpu.vector_store %arg10[%swap3A_1645, %swap3A_1646], %swap3A_1649 {strides = array<i32>} : memref<512x128xf32, #tpu.memory_space<vmem>>, vector<1x16xf32>,
          %get3A_1650 = arith.index_cast %add3A_1599 : i32 to index
          %get3A_1651 = arith.constant 80 : index
          %get3A_1652 = tpu.vector_load %arg10[%get3A_1650, %get3A_1651] {strides = array<i32>} : memref<512x128xf32, #tpu.memory_space<vmem>>, vector<1x16xf32>,
          %get3A_1653 = vector.shape_cast %get3A_1652 : vector<1x16xf32> to vector<16xf32>
          %mul3A_1654 = arith.mulf %get3A_1653, %gather3A_1592 : vector<16xf32>
          %swap3A_1655 = arith.index_cast %add3A_1599 : i32 to index
          %swap3A_1656 = arith.constant 80 : index
          %swap3A_1657 = tpu.vector_load %arg10[%swap3A_1655, %swap3A_1656] {strides = array<i32>} : memref<512x128xf32, #tpu.memory_space<vmem>>, vector<1x16xf32>,
          %swap3A_1658 = vector.shape_cast %swap3A_1657 : vector<1x16xf32> to vector<16xf32>
          %swap3A_1659 = vector.shape_cast %mul3A_1654 : vector<16xf32> to vector<1x16xf32>
          tpu.vector_store %arg10[%swap3A_1655, %swap3A_1656], %swap3A_1659 {strides = array<i32>} : memref<512x128xf32, #tpu.memory_space<vmem>>, vector<1x16xf32>,
          %get3A_1660 = arith.index_cast %add3A_1599 : i32 to index
          %get3A_1661 = arith.constant 96 : index
          %get3A_1662 = tpu.vector_load %arg10[%get3A_1660, %get3A_1661] {strides = array<i32>} : memref<512x128xf32, #tpu.memory_space<vmem>>, vector<1x16xf32>,
          %get3A_1663 = vector.shape_cast %get3A_1662 : vector<1x16xf32> to vector<16xf32>
          %mul3A_1664 = arith.mulf %get3A_1663, %gather3A_1592 : vector<16xf32>
          %swap3A_1665 = arith.index_cast %add3A_1599 : i32 to index
          %swap3A_1666 = arith.constant 96 : index
          %swap3A_1667 = tpu.vector_load %arg10[%swap3A_1665, %swap3A_1666] {strides = array<i32>} : memref<512x128xf32, #tpu.memory_space<vmem>>, vector<1x16xf32>,
          %swap3A_1668 = vector.shape_cast %swap3A_1667 : vector<1x16xf32> to vector<16xf32>
          %swap3A_1669 = vector.shape_cast %mul3A_1664 : vector<16xf32> to vector<1x16xf32>
          tpu.vector_store %arg10[%swap3A_1665, %swap3A_1666], %swap3A_1669 {strides = array<i32>} : memref<512x128xf32, #tpu.memory_space<vmem>>, vector<1x16xf32>,
          %get3A_1670 = arith.index_cast %add3A_1599 : i32 to index
          %get3A_1671 = arith.constant 112 : index
          %get3A_1672 = tpu.vector_load %arg10[%get3A_1670, %get3A_1671] {strides = array<i32>} : memref<512x128xf32, #tpu.memory_space<vmem>>, vector<1x16xf32>,
          %get3A_1673 = vector.shape_cast %get3A_1672 : vector<1x16xf32> to vector<16xf32>
          %mul3A_1674 = arith.mulf %get3A_1673, %gather3A_1592 : vector<16xf32>
          %swap3A_1675 = arith.index_cast %add3A_1599 : i32 to index
          %swap3A_1676 = arith.constant 112 : index
          %swap3A_1677 = tpu.vector_load %arg10[%swap3A_1675, %swap3A_1676] {strides = array<i32>} : memref<512x128xf32, #tpu.memory_space<vmem>>, vector<1x16xf32>,
          %swap3A_1678 = vector.shape_cast %swap3A_1677 : vector<1x16xf32> to vector<16xf32>
          %swap3A_1679 = vector.shape_cast %mul3A_1674 : vector<16xf32> to vector<1x16xf32>
          tpu.vector_store %arg10[%swap3A_1675, %swap3A_1676], %swap3A_1679 {strides = array<i32>} : memref<512x128xf32, #tpu.memory_space<vmem>>, vector<1x16xf32>,
        }
        %scan3A_213 = arith.constant 8 : i32
      }
      %scan3A_199 = arith.constant 4 : i32
      %run_scoped3A_200 = arith.constant 4 : i32
      "tpu.region"() ({
        %run_scoped3A_204 = tpu.sem_alloc : memref<!tpu.dma_semaphore, #tpu.memory_space<semaphore_mem>>
        %dma_start3A_205 = arith.constant 0 : i32
        %dma_start3A_206 = arith.constant 0 : i32
        %dma_start3A_207 = tpu.memref_slice %arg10[%dma_start3A_205, %dma_start3A_206] : memref<512x128xf32, #tpu.memory_space<vmem>> -> memref<128x128xf32, #tpu.memory_space<vmem>>
        %dma_start3A_208 = arith.constant 0 : i32
        %dma_start3A_209 = tpu.memref_slice %arg8[%run_scoped3A_200, %dma_start3A_208] : memref<8x128xi32, #tpu.memory_space<vmem>> -> memref<1x128xi32, #tpu.memory_space<vmem>>
        %dma_start3A_210 = tpu.memref_squeeze %dma_start3A_209 : memref<1x128xi32, #tpu.memory_space<vmem>> -> memref<128xi32, #tpu.memory_space<vmem>>
        %dma_start3A_211 = arith.constant 0 : i32
        %dma_start3A_212 = arith.constant 0 : i32
        %dma_start3A_213 = tpu.memref_slice %arg12[%dma_start3A_211, %dma_start3A_212] : memref<5120x128xf32, #tpu.memory_space<vmem_shared>> -> memref<5120x128xf32, #tpu.memory_space<vmem_shared>>
        tpu.enqueue_indirect_dma source(%dma_start3A_207 : memref<128x128xf32, #tpu.memory_space<vmem>>) target(%dma_start3A_213 : memref<5120x128xf32, #tpu.memory_space<vmem_shared>>) offsets(%dma_start3A_210 : memref<128xi32, #tpu.memory_space<vmem>>) semaphore(%run_scoped3A_204 : memref<!tpu.dma_semaphore, #tpu.memory_space<semaphore_mem>>) {add = true}
        %dma_wait3A_214 = arith.constant 0 : i32
        %dma_wait3A_215 = arith.constant 0 : i32
        %dma_wait3A_216 = tpu.memref_slice %arg10[%dma_wait3A_214, %dma_wait3A_215] : memref<512x128xf32, #tpu.memory_space<vmem>> -> memref<128x128xf32, #tpu.memory_space<vmem>>
        %dma_wait3A_217 = arith.constant 0 : i32
        %dma_wait3A_218 = tpu.memref_slice %arg8[%run_scoped3A_200, %dma_wait3A_217] : memref<8x128xi32, #tpu.memory_space<vmem>> -> memref<1x128xi32, #tpu.memory_space<vmem>>
        %dma_wait3A_219 = tpu.memref_squeeze %dma_wait3A_218 : memref<1x128xi32, #tpu.memory_space<vmem>> -> memref<128xi32, #tpu.memory_space<vmem>>
        %dma_wait3A_220 = arith.constant 0 : i32
        %dma_wait3A_221 = arith.constant 0 : i32
        %dma_wait3A_222 = tpu.memref_slice %arg12[%dma_wait3A_220, %dma_wait3A_221] : memref<5120x128xf32, #tpu.memory_space<vmem_shared>> -> memref<5120x128xf32, #tpu.memory_space<vmem_shared>>
        tpu.wait_indirect_dma semaphore(%run_scoped3A_204 : memref<!tpu.dma_semaphore, #tpu.memory_space<semaphore_mem>>) src(%dma_wait3A_216 : memref<128x128xf32, #tpu.memory_space<vmem>>) dst(%dma_wait3A_222 : memref<5120x128xf32, #tpu.memory_space<vmem_shared>>)
        tpu.yield
      }) : () -> ()
      %run_scoped3A_201 = arith.constant 5 : i32
      "tpu.region"() ({
        %run_scoped3A_204 = tpu.sem_alloc : memref<!tpu.dma_semaphore, #tpu.memory_space<semaphore_mem>>
        %dma_start3A_205 = arith.constant 128 : i32
        %dma_start3A_206 = arith.constant 0 : i32
        %dma_start3A_207 = tpu.memref_slice %arg10[%dma_start3A_205, %dma_start3A_206] : memref<512x128xf32, #tpu.memory_space<vmem>> -> memref<128x128xf32, #tpu.memory_space<vmem>>
        %dma_start3A_208 = arith.constant 0 : i32
        %dma_start3A_209 = tpu.memref_slice %arg8[%run_scoped3A_201, %dma_start3A_208] : memref<8x128xi32, #tpu.memory_space<vmem>> -> memref<1x128xi32, #tpu.memory_space<vmem>>
        %dma_start3A_210 = tpu.memref_squeeze %dma_start3A_209 : memref<1x128xi32, #tpu.memory_space<vmem>> -> memref<128xi32, #tpu.memory_space<vmem>>
        %dma_start3A_211 = arith.constant 0 : i32
        %dma_start3A_212 = arith.constant 0 : i32
        %dma_start3A_213 = tpu.memref_slice %arg12[%dma_start3A_211, %dma_start3A_212] : memref<5120x128xf32, #tpu.memory_space<vmem_shared>> -> memref<5120x128xf32, #tpu.memory_space<vmem_shared>>
        tpu.enqueue_indirect_dma source(%dma_start3A_207 : memref<128x128xf32, #tpu.memory_space<vmem>>) target(%dma_start3A_213 : memref<5120x128xf32, #tpu.memory_space<vmem_shared>>) offsets(%dma_start3A_210 : memref<128xi32, #tpu.memory_space<vmem>>) semaphore(%run_scoped3A_204 : memref<!tpu.dma_semaphore, #tpu.memory_space<semaphore_mem>>) {add = true}
        %dma_wait3A_214 = arith.constant 128 : i32
        %dma_wait3A_215 = arith.constant 0 : i32
        %dma_wait3A_216 = tpu.memref_slice %arg10[%dma_wait3A_214, %dma_wait3A_215] : memref<512x128xf32, #tpu.memory_space<vmem>> -> memref<128x128xf32, #tpu.memory_space<vmem>>
        %dma_wait3A_217 = arith.constant 0 : i32
        %dma_wait3A_218 = tpu.memref_slice %arg8[%run_scoped3A_201, %dma_wait3A_217] : memref<8x128xi32, #tpu.memory_space<vmem>> -> memref<1x128xi32, #tpu.memory_space<vmem>>
        %dma_wait3A_219 = tpu.memref_squeeze %dma_wait3A_218 : memref<1x128xi32, #tpu.memory_space<vmem>> -> memref<128xi32, #tpu.memory_space<vmem>>
        %dma_wait3A_220 = arith.constant 0 : i32
        %dma_wait3A_221 = arith.constant 0 : i32
        %dma_wait3A_222 = tpu.memref_slice %arg12[%dma_wait3A_220, %dma_wait3A_221] : memref<5120x128xf32, #tpu.memory_space<vmem_shared>> -> memref<5120x128xf32, #tpu.memory_space<vmem_shared>>
        tpu.wait_indirect_dma semaphore(%run_scoped3A_204 : memref<!tpu.dma_semaphore, #tpu.memory_space<semaphore_mem>>) src(%dma_wait3A_216 : memref<128x128xf32, #tpu.memory_space<vmem>>) dst(%dma_wait3A_222 : memref<5120x128xf32, #tpu.memory_space<vmem_shared>>)
        tpu.yield
      }) : () -> ()
      %run_scoped3A_202 = arith.constant 6 : i32
      "tpu.region"() ({
        %run_scoped3A_204 = tpu.sem_alloc : memref<!tpu.dma_semaphore, #tpu.memory_space<semaphore_mem>>
        %dma_start3A_205 = arith.constant 256 : i32
        %dma_start3A_206 = arith.constant 0 : i32
        %dma_start3A_207 = tpu.memref_slice %arg10[%dma_start3A_205, %dma_start3A_206] : memref<512x128xf32, #tpu.memory_space<vmem>> -> memref<128x128xf32, #tpu.memory_space<vmem>>
        %dma_start3A_208 = arith.constant 0 : i32
        %dma_start3A_209 = tpu.memref_slice %arg8[%run_scoped3A_202, %dma_start3A_208] : memref<8x128xi32, #tpu.memory_space<vmem>> -> memref<1x128xi32, #tpu.memory_space<vmem>>
        %dma_start3A_210 = tpu.memref_squeeze %dma_start3A_209 : memref<1x128xi32, #tpu.memory_space<vmem>> -> memref<128xi32, #tpu.memory_space<vmem>>
        %dma_start3A_211 = arith.constant 0 : i32
        %dma_start3A_212 = arith.constant 0 : i32
        %dma_start3A_213 = tpu.memref_slice %arg12[%dma_start3A_211, %dma_start3A_212] : memref<5120x128xf32, #tpu.memory_space<vmem_shared>> -> memref<5120x128xf32, #tpu.memory_space<vmem_shared>>
        tpu.enqueue_indirect_dma source(%dma_start3A_207 : memref<128x128xf32, #tpu.memory_space<vmem>>) target(%dma_start3A_213 : memref<5120x128xf32, #tpu.memory_space<vmem_shared>>) offsets(%dma_start3A_210 : memref<128xi32, #tpu.memory_space<vmem>>) semaphore(%run_scoped3A_204 : memref<!tpu.dma_semaphore, #tpu.memory_space<semaphore_mem>>) {add = true}
        %dma_wait3A_214 = arith.constant 256 : i32
        %dma_wait3A_215 = arith.constant 0 : i32
        %dma_wait3A_216 = tpu.memref_slice %arg10[%dma_wait3A_214, %dma_wait3A_215] : memref<512x128xf32, #tpu.memory_space<vmem>> -> memref<128x128xf32, #tpu.memory_space<vmem>>
        %dma_wait3A_217 = arith.constant 0 : i32
        %dma_wait3A_218 = tpu.memref_slice %arg8[%run_scoped3A_202, %dma_wait3A_217] : memref<8x128xi32, #tpu.memory_space<vmem>> -> memref<1x128xi32, #tpu.memory_space<vmem>>
        %dma_wait3A_219 = tpu.memref_squeeze %dma_wait3A_218 : memref<1x128xi32, #tpu.memory_space<vmem>> -> memref<128xi32, #tpu.memory_space<vmem>>
        %dma_wait3A_220 = arith.constant 0 : i32
        %dma_wait3A_221 = arith.constant 0 : i32
        %dma_wait3A_222 = tpu.memref_slice %arg12[%dma_wait3A_220, %dma_wait3A_221] : memref<5120x128xf32, #tpu.memory_space<vmem_shared>> -> memref<5120x128xf32, #tpu.memory_space<vmem_shared>>
        tpu.wait_indirect_dma semaphore(%run_scoped3A_204 : memref<!tpu.dma_semaphore, #tpu.memory_space<semaphore_mem>>) src(%dma_wait3A_216 : memref<128x128xf32, #tpu.memory_space<vmem>>) dst(%dma_wait3A_222 : memref<5120x128xf32, #tpu.memory_space<vmem_shared>>)
        tpu.yield
      }) : () -> ()
      %run_scoped3A_203 = arith.constant 7 : i32
      "tpu.region"() ({
        %run_scoped3A_204 = tpu.sem_alloc : memref<!tpu.dma_semaphore, #tpu.memory_space<semaphore_mem>>
        %dma_start3A_205 = arith.constant 384 : i32
        %dma_start3A_206 = arith.constant 0 : i32
        %dma_start3A_207 = tpu.memref_slice %arg10[%dma_start3A_205, %dma_start3A_206] : memref<512x128xf32, #tpu.memory_space<vmem>> -> memref<128x128xf32, #tpu.memory_space<vmem>>
        %dma_start3A_208 = arith.constant 0 : i32
        %dma_start3A_209 = tpu.memref_slice %arg8[%run_scoped3A_203, %dma_start3A_208] : memref<8x128xi32, #tpu.memory_space<vmem>> -> memref<1x128xi32, #tpu.memory_space<vmem>>
        %dma_start3A_210 = tpu.memref_squeeze %dma_start3A_209 : memref<1x128xi32, #tpu.memory_space<vmem>> -> memref<128xi32, #tpu.memory_space<vmem>>
        %dma_start3A_211 = arith.constant 0 : i32
        %dma_start3A_212 = arith.constant 0 : i32
        %dma_start3A_213 = tpu.memref_slice %arg12[%dma_start3A_211, %dma_start3A_212] : memref<5120x128xf32, #tpu.memory_space<vmem_shared>> -> memref<5120x128xf32, #tpu.memory_space<vmem_shared>>
        tpu.enqueue_indirect_dma source(%dma_start3A_207 : memref<128x128xf32, #tpu.memory_space<vmem>>) target(%dma_start3A_213 : memref<5120x128xf32, #tpu.memory_space<vmem_shared>>) offsets(%dma_start3A_210 : memref<128xi32, #tpu.memory_space<vmem>>) semaphore(%run_scoped3A_204 : memref<!tpu.dma_semaphore, #tpu.memory_space<semaphore_mem>>) {add = true}
        %dma_wait3A_214 = arith.constant 384 : i32
        %dma_wait3A_215 = arith.constant 0 : i32
        %dma_wait3A_216 = tpu.memref_slice %arg10[%dma_wait3A_214, %dma_wait3A_215] : memref<512x128xf32, #tpu.memory_space<vmem>> -> memref<128x128xf32, #tpu.memory_space<vmem>>
        %dma_wait3A_217 = arith.constant 0 : i32
        %dma_wait3A_218 = tpu.memref_slice %arg8[%run_scoped3A_203, %dma_wait3A_217] : memref<8x128xi32, #tpu.memory_space<vmem>> -> memref<1x128xi32, #tpu.memory_space<vmem>>
        %dma_wait3A_219 = tpu.memref_squeeze %dma_wait3A_218 : memref<1x128xi32, #tpu.memory_space<vmem>> -> memref<128xi32, #tpu.memory_space<vmem>>
        %dma_wait3A_220 = arith.constant 0 : i32
        %dma_wait3A_221 = arith.constant 0 : i32
        %dma_wait3A_222 = tpu.memref_slice %arg12[%dma_wait3A_220, %dma_wait3A_221] : memref<5120x128xf32, #tpu.memory_space<vmem_shared>> -> memref<5120x128xf32, #tpu.memory_space<vmem_shared>>
        tpu.wait_indirect_dma semaphore(%run_scoped3A_204 : memref<!tpu.dma_semaphore, #tpu.memory_space<semaphore_mem>>) src(%dma_wait3A_216 : memref<128x128xf32, #tpu.memory_space<vmem>>) dst(%dma_wait3A_222 : memref<5120x128xf32, #tpu.memory_space<vmem_shared>>)
        tpu.yield
      }) : () -> ()
    }
    %scan3A_15 = arith.constant 20 : i32
    %barrier3A_16 = arith.constant 0 : index
    tpu.barrier barrier_id(%barrier3A_16)
    %scan3A_17 = arith.constant 0 : i32
    %scan3A_18 = arith.constant 5 : i32
    %scan3A_19 = arith.addi %scan3A_17, %scan3A_18 : i32
    %scan3A_20 = arith.constant 1 : i32
    scf.for %scan3A_22 = %scan3A_17 to %scan3A_19 step %scan3A_20  : i32 {
      %mul3A_23 = arith.constant 1 : i32
      %mul3A_24 = arith.muli %scan3A_22, %mul3A_23 : i32
      %add3A = arith.constant 0 : i32
      %add3A_25 = arith.addi %add3A, %mul3A_24 : i32
      %mul3A_26 = arith.constant 320 : i32
      %mul3A_27 = arith.muli %arg1, %mul3A_26 : i32
      %mul3A_28 = arith.constant 64 : i32
      %mul3A_29 = arith.muli %add3A_25, %mul3A_28 : i32
      %add3A_30 = arith.addi %mul3A_27, %mul3A_29 : i32
      "tpu.region"() ({
        %run_scoped3A = tpu.sem_alloc : memref<!tpu.dma_semaphore, #tpu.memory_space<semaphore_mem>>
        %dma_start3A = arith.constant 0 : i32
        %dma_start3A_31 = arith.constant 0 : i32
        %dma_start3A_32 = tpu.memref_slice %arg6[%arg0, %dma_start3A, %dma_start3A_31] : memref<2x5120x128xf32, #tpu.memory_space<hbm>> -> memref<1x5120x128xf32, #tpu.memory_space<hbm>>
        %dma_start3A_33 = tpu.memref_squeeze %dma_start3A_32 : memref<1x5120x128xf32, #tpu.memory_space<hbm>> -> memref<5120x128xf32, #tpu.memory_space<hbm>>
        %dma_start3A_34 = arith.constant 0 : i32
        %dma_start3A_35 = tpu.memref_slice %dma_start3A_33[%add3A_30, %dma_start3A_34] : memref<5120x128xf32, #tpu.memory_space<hbm>> -> memref<64x128xf32, #tpu.memory_space<hbm>>
        %dma_start3A_36 = arith.constant 0 : i32
        %dma_start3A_37 = tpu.memref_slice %arg12[%add3A_30, %dma_start3A_36] : memref<5120x128xf32, #tpu.memory_space<vmem_shared>> -> memref<64x128xf32, #tpu.memory_space<vmem_shared>>
        tpu.enqueue_dma source(%dma_start3A_37 : memref<64x128xf32, #tpu.memory_space<vmem_shared>>) target(%dma_start3A_35 : memref<64x128xf32, #tpu.memory_space<hbm>>) target_semaphore(%run_scoped3A : memref<!tpu.dma_semaphore, #tpu.memory_space<semaphore_mem>>)
        %dma_wait3A = arith.constant 0 : i32
        %dma_wait3A_38 = arith.constant 0 : i32
        %dma_wait3A_39 = tpu.memref_slice %arg6[%arg0, %dma_wait3A, %dma_wait3A_38] : memref<2x5120x128xf32, #tpu.memory_space<hbm>> -> memref<1x5120x128xf32, #tpu.memory_space<hbm>>
        %dma_wait3A_40 = tpu.memref_squeeze %dma_wait3A_39 : memref<1x5120x128xf32, #tpu.memory_space<hbm>> -> memref<5120x128xf32, #tpu.memory_space<hbm>>
        %dma_wait3A_41 = arith.constant 0 : i32
        %dma_wait3A_42 = tpu.memref_slice %dma_wait3A_40[%add3A_30, %dma_wait3A_41] : memref<5120x128xf32, #tpu.memory_space<hbm>> -> memref<64x128xf32, #tpu.memory_space<hbm>>
        %dma_wait3A_43 = arith.constant 0 : i32
        %dma_wait3A_44 = tpu.memref_slice %arg12[%add3A_30, %dma_wait3A_43] : memref<5120x128xf32, #tpu.memory_space<vmem_shared>> -> memref<64x128xf32, #tpu.memory_space<vmem_shared>>
        tpu.wait_dma2 semaphore(%run_scoped3A : memref<!tpu.dma_semaphore, #tpu.memory_space<semaphore_mem>>) src(%dma_wait3A_44 : memref<64x128xf32, #tpu.memory_space<vmem_shared>>) dst(%dma_wait3A_42 : memref<64x128xf32, #tpu.memory_space<hbm>>)
        tpu.yield
      }) : () -> ()
    }
    %scan3A_21 = arith.constant 5 : i32
    return
  }
}

module attributes {stable_mosaic.version = 14 : i64} {
  func.func @body(%arg0: memref<2500x128xf32, #tpu.memory_space<vmem>>, %arg1: memref<2500x128xf32, #tpu.memory_space<vmem>>, %arg2: memref<2500x128xi32, #tpu.memory_space<vmem>>, %arg3: memref<2500x128xf32, #tpu.memory_space<vmem>>, %arg4: memref<2500x128xf32, #tpu.memory_space<vmem>>, %arg5: memref<2500x128xi32, #tpu.memory_space<vmem>>, %arg6: memref<2500x128xi32, #tpu.memory_space<vmem>>) attributes {dimension_semantics = [], scalar_prefetch = 0 : i64, scratch_operands = 0 : i64, tpu.core_type = #tpu.core_type<tc>} {
    %get3A = arith.constant 0 : index
    %get3A_0 = arith.constant 0 : index
    %get3A_1 = vector.load %arg0[%get3A, %get3A_0] : memref<2500x128xf32, #tpu.memory_space<vmem>>, vector<2500x128xf32>
    %add3A = arith.constant 1.000000e+00 : f32
    %add3A_2 = vector.broadcast %add3A : f32 to vector<2500x128xf32>
    %add3A_3 = arith.addf %add3A_2, %get3A_1 : vector<2500x128xf32>
    %get3A_4 = arith.constant 0 : index
    %get3A_5 = arith.constant 0 : index
    %get3A_6 = vector.load %arg1[%get3A_4, %get3A_5] : memref<2500x128xf32, #tpu.memory_space<vmem>>, vector<2500x128xf32>
    %mul3A = arith.constant 1.000000e-01 : f32
    %mul3A_7 = vector.broadcast %mul3A : f32 to vector<2500x128xf32>
    %mul3A_8 = arith.mulf %mul3A_7, %get3A_6 : vector<2500x128xf32>
    %add3A_9 = arith.addf %add3A_3, %mul3A_8 : vector<2500x128xf32>
    %div3A = arith.constant 1.000000e+00 : f32
    %div3A_10 = vector.broadcast %div3A : f32 to vector<2500x128xf32>
    %div3A_11 = arith.divf %div3A_10, %add3A_9 : vector<2500x128xf32>
    %get3A_12 = arith.constant 0 : index
    %get3A_13 = arith.constant 0 : index
    %get3A_14 = vector.load %arg2[%get3A_12, %get3A_13] : memref<2500x128xi32, #tpu.memory_space<vmem>>, vector<2500x128xi32>
    %lt3A = arith.constant 5120 : i32
    %lt3A_15 = vector.broadcast %lt3A : i32 to vector<2500x128xi32>
    %lt3A_16 = arith.cmpi slt, %get3A_14, %lt3A_15 : vector<2500x128xi32>
    %jit3A = arith.constant 0.000000e+00 : f32
    %broadcast_in_dim3A = vector.broadcast %jit3A : f32 to vector<2500x128xf32>
    %select_n3A = arith.select %lt3A_16, %div3A_11, %broadcast_in_dim3A : vector<2500x128xi1>, vector<2500x128xf32>
    %swap3A = arith.constant 0 : index
    %swap3A_17 = arith.constant 0 : index
    %swap3A_18 = vector.load %arg3[%swap3A, %swap3A_17] : memref<2500x128xf32, #tpu.memory_space<vmem>>, vector<2500x128xf32>
    tpu.vector_store %arg3[%swap3A, %swap3A_17], %select_n3A {strides = array<i32>} : memref<2500x128xf32, #tpu.memory_space<vmem>>, vector<2500x128xf32>,
    %jit3A_19 = arith.constant 0.000000e+00 : f32
    %broadcast_in_dim3A_20 = vector.broadcast %jit3A_19 : f32 to vector<2500x128xf32>
    %select_n3A_21 = arith.select %lt3A_16, %broadcast_in_dim3A_20, %div3A_11 : vector<2500x128xi1>, vector<2500x128xf32>
    %swap3A_22 = arith.constant 0 : index
    %swap3A_23 = arith.constant 0 : index
    %swap3A_24 = vector.load %arg4[%swap3A_22, %swap3A_23] : memref<2500x128xf32, #tpu.memory_space<vmem>>, vector<2500x128xf32>
    tpu.vector_store %arg4[%swap3A_22, %swap3A_23], %select_n3A_21 {strides = array<i32>} : memref<2500x128xf32, #tpu.memory_space<vmem>>, vector<2500x128xf32>,
    %jit3A_25 = arith.constant 0 : i32
    %broadcast_in_dim3A_26 = vector.broadcast %jit3A_25 : i32 to vector<2500x128xi32>
    %select_n3A_27 = arith.select %lt3A_16, %get3A_14, %broadcast_in_dim3A_26 : vector<2500x128xi1>, vector<2500x128xi32>
    %swap3A_28 = arith.constant 0 : index
    %swap3A_29 = arith.constant 0 : index
    %swap3A_30 = vector.load %arg5[%swap3A_28, %swap3A_29] : memref<2500x128xi32, #tpu.memory_space<vmem>>, vector<2500x128xi32>
    tpu.vector_store %arg5[%swap3A_28, %swap3A_29], %select_n3A_27 {strides = array<i32>} : memref<2500x128xi32, #tpu.memory_space<vmem>>, vector<2500x128xi32>,
    %sub3A = arith.constant 5120 : i32
    %sub3A_31 = vector.broadcast %sub3A : i32 to vector<2500x128xi32>
    %sub3A_32 = arith.subi %get3A_14, %sub3A_31 : vector<2500x128xi32>
    %jit3A_33 = arith.constant 0 : i32
    %jit3A_34 = arith.constant 5119 : i32
    %max3A = vector.broadcast %jit3A_33 : i32 to vector<2500x128xi32>
    %max3A_35 = arith.maxsi %max3A, %sub3A_32 : vector<2500x128xi32>
    %min3A = vector.broadcast %jit3A_34 : i32 to vector<2500x128xi32>
    %min3A_36 = arith.minsi %min3A, %max3A_35 : vector<2500x128xi32>
    %swap3A_37 = arith.constant 0 : index
    %swap3A_38 = arith.constant 0 : index
    %swap3A_39 = vector.load %arg6[%swap3A_37, %swap3A_38] : memref<2500x128xi32, #tpu.memory_space<vmem>>, vector<2500x128xi32>
    tpu.vector_store %arg6[%swap3A_37, %swap3A_38], %min3A_36 {strides = array<i32>} : memref<2500x128xi32, #tpu.memory_space<vmem>>, vector<2500x128xi32>,
    return
  }
}

module attributes {stable_mosaic.version = 14 : i64} {
  func.func @_prep_body(%arg0: i32, %arg1: memref<1000x128xf32, #tpu.memory_space<vmem>>, %arg2: memref<128x128xf32, #tpu.memory_space<vmem>>, %arg3: memref<1x128xf32, #tpu.memory_space<vmem>>, %arg4: memref<1x128xf32, #tpu.memory_space<vmem>>, %arg5: memref<1x128xf32, #tpu.memory_space<vmem>>, %arg6: memref<1000x128xf32, #tpu.memory_space<vmem>>) attributes {dimension_semantics = [#tpu.dimension_semantics<arbitrary>], iteration_bounds = array<i64: 10>, scalar_prefetch = 0 : i64, scratch_operands = 0 : i64, tpu.core_type = #tpu.core_type<tc>, window_params = [{transform_indices = @transform_0, window_bounds = array<i64: 1000, 128>}, {pipeline_mode = #tpu.pipeline_mode<synchronous>, transform_indices = @transform_1, window_bounds = array<i64: 128, 128>}, {pipeline_mode = #tpu.pipeline_mode<synchronous>, transform_indices = @transform_2, window_bounds = array<i64: 1, 128>}, {pipeline_mode = #tpu.pipeline_mode<synchronous>, transform_indices = @transform_3, window_bounds = array<i64: 1, 128>}, {pipeline_mode = #tpu.pipeline_mode<synchronous>, transform_indices = @transform_4, window_bounds = array<i64: 1, 128>}, {transform_indices = @transform_5, window_bounds = array<i64: 1000, 128>}]} {
    %get3A = arith.constant 0 : index
    %get3A_0 = arith.constant 0 : index
    %get3A_1 = vector.load %arg1[%get3A, %get3A_0] : memref<1000x128xf32, #tpu.memory_space<vmem>>, vector<1000x128xf32>
    %get3A_2 = arith.constant 0 : index
    %get3A_3 = arith.constant 0 : index
    %get3A_4 = vector.load %arg4[%get3A_2, %get3A_3] : memref<1x128xf32, #tpu.memory_space<vmem>>, vector<1x128xf32>
    %mul3A = vector.broadcast %get3A_4 : vector<1x128xf32> to vector<1000x128xf32>
    %mul3A_5 = arith.mulf %get3A_1, %mul3A : vector<1000x128xf32>
    %reduce_sum3A = arith.constant dense<0.000000e+00> : vector<1000xf32>
    %reduce_sum3A_6 = vector.multi_reduction <add>, %mul3A_5, %reduce_sum3A [1] : vector<1000x128xf32> to vector<1000xf32>
    %broadcast_in_dim3A = vector.shape_cast %reduce_sum3A_6 : vector<1000xf32> to vector<1000x1xf32>
    %get3A_7 = arith.constant 0 : index
    %get3A_8 = arith.constant 0 : index
    %get3A_9 = vector.load %arg5[%get3A_7, %get3A_8] : memref<1x128xf32, #tpu.memory_space<vmem>>, vector<1x128xf32>
    %add3A = vector.broadcast %broadcast_in_dim3A : vector<1000x1xf32> to vector<1000x128xf32>
    %add3A_10 = vector.broadcast %get3A_9 : vector<1x128xf32> to vector<1000x128xf32>
    %add3A_11 = arith.addf %add3A, %add3A_10 : vector<1000x128xf32>
    %logistic3A = arith.negf %add3A_11 : vector<1000x128xf32>
    %logistic3A_12 = math.exp %logistic3A : vector<1000x128xf32>
    %logistic3A_13 = arith.constant 1.000000e+00 : f32
    %logistic3A_14 = vector.broadcast %logistic3A_13 : f32 to vector<1000x128xf32>
    %logistic3A_15 = arith.addf %logistic3A_14, %logistic3A_12 : vector<1000x128xf32>
    %logistic3A_16 = arith.divf %logistic3A_14, %logistic3A_15 : vector<1000x128xf32>
    %get3A_17 = arith.constant 0 : index
    %get3A_18 = arith.constant 0 : index
    %get3A_19 = vector.load %arg2[%get3A_17, %get3A_18] : memref<128x128xf32, #tpu.memory_space<vmem>>, vector<128x128xf32>
    %dot_general3A = arith.constant dense<0.000000e+00> : vector<1000x128xf32>
    %dot_general3A_20 = tpu.matmul %get3A_1, %get3A_19, %dot_general3A {dimension_numbers = #tpu.dot_dimension_numbers<[1], [0], [0], [1], [0, 0, 1, 1], [], []>, transpose_lhs_hint = false} : vector<1000x128xf32>, vector<128x128xf32>, vector<1000x128xf32> -> vector<1000x128xf32>
    %get3A_21 = arith.constant 0 : index
    %get3A_22 = arith.constant 0 : index
    %get3A_23 = vector.load %arg3[%get3A_21, %get3A_22] : memref<1x128xf32, #tpu.memory_space<vmem>>, vector<1x128xf32>
    %add3A_24 = vector.broadcast %get3A_23 : vector<1x128xf32> to vector<1000x128xf32>
    %add3A_25 = arith.addf %dot_general3A_20, %add3A_24 : vector<1000x128xf32>
    %mul3A_26 = arith.mulf %add3A_25, %logistic3A_16 : vector<1000x128xf32>
    %swap3A = arith.constant 0 : index
    %swap3A_27 = arith.constant 0 : index
    %swap3A_28 = vector.load %arg6[%swap3A, %swap3A_27] : memref<1000x128xf32, #tpu.memory_space<vmem>>, vector<1000x128xf32>
    tpu.vector_store %arg6[%swap3A, %swap3A_27], %mul3A_26 {strides = array<i32>} : memref<1000x128xf32, #tpu.memory_space<vmem>>, vector<1000x128xf32>,
    return
  }
  func.func @transform_0(%arg0: i32) -> (i32, i32) {
    %c0_i32 = arith.constant 0 : i32
    %c0_i32_0 = arith.constant 0 : i32
    return %arg0, %c0_i32 : i32, i32
  }
  func.func @transform_1(%arg0: i32) -> (i32, i32) {
    %c0_i32 = arith.constant 0 : i32
    %c0_i32_0 = arith.constant 0 : i32
    %c0_i32_1 = arith.constant 0 : i32
    return %c0_i32, %c0_i32_0 : i32, i32
  }
  func.func @transform_2(%arg0: i32) -> (i32, i32) {
    %c0_i32 = arith.constant 0 : i32
    %c0_i32_0 = arith.constant 0 : i32
    %c0_i32_1 = arith.constant 0 : i32
    return %c0_i32, %c0_i32_0 : i32, i32
  }
  func.func @transform_3(%arg0: i32) -> (i32, i32) {
    %c0_i32 = arith.constant 0 : i32
    %c0_i32_0 = arith.constant 0 : i32
    %c0_i32_1 = arith.constant 0 : i32
    return %c0_i32, %c0_i32_0 : i32, i32
  }
  func.func @transform_4(%arg0: i32) -> (i32, i32) {
    %c0_i32 = arith.constant 0 : i32
    %c0_i32_0 = arith.constant 0 : i32
    %c0_i32_1 = arith.constant 0 : i32
    return %c0_i32, %c0_i32_0 : i32, i32
  }
  func.func @transform_5(%arg0: i32) -> (i32, i32) {
    %c0_i32 = arith.constant 0 : i32
    %c0_i32_0 = arith.constant 0 : i32
    return %arg0, %c0_i32 : i32, i32
  }
}

module attributes {stable_mosaic.version = 14 : i64} {
  func.func @_final_add_body(%arg0: i32, %arg1: memref<1000x128xf32, #tpu.memory_space<vmem>>, %arg2: memref<1000x128xf32, #tpu.memory_space<vmem>>, %arg3: memref<1000x128xf32, #tpu.memory_space<vmem>>) attributes {dimension_semantics = [#tpu.dimension_semantics<arbitrary>], iteration_bounds = array<i64: 10>, scalar_prefetch = 0 : i64, scratch_operands = 0 : i64, tpu.core_type = #tpu.core_type<tc>, window_params = [{transform_indices = @transform_0, window_bounds = array<i64: 1000, 128>}, {transform_indices = @transform_1, window_bounds = array<i64: 1000, 128>}, {transform_indices = @transform_2, window_bounds = array<i64: 1000, 128>}]} {
    %get3A = arith.constant 0 : index
    %get3A_0 = arith.constant 0 : index
    %get3A_1 = vector.load %arg1[%get3A, %get3A_0] : memref<1000x128xf32, #tpu.memory_space<vmem>>, vector<1000x128xf32>
    %get3A_2 = arith.constant 0 : index
    %get3A_3 = arith.constant 0 : index
    %get3A_4 = vector.load %arg2[%get3A_2, %get3A_3] : memref<1000x128xf32, #tpu.memory_space<vmem>>, vector<1000x128xf32>
    %add3A = arith.addf %get3A_1, %get3A_4 : vector<1000x128xf32>
    %swap3A = arith.constant 0 : index
    %swap3A_5 = arith.constant 0 : index
    %swap3A_6 = vector.load %arg3[%swap3A, %swap3A_5] : memref<1000x128xf32, #tpu.memory_space<vmem>>, vector<1000x128xf32>
    tpu.vector_store %arg3[%swap3A, %swap3A_5], %add3A {strides = array<i32>} : memref<1000x128xf32, #tpu.memory_space<vmem>>, vector<1000x128xf32>,
    return
  }
  func.func @transform_0(%arg0: i32) -> (i32, i32) {
    %c0_i32 = arith.constant 0 : i32
    %c0_i32_0 = arith.constant 0 : i32
    return %arg0, %c0_i32 : i32, i32
  }
  func.func @transform_1(%arg0: i32) -> (i32, i32) {
    %c0_i32 = arith.constant 0 : i32
    %c0_i32_0 = arith.constant 0 : i32
    return %arg0, %c0_i32 : i32, i32
  }
  func.func @transform_2(%arg0: i32) -> (i32, i32) {
    %c0_i32 = arith.constant 0 : i32
    %c0_i32_0 = arith.constant 0 : i32
    return %arg0, %c0_i32 : i32, i32
  }
}

</mosaic_0001>

<sc_bundles>
// kernel: kernel.6.cloned.1.call-start
scs
__scs_entry_jumppad:
0x0: {  	(pc) =	sbr.rel $0x88, $3  }
0x1: {  	(tag) =	ssettag $0x0;
	lr =	simm.s32 $0x1  }
0x2: {  	[smem:$0x3F9A] =	sst lr;
	_ =	strace $0xD0000000  }
0x3: {  	_ = 	snop  }
0x4: {  	_ = 	snop  }
0x5: {  	_ = 	snop  }
0x6: {  	_ = 	snop  }
0x7: {  	_ = 	snop  }
__scs_overlays_trampoline_lowered:
0x8: {  	[smem:$0x3FA9] =	sst s0  }
0x9: {  	[smem:$0x3FAA] =	sst s1  }
0xa: {  	[smem:$0x3FAB] =	sst s2  }
0xb: {  	[smem:$0x3FAC] =	sst s3  }
0xc: {  	[smem:$0x3FAD] =	sst s4  }
0xd: {  	[smem:$0x3FAE] =	sst s5  }
0xe: {  	[smem:$0x3FAF] =	sst s6  }
0xf: {  	[smem:$0x3FB0] =	sst s7  }
0x10: {  	[smem:$0x3FB1] =	sst s8  }
0x11: {  	[smem:$0x3FB2] =	sst s9;
	s0 =	simm.s32 @!p0 $0x0  }
0x12: {  	s1 =	sld [smem:$0x3F98];
	s0 =	simm.s32 @p0 $0x1  }
0x13: {  	[smem:$0x3FB3] =	sst s0;
	s0 =	simm.s32 @!p1 $0x0  }
0x14: {  	s2 =	sld [smem:$0x3F97];
	s0 =	simm.s32 @p1 $0x1  }
0x15: {  	[smem:$0x3FB4] =	sst s0;
	s0 =	simm.s32 @!p2 $0x0  }
0x16: {  	s3 =	sld [smem:$0x3FDB];
	s0 =	simm.s32 @p2 $0x1  }
0x17: {  	s4 =	simm.s32 $0x1BF5;
	[smem:$0x3FB6] =	sst s0  }
0x18: {  	s0 =	sld [smem:$0x3F99];
	_ =	swait.ge [sflag:s4], $0x0  }
0x19: {  	s7 =	sld [smem:$0x3F9A]  }
0x1a: {  	s8 =	sadd.s32 $0xFFFFE003, lr  }
0x1b: {  	s9 =	sadd.s32 $0xFFFFFEF7, lr;
	s5 =	simm.s32 $0xFFFFFFFF;
	p2 =	slt.u32 s8, $0xFFFFF086  }
0x1c: {  	p1 =	slt.u32 s9, $0xF7A;
	s5 =	simm.s32 @!p2 $0x0  }
0x1d: {  	s5 =	simm.s32 @p1 $0x1;
	p0 =	seq.s32 s7, s2  }
0x1e: {  	s7 =	smul.u32 @!p0 $0xF7A, s2;
	p2 =	seq.s32 @!p0 s5, $0x0  }
0x1f: {  	s9 =	smul.u32 $0xF7A, s1;
	s8 =	simm.s32 @!p0 $0x1BF5;
	p2 =	por !p2, p0  }
0x20: {  	[sflag:s8] =	ssyncset.s32 @!p0 $0xFFFFF086;
	s6 =	sadd.s32 @!p0 s3, s7;
	s7 =	simm.s32 @!p0 $0x108  }
0x21: {  	s3 =	sadd.s32 s3, s9;
	s6 =	sadd.s32 @!p0 $0x88, s6;
	s7 =	simm.s32 @p2 $0x1082  }
0x22: {  	[simem:s7], [sflag:s8] =	dma.local @!p0 [hbm:s6], $0xF7A  }
0x23: {  	s9 =	sor.u32 $0xD0000000, s2;
	s6 =	simm.s32 $0x108;
	_ =	swait.ge @!p0 [sflag:s8], $0x0  }
0x24: {  	s3 =	sadd.s32 $0x88, s3;
	s6 =	simm.s32 @!p1 $0x1082;
	[sflag:s4] =	ssyncset.s32 $0xFFFFF086  }
0x25: {  	[simem:s6], [sflag:s4] =	dma.local [hbm:s3], $0xF7A  }
0x26: {  	[smem:$0x3F9A] =	sst s1;
	(tag) =	ssettag s2;
	_ =	strace s9  }
0x27: {  	s1 =	sld [smem:$0x3FAA]  }
0x28: {  	s2 =	sld [smem:$0x3FAB]  }
0x29: {  	s4 =	sld [smem:$0x3FAD]  }
0x2a: {  	p0 =	seq.s32 s5, $0x0;
	s5 =	sld [smem:$0x3FAE]  }
0x2b: {  	s6 =	sld [smem:$0x3FAF]  }
0x2c: {  	s7 =	sld [smem:$0x3FB0]  }
0x2d: {  	s3 =	simm.s32 $0x108;
	s8 =	sld [smem:$0x3FB1]  }
0x2e: {  	s3 =	simm.s32 @!p0 $0x1082;
	s9 =	sld [smem:$0x3FB2]  }
0x2f: {  	lr =	sadd.s32 s0, s3;
	s0 =	sld [smem:$0x3FA9]  }
0x30: {  	s3 =	sld [smem:$0x3FAC]  }
0x31: {  	[smem:$0x3FB5] =	sst s10  }
0x32: {  	s10 =	sld [smem:$0x3FB3];
	_ =	sdelay $0x3  }
0x33: {  	p0 =	seq.s32 s10, $0x1;
	s10 =	sld [smem:$0x3FB5];
	_ =	sdelay $0x3  }
0x34: {  	[smem:$0x3FB5] =	sst s10  }
0x35: {  	s10 =	sld [smem:$0x3FB4];
	_ =	sdelay $0x3  }
0x36: {  	p1 =	seq.s32 s10, $0x1;
	s10 =	sld [smem:$0x3FB5];
	_ =	sdelay $0x3  }
0x37: {  	[smem:$0x3FB5] =	sst s10  }
0x38: {  	s10 =	sld [smem:$0x3FB6]  }
0x39: {  	_ = 	snop;
	(pc) =	sbr.ind lr, $3  }
0x3a: {  	_ = 	snop  }
0x3b: {  	_ = 	snop  }
0x3c: {  	p2 =	seq.s32 s10, $0x1;
	s10 =	sld [smem:$0x3FB5]  }
0x3d: {  	_ =	shalt  }
0x3e: {  	_ =	shalt  }
0x3f: {  	_ =	shalt  }
0x40: {  	_ =	shalt  }
0x41: {  	_ =	shalt  }
0x42: {  	_ =	shalt  }
0x43: {  	_ =	shalt  }
0x44: {  	_ =	shalt  }
0x45: {  	_ =	shalt  }
0x46: {  	_ =	shalt  }
0x47: {  	_ =	shalt  }
0x48: {  	_ =	shalt  }
0x49: {  	_ =	shalt  }
0x4a: {  	_ =	shalt  }
0x4b: {  	_ =	shalt  }
0x4c: {  	_ =	shalt  }
0x4d: {  	_ =	shalt  }
0x4e: {  	_ =	shalt  }
0x4f: {  	_ =	shalt  }
0x50: {  	_ =	shalt  }
0x51: {  	_ =	shalt  }
0x52: {  	_ =	shalt  }
0x53: {  	_ =	shalt  }
0x54: {  	_ =	shalt  }
0x55: {  	_ =	shalt  }
0x56: {  	_ =	shalt  }
0x57: {  	_ =	shalt  }
0x58: {  	_ =	shalt  }
0x59: {  	_ =	shalt  }
0x5a: {  	_ =	shalt  }
0x5b: {  	_ =	shalt  }
0x5c: {  	_ =	shalt  }
0x5d: {  	_ =	shalt  }
0x5e: {  	_ =	shalt  }
0x5f: {  	_ =	shalt  }
0x60: {  	_ =	shalt  }
0x61: {  	_ =	shalt  }
0x62: {  	_ =	shalt  }
0x63: {  	_ =	shalt  }
0x64: {  	_ =	shalt  }
0x65: {  	_ =	shalt  }
0x66: {  	_ =	shalt  }
0x67: {  	_ =	shalt  }
0x68: {  	_ =	shalt  }
0x69: {  	_ =	shalt  }
0x6a: {  	_ =	shalt  }
0x6b: {  	_ =	shalt  }
0x6c: {  	_ =	shalt  }
0x6d: {  	_ =	shalt  }
0x6e: {  	_ =	shalt  }
0x6f: {  	_ =	shalt  }
0x70: {  	_ =	shalt  }
0x71: {  	_ =	shalt  }
0x72: {  	_ =	shalt  }
0x73: {  	_ =	shalt  }
0x74: {  	_ =	shalt  }
0x75: {  	_ =	shalt  }
0x76: {  	_ =	shalt  }
0x77: {  	_ =	shalt  }
0x78: {  	_ =	shalt  }
0x79: {  	_ =	shalt  }
0x7a: {  	_ =	shalt  }
0x7b: {  	_ =	shalt  }
0x7c: {  	_ =	shalt  }
0x7d: {  	_ =	shalt  }
0x7e: {  	_ =	shalt  }
0x7f: {  	_ =	shalt  }
0x80: {  	_ =	shalt  }
0x81: {  	_ =	shalt  }
0x82: {  	_ =	shalt  }
0x83: {  	_ =	shalt  }
0x84: {  	_ =	shalt  }
0x85: {  	_ =	shalt  }
0x86: {  	_ =	shalt  }
0x87: {  	_ =	shalt  }
.Lfunc_end0:
.L_simem_size_0:
called_computation_lowered:
.L_overlay_start_0:
0x88: {  	s2 =	sld [smem:$0x3FD9]  }
0x89: {  	s3 =	sld [smem:$0x3FFE];
	_ =	sdelay $0x1  }
0x8a: {  	s1 =	srdreg.scid  }
0x8b: {  	s0 =	sand.u32 $0x1, s1  }
0x8c: {  	s17 =	sshll.u32 s0, $0xA;
	s2 =	sadd.s32 s3, s2  }
0x8d: {  	s2 =	sadd.s32 s2, s17  }
0x8e: {  	[smem:$0x3FC1] =	sst s2  }
0x8f: {  	_ = 	snop  }
0x90: {  	s2 =	sld [smem:$0x3FD0];
	(tm) =	ssettm $0x1  }
0x91: {  	s18 =	sld [smem:$0x3FFB];
	_ =	sdelay $0x3  }
0x92: {  	_ =	strace s18  }
0x93: {  	s3 =	sld [smem:$0x3FFC];
	_ =	sdelay $0x3  }
0x94: {  	_ =	strace s3  }
0x95: {  	s3 =	sld [smem:$0x3FFD];
	_ =	sdelay $0x3  }
0x96: {  	_ =	strace s3  }
0x97: {  	_ =	strace $0x8FFFFFFF  }
0x98: {  	s19 =	sld [smem:$0x3FDB];
	_ =	sdelay $0x1  }
0x99: {  	s4 =	simm.s32 $_scs_section_size  }
0x9a: {  	s5 =	simm.s32 $_size__tile_overlayer_lowered;
	s6 =	simm.s32 $_tile_overlayer_lowered  }
0x9b: {  	s22 =	simm.s32 $0x1BFF;
	s21 =	sshll.u32 s6, $0x1;
	s3 =	sadd.s32 s4, s19  }
0x9c: {  	s7 =	simm.s32 $0x0;
	s20 =	sshll.u32 s5, $0x1;
	s5 =	sadd.s32 s21, s3  }
0x9d: {  	[timem:s7], [sflag:s22] =	dma.local [hbm:s5], s20  }
0x9e: {  	_ =	swait.ge [sflag:s22], s20  }
0x9f: {  	s4 =	ssub.s32 $0x0, s20;
	[sflag:s22] =	ssyncset.done $0x0  }
0xa0: {  	[sflag:s22] =	ssyncadd.s32 s4;
	_ =	sdelay $0x1  }
0xa1: {  	s23 =	simm.s32 $0x1B8B  }
0xa2: {  	_ =	swait.ge [sflag:s23], $0x1  }
0xa3: {  	[sflag:s23] =	ssyncset.done $0x0  }
0xa4: {  	s25 =	simm.s32 $0x1B8E;
	s24 =	sld [smem:$0x3FFE];
	[sflag:s23] =	ssyncadd.s32 $0xFFFFFFFF  }
0xa5: {  	s26 =	simm.s32 $execute0_lowered;
	[smem:$0x3FD2] =	sst s25  }
0xa6: {  	s5 =	sshll.u32 s26, $0x1;
	_ =	strace $0x80000046;
	[dreg:$0x1] =	wrdreg $0xFFFFFFFF  }
0xa7: {  	s28 =	simm.s32 $_size_execute0_lowered;
	s3 =	sadd.s32 s3, s5;
	[dreg:$0x0] =	wrdreg $0x0  }
0xa8: {  	s5 =	sshll.u32 s28, $0x1;
	[dreg:$0x2] =	wrdreg s3  }
0xa9: {  	[dreg:$0x3] =	wrdreg s5  }
0xaa: {  	[dreg:$0x4] =	wrdreg $0xC0  }
0xab: {  	_ =	task [dreg:s7], $0x5FFFF  }
0xac: {  	[dreg:$0x1] =	wrdreg $0xFFFFFFFF  }
0xad: {  	[dreg:$0x0] =	wrdreg $0x60  }
0xae: {  	[dreg:$0x2] =	wrdreg s2  }
0xaf: {  	[dreg:$0x3] =	wrdreg s24  }
0xb0: {  	[dreg:$0x4] =	wrdreg $0x12C000  }
0xb1: {  	[dreg:$0x5] =	wrdreg $0x9  }
0xb2: {  	_ =	task.clear_ibuf [dreg:s7], $0x6FFFF;
	_ =	strace $0x90000046  }
0xb3: {  	s29 =	simm.s32 $0x9;
	_ =	strace $0x80000048  }
0xb4: {  	_ =	swait.ge [sflag:s29], $0x1  }
0xb5: {  	[sflag:s29] =	ssyncadd.s32 $0xFFFFFFFF  }
0xb6: {  	_ =	strace $0x90000048  }
0xb7: {  	_ =	sfence  }
0xb8: {  	s30 =	sld [smem:$0x0];
	_ =	sdelay $0x2  }
0xb9: {  	s31 =	sshll.u32 s1, $0xD;
	s1 =	sshrl.u32 s1, $0x2  }
0xba: {  	s3 =	sand.u32 $0x4000, s31;
	s1 =	sadd.s32 s1, s30  }
0xbb: {  	s0 =	sor.u32 s3, s0;
	s1 =	sshll.u32 s1, $0x11  }
0xbc: {  	s0 =	sor.u32 s1, s0  }
0xbd: {  	s0 =	sadd.s32 $0x8F2B, s0  }
0xbe: {  	[sflag:s0] =	ssyncadd.remote.s32 $0x1  }
0xbf: {  	_ =	sfence.sel $0xFFFF  }
0xc0: {  	[dreg:$0x0] =	wrdreg $0xFFFFFFFF;
	(pc) =	sbr.abs _section_cstart, $3  }
0xc1: {  	[dreg:$0x1] =	wrdreg $0xFFFFFFFF  }
0xc2: {  	_ =	task.clear_ibuf [dreg:s7], $0x2FFFF;
	_ =	strace $0x9FFFFFFF  }
0xc3: {  	(tm) =	ssettm $0x7FFFFFFF  }
tec
execute0_lowered:
.L_overlay_start_1:
0x0: {  	(tag) =	ssettag $0x1  }
0x1: {  	s1 =	rddreg [dreg:$0x0]  }
0x2: {  	s0 =	rddreg [dreg:$0x1]  }
0x3: {  	s2 =	rddreg [dreg:$0x2];
	s3 =	srdreg.scid  }
0x4: {  	s5 =	simm.s32 $0x0;
	s4 =	simm.s32 $0x0;
	s10 =	stileid.u32  }
0x5: {  	s29 =	simm.s32 $0x80;
	s30 =	simm.s32 $0xC00;
	s7 =	smul.u32 $0x28000, s10  }
0x6: {  	s3 =	sand.u32 $0x1, s3;
	[dreg:$0x4] =	wrdreg s4;
	s26 =	smul.u32 $0x140, s10  }
0x7: {  	s31 =	simm.s32 $0x4C00;
	[smem:$0x7FF] =	sst s5;
	s24 =	smul.u32 $0xA000, s3  }
0x8: {  	s5 =	sadd.s32 $0xA00, s0;
	s6 =	smul.u32 $0x14000, s3;
	s3 =	ssub.s32 $0x2, s3  }
0x9: {  	s28 =	smul.u32 $0x1400, s10;
	_ =	strace $0x80000047;
	s8 =	sshrl.u32 s3, $0x1  }
0xa: {  	s25 =	sshrl.u32 s7, $0x2;
	s7 =	smul.u32 $0x14, s10;
	s18 =	sadd.s32 $0x40, s26  }
0xb: {  	s21 =	sadd.s32 $0x80, s26;
	s13 =	sadd.s32 $0xC0, s26;
	s4 =	sadd.s32 s24, s0  }
0xc: {  	s0 =	sadd.s32 s6, s0;
	s3 =	ssub.s32 s3, s8;
	s11 =	sadd.s32 s25, s2  }
0xd: {  	s20 =	sshll.u32 s18, $0x7;
	s12 =	sshll.u32 s21, $0x7;
	s14 =	sshll.u32 s13, $0x7  }
0xe: {  	s13 =	sshll.u32 s13, $0x4;
	s8 =	sadd.s32 $0xAA00, s4;
	s9 =	sadd.s32 $0x1EA00, s4  }
0xf: {  	s0 =	sadd.s32 $0x32A00, s0;
	s3 =	smax.u32 s3, $0x1;
	s15 =	sadd.s32 $0x2000, s11  }
0x10: {  	s16 =	sadd.s32 $0x4000, s11;
	s17 =	sadd.s32 $0x6000, s11;
	[dreg:$0x5] =	wrdreg s11  }
0x11: {  	s19 =	sadd.s32 $0x8000, s11;
	s10 =	sadd.s32 s20, s2;
	[dreg:$0x6] =	wrdreg s3  }
0x12: {  	s12 =	sadd.s32 s12, s2;
	s4 =	sadd.s32 $0x100, s26;
	[dreg:$0x7] =	wrdreg s15  }
0x13: {  	s11 =	sshll.u32 s21, $0x4;
	s14 =	sadd.s32 s14, s2;
	[dreg:$0x8] =	wrdreg s16  }
0x14: {  	s21 =	simm.s32 $0x2;
	s20 =	simm.s32 $0x380;
	[dreg:$0x9] =	wrdreg s17  }
0x15: {  	[dreg:$0xa] =	wrdreg s19;
	s3 =	sshll.u32 s18, $0x4;
	s15 =	sshll.u32 s4, $0x7  }
0x16: {  	s4 =	sshll.u32 s4, $0x4;
	s6 =	sadd.s32 s28, s0;
	s22 =	sadd.s32 s11, s0  }
0x17: {  	s23 =	sadd.s32 s13, s0;
	s24 =	sshrl.u32 s10, $0x3;
	s25 =	sshrl.u32 s12, $0x3  }
0x18: {  	s26 =	sshrl.u32 s14, $0x3;
	s11 =	simm.s32 $0xCC00;
	[dreg:$0xb] =	wrdreg s6  }
0x19: {  	s12 =	simm.s32 $0x1;
	s14 =	simm.s32 $0x500;
	[dreg:$0xd] =	wrdreg s22  }
0x1a: {  	s16 =	simm.s32 $0x580;
	s17 =	simm.s32 $0x200;
	[dreg:$0xe] =	wrdreg s23  }
0x1b: {  	v0 =	vimm.f32 $0.0e+00;
	v1 =	vimm.s32 $0x0;
	s18 =	simm.s32 $0x280;
	s19 =	simm.s32 $0x300;
	[dreg:$0x10] =	wrdreg s24  }
0x1c: {  	v2 =	vimm.s32 $0x1;
	v3 =	vimm.s32 $0x2;
	v4 =	vimm.s32 $0x3;
	s15 =	sadd.s32 s15, s2;
	s3 =	sadd.s32 s3, s0;
	[dreg:$0x11] =	wrdreg s25  }
0x1d: {  	v5 =	vimm.s32 $0x4;
	v6 =	vimm.s32 $0x5;
	v7 =	vimm.s32 $0x6;
	s0 =	sadd.s32 s4, s0;
	[dreg:$0x12] =	wrdreg s26;
	s26 =	simm.s32 $0x400  }
0x1e: {  	v8 =	vimm.s32 $0x7;
	v9 =	vimm.s32 $0x8;
	v10 =	vimm.s32 $0x9;
	s4 =	simm.s32 $0x8C00;
	s22 =	simm.s32 $0x600;
	[dreg:$0xc] =	wrdreg s3  }
0x1f: {  	v11 =	vimm.s32 $0xA;
	v12 =	vimm.s32 $0xB;
	v13 =	vimm.s32 $0xC;
	s23 =	simm.s32 $0x680;
	[dreg:$0xf] =	wrdreg s0;
	s28 =	sshrl.u32 s15, $0x3  }
0x20: {  	v14 =	vimm.s32 $0xD;
	v15 =	vimm.s32 $0xE;
	v16 =	vimm.s32 $0xF;
	s24 =	simm.s32 $0x700;
	s25 =	simm.s32 $0x780;
	[dreg:$0x13] =	wrdreg s28  }
.LBB2_1:
0x21: {  	s0 =	simm.s32 $0x0;
	s3 =	simm.s32 $0x200  }
.LBB2_2:
0x22: {  	p0 =	sne.s32 s3, $0x7E00;
	[tilespmem:s0+$0x10C70] =	vst v0  }
0x23: {  	[tilespmem:s0+$0x10C00] =	vst v0  }
0x24: {  	[tilespmem:s0+$0x10C10] =	vst v0  }
.Ltmp0:
0x25: {  	[tilespmem:s0+$0x10C20] =	vst v0;
	(pc) =	sbr.rel @p0 .LBB2_2-.Ltmp0, $4  }
0x26: {  	[tilespmem:s0+$0x10C30] =	vst v0  }
0x27: {  	[tilespmem:s0+$0x10C40] =	vst v0  }
0x28: {  	[tilespmem:s0+$0x10C50] =	vst v0  }
0x29: {  	[tilespmem:s0+$0x10C60] =	vst v0;
	s0 =	sshra.s32 s3, $0x2;
	s3 =	sadd.s32 $0x200, s3  }
0x2a: {  	[tilespmem:s0+$0x10C70] =	vst v0  }
0x2b: {  	[tilespmem:s0+$0x10C00] =	vst v0  }
0x2c: {  	[tilespmem:s0+$0x10C10] =	vst v0  }
0x2d: {  	[tilespmem:s0+$0x10C20] =	vst v0  }
0x2e: {  	[tilespmem:s0+$0x10C30] =	vst v0  }
0x2f: {  	[tilespmem:s0+$0x10C40] =	vst v0  }
0x30: {  	[tilespmem:s0+$0x10C50] =	vst v0  }
0x31: {  	[tilespmem:s0+$0x10C60] =	vst v0;
	s6 =	rddreg [dreg:$0x5];
	s3 =	simm.s32 $0x10C00  }
0x32: {  	[spmem:s6] =	stream.linear.scatter [tilespmem:s3], [sflag:$0x2], $0x2000, $0x38;
	[tilespmem:$0x1CC00] =	vst v63  }
0x33: {  	_ =	swait.ge [sflag:s21], $0x2000  }
0x34: {  	[sflag:s21] =	ssyncset.done $0x0  }
0x35: {  	s10 =	rddreg [dreg:$0x7];
	[sflag:s21] =	ssyncadd.s32 $0xFFFFE000  }
0x36: {  	[spmem:s10] =	stream.linear.scatter [tilespmem:s3], [sflag:$0x2], $0x2000, $0x38;
	[tilespmem:$0x1CC00] =	vst v63  }
0x37: {  	_ =	swait.ge [sflag:s21], $0x2000  }
0x38: {  	[sflag:s21] =	ssyncset.done $0x0  }
0x39: {  	s13 =	rddreg [dreg:$0x8];
	[sflag:s21] =	ssyncadd.s32 $0xFFFFE000  }
0x3a: {  	[spmem:s13] =	stream.linear.scatter [tilespmem:s3], [sflag:$0x2], $0x2000, $0x38;
	[tilespmem:$0x1CC00] =	vst v63  }
0x3b: {  	_ =	swait.ge [sflag:s21], $0x2000  }
0x3c: {  	[sflag:s21] =	ssyncset.done $0x0  }
0x3d: {  	s15 =	rddreg [dreg:$0x9];
	[sflag:s21] =	ssyncadd.s32 $0xFFFFE000  }
0x3e: {  	[spmem:s15] =	stream.linear.scatter [tilespmem:s3], [sflag:$0x2], $0x2000, $0x38;
	[tilespmem:$0x1CC00] =	vst v63  }
0x3f: {  	_ =	swait.ge [sflag:s21], $0x2000  }
0x40: {  	[sflag:s21] =	ssyncset.done $0x0  }
0x41: {  	s28 =	rddreg [dreg:$0xa];
	[sflag:s21] =	ssyncadd.s32 $0xFFFFE000  }
0x42: {  	[spmem:s28] =	stream.linear.scatter [tilespmem:s3], [sflag:$0x2], $0x2000, $0x38;
	[tilespmem:$0x1CC00] =	vst v63  }
0x43: {  	_ =	swait.ge [sflag:s21], $0x2000  }
0x44: {  	[sflag:s21] =	ssyncset.done $0x0  }
0x45: {  	[sflag:s21] =	ssyncadd.s32 $0xFFFFE000  }
0x46: {  	s6 =	simm.s32 $0x0;
	s15 =	simm.s32 $0x0;
	[bflag:$0x0] =	sbarrier.arrive $0xFFFF  }
.LBB2_4:
0x47: {  	s0 =	sadd.s32 s7, s15  }
0x48: {  	s0 =	sshll.u32 s0, $0x7  }
0x49: {  	s3 =	sadd.s32 s5, s0  }
0x4a: {  	[tilespmem:s6], [sflag:$0x2] =	stream.linear.gather [hbm4b:s3+s6], $0x400, $0x38;
	[tilespmem:$0x1CC00] =	vst v63  }
0x4b: {  	_ =	swait.ge [sflag:s21], $0x400  }
0x4c: {  	[sflag:s21] =	ssyncset.done $0x0  }
0x4d: {  	s28 =	sadd.s32 s0, s8;
	[sflag:s21] =	ssyncadd.s32 $0xFFFFFC00  }
0x4e: {  	[tilespmem:s26], [sflag:$0x2] =	stream.linear.gather [hbm4b:s28+s6], $0x400, $0x38;
	[tilespmem:$0x1CC00] =	vst v63  }
0x4f: {  	_ =	swait.ge [sflag:s21], $0x400  }
0x50: {  	[sflag:s21] =	ssyncset.done $0x0  }
0x51: {  	s10 =	simm.s32 $0x800;
	s0 =	sadd.s32 s0, s9;
	[sflag:s21] =	ssyncadd.s32 $0xFFFFFC00  }
0x52: {  	[tilespmem:s10], [sflag:$0x2] =	stream.linear.gather [hbm4b:s0+s6], $0x400, $0x38;
	[tilespmem:$0x1CC00] =	vst v63  }
0x53: {  	_ =	swait.ge [sflag:s21], $0x400  }
0x54: {  	[sflag:s21] =	ssyncset.done $0x0  }
0x55: {  	[sflag:s21] =	ssyncadd.s32 $0xFFFFFC00  }
0x56: {  	[tilespmem:s30], [sflag:$0x1] =	stream.indirect.gather [hbm4b:s1+s29], $0x80, s6, s29, $0xb8;
	[tilespmem:$0x1CC00] =	vst v63  }
0x57: {  	_ = 	snop  }
0x58: {  	[tilespmem:s31], [sflag:$0x1] =	stream.indirect.gather [hbm4b:s1+s29], $0x80, s29, s29, $0xb8;
	[tilespmem:$0x1CC00] =	vst v63  }
0x59: {  	s13 =	simm.s32 $0x100  }
0x5a: {  	[tilespmem:s4], [sflag:$0x1] =	stream.indirect.gather [hbm4b:s1+s29], $0x80, s13, s29, $0xb8;
	[tilespmem:$0x1CC00] =	vst v63  }
0x5b: {  	s28 =	simm.s32 $0x180  }
0x5c: {  	[tilespmem:s11], [sflag:$0x1] =	stream.indirect.gather [hbm4b:s1+s29], $0x80, s28, s29, $0xb8;
	[tilespmem:$0x1CC00] =	vst v63  }
0x5d: {  	_ =	swait.ge [sflag:s12], $0x4000  }
0x5e: {  	[sflag:s12] =	ssyncset.done $0x0  }
0x5f: {  	[sflag:s12] =	ssyncadd.s32 $0xFFFFC000  }
0x60: {  	_ =	swait.ge [sflag:s12], $0x4000  }
0x61: {  	[sflag:s12] =	ssyncset.done $0x0  }
0x62: {  	[sflag:s12] =	ssyncadd.s32 $0xFFFFC000  }
0x63: {  	_ =	swait.ge [sflag:s12], $0x4000  }
0x64: {  	[sflag:s12] =	ssyncset.done $0x0  }
0x65: {  	[sflag:s12] =	ssyncadd.s32 $0xFFFFC000  }
0x66: {  	_ =	swait.ge [sflag:s12], $0x4000  }
0x67: {  	[sflag:s12] =	ssyncset.done $0x0  }
0x68: {  	s3 =	simm.s32 $0x0;
	[sflag:s12] =	ssyncadd.s32 $0xFFFFC000  }
.LBB2_5:
0x69: {  	s28 =	sshll.u32 s3, $0x7  }
0x6a: {  	s0 =	sadd.s32 $0x800, s28  }
0x6b: {  	v17 =	vmov s0;
	_ =	sdelay $0x3  }
0x6c: {  	s10 =	simm.s32 $0x0;
	s13 =	sadd.s32 $0x0, s28  }
0x6d: {  	s0 =	sshll.u32 s13, $0x7;
	v20 =	vld.idx.msk [tilespmem:v17+s10+$0x0 ss:$0x1], $0xffff  }
0x6e: {  	s0 =	sand.u32 $0x3FFFFF80, s0  }
0x6f: {  	v22 =	vld [tilespmem:s0+$0xC20]  }
0x70: {  	v24 =	vld [tilespmem:s0+$0xC30]  }
0x71: {  	v25 =	vld [tilespmem:s0+$0xC40]  }
0x72: {  	v21 =	vld [tilespmem:s0+$0xC00];
	v18 =	vperm.xlane v20, v1  }
0x73: {  	v26 =	vld [tilespmem:s0+$0xC60]  }
0x74: {  	v23 =	vld [tilespmem:s0+$0xC10];
	v22 =	vmul.f32 v22, v18  }
0x75: {  	v27 =	vld [tilespmem:s0+$0xC70];
	v24 =	vmul.f32 v24, v18  }
0x76: {  	v36 =	vld [tilespmem:s0+$0xD40];
	v56 =	vmul.f32 v25, v18;
	[tilespmem:s0+$0xC20] =	vst v22  }
0x77: {  	v28 =	vld [tilespmem:s0+$0xC80];
	v21 =	vmul.f32 v21, v18;
	[tilespmem:s0+$0xC30] =	vst v24  }
0x78: {  	v29 =	vld [tilespmem:s0+$0xC90];
	v59 =	vmul.f32 v26, v18;
	[tilespmem:s0+$0xC40] =	vst v56  }
0x79: {  	v57 =	vld [tilespmem:s0+$0xCA0];
	v30 =	vperm.xlane v20, v3;
	v23 =	vmul.f32 v23, v18;
	[tilespmem:s0+$0xC00] =	vst v21  }
0x7a: {  	v58 =	vld [tilespmem:s0+$0xCB0];
	v27 =	vmul.f32 v27, v18;
	v21 =	vperm.xlane v20, v2;
	[tilespmem:s0+$0xC60] =	vst v59  }
0x7b: {  	v60 =	vld [tilespmem:s0+$0xCC0];
	[tilespmem:s0+$0xC10] =	vst v23;
	v23 =	vmul.f32 v36, v30  }
0x7c: {  	v61 =	vld [tilespmem:s0+$0xCE0];
	[tilespmem:s0+$0xC70] =	vst v27;
	v28 =	vmul.f32 v28, v21  }
0x7d: {  	v43 =	vld [tilespmem:s0+$0xDB0];
	v29 =	vmul.f32 v29, v21;
	[tilespmem:s0+$0xD40] =	vst v23  }
0x7e: {  	v62 =	vld [tilespmem:s0+$0xCF0];
	v24 =	vmul.f32 v57, v21;
	[tilespmem:s0+$0xC80] =	vst v28  }
0x7f: {  	v63 =	vld [tilespmem:s0+$0xD00];
	v25 =	vmul.f32 v58, v21;
	[tilespmem:s0+$0xC90] =	vst v29  }
0x80: {  	v33 =	vld [tilespmem:s0+$0xD10];
	v45 =	vperm.xlane v20, v4;
	v26 =	vmul.f32 v60, v21;
	[tilespmem:s0+$0xCA0] =	vst v24  }
0x81: {  	v34 =	vld [tilespmem:s0+$0xD20];
	v27 =	vmul.f32 v61, v21;
	[tilespmem:s0+$0xCB0] =	vst v25  }
0x82: {  	v35 =	vld [tilespmem:s0+$0xD30];
	v23 =	vmul.f32 v43, v45;
	[tilespmem:s0+$0xCC0] =	vst v26  }
0x83: {  	v37 =	vld [tilespmem:s0+$0xD50];
	v28 =	vmul.f32 v62, v21;
	[tilespmem:s0+$0xCE0] =	vst v27  }
0x84: {  	v51 =	vld [tilespmem:s0+$0xE20];
	v29 =	vmul.f32 v63, v30;
	[tilespmem:s0+$0xDB0] =	vst v23  }
0x85: {  	v38 =	vld [tilespmem:s0+$0xD60];
	v24 =	vmul.f32 v33, v30;
	[tilespmem:s0+$0xCF0] =	vst v28  }
0x86: {  	v39 =	vld [tilespmem:s0+$0xD70];
	v25 =	vmul.f32 v34, v30;
	[tilespmem:s0+$0xD00] =	vst v29  }
0x87: {  	v40 =	vld [tilespmem:s0+$0xD80];
	v54 =	vperm.xlane v20, v5;
	v26 =	vmul.f32 v35, v30;
	[tilespmem:s0+$0xD10] =	vst v24  }
0x88: {  	v41 =	vld [tilespmem:s0+$0xD90];
	v27 =	vmul.f32 v37, v30;
	[tilespmem:s0+$0xD20] =	vst v25  }
0x89: {  	v42 =	vld [tilespmem:s0+$0xDA0];
	v23 =	vmul.f32 v51, v54;
	[tilespmem:s0+$0xD30] =	vst v26  }
0x8a: {  	v44 =	vld [tilespmem:s0+$0xDC0];
	v28 =	vmul.f32 v38, v30;
	[tilespmem:s0+$0xD50] =	vst v27  }
0x8b: {  	v59 =	vld [tilespmem:s0+$0xE90];
	v29 =	vmul.f32 v39, v30;
	[tilespmem:s0+$0xE20] =	vst v23  }
0x8c: {  	v46 =	vld [tilespmem:s0+$0xDD0];
	v24 =	vmul.f32 v40, v45;
	[tilespmem:s0+$0xD60] =	vst v28  }
0x8d: {  	v47 =	vld [tilespmem:s0+$0xDE0];
	v25 =	vmul.f32 v41, v45;
	[tilespmem:s0+$0xD70] =	vst v29  }
0x8e: {  	v48 =	vld [tilespmem:s0+$0xDF0];
	v63 =	vperm.xlane v20, v6;
	v26 =	vmul.f32 v42, v45;
	[tilespmem:s0+$0xD80] =	vst v24  }
0x8f: {  	v49 =	vld [tilespmem:s0+$0xE00];
	v27 =	vmul.f32 v44, v45;
	[tilespmem:s0+$0xD90] =	vst v25  }
0x90: {  	v50 =	vld [tilespmem:s0+$0xE10];
	v23 =	vmul.f32 v59, v63;
	[tilespmem:s0+$0xDA0] =	vst v26  }
0x91: {  	v52 =	vld [tilespmem:s0+$0xE30];
	v28 =	vmul.f32 v46, v45;
	[tilespmem:s0+$0xDC0] =	vst v27  }
0x92: {  	v36 =	vld [tilespmem:s0+$0xF00];
	v29 =	vmul.f32 v47, v45;
	[tilespmem:s0+$0xE90] =	vst v23  }
0x93: {  	v53 =	vld [tilespmem:s0+$0xE40];
	v24 =	vmul.f32 v48, v45;
	[tilespmem:s0+$0xDD0] =	vst v28  }
0x94: {  	v55 =	vld [tilespmem:s0+$0xE50];
	v25 =	vmul.f32 v49, v54;
	[tilespmem:s0+$0xDE0] =	vst v29  }
0x95: {  	v56 =	vld [tilespmem:s0+$0xE60];
	v41 =	vperm.xlane v20, v7;
	v26 =	vmul.f32 v50, v54;
	[tilespmem:s0+$0xDF0] =	vst v24  }
0x96: {  	v57 =	vld [tilespmem:s0+$0xE70];
	v27 =	vmul.f32 v52, v54;
	[tilespmem:s0+$0xE00] =	vst v25  }
0x97: {  	v58 =	vld [tilespmem:s0+$0xE80];
	v23 =	vmul.f32 v36, v41;
	[tilespmem:s0+$0xE10] =	vst v26  }
0x98: {  	v60 =	vld [tilespmem:s0+$0xEA0];
	v28 =	vmul.f32 v53, v54;
	[tilespmem:s0+$0xE30] =	vst v27  }
0x99: {  	v44 =	vld [tilespmem:s0+$0xF70];
	v29 =	vmul.f32 v55, v54;
	[tilespmem:s0+$0xF00] =	vst v23  }
0x9a: {  	v22 =	vld [tilespmem:s0+$0xCD0];
	v24 =	vmul.f32 v56, v54;
	[tilespmem:s0+$0xE40] =	vst v28  }
0x9b: {  	v19 =	vld [tilespmem:s0+$0xC50];
	v25 =	vmul.f32 v57, v54;
	[tilespmem:s0+$0xE50] =	vst v29  }
0x9c: {  	v61 =	vld [tilespmem:s0+$0xEB0];
	v26 =	vmul.f32 v58, v63;
	[tilespmem:s0+$0xE60] =	vst v24  }
0x9d: {  	v62 =	vld [tilespmem:s0+$0xEC0];
	v27 =	vmul.f32 v60, v63;
	[tilespmem:s0+$0xE70] =	vst v25  }
0x9e: {  	v33 =	vld [tilespmem:s0+$0xED0];
	v23 =	vmul.f32 v44, v41;
	[tilespmem:s0+$0xE80] =	vst v26  }
0x9f: {  	v34 =	vld [tilespmem:s0+$0xEE0];
	v21 =	vmul.f32 v22, v21;
	[tilespmem:s0+$0xEA0] =	vst v27  }
0xa0: {  	v18 =	vmul.f32 v19, v18;
	v35 =	vld [tilespmem:s0+$0xEF0];
	[tilespmem:s0+$0xF70] =	vst v23  }
0xa1: {  	v37 =	vld [tilespmem:s0+$0xF10];
	v28 =	vmul.f32 v61, v63;
	[tilespmem:s0+$0xCD0] =	vst v21  }
0xa2: {  	v52 =	vld [tilespmem:s0+$0xFE0];
	v29 =	vmul.f32 v62, v63;
	[tilespmem:s0+$0xC50] =	vst v18  }
0xa3: {  	v38 =	vld [tilespmem:s0+$0xF20];
	v24 =	vmul.f32 v33, v63;
	[tilespmem:s0+$0xEB0] =	vst v28  }
0xa4: {  	v39 =	vld [tilespmem:s0+$0xF30];
	v25 =	vmul.f32 v34, v63;
	[tilespmem:s0+$0xEC0] =	vst v29  }
0xa5: {  	v40 =	vld [tilespmem:s0+$0xF40];
	v50 =	vperm.xlane v20, v8;
	v26 =	vmul.f32 v35, v63;
	[tilespmem:s0+$0xED0] =	vst v24  }
0xa6: {  	v42 =	vld [tilespmem:s0+$0xF50];
	v27 =	vmul.f32 v37, v41;
	[tilespmem:s0+$0xEE0] =	vst v25  }
0xa7: {  	v43 =	vld [tilespmem:s0+$0xF60];
	v23 =	vmul.f32 v52, v50;
	[tilespmem:s0+$0xEF0] =	vst v26  }
0xa8: {  	v45 =	vld [tilespmem:s0+$0xF80];
	v28 =	vmul.f32 v38, v41;
	[tilespmem:s0+$0xF10] =	vst v27  }
0xa9: {  	v60 =	vld [tilespmem:s0+$0x1050];
	v29 =	vmul.f32 v39, v41;
	[tilespmem:s0+$0xFE0] =	vst v23  }
0xaa: {  	v46 =	vld [tilespmem:s0+$0xF90];
	v24 =	vmul.f32 v40, v41;
	[tilespmem:s0+$0xF20] =	vst v28  }
0xab: {  	v47 =	vld [tilespmem:s0+$0xFA0];
	v25 =	vmul.f32 v42, v41;
	[tilespmem:s0+$0xF30] =	vst v29  }
0xac: {  	v59 =	vperm.xlane v20, v9;
	v48 =	vld [tilespmem:s0+$0xFB0];
	v26 =	vmul.f32 v43, v41;
	[tilespmem:s0+$0xF40] =	vst v24  }
0xad: {  	v49 =	vld [tilespmem:s0+$0xFC0];
	v27 =	vmul.f32 v45, v50;
	[tilespmem:s0+$0xF50] =	vst v25  }
0xae: {  	v51 =	vld [tilespmem:s0+$0xFD0];
	v23 =	vmul.f32 v60, v59;
	[tilespmem:s0+$0xF60] =	vst v26  }
0xaf: {  	v53 =	vld [tilespmem:s0+$0xFF0];
	v28 =	vmul.f32 v46, v50;
	[tilespmem:s0+$0xF80] =	vst v27  }
0xb0: {  	v36 =	vld [tilespmem:s0+$0x10C0];
	v29 =	vmul.f32 v47, v50;
	[tilespmem:s0+$0x1050] =	vst v23  }
0xb1: {  	v54 =	vld [tilespmem:s0+$0x1000];
	v24 =	vmul.f32 v48, v50;
	[tilespmem:s0+$0xF90] =	vst v28  }
0xb2: {  	v55 =	vld [tilespmem:s0+$0x1010];
	v25 =	vmul.f32 v49, v50;
	[tilespmem:s0+$0xFA0] =	vst v29  }
0xb3: {  	v56 =	vld [tilespmem:s0+$0x1020];
	v37 =	vperm.xlane v20, v10;
	v26 =	vmul.f32 v51, v50;
	[tilespmem:s0+$0xFB0] =	vst v24  }
0xb4: {  	v57 =	vld [tilespmem:s0+$0x1030];
	v27 =	vmul.f32 v53, v50;
	[tilespmem:s0+$0xFC0] =	vst v25  }
0xb5: {  	v58 =	vld [tilespmem:s0+$0x1040];
	v23 =	vmul.f32 v36, v37;
	[tilespmem:s0+$0xFD0] =	vst v26  }
0xb6: {  	v61 =	vld [tilespmem:s0+$0x1060];
	v28 =	vmul.f32 v54, v59;
	[tilespmem:s0+$0xFF0] =	vst v27  }
0xb7: {  	v44 =	vld [tilespmem:s0+$0x1130];
	v29 =	vmul.f32 v55, v59;
	[tilespmem:s0+$0x10C0] =	vst v23  }
0xb8: {  	v62 =	vld [tilespmem:s0+$0x1070];
	v24 =	vmul.f32 v56, v59;
	[tilespmem:s0+$0x1000] =	vst v28  }
0xb9: {  	v63 =	vld [tilespmem:s0+$0x1080];
	v25 =	vmul.f32 v57, v59;
	[tilespmem:s0+$0x1010] =	vst v29  }
0xba: {  	v33 =	vld [tilespmem:s0+$0x1090];
	v46 =	vperm.xlane v20, v11;
	v26 =	vmul.f32 v58, v59;
	[tilespmem:s0+$0x1020] =	vst v24  }
0xbb: {  	v34 =	vld [tilespmem:s0+$0x10A0];
	v27 =	vmul.f32 v61, v59;
	[tilespmem:s0+$0x1030] =	vst v25  }
0xbc: {  	v35 =	vld [tilespmem:s0+$0x10B0];
	v23 =	vmul.f32 v44, v46;
	[tilespmem:s0+$0x1040] =	vst v26  }
0xbd: {  	v38 =	vld [tilespmem:s0+$0x10D0];
	v28 =	vmul.f32 v62, v59;
	[tilespmem:s0+$0x1060] =	vst v27  }
0xbe: {  	v52 =	vld [tilespmem:s0+$0x11A0];
	v29 =	vmul.f32 v63, v37;
	[tilespmem:s0+$0x1130] =	vst v23  }
0xbf: {  	v39 =	vld [tilespmem:s0+$0x10E0];
	v24 =	vmul.f32 v33, v37;
	[tilespmem:s0+$0x1070] =	vst v28  }
0xc0: {  	v40 =	vld [tilespmem:s0+$0x10F0];
	v25 =	vmul.f32 v34, v37;
	[tilespmem:s0+$0x1080] =	vst v29  }
0xc1: {  	v41 =	vld [tilespmem:s0+$0x1100];
	v55 =	vperm.xlane v20, v12;
	v26 =	vmul.f32 v35, v37;
	[tilespmem:s0+$0x1090] =	vst v24  }
0xc2: {  	v42 =	vld [tilespmem:s0+$0x1110];
	v27 =	vmul.f32 v38, v37;
	[tilespmem:s0+$0x10A0] =	vst v25  }
0xc3: {  	v43 =	vld [tilespmem:s0+$0x1120];
	v23 =	vmul.f32 v52, v55;
	[tilespmem:s0+$0x10B0] =	vst v26  }
0xc4: {  	v45 =	vld [tilespmem:s0+$0x1140];
	v28 =	vmul.f32 v39, v37;
	[tilespmem:s0+$0x10D0] =	vst v27  }
0xc5: {  	v60 =	vld [tilespmem:s0+$0x1210];
	v29 =	vmul.f32 v40, v37;
	[tilespmem:s0+$0x11A0] =	vst v23  }
0xc6: {  	v47 =	vld [tilespmem:s0+$0x1150];
	v24 =	vmul.f32 v41, v46;
	[tilespmem:s0+$0x10E0] =	vst v28  }
0xc7: {  	v48 =	vld [tilespmem:s0+$0x1160];
	v25 =	vmul.f32 v42, v46;
	[tilespmem:s0+$0x10F0] =	vst v29  }
0xc8: {  	v49 =	vld [tilespmem:s0+$0x1170];
	v33 =	vperm.xlane v20, v13;
	v26 =	vmul.f32 v43, v46;
	[tilespmem:s0+$0x1100] =	vst v24  }
0xc9: {  	v50 =	vld [tilespmem:s0+$0x1180];
	v27 =	vmul.f32 v45, v46;
	[tilespmem:s0+$0x1110] =	vst v25  }
0xca: {  	v51 =	vld [tilespmem:s0+$0x1190];
	v23 =	vmul.f32 v60, v33;
	[tilespmem:s0+$0x1120] =	vst v26  }
0xcb: {  	v53 =	vld [tilespmem:s0+$0x11B0];
	v28 =	vmul.f32 v47, v46;
	[tilespmem:s0+$0x1140] =	vst v27  }
0xcc: {  	v54 =	vld [tilespmem:s0+$0x11C0];
	v29 =	vmul.f32 v48, v46;
	[tilespmem:s0+$0x1210] =	vst v23  }
0xcd: {  	v56 =	vld [tilespmem:s0+$0x11D0];
	v24 =	vmul.f32 v49, v46;
	[tilespmem:s0+$0x1150] =	vst v28  }
0xce: {  	v57 =	vld [tilespmem:s0+$0x11E0];
	v25 =	vmul.f32 v50, v55;
	[tilespmem:s0+$0x1160] =	vst v29  }
0xcf: {  	v58 =	vld [tilespmem:s0+$0x11F0];
	v26 =	vmul.f32 v51, v55;
	[tilespmem:s0+$0x1170] =	vst v24  }
0xd0: {  	v59 =	vld [tilespmem:s0+$0x1200];
	v27 =	vmul.f32 v53, v55;
	[tilespmem:s0+$0x1180] =	vst v25  }
0xd1: {  	v61 =	vld [tilespmem:s0+$0x1220];
	[tilespmem:s0+$0x1190] =	vst v26;
	v28 =	vmul.f32 v54, v55  }
0xd2: {  	v37 =	vld [tilespmem:s0+$0x1280];
	[tilespmem:s0+$0x11B0] =	vst v27;
	v29 =	vmul.f32 v56, v55  }
0xd3: {  	v62 =	vld [tilespmem:s0+$0x1230];
	v24 =	vmul.f32 v57, v55;
	[tilespmem:s0+$0x11C0] =	vst v28  }
0xd4: {  	v63 =	vld [tilespmem:s0+$0x1240];
	v25 =	vmul.f32 v58, v55;
	[tilespmem:s0+$0x11D0] =	vst v29  }
0xd5: {  	v34 =	vld [tilespmem:s0+$0x1250];
	v42 =	vperm.xlane v20, v14;
	v26 =	vmul.f32 v59, v33;
	[tilespmem:s0+$0x11E0] =	vst v24  }
0xd6: {  	v35 =	vld [tilespmem:s0+$0x1260];
	v27 =	vmul.f32 v61, v33;
	[tilespmem:s0+$0x11F0] =	vst v25  }
0xd7: {  	v36 =	vld [tilespmem:s0+$0x1270];
	v23 =	vmul.f32 v37, v42;
	[tilespmem:s0+$0x1200] =	vst v26  }
0xd8: {  	v38 =	vld [tilespmem:s0+$0x1290];
	v28 =	vmul.f32 v62, v33;
	[tilespmem:s0+$0x1220] =	vst v27  }
0xd9: {  	v45 =	vld [tilespmem:s0+$0x12F0];
	v29 =	vmul.f32 v63, v33;
	[tilespmem:s0+$0x1280] =	vst v23  }
0xda: {  	v39 =	vld [tilespmem:s0+$0x12A0];
	v24 =	vmul.f32 v34, v33;
	[tilespmem:s0+$0x1230] =	vst v28  }
0xdb: {  	v40 =	vld [tilespmem:s0+$0x12B0];
	v25 =	vmul.f32 v35, v33;
	[tilespmem:s0+$0x1240] =	vst v29  }
0xdc: {  	v41 =	vld [tilespmem:s0+$0x12C0];
	v26 =	vmul.f32 v36, v33;
	[tilespmem:s0+$0x1250] =	vst v24  }
0xdd: {  	v43 =	vld [tilespmem:s0+$0x12D0];
	v27 =	vmul.f32 v38, v42;
	[tilespmem:s0+$0x1260] =	vst v25  }
0xde: {  	v44 =	vld [tilespmem:s0+$0x12E0];
	v23 =	vmul.f32 v45, v42;
	[tilespmem:s0+$0x1270] =	vst v26  }
0xdf: {  	v46 =	vld [tilespmem:s0+$0x1300];
	v28 =	vmul.f32 v39, v42;
	[tilespmem:s0+$0x1290] =	vst v27  }
0xe0: {  	v53 =	vld [tilespmem:s0+$0x1360];
	v29 =	vmul.f32 v40, v42;
	[tilespmem:s0+$0x12F0] =	vst v23  }
0xe1: {  	v58 =	vld [tilespmem:s0+$0x13B0];
	v24 =	vmul.f32 v41, v42;
	[tilespmem:s0+$0x12A0] =	vst v28  }
0xe2: {  	v51 =	vperm.xlane v20, v15;
	v59 =	vld [tilespmem:s0+$0x13C0];
	v25 =	vmul.f32 v43, v42;
	[tilespmem:s0+$0x12B0] =	vst v29  }
0xe3: {  	v57 =	vld [tilespmem:s0+$0x13A0];
	v26 =	vmul.f32 v44, v42;
	[tilespmem:s0+$0x12C0] =	vst v24  }
0xe4: {  	v47 =	vld [tilespmem:s0+$0x1310];
	v20 =	vperm.xlane v20, v16;
	v27 =	vmul.f32 v46, v51;
	[tilespmem:s0+$0x12D0] =	vst v25  }
0xe5: {  	v48 =	vld [tilespmem:s0+$0x1320];
	v23 =	vmul.f32 v53, v51;
	[tilespmem:s0+$0x12E0] =	vst v26  }
0xe6: {  	v49 =	vld [tilespmem:s0+$0x1330];
	v19 =	vmul.f32 v58, v20;
	[tilespmem:s0+$0x1300] =	vst v27  }
0xe7: {  	v50 =	vld [tilespmem:s0+$0x1340];
	v18 =	vmul.f32 v59, v20;
	[tilespmem:s0+$0x1360] =	vst v23  }
0xe8: {  	v52 =	vld [tilespmem:s0+$0x1350];
	v63 =	vmul.f32 v57, v20;
	[tilespmem:s0+$0x13B0] =	vst v19  }
0xe9: {  	v54 =	vld [tilespmem:s0+$0x1370];
	v28 =	vmul.f32 v47, v51;
	[tilespmem:s0+$0x13C0] =	vst v18  }
0xea: {  	v60 =	vld [tilespmem:s0+$0x13D0];
	v29 =	vmul.f32 v48, v51;
	[tilespmem:s0+$0x13A0] =	vst v63  }
0xeb: {  	v55 =	vld [tilespmem:s0+$0x1380];
	v24 =	vmul.f32 v49, v51;
	[tilespmem:s0+$0x1310] =	vst v28  }
0xec: {  	v56 =	vld [tilespmem:s0+$0x1390];
	v25 =	vmul.f32 v50, v51;
	[tilespmem:s0+$0x1320] =	vst v29  }
0xed: {  	v61 =	vld [tilespmem:s0+$0x13E0];
	v26 =	vmul.f32 v52, v51;
	[tilespmem:s0+$0x1330] =	vst v24  }
0xee: {  	v62 =	vld [tilespmem:s0+$0x13F0];
	v27 =	vmul.f32 v54, v51;
	[tilespmem:s0+$0x1340] =	vst v25  }
0xef: {  	v19 =	vmul.f32 v60, v20;
	[tilespmem:s0+$0x1350] =	vst v26  }
0xf0: {  	v28 =	vmul.f32 v55, v20;
	[tilespmem:s0+$0x1370] =	vst v27  }
0xf1: {  	v29 =	vmul.f32 v56, v20;
	[tilespmem:s0+$0x13D0] =	vst v19  }
0xf2: {  	v19 =	vmul.f32 v61, v20;
	[tilespmem:s0+$0x1380] =	vst v28  }
0xf3: {  	v18 =	vmul.f32 v62, v20;
	[tilespmem:s0+$0x1390] =	vst v29  }
0xf4: {  	s10 =	simm.s32 $0x1;
	[tilespmem:s0+$0x13E0] =	vst v19  }
.LBB2_6:
0xf5: {  	s13 =	sshll.u32 s10, $0x4;
	p0 =	sne.s32 s10, $0x7;
	s10 =	sadd.s32 $0x1, s10;
	[tilespmem:s0+$0x13F0] =	vst v18  }
0xf6: {  	v18 =	vld.idx.msk [tilespmem:v17+s13+$0x0 ss:$0x1], $0xffff;
	s0 =	sadd.s32 s28, s13  }
0xf7: {  	s0 =	sshll.u32 s0, $0x7  }
0xf8: {  	s0 =	sand.u32 $0x3FFFFF80, s0  }
0xf9: {  	v19 =	vld [tilespmem:s0+$0xC00]  }
0xfa: {  	v20 =	vld [tilespmem:s0+$0xC10]  }
0xfb: {  	v21 =	vld [tilespmem:s0+$0xC20]  }
0xfc: {  	v23 =	vperm.xlane v18, v2;
	v24 =	vperm.xlane v18, v4;
	v22 =	vld [tilespmem:s0+$0xC30]  }
0xfd: {  	v25 =	vld [tilespmem:s0+$0xC40]  }
0xfe: {  	v26 =	vperm.xlane v18, v1;
	v27 =	vld [tilespmem:s0+$0xC50]  }
0xff: {  	v28 =	vld [tilespmem:s0+$0xC60]  }
0x100: {  	v29 =	vmul.f32 v19, v26;
	v19 =	vmul.f32 v21, v26;
	v21 =	vld [tilespmem:s0+$0xC70]  }
0x101: {  	v30 =	vmul.f32 v20, v26;
	v20 =	vmul.f32 v22, v26;
	v22 =	vld [tilespmem:s0+$0xC80]  }
0x102: {  	[tilespmem:s0+$0xC20] =	vst v19;
	v25 =	vmul.f32 v25, v26;
	v31 =	vld [tilespmem:s0+$0xC90]  }
0x103: {  	[tilespmem:s0+$0xC30] =	vst v20;
	v19 =	vmul.f32 v27, v26;
	v20 =	vld [tilespmem:s0+$0xCA0]  }
0x104: {  	[tilespmem:s0+$0xC40] =	vst v25;
	v25 =	vmul.f32 v28, v26;
	v27 =	vld [tilespmem:s0+$0xCB0]  }
0x105: {  	[tilespmem:s0+$0xC00] =	vst v29;
	v21 =	vmul.f32 v21, v26;
	v26 =	vld [tilespmem:s0+$0xCC0]  }
0x106: {  	[tilespmem:s0+$0xC60] =	vst v25;
	v22 =	vmul.f32 v22, v23;
	v25 =	vld [tilespmem:s0+$0xCD0]  }
0x107: {  	[tilespmem:s0+$0xC70] =	vst v21;
	v21 =	vmul.f32 v31, v23;
	v28 =	vld [tilespmem:s0+$0xCE0]  }
0x108: {  	[tilespmem:s0+$0xC80] =	vst v22;
	v20 =	vmul.f32 v20, v23;
	v22 =	vld [tilespmem:s0+$0xCF0]  }
0x109: {  	[tilespmem:s0+$0xC90] =	vst v21;
	v21 =	vmul.f32 v27, v23;
	v27 =	vld [tilespmem:s0+$0xD00]  }
0x10a: {  	[tilespmem:s0+$0xCA0] =	vst v20;
	v26 =	vmul.f32 v26, v23;
	v29 =	vld [tilespmem:s0+$0xD10]  }
0x10b: {  	[tilespmem:s0+$0xCB0] =	vst v21;
	v20 =	vmul.f32 v25, v23;
	v21 =	vld [tilespmem:s0+$0xD20]  }
0x10c: {  	[tilespmem:s0+$0xCC0] =	vst v26;
	v25 =	vmul.f32 v28, v23;
	v26 =	vperm.xlane v18, v3;
	v28 =	vld [tilespmem:s0+$0xD30]  }
0x10d: {  	[tilespmem:s0+$0xC10] =	vst v30;
	v22 =	vmul.f32 v22, v23;
	v23 =	vld [tilespmem:s0+$0xD40]  }
0x10e: {  	[tilespmem:s0+$0xCE0] =	vst v25;
	v25 =	vmul.f32 v27, v26;
	v27 =	vld [tilespmem:s0+$0xD50]  }
0x10f: {  	[tilespmem:s0+$0xCF0] =	vst v22;
	v22 =	vmul.f32 v29, v26;
	v29 =	vld [tilespmem:s0+$0xD60]  }
0x110: {  	[tilespmem:s0+$0xD00] =	vst v25;
	v21 =	vmul.f32 v21, v26;
	v25 =	vld [tilespmem:s0+$0xD70]  }
0x111: {  	[tilespmem:s0+$0xD10] =	vst v22;
	v22 =	vmul.f32 v28, v26;
	v28 =	vld [tilespmem:s0+$0xD80]  }
0x112: {  	[tilespmem:s0+$0xD20] =	vst v21;
	v21 =	vmul.f32 v23, v26;
	v23 =	vld [tilespmem:s0+$0xD90]  }
0x113: {  	[tilespmem:s0+$0xD30] =	vst v22;
	v22 =	vmul.f32 v27, v26;
	v27 =	vld [tilespmem:s0+$0xDA0]  }
0x114: {  	[tilespmem:s0+$0xD40] =	vst v21;
	v21 =	vmul.f32 v29, v26;
	v29 =	vld [tilespmem:s0+$0xDB0]  }
0x115: {  	[tilespmem:s0+$0xD50] =	vst v22;
	v22 =	vmul.f32 v25, v26;
	v25 =	vld [tilespmem:s0+$0xDC0]  }
0x116: {  	[tilespmem:s0+$0xD60] =	vst v21;
	v21 =	vmul.f32 v28, v24;
	v26 =	vld [tilespmem:s0+$0xDD0]  }
0x117: {  	[tilespmem:s0+$0xD70] =	vst v22;
	v22 =	vmul.f32 v23, v24;
	v23 =	vld [tilespmem:s0+$0xDE0]  }
0x118: {  	[tilespmem:s0+$0xD80] =	vst v21;
	v21 =	vmul.f32 v27, v24;
	v27 =	vld [tilespmem:s0+$0xDF0]  }
0x119: {  	[tilespmem:s0+$0xD90] =	vst v22;
	v22 =	vmul.f32 v29, v24;
	v28 =	vld [tilespmem:s0+$0xE00]  }
0x11a: {  	[tilespmem:s0+$0xDA0] =	vst v21;
	v21 =	vmul.f32 v25, v24;
	v25 =	vld [tilespmem:s0+$0xE10]  }
0x11b: {  	[tilespmem:s0+$0xDB0] =	vst v22;
	v22 =	vmul.f32 v26, v24;
	v26 =	vld [tilespmem:s0+$0xE20]  }
0x11c: {  	[tilespmem:s0+$0xDC0] =	vst v21;
	v21 =	vmul.f32 v23, v24;
	v23 =	vperm.xlane v18, v5;
	v29 =	vld [tilespmem:s0+$0xE30]  }
0x11d: {  	[tilespmem:s0+$0xDD0] =	vst v22;
	v22 =	vmul.f32 v27, v24;
	v24 =	vld [tilespmem:s0+$0xE40]  }
0x11e: {  	[tilespmem:s0+$0xDE0] =	vst v21;
	v21 =	vmul.f32 v28, v23;
	v27 =	vld [tilespmem:s0+$0xE50]  }
0x11f: {  	[tilespmem:s0+$0xDF0] =	vst v22;
	v22 =	vmul.f32 v25, v23;
	v25 =	vld [tilespmem:s0+$0xE60]  }
0x120: {  	[tilespmem:s0+$0xE00] =	vst v21;
	v21 =	vmul.f32 v26, v23;
	v26 =	vld [tilespmem:s0+$0xE70]  }
0x121: {  	[tilespmem:s0+$0xE10] =	vst v22;
	v22 =	vmul.f32 v29, v23;
	v28 =	vld [tilespmem:s0+$0xE80]  }
0x122: {  	[tilespmem:s0+$0xE20] =	vst v21;
	v21 =	vmul.f32 v24, v23;
	v24 =	vld [tilespmem:s0+$0xE90]  }
0x123: {  	[tilespmem:s0+$0xE30] =	vst v22;
	v22 =	vmul.f32 v27, v23;
	v27 =	vld [tilespmem:s0+$0xEA0]  }
0x124: {  	[tilespmem:s0+$0xE40] =	vst v21;
	v21 =	vmul.f32 v25, v23;
	v25 =	vperm.xlane v18, v6;
	v29 =	vld [tilespmem:s0+$0xEB0]  }
0x125: {  	[tilespmem:s0+$0xE50] =	vst v22;
	v22 =	vmul.f32 v26, v23;
	v23 =	vld [tilespmem:s0+$0xEC0]  }
0x126: {  	[tilespmem:s0+$0xE60] =	vst v21;
	v21 =	vmul.f32 v28, v25;
	v26 =	vld [tilespmem:s0+$0xED0]  }
0x127: {  	[tilespmem:s0+$0xE70] =	vst v22;
	v22 =	vmul.f32 v24, v25;
	v24 =	vld [tilespmem:s0+$0xEE0]  }
0x128: {  	[tilespmem:s0+$0xE80] =	vst v21;
	v21 =	vmul.f32 v27, v25;
	v27 =	vld [tilespmem:s0+$0xEF0]  }
0x129: {  	[tilespmem:s0+$0xE90] =	vst v22;
	v22 =	vmul.f32 v29, v25;
	v28 =	vld [tilespmem:s0+$0xF00]  }
0x12a: {  	[tilespmem:s0+$0xEA0] =	vst v21;
	v21 =	vmul.f32 v23, v25;
	v23 =	vld [tilespmem:s0+$0xF10]  }
0x12b: {  	[tilespmem:s0+$0xEB0] =	vst v22;
	v22 =	vmul.f32 v26, v25;
	v26 =	vld [tilespmem:s0+$0xF20]  }
0x12c: {  	[tilespmem:s0+$0xEC0] =	vst v21;
	v21 =	vmul.f32 v24, v25;
	v24 =	vperm.xlane v18, v7;
	v29 =	vld [tilespmem:s0+$0xF30]  }
0x12d: {  	[tilespmem:s0+$0xED0] =	vst v22;
	v22 =	vmul.f32 v27, v25;
	v25 =	vld [tilespmem:s0+$0xF40]  }
0x12e: {  	[tilespmem:s0+$0xEE0] =	vst v21;
	v21 =	vmul.f32 v28, v24;
	v27 =	vld [tilespmem:s0+$0xF50]  }
0x12f: {  	[tilespmem:s0+$0xEF0] =	vst v22;
	v22 =	vmul.f32 v23, v24;
	v23 =	vld [tilespmem:s0+$0xF60]  }
0x130: {  	[tilespmem:s0+$0xF00] =	vst v21;
	v21 =	vmul.f32 v26, v24;
	v26 =	vld [tilespmem:s0+$0xF70]  }
0x131: {  	[tilespmem:s0+$0xF10] =	vst v22;
	v22 =	vmul.f32 v29, v24;
	v28 =	vld [tilespmem:s0+$0xF80]  }
0x132: {  	[tilespmem:s0+$0xF20] =	vst v21;
	v21 =	vmul.f32 v25, v24;
	v25 =	vld [tilespmem:s0+$0xF90]  }
0x133: {  	[tilespmem:s0+$0xF30] =	vst v22;
	v22 =	vmul.f32 v27, v24;
	v27 =	vld [tilespmem:s0+$0xFA0]  }
0x134: {  	[tilespmem:s0+$0xF40] =	vst v21;
	v21 =	vmul.f32 v23, v24;
	v23 =	vperm.xlane v18, v8;
	v29 =	vld [tilespmem:s0+$0xFB0]  }
0x135: {  	[tilespmem:s0+$0xF50] =	vst v22;
	v22 =	vmul.f32 v26, v24;
	v24 =	vld [tilespmem:s0+$0xFC0]  }
0x136: {  	[tilespmem:s0+$0xF60] =	vst v21;
	v21 =	vmul.f32 v28, v23;
	v26 =	vld [tilespmem:s0+$0xFD0]  }
0x137: {  	[tilespmem:s0+$0xF70] =	vst v22;
	v22 =	vmul.f32 v25, v23;
	v25 =	vld [tilespmem:s0+$0xFE0]  }
0x138: {  	[tilespmem:s0+$0xF80] =	vst v21;
	v21 =	vmul.f32 v27, v23;
	v27 =	vld [tilespmem:s0+$0xFF0]  }
0x139: {  	[tilespmem:s0+$0xF90] =	vst v22;
	v22 =	vmul.f32 v29, v23;
	v28 =	vld [tilespmem:s0+$0x1000]  }
0x13a: {  	[tilespmem:s0+$0xFA0] =	vst v21;
	v21 =	vmul.f32 v24, v23;
	v24 =	vld [tilespmem:s0+$0x1010]  }
0x13b: {  	[tilespmem:s0+$0xFB0] =	vst v22;
	v22 =	vmul.f32 v26, v23;
	v26 =	vld [tilespmem:s0+$0x1020]  }
0x13c: {  	[tilespmem:s0+$0xFC0] =	vst v21;
	v21 =	vmul.f32 v25, v23;
	v25 =	vperm.xlane v18, v9;
	v29 =	vld [tilespmem:s0+$0x1030]  }
0x13d: {  	[tilespmem:s0+$0xFD0] =	vst v22;
	v22 =	vmul.f32 v27, v23;
	v23 =	vld [tilespmem:s0+$0x1040]  }
0x13e: {  	[tilespmem:s0+$0xFE0] =	vst v21;
	v21 =	vmul.f32 v28, v25;
	v27 =	vld [tilespmem:s0+$0x1050]  }
0x13f: {  	[tilespmem:s0+$0xFF0] =	vst v22;
	v22 =	vmul.f32 v24, v25;
	v24 =	vld [tilespmem:s0+$0x1060]  }
0x140: {  	[tilespmem:s0+$0x1000] =	vst v21;
	v21 =	vmul.f32 v26, v25;
	v26 =	vld [tilespmem:s0+$0x1070]  }
0x141: {  	[tilespmem:s0+$0x1010] =	vst v22;
	v22 =	vmul.f32 v29, v25;
	v28 =	vld [tilespmem:s0+$0x1080]  }
0x142: {  	[tilespmem:s0+$0x1020] =	vst v21;
	v21 =	vmul.f32 v23, v25;
	v23 =	vld [tilespmem:s0+$0x1090]  }
0x143: {  	[tilespmem:s0+$0x1030] =	vst v22;
	v22 =	vmul.f32 v27, v25;
	v27 =	vld [tilespmem:s0+$0x10A0]  }
0x144: {  	[tilespmem:s0+$0x1040] =	vst v21;
	v21 =	vmul.f32 v24, v25;
	v24 =	vperm.xlane v18, v10;
	v29 =	vld [tilespmem:s0+$0x10B0]  }
0x145: {  	[tilespmem:s0+$0x1050] =	vst v22;
	v22 =	vmul.f32 v26, v25;
	v25 =	vld [tilespmem:s0+$0x10C0]  }
0x146: {  	[tilespmem:s0+$0x1060] =	vst v21;
	v21 =	vmul.f32 v28, v24;
	v26 =	vld [tilespmem:s0+$0x10D0]  }
0x147: {  	[tilespmem:s0+$0x1070] =	vst v22;
	v22 =	vmul.f32 v23, v24;
	v23 =	vld [tilespmem:s0+$0x10E0]  }
0x148: {  	[tilespmem:s0+$0x1080] =	vst v21;
	v21 =	vmul.f32 v27, v24;
	v27 =	vld [tilespmem:s0+$0x10F0]  }
0x149: {  	[tilespmem:s0+$0x1090] =	vst v22;
	v22 =	vmul.f32 v29, v24;
	v28 =	vld [tilespmem:s0+$0x1100]  }
0x14a: {  	[tilespmem:s0+$0x10A0] =	vst v21;
	v21 =	vmul.f32 v25, v24;
	v25 =	vld [tilespmem:s0+$0x1110]  }
0x14b: {  	[tilespmem:s0+$0x10B0] =	vst v22;
	v22 =	vmul.f32 v26, v24;
	v26 =	vld [tilespmem:s0+$0x1120]  }
0x14c: {  	[tilespmem:s0+$0x10C0] =	vst v21;
	v21 =	vmul.f32 v23, v24;
	v23 =	vperm.xlane v18, v11;
	v29 =	vld [tilespmem:s0+$0x1130]  }
0x14d: {  	[tilespmem:s0+$0x10D0] =	vst v22;
	v22 =	vmul.f32 v27, v24;
	v24 =	vld [tilespmem:s0+$0x1140]  }
0x14e: {  	[tilespmem:s0+$0x10E0] =	vst v21;
	v21 =	vmul.f32 v28, v23;
	v27 =	vld [tilespmem:s0+$0x1150]  }
0x14f: {  	[tilespmem:s0+$0x10F0] =	vst v22;
	v22 =	vmul.f32 v25, v23;
	v25 =	vld [tilespmem:s0+$0x1160]  }
0x150: {  	[tilespmem:s0+$0x1100] =	vst v21;
	v21 =	vmul.f32 v26, v23;
	v26 =	vld [tilespmem:s0+$0x1170]  }
0x151: {  	[tilespmem:s0+$0x1110] =	vst v22;
	v22 =	vmul.f32 v29, v23;
	v28 =	vld [tilespmem:s0+$0x1180]  }
0x152: {  	[tilespmem:s0+$0x1120] =	vst v21;
	v21 =	vmul.f32 v24, v23;
	v24 =	vld [tilespmem:s0+$0x1190]  }
0x153: {  	[tilespmem:s0+$0x1130] =	vst v22;
	v22 =	vmul.f32 v27, v23;
	v27 =	vld [tilespmem:s0+$0x11A0]  }
0x154: {  	[tilespmem:s0+$0x1140] =	vst v21;
	v21 =	vmul.f32 v25, v23;
	v25 =	vperm.xlane v18, v12;
	v29 =	vld [tilespmem:s0+$0x11B0]  }
0x155: {  	[tilespmem:s0+$0x1150] =	vst v22;
	v22 =	vmul.f32 v26, v23;
	v23 =	vld [tilespmem:s0+$0x11C0]  }
0x156: {  	[tilespmem:s0+$0x1160] =	vst v21;
	v21 =	vmul.f32 v28, v25;
	v26 =	vld [tilespmem:s0+$0x11D0]  }
0x157: {  	[tilespmem:s0+$0x1170] =	vst v22;
	v22 =	vmul.f32 v24, v25;
	v24 =	vld [tilespmem:s0+$0x11E0]  }
0x158: {  	[tilespmem:s0+$0x1180] =	vst v21;
	v21 =	vmul.f32 v27, v25;
	v27 =	vld [tilespmem:s0+$0x11F0]  }
0x159: {  	[tilespmem:s0+$0x1190] =	vst v22;
	v22 =	vmul.f32 v29, v25;
	v28 =	vld [tilespmem:s0+$0x1200]  }
0x15a: {  	[tilespmem:s0+$0x11A0] =	vst v21;
	v21 =	vmul.f32 v23, v25;
	v23 =	vld [tilespmem:s0+$0x1210]  }
0x15b: {  	[tilespmem:s0+$0x11B0] =	vst v22;
	v22 =	vmul.f32 v26, v25;
	v26 =	vld [tilespmem:s0+$0x1220]  }
0x15c: {  	[tilespmem:s0+$0x11C0] =	vst v21;
	v21 =	vmul.f32 v24, v25;
	v24 =	vperm.xlane v18, v13;
	v29 =	vld [tilespmem:s0+$0x1230]  }
0x15d: {  	[tilespmem:s0+$0x11D0] =	vst v22;
	v22 =	vmul.f32 v27, v25;
	v25 =	vld [tilespmem:s0+$0x1240]  }
0x15e: {  	[tilespmem:s0+$0x11E0] =	vst v21;
	v21 =	vmul.f32 v28, v24;
	v27 =	vld [tilespmem:s0+$0x1250]  }
0x15f: {  	[tilespmem:s0+$0x11F0] =	vst v22;
	v22 =	vmul.f32 v23, v24;
	v23 =	vld [tilespmem:s0+$0x1260]  }
0x160: {  	[tilespmem:s0+$0x1200] =	vst v21;
	v21 =	vmul.f32 v26, v24;
	v26 =	vld [tilespmem:s0+$0x1270]  }
0x161: {  	[tilespmem:s0+$0x1210] =	vst v22;
	v22 =	vmul.f32 v29, v24;
	v28 =	vld [tilespmem:s0+$0x1280]  }
0x162: {  	[tilespmem:s0+$0x1220] =	vst v21;
	v21 =	vmul.f32 v25, v24;
	v25 =	vld [tilespmem:s0+$0x1290]  }
0x163: {  	[tilespmem:s0+$0x1230] =	vst v22;
	v22 =	vmul.f32 v27, v24;
	v27 =	vld [tilespmem:s0+$0x12A0]  }
0x164: {  	[tilespmem:s0+$0x1240] =	vst v21;
	v21 =	vmul.f32 v23, v24;
	v23 =	vperm.xlane v18, v14;
	v29 =	vld [tilespmem:s0+$0x12B0]  }
0x165: {  	[tilespmem:s0+$0x1250] =	vst v22;
	v22 =	vmul.f32 v26, v24;
	v24 =	vld [tilespmem:s0+$0x12C0]  }
0x166: {  	[tilespmem:s0+$0x1260] =	vst v21;
	v21 =	vmul.f32 v28, v23;
	v26 =	vld [tilespmem:s0+$0x12D0]  }
0x167: {  	[tilespmem:s0+$0x1270] =	vst v22;
	v22 =	vmul.f32 v25, v23;
	v25 =	vld [tilespmem:s0+$0x12E0]  }
0x168: {  	[tilespmem:s0+$0x1280] =	vst v21;
	v21 =	vmul.f32 v27, v23;
	v27 =	vld [tilespmem:s0+$0x12F0]  }
0x169: {  	[tilespmem:s0+$0x1290] =	vst v22;
	v22 =	vmul.f32 v29, v23;
	v28 =	vld [tilespmem:s0+$0x1300]  }
0x16a: {  	[tilespmem:s0+$0x12A0] =	vst v21;
	v21 =	vmul.f32 v24, v23;
	v24 =	vld [tilespmem:s0+$0x1310]  }
0x16b: {  	[tilespmem:s0+$0x12B0] =	vst v22;
	v22 =	vmul.f32 v26, v23;
	v26 =	vld [tilespmem:s0+$0x1320]  }
0x16c: {  	[tilespmem:s0+$0x12C0] =	vst v21;
	v21 =	vmul.f32 v25, v23;
	v25 =	vperm.xlane v18, v15;
	v29 =	vld [tilespmem:s0+$0x1330]  }
0x16d: {  	[tilespmem:s0+$0x12D0] =	vst v22;
	v22 =	vmul.f32 v27, v23;
	v23 =	vld [tilespmem:s0+$0x1340]  }
0x16e: {  	[tilespmem:s0+$0x12E0] =	vst v21;
	v21 =	vmul.f32 v28, v25;
	v27 =	vld [tilespmem:s0+$0x1350]  }
0x16f: {  	[tilespmem:s0+$0x12F0] =	vst v22;
	v22 =	vmul.f32 v24, v25;
	v24 =	vld [tilespmem:s0+$0x1360]  }
0x170: {  	[tilespmem:s0+$0x1300] =	vst v21;
	v21 =	vmul.f32 v26, v25;
	v26 =	vld [tilespmem:s0+$0x1370]  }
0x171: {  	[tilespmem:s0+$0x1310] =	vst v22;
	v22 =	vmul.f32 v29, v25;
	v28 =	vld [tilespmem:s0+$0x1380]  }
0x172: {  	[tilespmem:s0+$0x1320] =	vst v21;
	v21 =	vmul.f32 v23, v25;
	v23 =	vld [tilespmem:s0+$0x1390]  }
0x173: {  	[tilespmem:s0+$0x1330] =	vst v22;
	v22 =	vmul.f32 v27, v25;
	v27 =	vld [tilespmem:s0+$0x13A0]  }
0x174: {  	v18 =	vperm.xlane v18, v16;
	[tilespmem:s0+$0x1340] =	vst v21;
	v21 =	vmul.f32 v24, v25;
	v24 =	vld [tilespmem:s0+$0x13B0]  }
0x175: {  	[tilespmem:s0+$0x1350] =	vst v22;
	v22 =	vmul.f32 v26, v25;
	v25 =	vld [tilespmem:s0+$0x13C0]  }
0x176: {  	[tilespmem:s0+$0x1360] =	vst v21;
	v21 =	vmul.f32 v28, v18;
	v26 =	vld [tilespmem:s0+$0x13D0]  }
0x177: {  	[tilespmem:s0+$0x1370] =	vst v22;
	v22 =	vmul.f32 v23, v18;
	v23 =	vld [tilespmem:s0+$0x13E0]  }
0x178: {  	[tilespmem:s0+$0x1380] =	vst v21;
	v21 =	vld [tilespmem:s0+$0x13F0]  }
0x179: {  	[tilespmem:s0+$0x1390] =	vst v22  }
0x17a: {  	[tilespmem:s0+$0xCD0] =	vst v20;
	v20 =	vmul.f32 v24, v18  }
0x17b: {  	[tilespmem:s0+$0xC50] =	vst v19;
	v19 =	vmul.f32 v25, v18  }
.Ltmp1:
0x17c: {  	[tilespmem:s0+$0x13B0] =	vst v20;
	v20 =	vmul.f32 v26, v18;
	(pc) =	sbr.rel @p0 .LBB2_6-.Ltmp1, $4  }
0x17d: {  	v22 =	vmul.f32 v27, v18;
	[tilespmem:s0+$0x13C0] =	vst v19  }
0x17e: {  	v19 =	vmul.f32 v23, v18;
	[tilespmem:s0+$0x13D0] =	vst v20  }
0x17f: {  	v18 =	vmul.f32 v21, v18;
	[tilespmem:s0+$0x13A0] =	vst v22  }
0x180: {  	[tilespmem:s0+$0x13E0] =	vst v19  }
0x181: {  	s3 =	sadd.s32 $0x1, s3  }
0x182: {  	p0 =	sne.s32 s3, $0x4  }
.Ltmp2:
0x183: {  	_ = 	snop;
	(pc) =	sbr.rel @p0 .LBB2_5-.Ltmp2, $2  }
0x184: {  	_ =	sdelay $0x2  }
0x185: {  	[tilespmem:s0+$0x13F0] =	vst v18  }
0x186: {  	[spmem:s2] =	stream.indirect.scatter.add.f32 [tilespmem:s30], [sflag:$0x2], $0x80, s26, s29, $0xb8;
	[tilespmem:$0x1CC00] =	vst v63  }
0x187: {  	_ =	swait.ge [sflag:s21], $0x4000  }
0x188: {  	[sflag:s21] =	ssyncset.done $0x0  }
0x189: {  	s0 =	simm.s32 $0x480;
	[sflag:s21] =	ssyncadd.s32 $0xFFFFC000  }
0x18a: {  	[spmem:s2] =	stream.indirect.scatter.add.f32 [tilespmem:s31], [sflag:$0x2], $0x80, s0, s29, $0xb8;
	[tilespmem:$0x1CC00] =	vst v63  }
0x18b: {  	_ =	swait.ge [sflag:s21], $0x4000  }
0x18c: {  	[sflag:s21] =	ssyncset.done $0x0  }
0x18d: {  	[sflag:s21] =	ssyncadd.s32 $0xFFFFC000  }
0x18e: {  	[spmem:s2] =	stream.indirect.scatter.add.f32 [tilespmem:s4], [sflag:$0x2], $0x80, s14, s29, $0xb8;
	[tilespmem:$0x1CC00] =	vst v63  }
0x18f: {  	_ =	swait.ge [sflag:s21], $0x4000  }
0x190: {  	[sflag:s21] =	ssyncset.done $0x0  }
0x191: {  	[sflag:s21] =	ssyncadd.s32 $0xFFFFC000  }
0x192: {  	[spmem:s2] =	stream.indirect.scatter.add.f32 [tilespmem:s11], [sflag:$0x2], $0x80, s16, s29, $0xb8;
	[tilespmem:$0x1CC00] =	vst v63  }
0x193: {  	_ =	swait.ge [sflag:s21], $0x4000  }
0x194: {  	[sflag:s21] =	ssyncset.done $0x0  }
0x195: {  	[sflag:s21] =	ssyncadd.s32 $0xFFFFC000  }
0x196: {  	[tilespmem:s30], [sflag:$0x1] =	stream.indirect.gather [hbm4b:s1+s29], $0x80, s17, s29, $0xb8;
	[tilespmem:$0x1CC00] =	vst v63  }
0x197: {  	_ = 	snop  }
0x198: {  	[tilespmem:s31], [sflag:$0x1] =	stream.indirect.gather [hbm4b:s1+s29], $0x80, s18, s29, $0xb8;
	[tilespmem:$0x1CC00] =	vst v63  }
0x199: {  	_ = 	snop  }
0x19a: {  	[tilespmem:s4], [sflag:$0x1] =	stream.indirect.gather [hbm4b:s1+s29], $0x80, s19, s29, $0xb8;
	[tilespmem:$0x1CC00] =	vst v63  }
0x19b: {  	_ = 	snop  }
0x19c: {  	[tilespmem:s11], [sflag:$0x1] =	stream.indirect.gather [hbm4b:s1+s29], $0x80, s20, s29, $0xb8;
	[tilespmem:$0x1CC00] =	vst v63  }
0x19d: {  	_ =	swait.ge [sflag:s12], $0x4000  }
0x19e: {  	[sflag:s12] =	ssyncset.done $0x0  }
0x19f: {  	[sflag:s12] =	ssyncadd.s32 $0xFFFFC000  }
0x1a0: {  	_ =	swait.ge [sflag:s12], $0x4000  }
0x1a1: {  	[sflag:s12] =	ssyncset.done $0x0  }
0x1a2: {  	[sflag:s12] =	ssyncadd.s32 $0xFFFFC000  }
0x1a3: {  	_ =	swait.ge [sflag:s12], $0x4000  }
0x1a4: {  	[sflag:s12] =	ssyncset.done $0x0  }
0x1a5: {  	[sflag:s12] =	ssyncadd.s32 $0xFFFFC000  }
0x1a6: {  	_ =	swait.ge [sflag:s12], $0x4000  }
0x1a7: {  	[sflag:s12] =	ssyncset.done $0x0  }
0x1a8: {  	s0 =	simm.s32 $0x0;
	[sflag:s12] =	ssyncadd.s32 $0xFFFFC000  }
.LBB2_9:
0x1a9: {  	s3 =	sshll.u32 s0, $0x7  }
0x1aa: {  	s3 =	sand.u32 $0x3FFFFF80, s3  }
0x1ab: {  	s10 =	sshll.u32 s0, $0xE;
	s3 =	sadd.s32 $0xA00, s3  }
0x1ac: {  	s10 =	sand.u32 $0x3FFFC000, s10;
	v17 =	vmov s3  }
0x1ad: {  	s10 =	sor.u32 $0xC00, s10  }
0x1ae: {  	v18 =	vmov s10;
	s3 =	simm.s32 $0x0  }
.LBB2_10:
0x1af: {  	s10 =	sshll.u32 s3, $0x4  }
0x1b0: {  	s10 =	sand.u32 $0x3FFFFFF0, s10  }
0x1b1: {  	s28 =	sshll.u32 s3, $0xB;
	v19 =	vld.idx.msk [tilespmem:v17+s10+$0x0 ss:$0x1], $0xffff  }
0x1b2: {  	s10 =	sand.u32 $0x3FFFF800, s28  }
0x1b3: {  	v20 =	vld.idx.msk [tilespmem:v18+s10+$0x0 ss:$0x1], $0xffff;
	_ =	sdelay $0x2  }
0x1b4: {  	v21 =	vperm.xlane v19, v1;
	_ =	sdelay $0x1  }
0x1b5: {  	v20 =	vmul.f32 v20, v21;
	_ =	sdelay $0x1  }
0x1b6: {  	[tilespmem:v18+s10+$0x0 ss:$0x1] =	vst.idx.msk $0xffff, v20  }
0x1b7: {  	v20 =	vld.idx.msk [tilespmem:v18+s10+$0x10 ss:$0x1], $0xffff;
	_ =	sdelay $0x4  }
0x1b8: {  	v20 =	vmul.f32 v20, v21;
	_ =	sdelay $0x1  }
0x1b9: {  	[tilespmem:v18+s10+$0x10 ss:$0x1] =	vst.idx.msk $0xffff, v20  }
0x1ba: {  	v20 =	vld.idx.msk [tilespmem:v18+s10+$0x20 ss:$0x1], $0xffff;
	_ =	sdelay $0x4  }
0x1bb: {  	v20 =	vmul.f32 v20, v21;
	_ =	sdelay $0x1  }
0x1bc: {  	[tilespmem:v18+s10+$0x20 ss:$0x1] =	vst.idx.msk $0xffff, v20  }
0x1bd: {  	v20 =	vld.idx.msk [tilespmem:v18+s10+$0x30 ss:$0x1], $0xffff;
	_ =	sdelay $0x4  }
0x1be: {  	v20 =	vmul.f32 v20, v21;
	_ =	sdelay $0x1  }
0x1bf: {  	[tilespmem:v18+s10+$0x30 ss:$0x1] =	vst.idx.msk $0xffff, v20  }
0x1c0: {  	v20 =	vld.idx.msk [tilespmem:v18+s10+$0x40 ss:$0x1], $0xffff;
	_ =	sdelay $0x4  }
0x1c1: {  	v20 =	vmul.f32 v20, v21;
	_ =	sdelay $0x1  }
0x1c2: {  	[tilespmem:v18+s10+$0x40 ss:$0x1] =	vst.idx.msk $0xffff, v20  }
0x1c3: {  	v20 =	vld.idx.msk [tilespmem:v18+s10+$0x50 ss:$0x1], $0xffff;
	_ =	sdelay $0x4  }
0x1c4: {  	v20 =	vmul.f32 v20, v21;
	_ =	sdelay $0x1  }
0x1c5: {  	[tilespmem:v18+s10+$0x50 ss:$0x1] =	vst.idx.msk $0xffff, v20  }
0x1c6: {  	v20 =	vld.idx.msk [tilespmem:v18+s10+$0x60 ss:$0x1], $0xffff;
	_ =	sdelay $0x4  }
0x1c7: {  	v20 =	vmul.f32 v20, v21;
	_ =	sdelay $0x1  }
0x1c8: {  	[tilespmem:v18+s10+$0x60 ss:$0x1] =	vst.idx.msk $0xffff, v20  }
0x1c9: {  	v20 =	vld.idx.msk [tilespmem:v18+s10+$0x70 ss:$0x1], $0xffff;
	_ =	sdelay $0x4  }
0x1ca: {  	v20 =	vmul.f32 v20, v21;
	_ =	sdelay $0x1  }
0x1cb: {  	[tilespmem:v18+s10+$0x70 ss:$0x1] =	vst.idx.msk $0xffff, v20  }
0x1cc: {  	v20 =	vld.idx.msk [tilespmem:v18+s10+$0x80 ss:$0x1], $0xffff;
	_ =	sdelay $0x2  }
0x1cd: {  	v50 =	vperm.xlane v19, v2;
	_ =	sdelay $0x1  }
0x1ce: {  	v20 =	vmul.f32 v20, v50;
	_ =	sdelay $0x1  }
0x1cf: {  	[tilespmem:v18+s10+$0x80 ss:$0x1] =	vst.idx.msk $0xffff, v20  }
0x1d0: {  	v20 =	vld.idx.msk [tilespmem:v18+s10+$0x90 ss:$0x1], $0xffff;
	_ =	sdelay $0x4  }
0x1d1: {  	v20 =	vmul.f32 v20, v50;
	_ =	sdelay $0x1  }
0x1d2: {  	[tilespmem:v18+s10+$0x90 ss:$0x1] =	vst.idx.msk $0xffff, v20  }
0x1d3: {  	v20 =	vld.idx.msk [tilespmem:v18+s10+$0xA0 ss:$0x1], $0xffff;
	_ =	sdelay $0x4  }
0x1d4: {  	v20 =	vmul.f32 v20, v50;
	_ =	sdelay $0x1  }
0x1d5: {  	[tilespmem:v18+s10+$0xA0 ss:$0x1] =	vst.idx.msk $0xffff, v20  }
0x1d6: {  	v20 =	vld.idx.msk [tilespmem:v18+s10+$0xB0 ss:$0x1], $0xffff;
	_ =	sdelay $0x4  }
0x1d7: {  	v20 =	vmul.f32 v20, v50;
	_ =	sdelay $0x1  }
0x1d8: {  	[tilespmem:v18+s10+$0xB0 ss:$0x1] =	vst.idx.msk $0xffff, v20  }
0x1d9: {  	v20 =	vld.idx.msk [tilespmem:v18+s10+$0xC0 ss:$0x1], $0xffff;
	_ =	sdelay $0x4  }
0x1da: {  	v20 =	vmul.f32 v20, v50;
	_ =	sdelay $0x1  }
0x1db: {  	[tilespmem:v18+s10+$0xC0 ss:$0x1] =	vst.idx.msk $0xffff, v20  }
0x1dc: {  	v20 =	vld.idx.msk [tilespmem:v18+s10+$0xD0 ss:$0x1], $0xffff;
	_ =	sdelay $0x4  }
0x1dd: {  	v20 =	vmul.f32 v20, v50;
	_ =	sdelay $0x1  }
0x1de: {  	[tilespmem:v18+s10+$0xD0 ss:$0x1] =	vst.idx.msk $0xffff, v20  }
0x1df: {  	v20 =	vld.idx.msk [tilespmem:v18+s10+$0xE0 ss:$0x1], $0xffff;
	_ =	sdelay $0x4  }
0x1e0: {  	v20 =	vmul.f32 v20, v50;
	_ =	sdelay $0x1  }
0x1e1: {  	[tilespmem:v18+s10+$0xE0 ss:$0x1] =	vst.idx.msk $0xffff, v20  }
0x1e2: {  	v20 =	vld.idx.msk [tilespmem:v18+s10+$0xF0 ss:$0x1], $0xffff;
	_ =	sdelay $0x4  }
0x1e3: {  	v20 =	vmul.f32 v20, v50;
	_ =	sdelay $0x1  }
0x1e4: {  	[tilespmem:v18+s10+$0xF0 ss:$0x1] =	vst.idx.msk $0xffff, v20  }
0x1e5: {  	v20 =	vld.idx.msk [tilespmem:v18+s10+$0x100 ss:$0x1], $0xffff;
	_ =	sdelay $0x2  }
0x1e6: {  	v51 =	vperm.xlane v19, v3;
	_ =	sdelay $0x1  }
0x1e7: {  	v20 =	vmul.f32 v20, v51;
	_ =	sdelay $0x1  }
0x1e8: {  	[tilespmem:v18+s10+$0x100 ss:$0x1] =	vst.idx.msk $0xffff, v20  }
0x1e9: {  	v20 =	vld.idx.msk [tilespmem:v18+s10+$0x110 ss:$0x1], $0xffff;
	_ =	sdelay $0x4  }
0x1ea: {  	v20 =	vmul.f32 v20, v51;
	_ =	sdelay $0x1  }
0x1eb: {  	[tilespmem:v18+s10+$0x110 ss:$0x1] =	vst.idx.msk $0xffff, v20  }
0x1ec: {  	v20 =	vld.idx.msk [tilespmem:v18+s10+$0x120 ss:$0x1], $0xffff;
	_ =	sdelay $0x4  }
0x1ed: {  	v20 =	vmul.f32 v20, v51;
	_ =	sdelay $0x1  }
0x1ee: {  	[tilespmem:v18+s10+$0x120 ss:$0x1] =	vst.idx.msk $0xffff, v20  }
0x1ef: {  	v20 =	vld.idx.msk [tilespmem:v18+s10+$0x130 ss:$0x1], $0xffff;
	_ =	sdelay $0x4  }
0x1f0: {  	v20 =	vmul.f32 v20, v51;
	_ =	sdelay $0x1  }
0x1f1: {  	[tilespmem:v18+s10+$0x130 ss:$0x1] =	vst.idx.msk $0xffff, v20  }
0x1f2: {  	v20 =	vld.idx.msk [tilespmem:v18+s10+$0x140 ss:$0x1], $0xffff;
	_ =	sdelay $0x4  }
0x1f3: {  	v20 =	vmul.f32 v20, v51;
	_ =	sdelay $0x1  }
0x1f4: {  	[tilespmem:v18+s10+$0x140 ss:$0x1] =	vst.idx.msk $0xffff, v20  }
0x1f5: {  	v20 =	vld.idx.msk [tilespmem:v18+s10+$0x150 ss:$0x1], $0xffff;
	_ =	sdelay $0x4  }
0x1f6: {  	v20 =	vmul.f32 v20, v51;
	_ =	sdelay $0x1  }
0x1f7: {  	[tilespmem:v18+s10+$0x150 ss:$0x1] =	vst.idx.msk $0xffff, v20  }
0x1f8: {  	v20 =	vld.idx.msk [tilespmem:v18+s10+$0x160 ss:$0x1], $0xffff;
	_ =	sdelay $0x4  }
0x1f9: {  	v20 =	vmul.f32 v20, v51;
	_ =	sdelay $0x1  }
0x1fa: {  	[tilespmem:v18+s10+$0x160 ss:$0x1] =	vst.idx.msk $0xffff, v20  }
0x1fb: {  	v20 =	vld.idx.msk [tilespmem:v18+s10+$0x170 ss:$0x1], $0xffff;
	_ =	sdelay $0x4  }
0x1fc: {  	v20 =	vmul.f32 v20, v51;
	_ =	sdelay $0x1  }
0x1fd: {  	[tilespmem:v18+s10+$0x170 ss:$0x1] =	vst.idx.msk $0xffff, v20  }
0x1fe: {  	v20 =	vld.idx.msk [tilespmem:v18+s10+$0x180 ss:$0x1], $0xffff;
	_ =	sdelay $0x2  }
0x1ff: {  	v52 =	vperm.xlane v19, v4;
	_ =	sdelay $0x1  }
0x200: {  	v20 =	vmul.f32 v20, v52;
	_ =	sdelay $0x1  }
0x201: {  	[tilespmem:v18+s10+$0x180 ss:$0x1] =	vst.idx.msk $0xffff, v20  }
0x202: {  	v20 =	vld.idx.msk [tilespmem:v18+s10+$0x190 ss:$0x1], $0xffff;
	_ =	sdelay $0x4  }
0x203: {  	v20 =	vmul.f32 v20, v52;
	_ =	sdelay $0x1  }
0x204: {  	[tilespmem:v18+s10+$0x190 ss:$0x1] =	vst.idx.msk $0xffff, v20  }
0x205: {  	v20 =	vld.idx.msk [tilespmem:v18+s10+$0x1A0 ss:$0x1], $0xffff;
	_ =	sdelay $0x4  }
0x206: {  	v20 =	vmul.f32 v20, v52;
	_ =	sdelay $0x1  }
0x207: {  	[tilespmem:v18+s10+$0x1A0 ss:$0x1] =	vst.idx.msk $0xffff, v20  }
0x208: {  	v20 =	vld.idx.msk [tilespmem:v18+s10+$0x1B0 ss:$0x1], $0xffff;
	_ =	sdelay $0x4  }
0x209: {  	v20 =	vmul.f32 v20, v52;
	_ =	sdelay $0x1  }
0x20a: {  	[tilespmem:v18+s10+$0x1B0 ss:$0x1] =	vst.idx.msk $0xffff, v20  }
0x20b: {  	v20 =	vld.idx.msk [tilespmem:v18+s10+$0x1C0 ss:$0x1], $0xffff;
	_ =	sdelay $0x4  }
0x20c: {  	v20 =	vmul.f32 v20, v52;
	_ =	sdelay $0x1  }
0x20d: {  	[tilespmem:v18+s10+$0x1C0 ss:$0x1] =	vst.idx.msk $0xffff, v20  }
0x20e: {  	v20 =	vld.idx.msk [tilespmem:v18+s10+$0x1D0 ss:$0x1], $0xffff;
	_ =	sdelay $0x4  }
0x20f: {  	v20 =	vmul.f32 v20, v52;
	_ =	sdelay $0x1  }
0x210: {  	[tilespmem:v18+s10+$0x1D0 ss:$0x1] =	vst.idx.msk $0xffff, v20  }
0x211: {  	v20 =	vld.idx.msk [tilespmem:v18+s10+$0x1E0 ss:$0x1], $0xffff;
	_ =	sdelay $0x4  }
0x212: {  	v20 =	vmul.f32 v20, v52;
	_ =	sdelay $0x1  }
0x213: {  	[tilespmem:v18+s10+$0x1E0 ss:$0x1] =	vst.idx.msk $0xffff, v20  }
0x214: {  	v20 =	vld.idx.msk [tilespmem:v18+s10+$0x1F0 ss:$0x1], $0xffff;
	_ =	sdelay $0x4  }
0x215: {  	v20 =	vmul.f32 v20, v52;
	_ =	sdelay $0x1  }
0x216: {  	[tilespmem:v18+s10+$0x1F0 ss:$0x1] =	vst.idx.msk $0xffff, v20  }
0x217: {  	v20 =	vld.idx.msk [tilespmem:v18+s10+$0x200 ss:$0x1], $0xffff;
	_ =	sdelay $0x2  }
0x218: {  	v53 =	vperm.xlane v19, v5;
	_ =	sdelay $0x1  }
0x219: {  	v20 =	vmul.f32 v20, v53;
	_ =	sdelay $0x1  }
0x21a: {  	[tilespmem:v18+s10+$0x200 ss:$0x1] =	vst.idx.msk $0xffff, v20  }
0x21b: {  	v20 =	vld.idx.msk [tilespmem:v18+s10+$0x210 ss:$0x1], $0xffff;
	_ =	sdelay $0x4  }
0x21c: {  	v20 =	vmul.f32 v20, v53;
	_ =	sdelay $0x1  }
0x21d: {  	[tilespmem:v18+s10+$0x210 ss:$0x1] =	vst.idx.msk $0xffff, v20  }
0x21e: {  	v20 =	vld.idx.msk [tilespmem:v18+s10+$0x220 ss:$0x1], $0xffff;
	_ =	sdelay $0x4  }
0x21f: {  	v20 =	vmul.f32 v20, v53;
	_ =	sdelay $0x1  }
0x220: {  	[tilespmem:v18+s10+$0x220 ss:$0x1] =	vst.idx.msk $0xffff, v20  }
0x221: {  	v20 =	vld.idx.msk [tilespmem:v18+s10+$0x230 ss:$0x1], $0xffff;
	_ =	sdelay $0x4  }
0x222: {  	v20 =	vmul.f32 v20, v53;
	_ =	sdelay $0x1  }
0x223: {  	[tilespmem:v18+s10+$0x230 ss:$0x1] =	vst.idx.msk $0xffff, v20  }
0x224: {  	v20 =	vld.idx.msk [tilespmem:v18+s10+$0x240 ss:$0x1], $0xffff;
	_ =	sdelay $0x4  }
0x225: {  	v20 =	vmul.f32 v20, v53;
	_ =	sdelay $0x1  }
0x226: {  	[tilespmem:v18+s10+$0x240 ss:$0x1] =	vst.idx.msk $0xffff, v20  }
0x227: {  	v20 =	vld.idx.msk [tilespmem:v18+s10+$0x250 ss:$0x1], $0xffff;
	_ =	sdelay $0x4  }
0x228: {  	v20 =	vmul.f32 v20, v53;
	_ =	sdelay $0x1  }
0x229: {  	[tilespmem:v18+s10+$0x250 ss:$0x1] =	vst.idx.msk $0xffff, v20  }
0x22a: {  	v20 =	vld.idx.msk [tilespmem:v18+s10+$0x260 ss:$0x1], $0xffff;
	_ =	sdelay $0x4  }
0x22b: {  	v20 =	vmul.f32 v20, v53;
	_ =	sdelay $0x1  }
0x22c: {  	[tilespmem:v18+s10+$0x260 ss:$0x1] =	vst.idx.msk $0xffff, v20  }
0x22d: {  	v20 =	vld.idx.msk [tilespmem:v18+s10+$0x270 ss:$0x1], $0xffff;
	_ =	sdelay $0x4  }
0x22e: {  	v20 =	vmul.f32 v20, v53;
	_ =	sdelay $0x1  }
0x22f: {  	[tilespmem:v18+s10+$0x270 ss:$0x1] =	vst.idx.msk $0xffff, v20  }
0x230: {  	v20 =	vld.idx.msk [tilespmem:v18+s10+$0x280 ss:$0x1], $0xffff;
	_ =	sdelay $0x2  }
0x231: {  	v54 =	vperm.xlane v19, v6;
	_ =	sdelay $0x1  }
0x232: {  	v20 =	vmul.f32 v20, v54;
	_ =	sdelay $0x1  }
0x233: {  	[tilespmem:v18+s10+$0x280 ss:$0x1] =	vst.idx.msk $0xffff, v20  }
0x234: {  	v20 =	vld.idx.msk [tilespmem:v18+s10+$0x290 ss:$0x1], $0xffff;
	_ =	sdelay $0x4  }
0x235: {  	v20 =	vmul.f32 v20, v54;
	_ =	sdelay $0x1  }
0x236: {  	[tilespmem:v18+s10+$0x290 ss:$0x1] =	vst.idx.msk $0xffff, v20  }
0x237: {  	v20 =	vld.idx.msk [tilespmem:v18+s10+$0x2A0 ss:$0x1], $0xffff;
	_ =	sdelay $0x4  }
0x238: {  	v20 =	vmul.f32 v20, v54;
	_ =	sdelay $0x1  }
0x239: {  	[tilespmem:v18+s10+$0x2A0 ss:$0x1] =	vst.idx.msk $0xffff, v20  }
0x23a: {  	v20 =	vld.idx.msk [tilespmem:v18+s10+$0x2B0 ss:$0x1], $0xffff;
	_ =	sdelay $0x4  }
0x23b: {  	v20 =	vmul.f32 v20, v54;
	_ =	sdelay $0x1  }
0x23c: {  	[tilespmem:v18+s10+$0x2B0 ss:$0x1] =	vst.idx.msk $0xffff, v20  }
0x23d: {  	v20 =	vld.idx.msk [tilespmem:v18+s10+$0x2C0 ss:$0x1], $0xffff;
	_ =	sdelay $0x4  }
0x23e: {  	v20 =	vmul.f32 v20, v54;
	_ =	sdelay $0x1  }
0x23f: {  	[tilespmem:v18+s10+$0x2C0 ss:$0x1] =	vst.idx.msk $0xffff, v20  }
0x240: {  	v20 =	vld.idx.msk [tilespmem:v18+s10+$0x2D0 ss:$0x1], $0xffff;
	_ =	sdelay $0x4  }
0x241: {  	v20 =	vmul.f32 v20, v54;
	_ =	sdelay $0x1  }
0x242: {  	[tilespmem:v18+s10+$0x2D0 ss:$0x1] =	vst.idx.msk $0xffff, v20  }
0x243: {  	v20 =	vld.idx.msk [tilespmem:v18+s10+$0x2E0 ss:$0x1], $0xffff;
	_ =	sdelay $0x4  }
0x244: {  	v20 =	vmul.f32 v20, v54;
	_ =	sdelay $0x1  }
0x245: {  	[tilespmem:v18+s10+$0x2E0 ss:$0x1] =	vst.idx.msk $0xffff, v20  }
0x246: {  	v20 =	vld.idx.msk [tilespmem:v18+s10+$0x2F0 ss:$0x1], $0xffff;
	_ =	sdelay $0x4  }
0x247: {  	v20 =	vmul.f32 v20, v54;
	_ =	sdelay $0x1  }
0x248: {  	[tilespmem:v18+s10+$0x2F0 ss:$0x1] =	vst.idx.msk $0xffff, v20  }
0x249: {  	v20 =	vld.idx.msk [tilespmem:v18+s10+$0x300 ss:$0x1], $0xffff;
	_ =	sdelay $0x2  }
0x24a: {  	v55 =	vperm.xlane v19, v7;
	_ =	sdelay $0x1  }
0x24b: {  	v20 =	vmul.f32 v20, v55;
	_ =	sdelay $0x1  }
0x24c: {  	[tilespmem:v18+s10+$0x300 ss:$0x1] =	vst.idx.msk $0xffff, v20  }
0x24d: {  	v20 =	vld.idx.msk [tilespmem:v18+s10+$0x310 ss:$0x1], $0xffff;
	_ =	sdelay $0x4  }
0x24e: {  	v20 =	vmul.f32 v20, v55;
	_ =	sdelay $0x1  }
0x24f: {  	[tilespmem:v18+s10+$0x310 ss:$0x1] =	vst.idx.msk $0xffff, v20  }
0x250: {  	v20 =	vld.idx.msk [tilespmem:v18+s10+$0x320 ss:$0x1], $0xffff;
	_ =	sdelay $0x4  }
0x251: {  	v20 =	vmul.f32 v20, v55;
	_ =	sdelay $0x1  }
0x252: {  	[tilespmem:v18+s10+$0x320 ss:$0x1] =	vst.idx.msk $0xffff, v20  }
0x253: {  	v20 =	vld.idx.msk [tilespmem:v18+s10+$0x330 ss:$0x1], $0xffff;
	_ =	sdelay $0x4  }
0x254: {  	v20 =	vmul.f32 v20, v55;
	_ =	sdelay $0x1  }
0x255: {  	[tilespmem:v18+s10+$0x330 ss:$0x1] =	vst.idx.msk $0xffff, v20  }
0x256: {  	v20 =	vld.idx.msk [tilespmem:v18+s10+$0x340 ss:$0x1], $0xffff;
	_ =	sdelay $0x4  }
0x257: {  	v20 =	vmul.f32 v20, v55;
	_ =	sdelay $0x1  }
0x258: {  	[tilespmem:v18+s10+$0x340 ss:$0x1] =	vst.idx.msk $0xffff, v20  }
0x259: {  	v20 =	vld.idx.msk [tilespmem:v18+s10+$0x350 ss:$0x1], $0xffff;
	_ =	sdelay $0x4  }
0x25a: {  	v20 =	vmul.f32 v20, v55;
	_ =	sdelay $0x1  }
0x25b: {  	[tilespmem:v18+s10+$0x350 ss:$0x1] =	vst.idx.msk $0xffff, v20  }
0x25c: {  	v20 =	vld.idx.msk [tilespmem:v18+s10+$0x360 ss:$0x1], $0xffff;
	_ =	sdelay $0x4  }
0x25d: {  	v20 =	vmul.f32 v20, v55;
	_ =	sdelay $0x1  }
0x25e: {  	[tilespmem:v18+s10+$0x360 ss:$0x1] =	vst.idx.msk $0xffff, v20  }
0x25f: {  	v20 =	vld.idx.msk [tilespmem:v18+s10+$0x370 ss:$0x1], $0xffff;
	_ =	sdelay $0x4  }
0x260: {  	v20 =	vmul.f32 v20, v55;
	_ =	sdelay $0x1  }
0x261: {  	[tilespmem:v18+s10+$0x370 ss:$0x1] =	vst.idx.msk $0xffff, v20  }
0x262: {  	v20 =	vld.idx.msk [tilespmem:v18+s10+$0x380 ss:$0x1], $0xffff;
	_ =	sdelay $0x2  }
0x263: {  	v56 =	vperm.xlane v19, v8;
	_ =	sdelay $0x1  }
0x264: {  	v20 =	vmul.f32 v20, v56;
	_ =	sdelay $0x1  }
0x265: {  	[tilespmem:v18+s10+$0x380 ss:$0x1] =	vst.idx.msk $0xffff, v20  }
0x266: {  	v20 =	vld.idx.msk [tilespmem:v18+s10+$0x390 ss:$0x1], $0xffff;
	_ =	sdelay $0x4  }
0x267: {  	v20 =	vmul.f32 v20, v56;
	_ =	sdelay $0x1  }
0x268: {  	[tilespmem:v18+s10+$0x390 ss:$0x1] =	vst.idx.msk $0xffff, v20  }
0x269: {  	v20 =	vld.idx.msk [tilespmem:v18+s10+$0x3A0 ss:$0x1], $0xffff;
	_ =	sdelay $0x4  }
0x26a: {  	v20 =	vmul.f32 v20, v56;
	_ =	sdelay $0x1  }
0x26b: {  	[tilespmem:v18+s10+$0x3A0 ss:$0x1] =	vst.idx.msk $0xffff, v20  }
0x26c: {  	v20 =	vld.idx.msk [tilespmem:v18+s10+$0x3B0 ss:$0x1], $0xffff;
	_ =	sdelay $0x4  }
0x26d: {  	v20 =	vmul.f32 v20, v56;
	_ =	sdelay $0x1  }
0x26e: {  	[tilespmem:v18+s10+$0x3B0 ss:$0x1] =	vst.idx.msk $0xffff, v20  }
0x26f: {  	v20 =	vld.idx.msk [tilespmem:v18+s10+$0x3C0 ss:$0x1], $0xffff;
	_ =	sdelay $0x4  }
0x270: {  	v20 =	vmul.f32 v20, v56;
	_ =	sdelay $0x1  }
0x271: {  	[tilespmem:v18+s10+$0x3C0 ss:$0x1] =	vst.idx.msk $0xffff, v20  }
0x272: {  	v20 =	vld.idx.msk [tilespmem:v18+s10+$0x3D0 ss:$0x1], $0xffff;
	_ =	sdelay $0x4  }
0x273: {  	v20 =	vmul.f32 v20, v56;
	_ =	sdelay $0x1  }
0x274: {  	[tilespmem:v18+s10+$0x3D0 ss:$0x1] =	vst.idx.msk $0xffff, v20  }
0x275: {  	v20 =	vld.idx.msk [tilespmem:v18+s10+$0x3E0 ss:$0x1], $0xffff;
	_ =	sdelay $0x4  }
0x276: {  	v20 =	vmul.f32 v20, v56;
	_ =	sdelay $0x1  }
0x277: {  	[tilespmem:v18+s10+$0x3E0 ss:$0x1] =	vst.idx.msk $0xffff, v20  }
0x278: {  	v20 =	vld.idx.msk [tilespmem:v18+s10+$0x3F0 ss:$0x1], $0xffff;
	_ =	sdelay $0x4  }
0x279: {  	v20 =	vmul.f32 v20, v56;
	_ =	sdelay $0x1  }
0x27a: {  	[tilespmem:v18+s10+$0x3F0 ss:$0x1] =	vst.idx.msk $0xffff, v20  }
0x27b: {  	v20 =	vld.idx.msk [tilespmem:v18+s10+$0x400 ss:$0x1], $0xffff;
	_ =	sdelay $0x2  }
0x27c: {  	v57 =	vperm.xlane v19, v9;
	_ =	sdelay $0x1  }
0x27d: {  	v20 =	vmul.f32 v20, v57;
	_ =	sdelay $0x1  }
0x27e: {  	[tilespmem:v18+s10+$0x400 ss:$0x1] =	vst.idx.msk $0xffff, v20  }
0x27f: {  	v20 =	vld.idx.msk [tilespmem:v18+s10+$0x410 ss:$0x1], $0xffff;
	_ =	sdelay $0x4  }
0x280: {  	v20 =	vmul.f32 v20, v57;
	_ =	sdelay $0x1  }
0x281: {  	[tilespmem:v18+s10+$0x410 ss:$0x1] =	vst.idx.msk $0xffff, v20  }
0x282: {  	v20 =	vld.idx.msk [tilespmem:v18+s10+$0x420 ss:$0x1], $0xffff;
	_ =	sdelay $0x4  }
0x283: {  	v20 =	vmul.f32 v20, v57;
	_ =	sdelay $0x1  }
0x284: {  	[tilespmem:v18+s10+$0x420 ss:$0x1] =	vst.idx.msk $0xffff, v20  }
0x285: {  	v20 =	vld.idx.msk [tilespmem:v18+s10+$0x430 ss:$0x1], $0xffff;
	_ =	sdelay $0x4  }
0x286: {  	v20 =	vmul.f32 v20, v57;
	_ =	sdelay $0x1  }
0x287: {  	[tilespmem:v18+s10+$0x430 ss:$0x1] =	vst.idx.msk $0xffff, v20  }
0x288: {  	v20 =	vld.idx.msk [tilespmem:v18+s10+$0x440 ss:$0x1], $0xffff;
	_ =	sdelay $0x4  }
0x289: {  	v20 =	vmul.f32 v20, v57;
	_ =	sdelay $0x1  }
0x28a: {  	[tilespmem:v18+s10+$0x440 ss:$0x1] =	vst.idx.msk $0xffff, v20  }
0x28b: {  	v20 =	vld.idx.msk [tilespmem:v18+s10+$0x450 ss:$0x1], $0xffff;
	_ =	sdelay $0x4  }
0x28c: {  	v20 =	vmul.f32 v20, v57;
	_ =	sdelay $0x1  }
0x28d: {  	[tilespmem:v18+s10+$0x450 ss:$0x1] =	vst.idx.msk $0xffff, v20  }
0x28e: {  	v20 =	vld.idx.msk [tilespmem:v18+s10+$0x460 ss:$0x1], $0xffff;
	_ =	sdelay $0x4  }
0x28f: {  	v20 =	vmul.f32 v20, v57;
	_ =	sdelay $0x1  }
0x290: {  	[tilespmem:v18+s10+$0x460 ss:$0x1] =	vst.idx.msk $0xffff, v20  }
0x291: {  	v20 =	vld.idx.msk [tilespmem:v18+s10+$0x470 ss:$0x1], $0xffff;
	_ =	sdelay $0x4  }
0x292: {  	v20 =	vmul.f32 v20, v57;
	_ =	sdelay $0x1  }
0x293: {  	[tilespmem:v18+s10+$0x470 ss:$0x1] =	vst.idx.msk $0xffff, v20  }
0x294: {  	v20 =	vld.idx.msk [tilespmem:v18+s10+$0x480 ss:$0x1], $0xffff;
	_ =	sdelay $0x2  }
0x295: {  	v58 =	vperm.xlane v19, v10;
	_ =	sdelay $0x1  }
0x296: {  	v20 =	vmul.f32 v20, v58;
	_ =	sdelay $0x1  }
0x297: {  	[tilespmem:v18+s10+$0x480 ss:$0x1] =	vst.idx.msk $0xffff, v20  }
0x298: {  	v20 =	vld.idx.msk [tilespmem:v18+s10+$0x490 ss:$0x1], $0xffff;
	_ =	sdelay $0x4  }
0x299: {  	v20 =	vmul.f32 v20, v58;
	_ =	sdelay $0x1  }
0x29a: {  	[tilespmem:v18+s10+$0x490 ss:$0x1] =	vst.idx.msk $0xffff, v20  }
0x29b: {  	v20 =	vld.idx.msk [tilespmem:v18+s10+$0x4A0 ss:$0x1], $0xffff;
	_ =	sdelay $0x4  }
0x29c: {  	v20 =	vmul.f32 v20, v58;
	_ =	sdelay $0x1  }
0x29d: {  	[tilespmem:v18+s10+$0x4A0 ss:$0x1] =	vst.idx.msk $0xffff, v20  }
0x29e: {  	v20 =	vld.idx.msk [tilespmem:v18+s10+$0x4B0 ss:$0x1], $0xffff;
	_ =	sdelay $0x4  }
0x29f: {  	v20 =	vmul.f32 v20, v58;
	_ =	sdelay $0x1  }
0x2a0: {  	[tilespmem:v18+s10+$0x4B0 ss:$0x1] =	vst.idx.msk $0xffff, v20  }
0x2a1: {  	v20 =	vld.idx.msk [tilespmem:v18+s10+$0x4C0 ss:$0x1], $0xffff;
	_ =	sdelay $0x4  }
0x2a2: {  	v20 =	vmul.f32 v20, v58;
	_ =	sdelay $0x1  }
0x2a3: {  	[tilespmem:v18+s10+$0x4C0 ss:$0x1] =	vst.idx.msk $0xffff, v20  }
0x2a4: {  	v20 =	vld.idx.msk [tilespmem:v18+s10+$0x4D0 ss:$0x1], $0xffff;
	_ =	sdelay $0x4  }
0x2a5: {  	v20 =	vmul.f32 v20, v58;
	_ =	sdelay $0x1  }
0x2a6: {  	[tilespmem:v18+s10+$0x4D0 ss:$0x1] =	vst.idx.msk $0xffff, v20  }
0x2a7: {  	v20 =	vld.idx.msk [tilespmem:v18+s10+$0x4E0 ss:$0x1], $0xffff;
	_ =	sdelay $0x4  }
0x2a8: {  	v20 =	vmul.f32 v20, v58;
	_ =	sdelay $0x1  }
0x2a9: {  	[tilespmem:v18+s10+$0x4E0 ss:$0x1] =	vst.idx.msk $0xffff, v20  }
0x2aa: {  	v20 =	vld.idx.msk [tilespmem:v18+s10+$0x4F0 ss:$0x1], $0xffff;
	_ =	sdelay $0x4  }
0x2ab: {  	v20 =	vmul.f32 v20, v58;
	_ =	sdelay $0x1  }
0x2ac: {  	[tilespmem:v18+s10+$0x4F0 ss:$0x1] =	vst.idx.msk $0xffff, v20  }
0x2ad: {  	v20 =	vld.idx.msk [tilespmem:v18+s10+$0x500 ss:$0x1], $0xffff;
	_ =	sdelay $0x2  }
0x2ae: {  	v59 =	vperm.xlane v19, v11;
	_ =	sdelay $0x1  }
0x2af: {  	v20 =	vmul.f32 v20, v59;
	_ =	sdelay $0x1  }
0x2b0: {  	[tilespmem:v18+s10+$0x500 ss:$0x1] =	vst.idx.msk $0xffff, v20  }
0x2b1: {  	v20 =	vld.idx.msk [tilespmem:v18+s10+$0x510 ss:$0x1], $0xffff;
	_ =	sdelay $0x4  }
0x2b2: {  	v20 =	vmul.f32 v20, v59;
	_ =	sdelay $0x1  }
0x2b3: {  	[tilespmem:v18+s10+$0x510 ss:$0x1] =	vst.idx.msk $0xffff, v20  }
0x2b4: {  	v20 =	vld.idx.msk [tilespmem:v18+s10+$0x520 ss:$0x1], $0xffff;
	_ =	sdelay $0x4  }
0x2b5: {  	v20 =	vmul.f32 v20, v59;
	_ =	sdelay $0x1  }
0x2b6: {  	[tilespmem:v18+s10+$0x520 ss:$0x1] =	vst.idx.msk $0xffff, v20  }
0x2b7: {  	v20 =	vld.idx.msk [tilespmem:v18+s10+$0x530 ss:$0x1], $0xffff;
	_ =	sdelay $0x4  }
0x2b8: {  	v20 =	vmul.f32 v20, v59;
	_ =	sdelay $0x1  }
0x2b9: {  	[tilespmem:v18+s10+$0x530 ss:$0x1] =	vst.idx.msk $0xffff, v20  }
0x2ba: {  	v20 =	vld.idx.msk [tilespmem:v18+s10+$0x540 ss:$0x1], $0xffff;
	_ =	sdelay $0x4  }
0x2bb: {  	v20 =	vmul.f32 v20, v59;
	_ =	sdelay $0x1  }
0x2bc: {  	[tilespmem:v18+s10+$0x540 ss:$0x1] =	vst.idx.msk $0xffff, v20  }
0x2bd: {  	v20 =	vld.idx.msk [tilespmem:v18+s10+$0x550 ss:$0x1], $0xffff;
	_ =	sdelay $0x4  }
0x2be: {  	v20 =	vmul.f32 v20, v59;
	_ =	sdelay $0x1  }
0x2bf: {  	[tilespmem:v18+s10+$0x550 ss:$0x1] =	vst.idx.msk $0xffff, v20  }
0x2c0: {  	v20 =	vld.idx.msk [tilespmem:v18+s10+$0x560 ss:$0x1], $0xffff;
	_ =	sdelay $0x4  }
0x2c1: {  	v20 =	vmul.f32 v20, v59;
	_ =	sdelay $0x1  }
0x2c2: {  	[tilespmem:v18+s10+$0x560 ss:$0x1] =	vst.idx.msk $0xffff, v20  }
0x2c3: {  	v20 =	vld.idx.msk [tilespmem:v18+s10+$0x570 ss:$0x1], $0xffff;
	_ =	sdelay $0x4  }
0x2c4: {  	v20 =	vmul.f32 v20, v59;
	_ =	sdelay $0x1  }
0x2c5: {  	[tilespmem:v18+s10+$0x570 ss:$0x1] =	vst.idx.msk $0xffff, v20  }
0x2c6: {  	v20 =	vld.idx.msk [tilespmem:v18+s10+$0x580 ss:$0x1], $0xffff;
	_ =	sdelay $0x2  }
0x2c7: {  	v60 =	vperm.xlane v19, v12;
	_ =	sdelay $0x1  }
0x2c8: {  	v20 =	vmul.f32 v20, v60;
	_ =	sdelay $0x1  }
0x2c9: {  	[tilespmem:v18+s10+$0x580 ss:$0x1] =	vst.idx.msk $0xffff, v20  }
0x2ca: {  	v20 =	vld.idx.msk [tilespmem:v18+s10+$0x590 ss:$0x1], $0xffff;
	_ =	sdelay $0x4  }
0x2cb: {  	v20 =	vmul.f32 v20, v60;
	_ =	sdelay $0x1  }
0x2cc: {  	[tilespmem:v18+s10+$0x590 ss:$0x1] =	vst.idx.msk $0xffff, v20  }
0x2cd: {  	v20 =	vld.idx.msk [tilespmem:v18+s10+$0x5A0 ss:$0x1], $0xffff;
	_ =	sdelay $0x4  }
0x2ce: {  	v20 =	vmul.f32 v20, v60;
	_ =	sdelay $0x1  }
0x2cf: {  	[tilespmem:v18+s10+$0x5A0 ss:$0x1] =	vst.idx.msk $0xffff, v20  }
0x2d0: {  	v20 =	vld.idx.msk [tilespmem:v18+s10+$0x5B0 ss:$0x1], $0xffff;
	_ =	sdelay $0x4  }
0x2d1: {  	v20 =	vmul.f32 v20, v60;
	_ =	sdelay $0x1  }
0x2d2: {  	[tilespmem:v18+s10+$0x5B0 ss:$0x1] =	vst.idx.msk $0xffff, v20  }
0x2d3: {  	v20 =	vld.idx.msk [tilespmem:v18+s10+$0x5C0 ss:$0x1], $0xffff;
	_ =	sdelay $0x4  }
0x2d4: {  	v20 =	vmul.f32 v20, v60;
	_ =	sdelay $0x1  }
0x2d5: {  	[tilespmem:v18+s10+$0x5C0 ss:$0x1] =	vst.idx.msk $0xffff, v20  }
0x2d6: {  	v20 =	vld.idx.msk [tilespmem:v18+s10+$0x5D0 ss:$0x1], $0xffff;
	_ =	sdelay $0x4  }
0x2d7: {  	v20 =	vmul.f32 v20, v60;
	_ =	sdelay $0x1  }
0x2d8: {  	[tilespmem:v18+s10+$0x5D0 ss:$0x1] =	vst.idx.msk $0xffff, v20  }
0x2d9: {  	v20 =	vld.idx.msk [tilespmem:v18+s10+$0x5E0 ss:$0x1], $0xffff;
	_ =	sdelay $0x4  }
0x2da: {  	v20 =	vmul.f32 v20, v60;
	_ =	sdelay $0x1  }
0x2db: {  	[tilespmem:v18+s10+$0x5E0 ss:$0x1] =	vst.idx.msk $0xffff, v20  }
0x2dc: {  	v20 =	vld.idx.msk [tilespmem:v18+s10+$0x5F0 ss:$0x1], $0xffff;
	_ =	sdelay $0x4  }
0x2dd: {  	v20 =	vmul.f32 v20, v60;
	_ =	sdelay $0x1  }
0x2de: {  	[tilespmem:v18+s10+$0x5F0 ss:$0x1] =	vst.idx.msk $0xffff, v20  }
0x2df: {  	v20 =	vld.idx.msk [tilespmem:v18+s10+$0x600 ss:$0x1], $0xffff;
	_ =	sdelay $0x2  }
0x2e0: {  	v61 =	vperm.xlane v19, v13;
	_ =	sdelay $0x1  }
0x2e1: {  	v20 =	vmul.f32 v20, v61;
	_ =	sdelay $0x1  }
0x2e2: {  	[tilespmem:v18+s10+$0x600 ss:$0x1] =	vst.idx.msk $0xffff, v20  }
0x2e3: {  	v20 =	vld.idx.msk [tilespmem:v18+s10+$0x610 ss:$0x1], $0xffff;
	_ =	sdelay $0x4  }
0x2e4: {  	v20 =	vmul.f32 v20, v61;
	_ =	sdelay $0x1  }
0x2e5: {  	[tilespmem:v18+s10+$0x610 ss:$0x1] =	vst.idx.msk $0xffff, v20  }
0x2e6: {  	v20 =	vld.idx.msk [tilespmem:v18+s10+$0x620 ss:$0x1], $0xffff;
	_ =	sdelay $0x4  }
0x2e7: {  	v20 =	vmul.f32 v20, v61;
	_ =	sdelay $0x1  }
0x2e8: {  	[tilespmem:v18+s10+$0x620 ss:$0x1] =	vst.idx.msk $0xffff, v20  }
0x2e9: {  	v20 =	vld.idx.msk [tilespmem:v18+s10+$0x630 ss:$0x1], $0xffff;
	_ =	sdelay $0x4  }
0x2ea: {  	v20 =	vmul.f32 v20, v61;
	_ =	sdelay $0x1  }
0x2eb: {  	[tilespmem:v18+s10+$0x630 ss:$0x1] =	vst.idx.msk $0xffff, v20  }
0x2ec: {  	v20 =	vld.idx.msk [tilespmem:v18+s10+$0x640 ss:$0x1], $0xffff;
	_ =	sdelay $0x4  }
0x2ed: {  	v20 =	vmul.f32 v20, v61;
	_ =	sdelay $0x1  }
0x2ee: {  	[tilespmem:v18+s10+$0x640 ss:$0x1] =	vst.idx.msk $0xffff, v20  }
0x2ef: {  	v20 =	vld.idx.msk [tilespmem:v18+s10+$0x650 ss:$0x1], $0xffff;
	_ =	sdelay $0x4  }
0x2f0: {  	v20 =	vmul.f32 v20, v61;
	_ =	sdelay $0x1  }
0x2f1: {  	[tilespmem:v18+s10+$0x650 ss:$0x1] =	vst.idx.msk $0xffff, v20  }
0x2f2: {  	v20 =	vld.idx.msk [tilespmem:v18+s10+$0x660 ss:$0x1], $0xffff;
	_ =	sdelay $0x4  }
0x2f3: {  	v20 =	vmul.f32 v20, v61;
	_ =	sdelay $0x1  }
0x2f4: {  	[tilespmem:v18+s10+$0x660 ss:$0x1] =	vst.idx.msk $0xffff, v20  }
0x2f5: {  	v20 =	vld.idx.msk [tilespmem:v18+s10+$0x670 ss:$0x1], $0xffff;
	_ =	sdelay $0x4  }
0x2f6: {  	v20 =	vmul.f32 v20, v61;
	_ =	sdelay $0x1  }
0x2f7: {  	[tilespmem:v18+s10+$0x670 ss:$0x1] =	vst.idx.msk $0xffff, v20  }
0x2f8: {  	v20 =	vld.idx.msk [tilespmem:v18+s10+$0x680 ss:$0x1], $0xffff;
	_ =	sdelay $0x2  }
0x2f9: {  	v62 =	vperm.xlane v19, v14;
	_ =	sdelay $0x1  }
0x2fa: {  	v20 =	vmul.f32 v20, v62;
	_ =	sdelay $0x1  }
0x2fb: {  	[tilespmem:v18+s10+$0x680 ss:$0x1] =	vst.idx.msk $0xffff, v20  }
0x2fc: {  	v20 =	vld.idx.msk [tilespmem:v18+s10+$0x690 ss:$0x1], $0xffff;
	_ =	sdelay $0x4  }
0x2fd: {  	v20 =	vmul.f32 v20, v62;
	_ =	sdelay $0x1  }
0x2fe: {  	[tilespmem:v18+s10+$0x690 ss:$0x1] =	vst.idx.msk $0xffff, v20  }
0x2ff: {  	v20 =	vld.idx.msk [tilespmem:v18+s10+$0x6A0 ss:$0x1], $0xffff;
	_ =	sdelay $0x4  }
0x300: {  	v20 =	vmul.f32 v20, v62;
	_ =	sdelay $0x1  }
0x301: {  	[tilespmem:v18+s10+$0x6A0 ss:$0x1] =	vst.idx.msk $0xffff, v20  }
0x302: {  	v20 =	vld.idx.msk [tilespmem:v18+s10+$0x6B0 ss:$0x1], $0xffff;
	_ =	sdelay $0x4  }
0x303: {  	v20 =	vmul.f32 v20, v62;
	_ =	sdelay $0x1  }
0x304: {  	[tilespmem:v18+s10+$0x6B0 ss:$0x1] =	vst.idx.msk $0xffff, v20  }
0x305: {  	v20 =	vld.idx.msk [tilespmem:v18+s10+$0x6C0 ss:$0x1], $0xffff;
	_ =	sdelay $0x4  }
0x306: {  	v20 =	vmul.f32 v20, v62;
	_ =	sdelay $0x1  }
0x307: {  	[tilespmem:v18+s10+$0x6C0 ss:$0x1] =	vst.idx.msk $0xffff, v20  }
0x308: {  	v20 =	vld.idx.msk [tilespmem:v18+s10+$0x6D0 ss:$0x1], $0xffff;
	_ =	sdelay $0x4  }
0x309: {  	v20 =	vmul.f32 v20, v62;
	_ =	sdelay $0x1  }
0x30a: {  	[tilespmem:v18+s10+$0x6D0 ss:$0x1] =	vst.idx.msk $0xffff, v20  }
0x30b: {  	v20 =	vld.idx.msk [tilespmem:v18+s10+$0x6E0 ss:$0x1], $0xffff;
	_ =	sdelay $0x4  }
0x30c: {  	v20 =	vmul.f32 v20, v62;
	_ =	sdelay $0x1  }
0x30d: {  	[tilespmem:v18+s10+$0x6E0 ss:$0x1] =	vst.idx.msk $0xffff, v20  }
0x30e: {  	v20 =	vld.idx.msk [tilespmem:v18+s10+$0x6F0 ss:$0x1], $0xffff;
	_ =	sdelay $0x4  }
0x30f: {  	v20 =	vmul.f32 v20, v62;
	_ =	sdelay $0x1  }
0x310: {  	[tilespmem:v18+s10+$0x6F0 ss:$0x1] =	vst.idx.msk $0xffff, v20  }
0x311: {  	v20 =	vld.idx.msk [tilespmem:v18+s10+$0x700 ss:$0x1], $0xffff;
	_ =	sdelay $0x2  }
0x312: {  	v63 =	vperm.xlane v19, v15;
	_ =	sdelay $0x1  }
0x313: {  	v20 =	vmul.f32 v20, v63;
	_ =	sdelay $0x1  }
0x314: {  	[tilespmem:v18+s10+$0x700 ss:$0x1] =	vst.idx.msk $0xffff, v20  }
0x315: {  	v20 =	vld.idx.msk [tilespmem:v18+s10+$0x710 ss:$0x1], $0xffff;
	_ =	sdelay $0x4  }
0x316: {  	v20 =	vmul.f32 v20, v63;
	_ =	sdelay $0x1  }
0x317: {  	[tilespmem:v18+s10+$0x710 ss:$0x1] =	vst.idx.msk $0xffff, v20  }
0x318: {  	v20 =	vld.idx.msk [tilespmem:v18+s10+$0x720 ss:$0x1], $0xffff;
	_ =	sdelay $0x4  }
0x319: {  	v20 =	vmul.f32 v20, v63;
	_ =	sdelay $0x1  }
0x31a: {  	[tilespmem:v18+s10+$0x720 ss:$0x1] =	vst.idx.msk $0xffff, v20  }
0x31b: {  	v20 =	vld.idx.msk [tilespmem:v18+s10+$0x730 ss:$0x1], $0xffff;
	_ =	sdelay $0x4  }
0x31c: {  	v20 =	vmul.f32 v20, v63;
	_ =	sdelay $0x1  }
0x31d: {  	[tilespmem:v18+s10+$0x730 ss:$0x1] =	vst.idx.msk $0xffff, v20  }
0x31e: {  	v20 =	vld.idx.msk [tilespmem:v18+s10+$0x740 ss:$0x1], $0xffff;
	_ =	sdelay $0x4  }
0x31f: {  	v20 =	vmul.f32 v20, v63;
	_ =	sdelay $0x1  }
0x320: {  	[tilespmem:v18+s10+$0x740 ss:$0x1] =	vst.idx.msk $0xffff, v20  }
0x321: {  	v20 =	vld.idx.msk [tilespmem:v18+s10+$0x750 ss:$0x1], $0xffff;
	_ =	sdelay $0x4  }
0x322: {  	v20 =	vmul.f32 v20, v63;
	_ =	sdelay $0x1  }
0x323: {  	[tilespmem:v18+s10+$0x750 ss:$0x1] =	vst.idx.msk $0xffff, v20  }
0x324: {  	v20 =	vld.idx.msk [tilespmem:v18+s10+$0x760 ss:$0x1], $0xffff;
	_ =	sdelay $0x4  }
0x325: {  	v20 =	vmul.f32 v20, v63;
	_ =	sdelay $0x1  }
0x326: {  	[tilespmem:v18+s10+$0x760 ss:$0x1] =	vst.idx.msk $0xffff, v20  }
0x327: {  	v20 =	vld.idx.msk [tilespmem:v18+s10+$0x770 ss:$0x1], $0xffff;
	_ =	sdelay $0x4  }
0x328: {  	v20 =	vmul.f32 v20, v63;
	_ =	sdelay $0x1  }
0x329: {  	[tilespmem:v18+s10+$0x770 ss:$0x1] =	vst.idx.msk $0xffff, v20  }
0x32a: {  	v20 =	vld.idx.msk [tilespmem:v18+s10+$0x780 ss:$0x1], $0xffff;
	_ =	sdelay $0x2  }
0x32b: {  	v19 =	vperm.xlane v19, v16;
	_ =	sdelay $0x1  }
0x32c: {  	v20 =	vmul.f32 v20, v19;
	_ =	sdelay $0x1  }
0x32d: {  	[tilespmem:v18+s10+$0x780 ss:$0x1] =	vst.idx.msk $0xffff, v20  }
0x32e: {  	v20 =	vld.idx.msk [tilespmem:v18+s10+$0x790 ss:$0x1], $0xffff;
	_ =	sdelay $0x4  }
0x32f: {  	v20 =	vmul.f32 v20, v19;
	_ =	sdelay $0x1  }
0x330: {  	[tilespmem:v18+s10+$0x790 ss:$0x1] =	vst.idx.msk $0xffff, v20  }
0x331: {  	v20 =	vld.idx.msk [tilespmem:v18+s10+$0x7A0 ss:$0x1], $0xffff;
	_ =	sdelay $0x4  }
0x332: {  	v20 =	vmul.f32 v20, v19;
	_ =	sdelay $0x1  }
0x333: {  	[tilespmem:v18+s10+$0x7A0 ss:$0x1] =	vst.idx.msk $0xffff, v20  }
0x334: {  	v20 =	vld.idx.msk [tilespmem:v18+s10+$0x7B0 ss:$0x1], $0xffff;
	_ =	sdelay $0x4  }
0x335: {  	v20 =	vmul.f32 v20, v19;
	_ =	sdelay $0x1  }
0x336: {  	[tilespmem:v18+s10+$0x7B0 ss:$0x1] =	vst.idx.msk $0xffff, v20  }
0x337: {  	v20 =	vld.idx.msk [tilespmem:v18+s10+$0x7C0 ss:$0x1], $0xffff;
	_ =	sdelay $0x4  }
0x338: {  	v20 =	vmul.f32 v20, v19;
	_ =	sdelay $0x1  }
0x339: {  	[tilespmem:v18+s10+$0x7C0 ss:$0x1] =	vst.idx.msk $0xffff, v20  }
0x33a: {  	v20 =	vld.idx.msk [tilespmem:v18+s10+$0x7D0 ss:$0x1], $0xffff;
	_ =	sdelay $0x4  }
0x33b: {  	v20 =	vmul.f32 v20, v19;
	_ =	sdelay $0x1  }
0x33c: {  	[tilespmem:v18+s10+$0x7D0 ss:$0x1] =	vst.idx.msk $0xffff, v20  }
0x33d: {  	v20 =	vld.idx.msk [tilespmem:v18+s10+$0x7E0 ss:$0x1], $0xffff;
	_ =	sdelay $0x4  }
0x33e: {  	v20 =	vmul.f32 v20, v19;
	_ =	sdelay $0x1  }
0x33f: {  	[tilespmem:v18+s10+$0x7E0 ss:$0x1] =	vst.idx.msk $0xffff, v20  }
0x340: {  	v20 =	vld.idx.msk [tilespmem:v18+s10+$0x7F0 ss:$0x1], $0xffff;
	_ =	sdelay $0x1  }
0x341: {  	p0 =	sne.s32 s3, $0x7  }
.Ltmp3:
0x342: {  	_ = 	snop;
	(pc) =	sbr.rel @p0 .LBB2_10-.Ltmp3, $3  }
0x343: {  	_ = 	snop  }
0x344: {  	v19 =	vmul.f32 v20, v19;
	_ =	sdelay $0x1  }
0x345: {  	s3 =	sadd.s32 $0x1, s3;
	[tilespmem:v18+s10+$0x7F0 ss:$0x1] =	vst.idx.msk $0xffff, v19  }
0x346: {  	s0 =	sadd.s32 $0x1, s0  }
0x347: {  	p0 =	sne.s32 s0, $0x4  }
.Ltmp4:
0x348: {  	_ = 	snop;
	(pc) =	sbr.rel @p0 .LBB2_9-.Ltmp4, $1  }
0x349: {  	_ =	sdelay $0x3  }
0x34a: {  	[spmem:s2] =	stream.indirect.scatter.add.f32 [tilespmem:s30], [sflag:$0x2], $0x80, s22, s29, $0xb8;
	[tilespmem:$0x1CC00] =	vst v63  }
0x34b: {  	_ =	swait.ge [sflag:s21], $0x4000  }
0x34c: {  	[sflag:s21] =	ssyncset.done $0x0  }
0x34d: {  	[sflag:s21] =	ssyncadd.s32 $0xFFFFC000  }
0x34e: {  	[spmem:s2] =	stream.indirect.scatter.add.f32 [tilespmem:s31], [sflag:$0x2], $0x80, s23, s29, $0xb8;
	[tilespmem:$0x1CC00] =	vst v63  }
0x34f: {  	_ =	swait.ge [sflag:s21], $0x4000  }
0x350: {  	[sflag:s21] =	ssyncset.done $0x0  }
0x351: {  	[sflag:s21] =	ssyncadd.s32 $0xFFFFC000  }
0x352: {  	[spmem:s2] =	stream.indirect.scatter.add.f32 [tilespmem:s4], [sflag:$0x2], $0x80, s24, s29, $0xb8;
	[tilespmem:$0x1CC00] =	vst v63  }
0x353: {  	s15 =	sadd.s32 $0x1, s15;
	_ =	swait.ge [sflag:s21], $0x4000  }
0x354: {  	p0 =	sne.s32 s15, $0x14;
	[sflag:s21] =	ssyncset.done $0x0  }
.Ltmp5:
0x355: {  	[sflag:s21] =	ssyncadd.s32 $0xFFFFC000;
	(pc) =	sbr.rel @p0 .LBB2_4-.Ltmp5, $4  }
0x356: {  	[spmem:s2] =	stream.indirect.scatter.add.f32 [tilespmem:s11], [sflag:$0x2], $0x80, s25, s29, $0xb8;
	[tilespmem:$0x1CC00] =	vst v63  }
0x357: {  	_ =	swait.ge [sflag:s21], $0x4000  }
0x358: {  	[sflag:s21] =	ssyncset.done $0x0  }
0x359: {  	[sflag:s21] =	ssyncadd.s32 $0xFFFFC000  }
0x35a: {  	s0 =	stileid.u32;
	[bflag:$0x0] =	sbarrier.arrive $0xFFFF  }
0x35b: {  	s0 =	sshll.u32 s0, $0x6;
	s3 =	rddreg [dreg:$0x5]  }
0x35c: {  	s6 =	rddreg [dreg:$0xb];
	s0 =	sor.u32 $0x1C02, s0;
	s3 =	sshrl.u32 s3, $0x3  }
0x35d: {  	[hbm:s6], [sflag:s0] =	dma.local [spmem:s3], $0x400  }
0x35e: {  	_ =	swait.ge [sflag:s21], $0x400  }
0x35f: {  	[sflag:s21] =	ssyncset.done $0x0;
	s15 =	rddreg [dreg:$0xc]  }
0x360: {  	s28 =	rddreg [dreg:$0x10];
	[sflag:s21] =	ssyncadd.s32 $0xFFFFFC00  }
0x361: {  	[hbm:s15], [sflag:s0] =	dma.local [spmem:s28], $0x400  }
0x362: {  	_ =	swait.ge [sflag:s21], $0x400  }
0x363: {  	[sflag:s21] =	ssyncset.done $0x0;
	s10 =	rddreg [dreg:$0xd]  }
0x364: {  	s13 =	rddreg [dreg:$0x11];
	[sflag:s21] =	ssyncadd.s32 $0xFFFFFC00  }
0x365: {  	[hbm:s10], [sflag:s0] =	dma.local [spmem:s13], $0x400  }
0x366: {  	_ =	swait.ge [sflag:s21], $0x400  }
0x367: {  	[sflag:s21] =	ssyncset.done $0x0;
	s15 =	rddreg [dreg:$0xe]  }
0x368: {  	s28 =	rddreg [dreg:$0x12];
	[sflag:s21] =	ssyncadd.s32 $0xFFFFFC00  }
0x369: {  	[hbm:s15], [sflag:s0] =	dma.local [spmem:s28], $0x400  }
0x36a: {  	_ =	swait.ge [sflag:s21], $0x400  }
0x36b: {  	[sflag:s21] =	ssyncset.done $0x0;
	s10 =	rddreg [dreg:$0xf]  }
0x36c: {  	s13 =	rddreg [dreg:$0x13];
	[sflag:s21] =	ssyncadd.s32 $0xFFFFFC00  }
0x36d: {  	[hbm:s10], [sflag:s0] =	dma.local [spmem:s13], $0x400  }
0x36e: {  	_ =	swait.ge [sflag:s21], $0x400  }
0x36f: {  	s15 =	rddreg [dreg:$0x4]  }
0x370: {  	s28 =	rddreg [dreg:$0x6];
	s0 =	sadd.s32 $0x1, s15  }
0x371: {  	p0 =	sne.s32 s0, s28  }
.Ltmp6:
0x372: {  	_ = 	snop;
	(pc) =	sbr.rel @p0 .LBB2_1-.Ltmp6, $3  }
0x373: {  	_ =	sdelay $0x1  }
0x374: {  	[sflag:s21] =	ssyncset.done $0x0  }
0x375: {  	[sflag:s21] =	ssyncadd.s32 $0xFFFFFC00;
	[dreg:$0x4] =	wrdreg s0  }
0x376: {  	_ =	sfence.sel $0x180000  }
0x377: {  	[bflag:$0x0] =	sbarrier.arrive $0xFFFF  }
0x378: {  	_ =	strace $0x90000047  }
0x379: {  	s0 =	stileid.u32;
	[bflag:$0x2] =	sbarrier.arrive $0xFFFF  }
0x37a: {  	p0 =	sne.s32 s0, $0x0;
	s0 =	rddreg [dreg:$0x3]  }
0x37b: {  	s0 =	sadd.s32 @!p0 $0x100000, s0  }
0x37c: {  	[sflag:s0] =	ssyncadd.tile.s32 @!p0 $0x1;
	_ =	shalt  }
.Lfunc_end2:
_tile_overlayer_lowered:
.L_overlay_start_2:
0x37d: {  	(tag) =	ssettag $0x2  }
0x37e: {  	s0 =	rddreg [dreg:$0x0];
	s2 =	stileid.u32  }
0x37f: {  	s1 =	rddreg [dreg:$0x1];
	p0 =	sne.s32 s2, $0x0  }
0x380: {  	s3 =	rddreg [dreg:$0x2];
	[bflag:$0x3] =	sbarrier.arrive $0xFFFF;
	s2 =	simm.s32 @!p0 $0x1C02  }
0x381: {  	[timem:s3], [sflag:s2] =	dma.local @!p0 [hbm:s0], s1  }
0x382: {  	s0 =	simm.s32 @!p0 $0x2  }
0x383: {  	_ =	swait.ge @!p0 [sflag:s0], s1  }
0x384: {  	s1 =	ssub.s32 @!p0 $0x0, s1;
	[sflag:s0] =	ssyncset.done @!p0 $0x0  }
0x385: {  	[sflag:s0] =	ssyncadd.s32 @!p0 s1  }
0x386: {  	[bflag:$0x3] =	sbarrier.arrive $0xFFFF  }
0x387: {  	_ =	shalt  }

</sc_bundles>
